<compile_context>
chip_gen: v7x
topology: tpu7x:2x2x1
jax: 0.10.2.dev20260603
libtpu: 0.0.44.dev20260713+nightly
codegen_flags: <defaults>
</compile_context>

<pallas_src>
import functools

import jax
import jax.numpy as jnp
from jax import lax
from jax.experimental import pallas as pl
from jax.experimental.pallas import tpu as pltpu
from jax.experimental.pallas import tpu_sc as plsc

CUTOFF = 10.0
LOG2 = 0.6931471805599453

N_NODES = 10000
N_EDGES = 320000
HIDDEN = 128
NUM_GAUSSIANS = 64

NC = 2
NS = 16
CH = 128
NCH_G = N_EDGES // CH
FULL_K = NCH_G // NS
EXTRA = NCH_G % NS
GROUP = 2500
ACC_N = 2560
STRIPE = ACC_N // NS


def _ssp(v):
    return jax.nn.softplus(v) - LOG2


def _wmlp_body(ea_ref, el_ref, w1t_ref, b1_ref, w2t_ref, b2_ref, o_ref):
    a = jnp.dot(ea_ref[...], w1t_ref[...], preferred_element_type=jnp.float32)
    a = _ssp(a + b1_ref[...])
    w = jnp.dot(a, w2t_ref[...], preferred_element_type=jnp.float32) + b2_ref[...]
    c = jnp.where(el_ref[...] <= CUTOFF, 1.0, 0.0)
    o_ref[...] = w * c


def _edge_filter(edge_attr, edge_length, nn_w1, nn_b1, nn_w2, nn_b2):
    be = 4000
    grid = N_EDGES // be
    return pl.pallas_call(
        _wmlp_body,
        grid=(grid,),
        in_specs=[
            pl.BlockSpec((be, NUM_GAUSSIANS), lambda i: (i, 0)),
            pl.BlockSpec((be, 1), lambda i: (i, 0)),
            pl.BlockSpec((NUM_GAUSSIANS, HIDDEN), lambda i: (0, 0)),
            pl.BlockSpec((1, HIDDEN), lambda i: (0, 0)),
            pl.BlockSpec((HIDDEN, HIDDEN), lambda i: (0, 0)),
            pl.BlockSpec((1, HIDDEN), lambda i: (0, 0)),
        ],
        out_specs=pl.BlockSpec((be, HIDDEN), lambda i: (i, 0)),
        out_shape=jax.ShapeDtypeStruct((N_EDGES, HIDDEN), jnp.float32),
    )(edge_attr, edge_length.reshape(N_EDGES, 1), nn_w1.T, nn_b1.reshape(1, -1),
      nn_w2.T, nn_b2.reshape(1, -1))


def _lin1_body(x_ref, w_ref, o_ref):
    o_ref[...] = jnp.dot(x_ref[...], w_ref[...], preferred_element_type=jnp.float32)


def _lin1_full(x, lin1_w):
    bn = 2000
    return pl.pallas_call(
        _lin1_body,
        grid=(N_NODES // bn,),
        in_specs=[
            pl.BlockSpec((bn, HIDDEN), lambda i: (i, 0)),
            pl.BlockSpec((HIDDEN, HIDDEN), lambda i: (0, 0)),
        ],
        out_specs=pl.BlockSpec((bn, HIDDEN), lambda i: (i, 0)),
        out_shape=jax.ShapeDtypeStruct((N_NODES, HIDDEN), jnp.float32),
    )(x, lin1_w.T)


def _sc_body(hh_hbm, w_hbm, src_hbm, dst_hbm, out_hbm,
             src_all, dst_all, idx_v, rows_a, w_a, rows_b, w_b, zero_v,
             acc_sh, gsa, wsa, gsb, wsb):
    cid = lax.axis_index("c")
    sid = lax.axis_index("s")
    start_c = sid * FULL_K + jnp.minimum(sid, EXTRA)
    pltpu.sync_copy(src_hbm.at[pl.ds(start_c, FULL_K + 1)], src_all)
    pltpu.sync_copy(dst_hbm.at[pl.ds(start_c, FULL_K + 1)], dst_all)

    if True:
        @pl.loop(0, 32)
        def _zrow(r):
            for j in range(HIDDEN // 16):
                zero_v[r, pl.ds(j * 16, 16)] = jnp.zeros((16,), jnp.float32)

        for p in (0, 1):
            group = cid * 2 + p
            base = group * GROUP

            zs = pl.multiple_of(sid * STRIPE, 8)
            for zi in range(STRIPE // 32):
                pltpu.sync_copy(zero_v, acc_sh.at[pl.ds(zs + zi * 32, 32)])

            plsc.subcore_barrier()

            def _issue(k, rows_v, w_v, gsem, wsem):
                g = jnp.minimum(start_c + k, NCH_G - 1)
                kk = jnp.minimum(k, FULL_K)
                pltpu.async_copy(hh_hbm.at[src_all.at[kk, 0]], rows_v, gsem)
                off = pl.multiple_of(g * CH, 8)
                pltpu.async_copy(w_hbm.at[pl.ds(off, CH)], w_v, wsem)

            def _wait(rows_v, w_v, gsem, wsem):
                pltpu.make_async_copy(hh_hbm.at[src_all.at[0, 0]], rows_v,
                                      gsem).wait()
                pltpu.make_async_copy(w_hbm.at[pl.ds(0, CH)], w_v, wsem).wait()

            def _finish(k, rows_v, w_v, gsem, wsem):
                for gi in range(CH // 16):
                    sl = pl.ds(gi * 16, 16)
                    d = dst_all[k, 0, sl]
                    rel = d - base
                    ok = (rel >= 0) & (rel < GROUP)
                    idx_v[0, sl] = jnp.where(ok, rel, GROUP + (d & 31))

                _wait(rows_v, w_v, gsem, wsem)

                @pl.loop(0, CH)
                def _row(r):
                    for j in range(HIDDEN // 16):
                        sl = pl.ds(j * 16, 16)
                        rows_v[r, sl] = rows_v[r, sl] * w_v[r, sl]

                pltpu.sync_copy(rows_v, acc_sh.at[idx_v.at[0]], add=True)

            _issue(0, rows_a, w_a, gsa, wsa)

            @pl.loop(0, FULL_K // 2)
            def _pair(i):
                k = i * 2
                _issue(k + 1, rows_b, w_b, gsb, wsb)
                _finish(k, rows_a, w_a, gsa, wsa)
                _issue(k + 2, rows_a, w_a, gsa, wsa)
                _finish(k + 1, rows_b, w_b, gsb, wsb)

            @pl.when(sid < EXTRA)
            def _():
                _finish(FULL_K, rows_a, w_a, gsa, wsa)

            @pl.when(sid >= EXTRA)
            def _():
                _wait(rows_a, w_a, gsa, wsa)

            plsc.subcore_barrier()

            fs = pl.multiple_of(sid * STRIPE, 8)
            pltpu.sync_copy(acc_sh.at[pl.ds(fs, STRIPE)],
                            out_hbm.at[group, pl.ds(fs, STRIPE)])

            plsc.subcore_barrier()



def _sc_aggregate(hh, w, src, dst):
    mesh = plsc.VectorSubcoreMesh(core_axis_name="c", subcore_axis_name="s")
    k = functools.partial(
        pl.kernel,
        out_type=jax.ShapeDtypeStruct((4, ACC_N, HIDDEN), jnp.float32),
        mesh=mesh,
        scratch_types=[
            pltpu.VMEM((FULL_K + 1, 1, CH), jnp.int32),
            pltpu.VMEM((FULL_K + 1, 1, CH), jnp.int32),
            pltpu.VMEM((1, CH), jnp.int32),
            pltpu.VMEM((CH, HIDDEN), jnp.float32),
            pltpu.VMEM((CH, HIDDEN), jnp.float32),
            pltpu.VMEM((CH, HIDDEN), jnp.float32),
            pltpu.VMEM((CH, HIDDEN), jnp.float32),
            pltpu.VMEM((32, HIDDEN), jnp.float32),
            pltpu.VMEM_SHARED((ACC_N, HIDDEN), jnp.float32),
            pltpu.SemaphoreType.DMA,
            pltpu.SemaphoreType.DMA,
            pltpu.SemaphoreType.DMA,
            pltpu.SemaphoreType.DMA,
        ],
    )(_sc_body)
    pad = jnp.zeros((1, 1, CH), jnp.int32)
    src3 = jnp.concatenate([src.reshape(NCH_G, 1, CH), pad])
    dst3 = jnp.concatenate([dst.reshape(NCH_G, 1, CH), pad])
    return k(hh, w, src3, dst3)


def _tail_body(p_ref, w2t_ref, b2_ref, wt_ref, b_ref, o_ref):
    t = jnp.dot(p_ref[...], w2t_ref[...], preferred_element_type=jnp.float32)
    t = _ssp(t + b2_ref[...])
    o_ref[...] = jnp.dot(t, wt_ref[...], preferred_element_type=jnp.float32) + b_ref[...]


def _tail(agg, lin2_w, lin2_b, lin_w, lin_b):
    bn = 2000
    return pl.pallas_call(
        _tail_body,
        grid=(N_NODES // bn,),
        in_specs=[
            pl.BlockSpec((bn, HIDDEN), lambda i: (i, 0)),
            pl.BlockSpec((HIDDEN, HIDDEN), lambda i: (0, 0)),
            pl.BlockSpec((1, HIDDEN), lambda i: (0, 0)),
            pl.BlockSpec((HIDDEN, HIDDEN), lambda i: (0, 0)),
            pl.BlockSpec((1, HIDDEN), lambda i: (0, 0)),
        ],
        out_specs=pl.BlockSpec((bn, HIDDEN), lambda i: (i, 0)),
        out_shape=jax.ShapeDtypeStruct((N_NODES, HIDDEN), jnp.float32),
    )(agg, lin2_w.T, lin2_b.reshape(1, -1), lin_w.T, lin_b.reshape(1, -1))


def kernel(x, edge_index, edge_length, edge_attr,
           lin1_w, nn_w1, nn_b1, nn_w2, nn_b2, lin2_w, lin2_b, lin_w, lin_b):
    w = _edge_filter(edge_attr, edge_length, nn_w1, nn_b1, nn_w2, nn_b2)
    h = _lin1_full(x, lin1_w)
    partials = _sc_aggregate(h, w, edge_index[0], edge_index[1])
    agg = partials[:, :GROUP, :].reshape(N_NODES, HIDDEN)
    return _tail(agg, lin2_w, lin2_b, lin_w, lin_b)

# --- scband reference (transcript-rebuilt; emitter-appended) ---
"""Pipeline reference for scband-interaction-block-62672162783738 (READ-ONLY COPY).

The authoritative reference and input builder live on the scoring server;
editing this copy changes nothing except your own understanding.
"""

import jax, jax.numpy as jnp
import numpy as np

CUTOFF = 10.0
N_NODES = 10000
N_EDGES = 320000
HIDDEN = 128
NUM_FILTERS = 128
NUM_GAUSSIANS = 64


def shifted_softplus(x):
    return jax.nn.softplus(x) - jnp.log(2.0)


def setup_inputs(seed: int = 0) -> dict:
    key = jax.random.key(seed)
    ks = jax.random.split(key, 16)
    x = jax.random.normal(ks[0], (N_NODES, HIDDEN), dtype=jnp.float32)
    edge_index = jax.random.randint(ks[1], (2, N_EDGES), 0, N_NODES, dtype=jnp.int64 if jax.config.jax_enable_x64 else jnp.int32).astype(jnp.int32)
    edge_length = jax.random.uniform(ks[2], (N_EDGES,), dtype=jnp.float32)
    edge_attr = jax.random.normal(ks[3], (N_EDGES, NUM_GAUSSIANS), dtype=jnp.float32)
    s = 0.05
    lin1_w = jax.random.normal(ks[4], (NUM_FILTERS, HIDDEN), dtype=jnp.float32) * s
    nn_w1 = jax.random.normal(ks[5], (NUM_FILTERS, NUM_GAUSSIANS), dtype=jnp.float32) * s
    nn_b1 = jnp.zeros((NUM_FILTERS,), dtype=jnp.float32)
    nn_w2 = jax.random.normal(ks[6], (NUM_FILTERS, NUM_FILTERS), dtype=jnp.float32) * s
    nn_b2 = jnp.zeros((NUM_FILTERS,), dtype=jnp.float32)
    lin2_w = jax.random.normal(ks[7], (HIDDEN, NUM_FILTERS), dtype=jnp.float32) * s
    lin2_b = jnp.zeros((HIDDEN,), dtype=jnp.float32)
    lin_w = jax.random.normal(ks[8], (HIDDEN, HIDDEN), dtype=jnp.float32) * s
    lin_b = jnp.zeros((HIDDEN,), dtype=jnp.float32)
    return {
        'x': x, 'edge_index': edge_index, 'edge_length': edge_length, 'edge_attr': edge_attr,
        'lin1_w': lin1_w, 'nn_w1': nn_w1, 'nn_b1': nn_b1, 'nn_w2': nn_w2, 'nn_b2': nn_b2,
        'lin2_w': lin2_w, 'lin2_b': lin2_b, 'lin_w': lin_w, 'lin_b': lin_b,
    }


def reference(x, edge_index, edge_length, edge_attr,
              lin1_w, nn_w1, nn_b1, nn_w2, nn_b2, lin2_w, lin2_b, lin_w, lin_b):
    # CFConv filter network on edge attributes
    W = edge_attr @ nn_w1.T + nn_b1
    W = shifted_softplus(W)
    W = W @ nn_w2.T + nn_b2
    # hard cutoff (smooth=False)
    C = jnp.where(edge_length <= CUTOFF, 1.0, 0.0).astype(x.dtype)
    W = W * C[:, None]
    # lin1 (no bias)
    h = x @ lin1_w.T
    # message: x_j * W, gather from source nodes (edge_index[0])
    src = edge_index[0]
    dst = edge_index[1]
    msg = h[src] * W
    # aggregate add at destination nodes
    agg = jax.ops.segment_sum(msg, dst, num_segments=x.shape[0])
    # lin2
    h = agg @ lin2_w.T + lin2_b
    # InteractionBlock: act + lin
    h = shifted_softplus(h)
    out = h @ lin_w.T + lin_b
    return out

if __name__ == "__main__":
    import jax
    _d = setup_inputs()
    print(jax.jit(kernel)(*tuple(_d.values())))

</pallas_src>

<mosaic_0001>
#map = affine_map<(d0, d1) -> (0, 0)>
#map1 = affine_map<(d0, d1) -> (0, 0, 0)>
module attributes {stable_mosaic.version = 14 : i64} {
  func.func @_sc_body(%arg0: i32, %arg1: i32, %arg2: memref<10000x128xf32, #tpu.memory_space<hbm>>, %arg3: memref<320000x128xf32, #tpu.memory_space<hbm>>, %arg4: memref<2501x1x128xi32, #tpu.memory_space<hbm>>, %arg5: memref<2501x1x128xi32, #tpu.memory_space<hbm>>, %arg6: memref<4x2560x128xf32, #tpu.memory_space<hbm>>, %arg7: memref<157x1x128xi32, #tpu.memory_space<vmem>>, %arg8: memref<157x1x128xi32, #tpu.memory_space<vmem>>, %arg9: memref<1x128xi32, #tpu.memory_space<vmem>>, %arg10: memref<128x128xf32, #tpu.memory_space<vmem>>, %arg11: memref<128x128xf32, #tpu.memory_space<vmem>>, %arg12: memref<128x128xf32, #tpu.memory_space<vmem>>, %arg13: memref<128x128xf32, #tpu.memory_space<vmem>>, %arg14: memref<32x128xf32, #tpu.memory_space<vmem>>, %arg15: memref<2560x128xf32, #tpu.memory_space<vmem_shared>>, %arg16: memref<!tpu.dma_semaphore, #tpu.memory_space<semaphore_mem>>, %arg17: memref<!tpu.dma_semaphore, #tpu.memory_space<semaphore_mem>>, %arg18: memref<!tpu.dma_semaphore, #tpu.memory_space<semaphore_mem>>, %arg19: memref<!tpu.dma_semaphore, #tpu.memory_space<semaphore_mem>>) attributes {dimension_semantics = [#tpu.dimension_semantics<core_parallel>, #tpu.dimension_semantics<subcore_parallel>], iteration_bounds = array<i64: 2, 16>, scalar_prefetch = 0 : i64, scratch_operands = 13 : i64, tpu.core_type = #tpu.core_type<sc_vector_subcore>, window_params = [{transform_indices = #map}, {transform_indices = #map}, {transform_indices = #map1}, {transform_indices = #map1}, {transform_indices = #map1}]} {
    %mul3A = arith.constant 156 : i32
    %mul3A_0 = arith.muli %arg1, %mul3A : i32
    %min3A = arith.constant 4 : i32
    %min3A_1 = arith.minsi %arg1, %min3A : i32
    %add3A = arith.addi %mul3A_0, %min3A_1 : i32
    "tpu.region"() ({
      %run_scoped3A = tpu.sem_alloc : memref<!tpu.dma_semaphore, #tpu.memory_space<semaphore_mem>>
      %dma_start3A_121 = arith.constant 0 : i32
      %dma_start3A_122 = arith.constant 0 : i32
      %dma_start3A_123 = tpu.memref_slice %arg4[%add3A, %dma_start3A_121, %dma_start3A_122] : memref<2501x1x128xi32, #tpu.memory_space<hbm>> -> memref<157x1x128xi32, #tpu.memory_space<hbm>>
      %dma_start3A_124 = arith.constant 0 : i32
      %dma_start3A_125 = arith.constant 0 : i32
      %dma_start3A_126 = tpu.memref_slice %arg4[%add3A, %dma_start3A_124, %dma_start3A_125] : memref<2501x1x128xi32, #tpu.memory_space<hbm>> -> memref<157x1x128xi32, #tpu.memory_space<hbm>>
      tpu.enqueue_dma source(%dma_start3A_126 : memref<157x1x128xi32, #tpu.memory_space<hbm>>) target(%arg7 : memref<157x1x128xi32, #tpu.memory_space<vmem>>) target_semaphore(%run_scoped3A : memref<!tpu.dma_semaphore, #tpu.memory_space<semaphore_mem>>)
      %dma_wait3A = arith.constant 0 : i32
      %dma_wait3A_127 = arith.constant 0 : i32
      %dma_wait3A_128 = tpu.memref_slice %arg4[%add3A, %dma_wait3A, %dma_wait3A_127] : memref<2501x1x128xi32, #tpu.memory_space<hbm>> -> memref<157x1x128xi32, #tpu.memory_space<hbm>>
      %dma_wait3A_129 = arith.constant 0 : i32
      %dma_wait3A_130 = arith.constant 0 : i32
      %dma_wait3A_131 = tpu.memref_slice %arg4[%add3A, %dma_wait3A_129, %dma_wait3A_130] : memref<2501x1x128xi32, #tpu.memory_space<hbm>> -> memref<157x1x128xi32, #tpu.memory_space<hbm>>
      tpu.wait_dma2 semaphore(%run_scoped3A : memref<!tpu.dma_semaphore, #tpu.memory_space<semaphore_mem>>) src(%dma_wait3A_131 : memref<157x1x128xi32, #tpu.memory_space<hbm>>) dst(%arg7 : memref<157x1x128xi32, #tpu.memory_space<vmem>>)
      tpu.yield
    }) : () -> ()
    "tpu.region"() ({
      %run_scoped3A = tpu.sem_alloc : memref<!tpu.dma_semaphore, #tpu.memory_space<semaphore_mem>>
      %dma_start3A_121 = arith.constant 0 : i32
      %dma_start3A_122 = arith.constant 0 : i32
      %dma_start3A_123 = tpu.memref_slice %arg5[%add3A, %dma_start3A_121, %dma_start3A_122] : memref<2501x1x128xi32, #tpu.memory_space<hbm>> -> memref<157x1x128xi32, #tpu.memory_space<hbm>>
      %dma_start3A_124 = arith.constant 0 : i32
      %dma_start3A_125 = arith.constant 0 : i32
      %dma_start3A_126 = tpu.memref_slice %arg5[%add3A, %dma_start3A_124, %dma_start3A_125] : memref<2501x1x128xi32, #tpu.memory_space<hbm>> -> memref<157x1x128xi32, #tpu.memory_space<hbm>>
      tpu.enqueue_dma source(%dma_start3A_126 : memref<157x1x128xi32, #tpu.memory_space<hbm>>) target(%arg8 : memref<157x1x128xi32, #tpu.memory_space<vmem>>) target_semaphore(%run_scoped3A : memref<!tpu.dma_semaphore, #tpu.memory_space<semaphore_mem>>)
      %dma_wait3A = arith.constant 0 : i32
      %dma_wait3A_127 = arith.constant 0 : i32
      %dma_wait3A_128 = tpu.memref_slice %arg5[%add3A, %dma_wait3A, %dma_wait3A_127] : memref<2501x1x128xi32, #tpu.memory_space<hbm>> -> memref<157x1x128xi32, #tpu.memory_space<hbm>>
      %dma_wait3A_129 = arith.constant 0 : i32
      %dma_wait3A_130 = arith.constant 0 : i32
      %dma_wait3A_131 = tpu.memref_slice %arg5[%add3A, %dma_wait3A_129, %dma_wait3A_130] : memref<2501x1x128xi32, #tpu.memory_space<hbm>> -> memref<157x1x128xi32, #tpu.memory_space<hbm>>
      tpu.wait_dma2 semaphore(%run_scoped3A : memref<!tpu.dma_semaphore, #tpu.memory_space<semaphore_mem>>) src(%dma_wait3A_131 : memref<157x1x128xi32, #tpu.memory_space<hbm>>) dst(%arg8 : memref<157x1x128xi32, #tpu.memory_space<vmem>>)
      tpu.yield
    }) : () -> ()
    %scan3A = arith.constant 0 : i32
    %scan3A_2 = arith.constant 32 : i32
    %scan3A_3 = arith.addi %scan3A, %scan3A_2 : i32
    %scan3A_4 = arith.constant 1 : i32
    scf.for %scan3A_121 = %scan3A to %scan3A_3 step %scan3A_4  : i32 {
      %mul3A_122 = arith.constant 1 : i32
      %mul3A_123 = arith.muli %scan3A_121, %mul3A_122 : i32
      %add3A_124 = arith.constant 0 : i32
      %add3A_125 = arith.addi %add3A_124, %mul3A_123 : i32
      %broadcast_in_dim3A = arith.constant 0.000000e+00 : f32
      %broadcast_in_dim3A_126 = vector.broadcast %broadcast_in_dim3A : f32 to vector<16xf32>
      %swap3A = arith.index_cast %add3A_125 : i32 to index
      %swap3A_127 = arith.constant 0 : index
      %swap3A_128 = tpu.vector_load %arg14[%swap3A, %swap3A_127] {strides = array<i32>} : memref<32x128xf32, #tpu.memory_space<vmem>>, vector<1x16xf32>,
      %swap3A_129 = vector.shape_cast %swap3A_128 : vector<1x16xf32> to vector<16xf32>
      %swap3A_130 = vector.shape_cast %broadcast_in_dim3A_126 : vector<16xf32> to vector<1x16xf32>
      tpu.vector_store %arg14[%swap3A, %swap3A_127], %swap3A_130 {strides = array<i32>} : memref<32x128xf32, #tpu.memory_space<vmem>>, vector<1x16xf32>,
      %broadcast_in_dim3A_131 = arith.constant 0.000000e+00 : f32
      %broadcast_in_dim3A_132 = vector.broadcast %broadcast_in_dim3A_131 : f32 to vector<16xf32>
      %swap3A_133 = arith.index_cast %add3A_125 : i32 to index
      %swap3A_134 = arith.constant 16 : index
      %swap3A_135 = tpu.vector_load %arg14[%swap3A_133, %swap3A_134] {strides = array<i32>} : memref<32x128xf32, #tpu.memory_space<vmem>>, vector<1x16xf32>,
      %swap3A_136 = vector.shape_cast %swap3A_135 : vector<1x16xf32> to vector<16xf32>
      %swap3A_137 = vector.shape_cast %broadcast_in_dim3A_132 : vector<16xf32> to vector<1x16xf32>
      tpu.vector_store %arg14[%swap3A_133, %swap3A_134], %swap3A_137 {strides = array<i32>} : memref<32x128xf32, #tpu.memory_space<vmem>>, vector<1x16xf32>,
      %broadcast_in_dim3A_138 = arith.constant 0.000000e+00 : f32
      %broadcast_in_dim3A_139 = vector.broadcast %broadcast_in_dim3A_138 : f32 to vector<16xf32>
      %swap3A_140 = arith.index_cast %add3A_125 : i32 to index
      %swap3A_141 = arith.constant 32 : index
      %swap3A_142 = tpu.vector_load %arg14[%swap3A_140, %swap3A_141] {strides = array<i32>} : memref<32x128xf32, #tpu.memory_space<vmem>>, vector<1x16xf32>,
      %swap3A_143 = vector.shape_cast %swap3A_142 : vector<1x16xf32> to vector<16xf32>
      %swap3A_144 = vector.shape_cast %broadcast_in_dim3A_139 : vector<16xf32> to vector<1x16xf32>
      tpu.vector_store %arg14[%swap3A_140, %swap3A_141], %swap3A_144 {strides = array<i32>} : memref<32x128xf32, #tpu.memory_space<vmem>>, vector<1x16xf32>,
      %broadcast_in_dim3A_145 = arith.constant 0.000000e+00 : f32
      %broadcast_in_dim3A_146 = vector.broadcast %broadcast_in_dim3A_145 : f32 to vector<16xf32>
      %swap3A_147 = arith.index_cast %add3A_125 : i32 to index
      %swap3A_148 = arith.constant 48 : index
      %swap3A_149 = tpu.vector_load %arg14[%swap3A_147, %swap3A_148] {strides = array<i32>} : memref<32x128xf32, #tpu.memory_space<vmem>>, vector<1x16xf32>,
      %swap3A_150 = vector.shape_cast %swap3A_149 : vector<1x16xf32> to vector<16xf32>
      %swap3A_151 = vector.shape_cast %broadcast_in_dim3A_146 : vector<16xf32> to vector<1x16xf32>
      tpu.vector_store %arg14[%swap3A_147, %swap3A_148], %swap3A_151 {strides = array<i32>} : memref<32x128xf32, #tpu.memory_space<vmem>>, vector<1x16xf32>,
      %broadcast_in_dim3A_152 = arith.constant 0.000000e+00 : f32
      %broadcast_in_dim3A_153 = vector.broadcast %broadcast_in_dim3A_152 : f32 to vector<16xf32>
      %swap3A_154 = arith.index_cast %add3A_125 : i32 to index
      %swap3A_155 = arith.constant 64 : index
      %swap3A_156 = tpu.vector_load %arg14[%swap3A_154, %swap3A_155] {strides = array<i32>} : memref<32x128xf32, #tpu.memory_space<vmem>>, vector<1x16xf32>,
      %swap3A_157 = vector.shape_cast %swap3A_156 : vector<1x16xf32> to vector<16xf32>
      %swap3A_158 = vector.shape_cast %broadcast_in_dim3A_153 : vector<16xf32> to vector<1x16xf32>
      tpu.vector_store %arg14[%swap3A_154, %swap3A_155], %swap3A_158 {strides = array<i32>} : memref<32x128xf32, #tpu.memory_space<vmem>>, vector<1x16xf32>,
      %broadcast_in_dim3A_159 = arith.constant 0.000000e+00 : f32
      %broadcast_in_dim3A_160 = vector.broadcast %broadcast_in_dim3A_159 : f32 to vector<16xf32>
      %swap3A_161 = arith.index_cast %add3A_125 : i32 to index
      %swap3A_162 = arith.constant 80 : index
      %swap3A_163 = tpu.vector_load %arg14[%swap3A_161, %swap3A_162] {strides = array<i32>} : memref<32x128xf32, #tpu.memory_space<vmem>>, vector<1x16xf32>,
      %swap3A_164 = vector.shape_cast %swap3A_163 : vector<1x16xf32> to vector<16xf32>
      %swap3A_165 = vector.shape_cast %broadcast_in_dim3A_160 : vector<16xf32> to vector<1x16xf32>
      tpu.vector_store %arg14[%swap3A_161, %swap3A_162], %swap3A_165 {strides = array<i32>} : memref<32x128xf32, #tpu.memory_space<vmem>>, vector<1x16xf32>,
      %broadcast_in_dim3A_166 = arith.constant 0.000000e+00 : f32
      %broadcast_in_dim3A_167 = vector.broadcast %broadcast_in_dim3A_166 : f32 to vector<16xf32>
      %swap3A_168 = arith.index_cast %add3A_125 : i32 to index
      %swap3A_169 = arith.constant 96 : index
      %swap3A_170 = tpu.vector_load %arg14[%swap3A_168, %swap3A_169] {strides = array<i32>} : memref<32x128xf32, #tpu.memory_space<vmem>>, vector<1x16xf32>,
      %swap3A_171 = vector.shape_cast %swap3A_170 : vector<1x16xf32> to vector<16xf32>
      %swap3A_172 = vector.shape_cast %broadcast_in_dim3A_167 : vector<16xf32> to vector<1x16xf32>
      tpu.vector_store %arg14[%swap3A_168, %swap3A_169], %swap3A_172 {strides = array<i32>} : memref<32x128xf32, #tpu.memory_space<vmem>>, vector<1x16xf32>,
      %broadcast_in_dim3A_173 = arith.constant 0.000000e+00 : f32
      %broadcast_in_dim3A_174 = vector.broadcast %broadcast_in_dim3A_173 : f32 to vector<16xf32>
      %swap3A_175 = arith.index_cast %add3A_125 : i32 to index
      %swap3A_176 = arith.constant 112 : index
      %swap3A_177 = tpu.vector_load %arg14[%swap3A_175, %swap3A_176] {strides = array<i32>} : memref<32x128xf32, #tpu.memory_space<vmem>>, vector<1x16xf32>,
      %swap3A_178 = vector.shape_cast %swap3A_177 : vector<1x16xf32> to vector<16xf32>
      %swap3A_179 = vector.shape_cast %broadcast_in_dim3A_174 : vector<16xf32> to vector<1x16xf32>
      tpu.vector_store %arg14[%swap3A_175, %swap3A_176], %swap3A_179 {strides = array<i32>} : memref<32x128xf32, #tpu.memory_space<vmem>>, vector<1x16xf32>,
    }
    %scan3A_5 = arith.constant 32 : i32
    %mul3A_6 = arith.constant 2 : i32
    %mul3A_7 = arith.muli %arg0, %mul3A_6 : i32
    %add3A_8 = arith.constant 0 : i32
    %add3A_9 = arith.addi %mul3A_7, %add3A_8 : i32
    %mul3A_10 = arith.constant 2500 : i32
    %mul3A_11 = arith.muli %add3A_9, %mul3A_10 : i32
    %mul3A_12 = arith.constant 160 : i32
    %mul3A_13 = arith.muli %arg1, %mul3A_12 : i32
    %multiple_of3A = tpu.assume_multiple %mul3A_13, 8 : i32
    %add3A_14 = arith.constant 0 : i32
    %add3A_15 = arith.addi %multiple_of3A, %add3A_14 : i32
    "tpu.region"() ({
      %run_scoped3A = tpu.sem_alloc : memref<!tpu.dma_semaphore, #tpu.memory_space<semaphore_mem>>
      %dma_start3A_121 = arith.constant 0 : i32
      %dma_start3A_122 = tpu.memref_slice %arg15[%add3A_15, %dma_start3A_121] : memref<2560x128xf32, #tpu.memory_space<vmem_shared>> -> memref<32x128xf32, #tpu.memory_space<vmem_shared>>
      %dma_start3A_123 = arith.constant 0 : i32
      %dma_start3A_124 = tpu.memref_slice %arg15[%add3A_15, %dma_start3A_123] : memref<2560x128xf32, #tpu.memory_space<vmem_shared>> -> memref<32x128xf32, #tpu.memory_space<vmem_shared>>
      tpu.enqueue_dma source(%arg14 : memref<32x128xf32, #tpu.memory_space<vmem>>) target(%dma_start3A_124 : memref<32x128xf32, #tpu.memory_space<vmem_shared>>) target_semaphore(%run_scoped3A : memref<!tpu.dma_semaphore, #tpu.memory_space<semaphore_mem>>)
      %dma_wait3A = arith.constant 0 : i32
      %dma_wait3A_125 = tpu.memref_slice %arg15[%add3A_15, %dma_wait3A] : memref<2560x128xf32, #tpu.memory_space<vmem_shared>> -> memref<32x128xf32, #tpu.memory_space<vmem_shared>>
      %dma_wait3A_126 = arith.constant 0 : i32
      %dma_wait3A_127 = tpu.memref_slice %arg15[%add3A_15, %dma_wait3A_126] : memref<2560x128xf32, #tpu.memory_space<vmem_shared>> -> memref<32x128xf32, #tpu.memory_space<vmem_shared>>
      tpu.wait_dma2 semaphore(%run_scoped3A : memref<!tpu.dma_semaphore, #tpu.memory_space<semaphore_mem>>) src(%arg14 : memref<32x128xf32, #tpu.memory_space<vmem>>) dst(%dma_wait3A_127 : memref<32x128xf32, #tpu.memory_space<vmem_shared>>)
      tpu.yield
    }) : () -> ()
    %add3A_16 = arith.constant 32 : i32
    %add3A_17 = arith.addi %multiple_of3A, %add3A_16 : i32
    "tpu.region"() ({
      %run_scoped3A = tpu.sem_alloc : memref<!tpu.dma_semaphore, #tpu.memory_space<semaphore_mem>>
      %dma_start3A_121 = arith.constant 0 : i32
      %dma_start3A_122 = tpu.memref_slice %arg15[%add3A_17, %dma_start3A_121] : memref<2560x128xf32, #tpu.memory_space<vmem_shared>> -> memref<32x128xf32, #tpu.memory_space<vmem_shared>>
      %dma_start3A_123 = arith.constant 0 : i32
      %dma_start3A_124 = tpu.memref_slice %arg15[%add3A_17, %dma_start3A_123] : memref<2560x128xf32, #tpu.memory_space<vmem_shared>> -> memref<32x128xf32, #tpu.memory_space<vmem_shared>>
      tpu.enqueue_dma source(%arg14 : memref<32x128xf32, #tpu.memory_space<vmem>>) target(%dma_start3A_124 : memref<32x128xf32, #tpu.memory_space<vmem_shared>>) target_semaphore(%run_scoped3A : memref<!tpu.dma_semaphore, #tpu.memory_space<semaphore_mem>>)
      %dma_wait3A = arith.constant 0 : i32
      %dma_wait3A_125 = tpu.memref_slice %arg15[%add3A_17, %dma_wait3A] : memref<2560x128xf32, #tpu.memory_space<vmem_shared>> -> memref<32x128xf32, #tpu.memory_space<vmem_shared>>
      %dma_wait3A_126 = arith.constant 0 : i32
      %dma_wait3A_127 = tpu.memref_slice %arg15[%add3A_17, %dma_wait3A_126] : memref<2560x128xf32, #tpu.memory_space<vmem_shared>> -> memref<32x128xf32, #tpu.memory_space<vmem_shared>>
      tpu.wait_dma2 semaphore(%run_scoped3A : memref<!tpu.dma_semaphore, #tpu.memory_space<semaphore_mem>>) src(%arg14 : memref<32x128xf32, #tpu.memory_space<vmem>>) dst(%dma_wait3A_127 : memref<32x128xf32, #tpu.memory_space<vmem_shared>>)
      tpu.yield
    }) : () -> ()
    %add3A_18 = arith.constant 64 : i32
    %add3A_19 = arith.addi %multiple_of3A, %add3A_18 : i32
    "tpu.region"() ({
      %run_scoped3A = tpu.sem_alloc : memref<!tpu.dma_semaphore, #tpu.memory_space<semaphore_mem>>
      %dma_start3A_121 = arith.constant 0 : i32
      %dma_start3A_122 = tpu.memref_slice %arg15[%add3A_19, %dma_start3A_121] : memref<2560x128xf32, #tpu.memory_space<vmem_shared>> -> memref<32x128xf32, #tpu.memory_space<vmem_shared>>
      %dma_start3A_123 = arith.constant 0 : i32
      %dma_start3A_124 = tpu.memref_slice %arg15[%add3A_19, %dma_start3A_123] : memref<2560x128xf32, #tpu.memory_space<vmem_shared>> -> memref<32x128xf32, #tpu.memory_space<vmem_shared>>
      tpu.enqueue_dma source(%arg14 : memref<32x128xf32, #tpu.memory_space<vmem>>) target(%dma_start3A_124 : memref<32x128xf32, #tpu.memory_space<vmem_shared>>) target_semaphore(%run_scoped3A : memref<!tpu.dma_semaphore, #tpu.memory_space<semaphore_mem>>)
      %dma_wait3A = arith.constant 0 : i32
      %dma_wait3A_125 = tpu.memref_slice %arg15[%add3A_19, %dma_wait3A] : memref<2560x128xf32, #tpu.memory_space<vmem_shared>> -> memref<32x128xf32, #tpu.memory_space<vmem_shared>>
      %dma_wait3A_126 = arith.constant 0 : i32
      %dma_wait3A_127 = tpu.memref_slice %arg15[%add3A_19, %dma_wait3A_126] : memref<2560x128xf32, #tpu.memory_space<vmem_shared>> -> memref<32x128xf32, #tpu.memory_space<vmem_shared>>
      tpu.wait_dma2 semaphore(%run_scoped3A : memref<!tpu.dma_semaphore, #tpu.memory_space<semaphore_mem>>) src(%arg14 : memref<32x128xf32, #tpu.memory_space<vmem>>) dst(%dma_wait3A_127 : memref<32x128xf32, #tpu.memory_space<vmem_shared>>)
      tpu.yield
    }) : () -> ()
    %add3A_20 = arith.constant 96 : i32
    %add3A_21 = arith.addi %multiple_of3A, %add3A_20 : i32
    "tpu.region"() ({
      %run_scoped3A = tpu.sem_alloc : memref<!tpu.dma_semaphore, #tpu.memory_space<semaphore_mem>>
      %dma_start3A_121 = arith.constant 0 : i32
      %dma_start3A_122 = tpu.memref_slice %arg15[%add3A_21, %dma_start3A_121] : memref<2560x128xf32, #tpu.memory_space<vmem_shared>> -> memref<32x128xf32, #tpu.memory_space<vmem_shared>>
      %dma_start3A_123 = arith.constant 0 : i32
      %dma_start3A_124 = tpu.memref_slice %arg15[%add3A_21, %dma_start3A_123] : memref<2560x128xf32, #tpu.memory_space<vmem_shared>> -> memref<32x128xf32, #tpu.memory_space<vmem_shared>>
      tpu.enqueue_dma source(%arg14 : memref<32x128xf32, #tpu.memory_space<vmem>>) target(%dma_start3A_124 : memref<32x128xf32, #tpu.memory_space<vmem_shared>>) target_semaphore(%run_scoped3A : memref<!tpu.dma_semaphore, #tpu.memory_space<semaphore_mem>>)
      %dma_wait3A = arith.constant 0 : i32
      %dma_wait3A_125 = tpu.memref_slice %arg15[%add3A_21, %dma_wait3A] : memref<2560x128xf32, #tpu.memory_space<vmem_shared>> -> memref<32x128xf32, #tpu.memory_space<vmem_shared>>
      %dma_wait3A_126 = arith.constant 0 : i32
      %dma_wait3A_127 = tpu.memref_slice %arg15[%add3A_21, %dma_wait3A_126] : memref<2560x128xf32, #tpu.memory_space<vmem_shared>> -> memref<32x128xf32, #tpu.memory_space<vmem_shared>>
      tpu.wait_dma2 semaphore(%run_scoped3A : memref<!tpu.dma_semaphore, #tpu.memory_space<semaphore_mem>>) src(%arg14 : memref<32x128xf32, #tpu.memory_space<vmem>>) dst(%dma_wait3A_127 : memref<32x128xf32, #tpu.memory_space<vmem_shared>>)
      tpu.yield
    }) : () -> ()
    %add3A_22 = arith.constant 128 : i32
    %add3A_23 = arith.addi %multiple_of3A, %add3A_22 : i32
    "tpu.region"() ({
      %run_scoped3A = tpu.sem_alloc : memref<!tpu.dma_semaphore, #tpu.memory_space<semaphore_mem>>
      %dma_start3A_121 = arith.constant 0 : i32
      %dma_start3A_122 = tpu.memref_slice %arg15[%add3A_23, %dma_start3A_121] : memref<2560x128xf32, #tpu.memory_space<vmem_shared>> -> memref<32x128xf32, #tpu.memory_space<vmem_shared>>
      %dma_start3A_123 = arith.constant 0 : i32
      %dma_start3A_124 = tpu.memref_slice %arg15[%add3A_23, %dma_start3A_123] : memref<2560x128xf32, #tpu.memory_space<vmem_shared>> -> memref<32x128xf32, #tpu.memory_space<vmem_shared>>
      tpu.enqueue_dma source(%arg14 : memref<32x128xf32, #tpu.memory_space<vmem>>) target(%dma_start3A_124 : memref<32x128xf32, #tpu.memory_space<vmem_shared>>) target_semaphore(%run_scoped3A : memref<!tpu.dma_semaphore, #tpu.memory_space<semaphore_mem>>)
      %dma_wait3A = arith.constant 0 : i32
      %dma_wait3A_125 = tpu.memref_slice %arg15[%add3A_23, %dma_wait3A] : memref<2560x128xf32, #tpu.memory_space<vmem_shared>> -> memref<32x128xf32, #tpu.memory_space<vmem_shared>>
      %dma_wait3A_126 = arith.constant 0 : i32
      %dma_wait3A_127 = tpu.memref_slice %arg15[%add3A_23, %dma_wait3A_126] : memref<2560x128xf32, #tpu.memory_space<vmem_shared>> -> memref<32x128xf32, #tpu.memory_space<vmem_shared>>
      tpu.wait_dma2 semaphore(%run_scoped3A : memref<!tpu.dma_semaphore, #tpu.memory_space<semaphore_mem>>) src(%arg14 : memref<32x128xf32, #tpu.memory_space<vmem>>) dst(%dma_wait3A_127 : memref<32x128xf32, #tpu.memory_space<vmem_shared>>)
      tpu.yield
    }) : () -> ()
    %barrier3A = arith.constant 0 : index
    tpu.barrier barrier_id(%barrier3A)
    %add3A_24 = arith.constant 0 : i32
    %add3A_25 = arith.addi %add3A, %add3A_24 : i32
    %min3A_26 = arith.constant 2499 : i32
    %min3A_27 = arith.minsi %add3A_25, %min3A_26 : i32
    %min3A_28 = arith.constant 0 : i32
    %min3A_29 = arith.constant 156 : i32
    %min3A_30 = arith.minsi %min3A_28, %min3A_29 : i32
    %dma_start3A = arith.constant 0 : i32
    %dma_start3A_31 = arith.constant 0 : i32
    %dma_start3A_32 = tpu.memref_slice %arg7[%min3A_30, %dma_start3A, %dma_start3A_31] : memref<157x1x128xi32, #tpu.memory_space<vmem>> -> memref<1x1x128xi32, #tpu.memory_space<vmem>>
    %dma_start3A_33 = tpu.memref_squeeze %dma_start3A_32 : memref<1x1x128xi32, #tpu.memory_space<vmem>> -> memref<128xi32, #tpu.memory_space<vmem>>
    %dma_start3A_34 = arith.constant 0 : i32
    %dma_start3A_35 = arith.constant 0 : i32
    %dma_start3A_36 = tpu.memref_slice %arg2[%dma_start3A_34, %dma_start3A_35] : memref<10000x128xf32, #tpu.memory_space<hbm>> -> memref<10000x128xf32, #tpu.memory_space<hbm>>
    tpu.enqueue_indirect_dma source(%dma_start3A_36 : memref<10000x128xf32, #tpu.memory_space<hbm>>) target(%arg10 : memref<128x128xf32, #tpu.memory_space<vmem>>) offsets(%dma_start3A_33 : memref<128xi32, #tpu.memory_space<vmem>>) semaphore(%arg16 : memref<!tpu.dma_semaphore, #tpu.memory_space<semaphore_mem>>)
    %mul3A_37 = arith.constant 128 : i32
    %mul3A_38 = arith.muli %min3A_27, %mul3A_37 : i32
    %multiple_of3A_39 = tpu.assume_multiple %mul3A_38, 8 : i32
    %dma_start3A_40 = arith.constant 0 : i32
    %dma_start3A_41 = tpu.memref_slice %arg3[%multiple_of3A_39, %dma_start3A_40] : memref<320000x128xf32, #tpu.memory_space<hbm>> -> memref<128x128xf32, #tpu.memory_space<hbm>>
    %dma_start3A_42 = arith.constant 0 : i32
    %dma_start3A_43 = tpu.memref_slice %arg3[%multiple_of3A_39, %dma_start3A_42] : memref<320000x128xf32, #tpu.memory_space<hbm>> -> memref<128x128xf32, #tpu.memory_space<hbm>>
    tpu.enqueue_dma source(%dma_start3A_43 : memref<128x128xf32, #tpu.memory_space<hbm>>) target(%arg11 : memref<128x128xf32, #tpu.memory_space<vmem>>) target_semaphore(%arg17 : memref<!tpu.dma_semaphore, #tpu.memory_space<semaphore_mem>>)
    %scan3A_44 = arith.constant 0 : i32
    %scan3A_45 = arith.constant 78 : i32
    %scan3A_46 = arith.addi %scan3A_44, %scan3A_45 : i32
    %scan3A_47 = arith.constant 1 : i32
    scf.for %scan3A_121 = %scan3A_44 to %scan3A_46 step %scan3A_47  : i32 {
      %mul3A_122 = arith.constant 1 : i32
      %mul3A_123 = arith.muli %scan3A_121, %mul3A_122 : i32
      %add3A_124 = arith.constant 0 : i32
      %add3A_125 = arith.addi %add3A_124, %mul3A_123 : i32
      %mul3A_126 = arith.constant 2 : i32
      %mul3A_127 = arith.muli %add3A_125, %mul3A_126 : i32
      %add3A_128 = arith.constant 1 : i32
      %add3A_129 = arith.addi %mul3A_127, %add3A_128 : i32
      %add3A_130 = arith.addi %add3A, %add3A_129 : i32
      %min3A_131 = arith.constant 2499 : i32
      %min3A_132 = arith.minsi %add3A_130, %min3A_131 : i32
      %min3A_133 = arith.constant 156 : i32
      %min3A_134 = arith.minsi %add3A_129, %min3A_133 : i32
      %dma_start3A_135 = arith.constant 0 : i32
      %dma_start3A_136 = arith.constant 0 : i32
      %dma_start3A_137 = tpu.memref_slice %arg7[%min3A_134, %dma_start3A_135, %dma_start3A_136] : memref<157x1x128xi32, #tpu.memory_space<vmem>> -> memref<1x1x128xi32, #tpu.memory_space<vmem>>
      %dma_start3A_138 = tpu.memref_squeeze %dma_start3A_137 : memref<1x1x128xi32, #tpu.memory_space<vmem>> -> memref<128xi32, #tpu.memory_space<vmem>>
      %dma_start3A_139 = arith.constant 0 : i32
      %dma_start3A_140 = arith.constant 0 : i32
      %dma_start3A_141 = tpu.memref_slice %arg2[%dma_start3A_139, %dma_start3A_140] : memref<10000x128xf32, #tpu.memory_space<hbm>> -> memref<10000x128xf32, #tpu.memory_space<hbm>>
      tpu.enqueue_indirect_dma source(%dma_start3A_141 : memref<10000x128xf32, #tpu.memory_space<hbm>>) target(%arg12 : memref<128x128xf32, #tpu.memory_space<vmem>>) offsets(%dma_start3A_138 : memref<128xi32, #tpu.memory_space<vmem>>) semaphore(%arg18 : memref<!tpu.dma_semaphore, #tpu.memory_space<semaphore_mem>>)
      %mul3A_142 = arith.constant 128 : i32
      %mul3A_143 = arith.muli %min3A_132, %mul3A_142 : i32
      %multiple_of3A_144 = tpu.assume_multiple %mul3A_143, 8 : i32
      %dma_start3A_145 = arith.constant 0 : i32
      %dma_start3A_146 = tpu.memref_slice %arg3[%multiple_of3A_144, %dma_start3A_145] : memref<320000x128xf32, #tpu.memory_space<hbm>> -> memref<128x128xf32, #tpu.memory_space<hbm>>
      %dma_start3A_147 = arith.constant 0 : i32
      %dma_start3A_148 = tpu.memref_slice %arg3[%multiple_of3A_144, %dma_start3A_147] : memref<320000x128xf32, #tpu.memory_space<hbm>> -> memref<128x128xf32, #tpu.memory_space<hbm>>
      tpu.enqueue_dma source(%dma_start3A_148 : memref<128x128xf32, #tpu.memory_space<hbm>>) target(%arg13 : memref<128x128xf32, #tpu.memory_space<vmem>>) target_semaphore(%arg19 : memref<!tpu.dma_semaphore, #tpu.memory_space<semaphore_mem>>)
      %get3A = arith.constant 0 : i32
      %get3A_149 = arith.index_cast %mul3A_127 : i32 to index
      %get3A_150 = arith.index_cast %get3A : i32 to index
      %get3A_151 = arith.constant 0 : index
      %get3A_152 = tpu.vector_load %arg8[%get3A_149, %get3A_150, %get3A_151] {strides = array<i32>} : memref<157x1x128xi32, #tpu.memory_space<vmem>>, vector<1x1x16xi32>,
      %get3A_153 = vector.shape_cast %get3A_152 : vector<1x1x16xi32> to vector<16xi32>
      %sub3A = vector.broadcast %mul3A_11 : i32 to vector<16xi32>
      %sub3A_154 = arith.subi %get3A_153, %sub3A : vector<16xi32>
      %ge3A_155 = arith.constant 0 : i32
      %ge3A_156 = vector.broadcast %ge3A_155 : i32 to vector<16xi32>
      %ge3A_157 = arith.cmpi sge, %sub3A_154, %ge3A_156 : vector<16xi32>
      %lt3A_158 = arith.constant 2500 : i32
      %lt3A_159 = vector.broadcast %lt3A_158 : i32 to vector<16xi32>
      %lt3A_160 = arith.cmpi slt, %sub3A_154, %lt3A_159 : vector<16xi32>
      %and3A = arith.andi %ge3A_157, %lt3A_160 : vector<16xi1>
      %and3A_161 = arith.constant 31 : i32
      %and3A_162 = vector.broadcast %and3A_161 : i32 to vector<16xi32>
      %and3A_163 = arith.andi %get3A_153, %and3A_162 : vector<16xi32>
      %add3A_164 = arith.constant 2500 : i32
      %add3A_165 = vector.broadcast %add3A_164 : i32 to vector<16xi32>
      %add3A_166 = arith.addi %add3A_165, %and3A_163 : vector<16xi32>
      %select_n3A = arith.select %and3A, %sub3A_154, %add3A_166 : vector<16xi1>, vector<16xi32>
      %swap3A = arith.constant 0 : i32
      %swap3A_167 = arith.index_cast %swap3A : i32 to index
      %swap3A_168 = arith.constant 0 : index
      %swap3A_169 = tpu.vector_load %arg9[%swap3A_167, %swap3A_168] {strides = array<i32>} : memref<1x128xi32, #tpu.memory_space<vmem>>, vector<1x16xi32>,
      %swap3A_170 = vector.shape_cast %swap3A_169 : vector<1x16xi32> to vector<16xi32>
      %swap3A_171 = vector.shape_cast %select_n3A : vector<16xi32> to vector<1x16xi32>
      tpu.vector_store %arg9[%swap3A_167, %swap3A_168], %swap3A_171 {strides = array<i32>} : memref<1x128xi32, #tpu.memory_space<vmem>>, vector<1x16xi32>,
      %get3A_172 = arith.constant 0 : i32
      %get3A_173 = arith.index_cast %mul3A_127 : i32 to index
      %get3A_174 = arith.index_cast %get3A_172 : i32 to index
      %get3A_175 = arith.constant 16 : index
      %get3A_176 = tpu.vector_load %arg8[%get3A_173, %get3A_174, %get3A_175] {strides = array<i32>} : memref<157x1x128xi32, #tpu.memory_space<vmem>>, vector<1x1x16xi32>,
      %get3A_177 = vector.shape_cast %get3A_176 : vector<1x1x16xi32> to vector<16xi32>
      %sub3A_178 = vector.broadcast %mul3A_11 : i32 to vector<16xi32>
      %sub3A_179 = arith.subi %get3A_177, %sub3A_178 : vector<16xi32>
      %ge3A_180 = arith.constant 0 : i32
      %ge3A_181 = vector.broadcast %ge3A_180 : i32 to vector<16xi32>
      %ge3A_182 = arith.cmpi sge, %sub3A_179, %ge3A_181 : vector<16xi32>
      %lt3A_183 = arith.constant 2500 : i32
      %lt3A_184 = vector.broadcast %lt3A_183 : i32 to vector<16xi32>
      %lt3A_185 = arith.cmpi slt, %sub3A_179, %lt3A_184 : vector<16xi32>
      %and3A_186 = arith.andi %ge3A_182, %lt3A_185 : vector<16xi1>
      %and3A_187 = arith.constant 31 : i32
      %and3A_188 = vector.broadcast %and3A_187 : i32 to vector<16xi32>
      %and3A_189 = arith.andi %get3A_177, %and3A_188 : vector<16xi32>
      %add3A_190 = arith.constant 2500 : i32
      %add3A_191 = vector.broadcast %add3A_190 : i32 to vector<16xi32>
      %add3A_192 = arith.addi %add3A_191, %and3A_189 : vector<16xi32>
      %select_n3A_193 = arith.select %and3A_186, %sub3A_179, %add3A_192 : vector<16xi1>, vector<16xi32>
      %swap3A_194 = arith.constant 0 : i32
      %swap3A_195 = arith.index_cast %swap3A_194 : i32 to index
      %swap3A_196 = arith.constant 16 : index
      %swap3A_197 = tpu.vector_load %arg9[%swap3A_195, %swap3A_196] {strides = array<i32>} : memref<1x128xi32, #tpu.memory_space<vmem>>, vector<1x16xi32>,
      %swap3A_198 = vector.shape_cast %swap3A_197 : vector<1x16xi32> to vector<16xi32>
      %swap3A_199 = vector.shape_cast %select_n3A_193 : vector<16xi32> to vector<1x16xi32>
      tpu.vector_store %arg9[%swap3A_195, %swap3A_196], %swap3A_199 {strides = array<i32>} : memref<1x128xi32, #tpu.memory_space<vmem>>, vector<1x16xi32>,
      %get3A_200 = arith.constant 0 : i32
      %get3A_201 = arith.index_cast %mul3A_127 : i32 to index
      %get3A_202 = arith.index_cast %get3A_200 : i32 to index
      %get3A_203 = arith.constant 32 : index
      %get3A_204 = tpu.vector_load %arg8[%get3A_201, %get3A_202, %get3A_203] {strides = array<i32>} : memref<157x1x128xi32, #tpu.memory_space<vmem>>, vector<1x1x16xi32>,
      %get3A_205 = vector.shape_cast %get3A_204 : vector<1x1x16xi32> to vector<16xi32>
      %sub3A_206 = vector.broadcast %mul3A_11 : i32 to vector<16xi32>
      %sub3A_207 = arith.subi %get3A_205, %sub3A_206 : vector<16xi32>
      %ge3A_208 = arith.constant 0 : i32
      %ge3A_209 = vector.broadcast %ge3A_208 : i32 to vector<16xi32>
      %ge3A_210 = arith.cmpi sge, %sub3A_207, %ge3A_209 : vector<16xi32>
      %lt3A_211 = arith.constant 2500 : i32
      %lt3A_212 = vector.broadcast %lt3A_211 : i32 to vector<16xi32>
      %lt3A_213 = arith.cmpi slt, %sub3A_207, %lt3A_212 : vector<16xi32>
      %and3A_214 = arith.andi %ge3A_210, %lt3A_213 : vector<16xi1>
      %and3A_215 = arith.constant 31 : i32
      %and3A_216 = vector.broadcast %and3A_215 : i32 to vector<16xi32>
      %and3A_217 = arith.andi %get3A_205, %and3A_216 : vector<16xi32>
      %add3A_218 = arith.constant 2500 : i32
      %add3A_219 = vector.broadcast %add3A_218 : i32 to vector<16xi32>
      %add3A_220 = arith.addi %add3A_219, %and3A_217 : vector<16xi32>
      %select_n3A_221 = arith.select %and3A_214, %sub3A_207, %add3A_220 : vector<16xi1>, vector<16xi32>
      %swap3A_222 = arith.constant 0 : i32
      %swap3A_223 = arith.index_cast %swap3A_222 : i32 to index
      %swap3A_224 = arith.constant 32 : index
      %swap3A_225 = tpu.vector_load %arg9[%swap3A_223, %swap3A_224] {strides = array<i32>} : memref<1x128xi32, #tpu.memory_space<vmem>>, vector<1x16xi32>,
      %swap3A_226 = vector.shape_cast %swap3A_225 : vector<1x16xi32> to vector<16xi32>
      %swap3A_227 = vector.shape_cast %select_n3A_221 : vector<16xi32> to vector<1x16xi32>
      tpu.vector_store %arg9[%swap3A_223, %swap3A_224], %swap3A_227 {strides = array<i32>} : memref<1x128xi32, #tpu.memory_space<vmem>>, vector<1x16xi32>,
      %get3A_228 = arith.constant 0 : i32
      %get3A_229 = arith.index_cast %mul3A_127 : i32 to index
      %get3A_230 = arith.index_cast %get3A_228 : i32 to index
      %get3A_231 = arith.constant 48 : index
      %get3A_232 = tpu.vector_load %arg8[%get3A_229, %get3A_230, %get3A_231] {strides = array<i32>} : memref<157x1x128xi32, #tpu.memory_space<vmem>>, vector<1x1x16xi32>,
      %get3A_233 = vector.shape_cast %get3A_232 : vector<1x1x16xi32> to vector<16xi32>
      %sub3A_234 = vector.broadcast %mul3A_11 : i32 to vector<16xi32>
      %sub3A_235 = arith.subi %get3A_233, %sub3A_234 : vector<16xi32>
      %ge3A_236 = arith.constant 0 : i32
      %ge3A_237 = vector.broadcast %ge3A_236 : i32 to vector<16xi32>
      %ge3A_238 = arith.cmpi sge, %sub3A_235, %ge3A_237 : vector<16xi32>
      %lt3A_239 = arith.constant 2500 : i32
      %lt3A_240 = vector.broadcast %lt3A_239 : i32 to vector<16xi32>
      %lt3A_241 = arith.cmpi slt, %sub3A_235, %lt3A_240 : vector<16xi32>
      %and3A_242 = arith.andi %ge3A_238, %lt3A_241 : vector<16xi1>
      %and3A_243 = arith.constant 31 : i32
      %and3A_244 = vector.broadcast %and3A_243 : i32 to vector<16xi32>
      %and3A_245 = arith.andi %get3A_233, %and3A_244 : vector<16xi32>
      %add3A_246 = arith.constant 2500 : i32
      %add3A_247 = vector.broadcast %add3A_246 : i32 to vector<16xi32>
      %add3A_248 = arith.addi %add3A_247, %and3A_245 : vector<16xi32>
      %select_n3A_249 = arith.select %and3A_242, %sub3A_235, %add3A_248 : vector<16xi1>, vector<16xi32>
      %swap3A_250 = arith.constant 0 : i32
      %swap3A_251 = arith.index_cast %swap3A_250 : i32 to index
      %swap3A_252 = arith.constant 48 : index
      %swap3A_253 = tpu.vector_load %arg9[%swap3A_251, %swap3A_252] {strides = array<i32>} : memref<1x128xi32, #tpu.memory_space<vmem>>, vector<1x16xi32>,
      %swap3A_254 = vector.shape_cast %swap3A_253 : vector<1x16xi32> to vector<16xi32>
      %swap3A_255 = vector.shape_cast %select_n3A_249 : vector<16xi32> to vector<1x16xi32>
      tpu.vector_store %arg9[%swap3A_251, %swap3A_252], %swap3A_255 {strides = array<i32>} : memref<1x128xi32, #tpu.memory_space<vmem>>, vector<1x16xi32>,
      %get3A_256 = arith.constant 0 : i32
      %get3A_257 = arith.index_cast %mul3A_127 : i32 to index
      %get3A_258 = arith.index_cast %get3A_256 : i32 to index
      %get3A_259 = arith.constant 64 : index
      %get3A_260 = tpu.vector_load %arg8[%get3A_257, %get3A_258, %get3A_259] {strides = array<i32>} : memref<157x1x128xi32, #tpu.memory_space<vmem>>, vector<1x1x16xi32>,
      %get3A_261 = vector.shape_cast %get3A_260 : vector<1x1x16xi32> to vector<16xi32>
      %sub3A_262 = vector.broadcast %mul3A_11 : i32 to vector<16xi32>
      %sub3A_263 = arith.subi %get3A_261, %sub3A_262 : vector<16xi32>
      %ge3A_264 = arith.constant 0 : i32
      %ge3A_265 = vector.broadcast %ge3A_264 : i32 to vector<16xi32>
      %ge3A_266 = arith.cmpi sge, %sub3A_263, %ge3A_265 : vector<16xi32>
      %lt3A_267 = arith.constant 2500 : i32
      %lt3A_268 = vector.broadcast %lt3A_267 : i32 to vector<16xi32>
      %lt3A_269 = arith.cmpi slt, %sub3A_263, %lt3A_268 : vector<16xi32>
      %and3A_270 = arith.andi %ge3A_266, %lt3A_269 : vector<16xi1>
      %and3A_271 = arith.constant 31 : i32
      %and3A_272 = vector.broadcast %and3A_271 : i32 to vector<16xi32>
      %and3A_273 = arith.andi %get3A_261, %and3A_272 : vector<16xi32>
      %add3A_274 = arith.constant 2500 : i32
      %add3A_275 = vector.broadcast %add3A_274 : i32 to vector<16xi32>
      %add3A_276 = arith.addi %add3A_275, %and3A_273 : vector<16xi32>
      %select_n3A_277 = arith.select %and3A_270, %sub3A_263, %add3A_276 : vector<16xi1>, vector<16xi32>
      %swap3A_278 = arith.constant 0 : i32
      %swap3A_279 = arith.index_cast %swap3A_278 : i32 to index
      %swap3A_280 = arith.constant 64 : index
      %swap3A_281 = tpu.vector_load %arg9[%swap3A_279, %swap3A_280] {strides = array<i32>} : memref<1x128xi32, #tpu.memory_space<vmem>>, vector<1x16xi32>,
      %swap3A_282 = vector.shape_cast %swap3A_281 : vector<1x16xi32> to vector<16xi32>
      %swap3A_283 = vector.shape_cast %select_n3A_277 : vector<16xi32> to vector<1x16xi32>
      tpu.vector_store %arg9[%swap3A_279, %swap3A_280], %swap3A_283 {strides = array<i32>} : memref<1x128xi32, #tpu.memory_space<vmem>>, vector<1x16xi32>,
      %get3A_284 = arith.constant 0 : i32
      %get3A_285 = arith.index_cast %mul3A_127 : i32 to index
      %get3A_286 = arith.index_cast %get3A_284 : i32 to index
      %get3A_287 = arith.constant 80 : index
      %get3A_288 = tpu.vector_load %arg8[%get3A_285, %get3A_286, %get3A_287] {strides = array<i32>} : memref<157x1x128xi32, #tpu.memory_space<vmem>>, vector<1x1x16xi32>,
      %get3A_289 = vector.shape_cast %get3A_288 : vector<1x1x16xi32> to vector<16xi32>
      %sub3A_290 = vector.broadcast %mul3A_11 : i32 to vector<16xi32>
      %sub3A_291 = arith.subi %get3A_289, %sub3A_290 : vector<16xi32>
      %ge3A_292 = arith.constant 0 : i32
      %ge3A_293 = vector.broadcast %ge3A_292 : i32 to vector<16xi32>
      %ge3A_294 = arith.cmpi sge, %sub3A_291, %ge3A_293 : vector<16xi32>
      %lt3A_295 = arith.constant 2500 : i32
      %lt3A_296 = vector.broadcast %lt3A_295 : i32 to vector<16xi32>
      %lt3A_297 = arith.cmpi slt, %sub3A_291, %lt3A_296 : vector<16xi32>
      %and3A_298 = arith.andi %ge3A_294, %lt3A_297 : vector<16xi1>
      %and3A_299 = arith.constant 31 : i32
      %and3A_300 = vector.broadcast %and3A_299 : i32 to vector<16xi32>
      %and3A_301 = arith.andi %get3A_289, %and3A_300 : vector<16xi32>
      %add3A_302 = arith.constant 2500 : i32
      %add3A_303 = vector.broadcast %add3A_302 : i32 to vector<16xi32>
      %add3A_304 = arith.addi %add3A_303, %and3A_301 : vector<16xi32>
      %select_n3A_305 = arith.select %and3A_298, %sub3A_291, %add3A_304 : vector<16xi1>, vector<16xi32>
      %swap3A_306 = arith.constant 0 : i32
      %swap3A_307 = arith.index_cast %swap3A_306 : i32 to index
      %swap3A_308 = arith.constant 80 : index
      %swap3A_309 = tpu.vector_load %arg9[%swap3A_307, %swap3A_308] {strides = array<i32>} : memref<1x128xi32, #tpu.memory_space<vmem>>, vector<1x16xi32>,
      %swap3A_310 = vector.shape_cast %swap3A_309 : vector<1x16xi32> to vector<16xi32>
      %swap3A_311 = vector.shape_cast %select_n3A_305 : vector<16xi32> to vector<1x16xi32>
      tpu.vector_store %arg9[%swap3A_307, %swap3A_308], %swap3A_311 {strides = array<i32>} : memref<1x128xi32, #tpu.memory_space<vmem>>, vector<1x16xi32>,
      %get3A_312 = arith.constant 0 : i32
      %get3A_313 = arith.index_cast %mul3A_127 : i32 to index
      %get3A_314 = arith.index_cast %get3A_312 : i32 to index
      %get3A_315 = arith.constant 96 : index
      %get3A_316 = tpu.vector_load %arg8[%get3A_313, %get3A_314, %get3A_315] {strides = array<i32>} : memref<157x1x128xi32, #tpu.memory_space<vmem>>, vector<1x1x16xi32>,
      %get3A_317 = vector.shape_cast %get3A_316 : vector<1x1x16xi32> to vector<16xi32>
      %sub3A_318 = vector.broadcast %mul3A_11 : i32 to vector<16xi32>
      %sub3A_319 = arith.subi %get3A_317, %sub3A_318 : vector<16xi32>
      %ge3A_320 = arith.constant 0 : i32
      %ge3A_321 = vector.broadcast %ge3A_320 : i32 to vector<16xi32>
      %ge3A_322 = arith.cmpi sge, %sub3A_319, %ge3A_321 : vector<16xi32>
      %lt3A_323 = arith.constant 2500 : i32
      %lt3A_324 = vector.broadcast %lt3A_323 : i32 to vector<16xi32>
      %lt3A_325 = arith.cmpi slt, %sub3A_319, %lt3A_324 : vector<16xi32>
      %and3A_326 = arith.andi %ge3A_322, %lt3A_325 : vector<16xi1>
      %and3A_327 = arith.constant 31 : i32
      %and3A_328 = vector.broadcast %and3A_327 : i32 to vector<16xi32>
      %and3A_329 = arith.andi %get3A_317, %and3A_328 : vector<16xi32>
      %add3A_330 = arith.constant 2500 : i32
      %add3A_331 = vector.broadcast %add3A_330 : i32 to vector<16xi32>
      %add3A_332 = arith.addi %add3A_331, %and3A_329 : vector<16xi32>
      %select_n3A_333 = arith.select %and3A_326, %sub3A_319, %add3A_332 : vector<16xi1>, vector<16xi32>
      %swap3A_334 = arith.constant 0 : i32
      %swap3A_335 = arith.index_cast %swap3A_334 : i32 to index
      %swap3A_336 = arith.constant 96 : index
      %swap3A_337 = tpu.vector_load %arg9[%swap3A_335, %swap3A_336] {strides = array<i32>} : memref<1x128xi32, #tpu.memory_space<vmem>>, vector<1x16xi32>,
      %swap3A_338 = vector.shape_cast %swap3A_337 : vector<1x16xi32> to vector<16xi32>
      %swap3A_339 = vector.shape_cast %select_n3A_333 : vector<16xi32> to vector<1x16xi32>
      tpu.vector_store %arg9[%swap3A_335, %swap3A_336], %swap3A_339 {strides = array<i32>} : memref<1x128xi32, #tpu.memory_space<vmem>>, vector<1x16xi32>,
      %get3A_340 = arith.constant 0 : i32
      %get3A_341 = arith.index_cast %mul3A_127 : i32 to index
      %get3A_342 = arith.index_cast %get3A_340 : i32 to index
      %get3A_343 = arith.constant 112 : index
      %get3A_344 = tpu.vector_load %arg8[%get3A_341, %get3A_342, %get3A_343] {strides = array<i32>} : memref<157x1x128xi32, #tpu.memory_space<vmem>>, vector<1x1x16xi32>,
      %get3A_345 = vector.shape_cast %get3A_344 : vector<1x1x16xi32> to vector<16xi32>
      %sub3A_346 = vector.broadcast %mul3A_11 : i32 to vector<16xi32>
      %sub3A_347 = arith.subi %get3A_345, %sub3A_346 : vector<16xi32>
      %ge3A_348 = arith.constant 0 : i32
      %ge3A_349 = vector.broadcast %ge3A_348 : i32 to vector<16xi32>
      %ge3A_350 = arith.cmpi sge, %sub3A_347, %ge3A_349 : vector<16xi32>
      %lt3A_351 = arith.constant 2500 : i32
      %lt3A_352 = vector.broadcast %lt3A_351 : i32 to vector<16xi32>
      %lt3A_353 = arith.cmpi slt, %sub3A_347, %lt3A_352 : vector<16xi32>
      %and3A_354 = arith.andi %ge3A_350, %lt3A_353 : vector<16xi1>
      %and3A_355 = arith.constant 31 : i32
      %and3A_356 = vector.broadcast %and3A_355 : i32 to vector<16xi32>
      %and3A_357 = arith.andi %get3A_345, %and3A_356 : vector<16xi32>
      %add3A_358 = arith.constant 2500 : i32
      %add3A_359 = vector.broadcast %add3A_358 : i32 to vector<16xi32>
      %add3A_360 = arith.addi %add3A_359, %and3A_357 : vector<16xi32>
      %select_n3A_361 = arith.select %and3A_354, %sub3A_347, %add3A_360 : vector<16xi1>, vector<16xi32>
      %swap3A_362 = arith.constant 0 : i32
      %swap3A_363 = arith.index_cast %swap3A_362 : i32 to index
      %swap3A_364 = arith.constant 112 : index
      %swap3A_365 = tpu.vector_load %arg9[%swap3A_363, %swap3A_364] {strides = array<i32>} : memref<1x128xi32, #tpu.memory_space<vmem>>, vector<1x16xi32>,
      %swap3A_366 = vector.shape_cast %swap3A_365 : vector<1x16xi32> to vector<16xi32>
      %swap3A_367 = vector.shape_cast %select_n3A_361 : vector<16xi32> to vector<1x16xi32>
      tpu.vector_store %arg9[%swap3A_363, %swap3A_364], %swap3A_367 {strides = array<i32>} : memref<1x128xi32, #tpu.memory_space<vmem>>, vector<1x16xi32>,
      %dma_wait3A = arith.constant 0 : i32
      %dma_wait3A_368 = arith.constant 0 : i32
      %dma_wait3A_369 = arith.constant 0 : i32
      %dma_wait3A_370 = tpu.memref_slice %arg7[%dma_wait3A, %dma_wait3A_368, %dma_wait3A_369] : memref<157x1x128xi32, #tpu.memory_space<vmem>> -> memref<1x1x128xi32, #tpu.memory_space<vmem>>
      %dma_wait3A_371 = tpu.memref_squeeze %dma_wait3A_370 : memref<1x1x128xi32, #tpu.memory_space<vmem>> -> memref<128xi32, #tpu.memory_space<vmem>>
      %dma_wait3A_372 = arith.constant 0 : i32
      %dma_wait3A_373 = arith.constant 0 : i32
      %dma_wait3A_374 = tpu.memref_slice %arg2[%dma_wait3A_372, %dma_wait3A_373] : memref<10000x128xf32, #tpu.memory_space<hbm>> -> memref<10000x128xf32, #tpu.memory_space<hbm>>
      tpu.wait_indirect_dma semaphore(%arg16 : memref<!tpu.dma_semaphore, #tpu.memory_space<semaphore_mem>>) src(%dma_wait3A_374 : memref<10000x128xf32, #tpu.memory_space<hbm>>) dst(%arg10 : memref<128x128xf32, #tpu.memory_space<vmem>>)
      %dma_wait3A_375 = arith.constant 0 : i32
      %dma_wait3A_376 = arith.constant 0 : i32
      %dma_wait3A_377 = tpu.memref_slice %arg3[%dma_wait3A_375, %dma_wait3A_376] : memref<320000x128xf32, #tpu.memory_space<hbm>> -> memref<128x128xf32, #tpu.memory_space<hbm>>
      %dma_wait3A_378 = arith.constant 0 : i32
      %dma_wait3A_379 = arith.constant 0 : i32
      %dma_wait3A_380 = tpu.memref_slice %arg3[%dma_wait3A_378, %dma_wait3A_379] : memref<320000x128xf32, #tpu.memory_space<hbm>> -> memref<128x128xf32, #tpu.memory_space<hbm>>
      tpu.wait_dma2 semaphore(%arg17 : memref<!tpu.dma_semaphore, #tpu.memory_space<semaphore_mem>>) src(%dma_wait3A_380 : memref<128x128xf32, #tpu.memory_space<hbm>>) dst(%arg11 : memref<128x128xf32, #tpu.memory_space<vmem>>)
      %scan3A_381 = arith.constant 0 : i32
      %scan3A_382 = arith.constant 128 : i32
      %scan3A_383 = arith.addi %scan3A_381, %scan3A_382 : i32
      %scan3A_384 = arith.constant 1 : i32
      scf.for %scan3A_653 = %scan3A_381 to %scan3A_383 step %scan3A_384  : i32 {
        %mul3A_654 = arith.constant 1 : i32
        %mul3A_655 = arith.muli %scan3A_653, %mul3A_654 : i32
        %add3A_656 = arith.constant 0 : i32
        %add3A_657 = arith.addi %add3A_656, %mul3A_655 : i32
        %get3A_658 = arith.index_cast %add3A_657 : i32 to index
        %get3A_659 = arith.constant 0 : index
        %get3A_660 = tpu.vector_load %arg10[%get3A_658, %get3A_659] {strides = array<i32>} : memref<128x128xf32, #tpu.memory_space<vmem>>, vector<1x16xf32>,
        %get3A_661 = vector.shape_cast %get3A_660 : vector<1x16xf32> to vector<16xf32>
        %get3A_662 = arith.index_cast %add3A_657 : i32 to index
        %get3A_663 = arith.constant 0 : index
        %get3A_664 = tpu.vector_load %arg11[%get3A_662, %get3A_663] {strides = array<i32>} : memref<128x128xf32, #tpu.memory_space<vmem>>, vector<1x16xf32>,
        %get3A_665 = vector.shape_cast %get3A_664 : vector<1x16xf32> to vector<16xf32>
        %mul3A_666 = arith.mulf %get3A_661, %get3A_665 : vector<16xf32>
        %swap3A_667 = arith.index_cast %add3A_657 : i32 to index
        %swap3A_668 = arith.constant 0 : index
        %swap3A_669 = tpu.vector_load %arg10[%swap3A_667, %swap3A_668] {strides = array<i32>} : memref<128x128xf32, #tpu.memory_space<vmem>>, vector<1x16xf32>,
        %swap3A_670 = vector.shape_cast %swap3A_669 : vector<1x16xf32> to vector<16xf32>
        %swap3A_671 = vector.shape_cast %mul3A_666 : vector<16xf32> to vector<1x16xf32>
        tpu.vector_store %arg10[%swap3A_667, %swap3A_668], %swap3A_671 {strides = array<i32>} : memref<128x128xf32, #tpu.memory_space<vmem>>, vector<1x16xf32>,
        %get3A_672 = arith.index_cast %add3A_657 : i32 to index
        %get3A_673 = arith.constant 16 : index
        %get3A_674 = tpu.vector_load %arg10[%get3A_672, %get3A_673] {strides = array<i32>} : memref<128x128xf32, #tpu.memory_space<vmem>>, vector<1x16xf32>,
        %get3A_675 = vector.shape_cast %get3A_674 : vector<1x16xf32> to vector<16xf32>
        %get3A_676 = arith.index_cast %add3A_657 : i32 to index
        %get3A_677 = arith.constant 16 : index
        %get3A_678 = tpu.vector_load %arg11[%get3A_676, %get3A_677] {strides = array<i32>} : memref<128x128xf32, #tpu.memory_space<vmem>>, vector<1x16xf32>,
        %get3A_679 = vector.shape_cast %get3A_678 : vector<1x16xf32> to vector<16xf32>
        %mul3A_680 = arith.mulf %get3A_675, %get3A_679 : vector<16xf32>
        %swap3A_681 = arith.index_cast %add3A_657 : i32 to index
        %swap3A_682 = arith.constant 16 : index
        %swap3A_683 = tpu.vector_load %arg10[%swap3A_681, %swap3A_682] {strides = array<i32>} : memref<128x128xf32, #tpu.memory_space<vmem>>, vector<1x16xf32>,
        %swap3A_684 = vector.shape_cast %swap3A_683 : vector<1x16xf32> to vector<16xf32>
        %swap3A_685 = vector.shape_cast %mul3A_680 : vector<16xf32> to vector<1x16xf32>
        tpu.vector_store %arg10[%swap3A_681, %swap3A_682], %swap3A_685 {strides = array<i32>} : memref<128x128xf32, #tpu.memory_space<vmem>>, vector<1x16xf32>,
        %get3A_686 = arith.index_cast %add3A_657 : i32 to index
        %get3A_687 = arith.constant 32 : index
        %get3A_688 = tpu.vector_load %arg10[%get3A_686, %get3A_687] {strides = array<i32>} : memref<128x128xf32, #tpu.memory_space<vmem>>, vector<1x16xf32>,
        %get3A_689 = vector.shape_cast %get3A_688 : vector<1x16xf32> to vector<16xf32>
        %get3A_690 = arith.index_cast %add3A_657 : i32 to index
        %get3A_691 = arith.constant 32 : index
        %get3A_692 = tpu.vector_load %arg11[%get3A_690, %get3A_691] {strides = array<i32>} : memref<128x128xf32, #tpu.memory_space<vmem>>, vector<1x16xf32>,
        %get3A_693 = vector.shape_cast %get3A_692 : vector<1x16xf32> to vector<16xf32>
        %mul3A_694 = arith.mulf %get3A_689, %get3A_693 : vector<16xf32>
        %swap3A_695 = arith.index_cast %add3A_657 : i32 to index
        %swap3A_696 = arith.constant 32 : index
        %swap3A_697 = tpu.vector_load %arg10[%swap3A_695, %swap3A_696] {strides = array<i32>} : memref<128x128xf32, #tpu.memory_space<vmem>>, vector<1x16xf32>,
        %swap3A_698 = vector.shape_cast %swap3A_697 : vector<1x16xf32> to vector<16xf32>
        %swap3A_699 = vector.shape_cast %mul3A_694 : vector<16xf32> to vector<1x16xf32>
        tpu.vector_store %arg10[%swap3A_695, %swap3A_696], %swap3A_699 {strides = array<i32>} : memref<128x128xf32, #tpu.memory_space<vmem>>, vector<1x16xf32>,
        %get3A_700 = arith.index_cast %add3A_657 : i32 to index
        %get3A_701 = arith.constant 48 : index
        %get3A_702 = tpu.vector_load %arg10[%get3A_700, %get3A_701] {strides = array<i32>} : memref<128x128xf32, #tpu.memory_space<vmem>>, vector<1x16xf32>,
        %get3A_703 = vector.shape_cast %get3A_702 : vector<1x16xf32> to vector<16xf32>
        %get3A_704 = arith.index_cast %add3A_657 : i32 to index
        %get3A_705 = arith.constant 48 : index
        %get3A_706 = tpu.vector_load %arg11[%get3A_704, %get3A_705] {strides = array<i32>} : memref<128x128xf32, #tpu.memory_space<vmem>>, vector<1x16xf32>,
        %get3A_707 = vector.shape_cast %get3A_706 : vector<1x16xf32> to vector<16xf32>
        %mul3A_708 = arith.mulf %get3A_703, %get3A_707 : vector<16xf32>
        %swap3A_709 = arith.index_cast %add3A_657 : i32 to index
        %swap3A_710 = arith.constant 48 : index
        %swap3A_711 = tpu.vector_load %arg10[%swap3A_709, %swap3A_710] {strides = array<i32>} : memref<128x128xf32, #tpu.memory_space<vmem>>, vector<1x16xf32>,
        %swap3A_712 = vector.shape_cast %swap3A_711 : vector<1x16xf32> to vector<16xf32>
        %swap3A_713 = vector.shape_cast %mul3A_708 : vector<16xf32> to vector<1x16xf32>
        tpu.vector_store %arg10[%swap3A_709, %swap3A_710], %swap3A_713 {strides = array<i32>} : memref<128x128xf32, #tpu.memory_space<vmem>>, vector<1x16xf32>,
        %get3A_714 = arith.index_cast %add3A_657 : i32 to index
        %get3A_715 = arith.constant 64 : index
        %get3A_716 = tpu.vector_load %arg10[%get3A_714, %get3A_715] {strides = array<i32>} : memref<128x128xf32, #tpu.memory_space<vmem>>, vector<1x16xf32>,
        %get3A_717 = vector.shape_cast %get3A_716 : vector<1x16xf32> to vector<16xf32>
        %get3A_718 = arith.index_cast %add3A_657 : i32 to index
        %get3A_719 = arith.constant 64 : index
        %get3A_720 = tpu.vector_load %arg11[%get3A_718, %get3A_719] {strides = array<i32>} : memref<128x128xf32, #tpu.memory_space<vmem>>, vector<1x16xf32>,
        %get3A_721 = vector.shape_cast %get3A_720 : vector<1x16xf32> to vector<16xf32>
        %mul3A_722 = arith.mulf %get3A_717, %get3A_721 : vector<16xf32>
        %swap3A_723 = arith.index_cast %add3A_657 : i32 to index
        %swap3A_724 = arith.constant 64 : index
        %swap3A_725 = tpu.vector_load %arg10[%swap3A_723, %swap3A_724] {strides = array<i32>} : memref<128x128xf32, #tpu.memory_space<vmem>>, vector<1x16xf32>,
        %swap3A_726 = vector.shape_cast %swap3A_725 : vector<1x16xf32> to vector<16xf32>
        %swap3A_727 = vector.shape_cast %mul3A_722 : vector<16xf32> to vector<1x16xf32>
        tpu.vector_store %arg10[%swap3A_723, %swap3A_724], %swap3A_727 {strides = array<i32>} : memref<128x128xf32, #tpu.memory_space<vmem>>, vector<1x16xf32>,
        %get3A_728 = arith.index_cast %add3A_657 : i32 to index
        %get3A_729 = arith.constant 80 : index
        %get3A_730 = tpu.vector_load %arg10[%get3A_728, %get3A_729] {strides = array<i32>} : memref<128x128xf32, #tpu.memory_space<vmem>>, vector<1x16xf32>,
        %get3A_731 = vector.shape_cast %get3A_730 : vector<1x16xf32> to vector<16xf32>
        %get3A_732 = arith.index_cast %add3A_657 : i32 to index
        %get3A_733 = arith.constant 80 : index
        %get3A_734 = tpu.vector_load %arg11[%get3A_732, %get3A_733] {strides = array<i32>} : memref<128x128xf32, #tpu.memory_space<vmem>>, vector<1x16xf32>,
        %get3A_735 = vector.shape_cast %get3A_734 : vector<1x16xf32> to vector<16xf32>
        %mul3A_736 = arith.mulf %get3A_731, %get3A_735 : vector<16xf32>
        %swap3A_737 = arith.index_cast %add3A_657 : i32 to index
        %swap3A_738 = arith.constant 80 : index
        %swap3A_739 = tpu.vector_load %arg10[%swap3A_737, %swap3A_738] {strides = array<i32>} : memref<128x128xf32, #tpu.memory_space<vmem>>, vector<1x16xf32>,
        %swap3A_740 = vector.shape_cast %swap3A_739 : vector<1x16xf32> to vector<16xf32>
        %swap3A_741 = vector.shape_cast %mul3A_736 : vector<16xf32> to vector<1x16xf32>
        tpu.vector_store %arg10[%swap3A_737, %swap3A_738], %swap3A_741 {strides = array<i32>} : memref<128x128xf32, #tpu.memory_space<vmem>>, vector<1x16xf32>,
        %get3A_742 = arith.index_cast %add3A_657 : i32 to index
        %get3A_743 = arith.constant 96 : index
        %get3A_744 = tpu.vector_load %arg10[%get3A_742, %get3A_743] {strides = array<i32>} : memref<128x128xf32, #tpu.memory_space<vmem>>, vector<1x16xf32>,
        %get3A_745 = vector.shape_cast %get3A_744 : vector<1x16xf32> to vector<16xf32>
        %get3A_746 = arith.index_cast %add3A_657 : i32 to index
        %get3A_747 = arith.constant 96 : index
        %get3A_748 = tpu.vector_load %arg11[%get3A_746, %get3A_747] {strides = array<i32>} : memref<128x128xf32, #tpu.memory_space<vmem>>, vector<1x16xf32>,
        %get3A_749 = vector.shape_cast %get3A_748 : vector<1x16xf32> to vector<16xf32>
        %mul3A_750 = arith.mulf %get3A_745, %get3A_749 : vector<16xf32>
        %swap3A_751 = arith.index_cast %add3A_657 : i32 to index
        %swap3A_752 = arith.constant 96 : index
        %swap3A_753 = tpu.vector_load %arg10[%swap3A_751, %swap3A_752] {strides = array<i32>} : memref<128x128xf32, #tpu.memory_space<vmem>>, vector<1x16xf32>,
        %swap3A_754 = vector.shape_cast %swap3A_753 : vector<1x16xf32> to vector<16xf32>
        %swap3A_755 = vector.shape_cast %mul3A_750 : vector<16xf32> to vector<1x16xf32>
        tpu.vector_store %arg10[%swap3A_751, %swap3A_752], %swap3A_755 {strides = array<i32>} : memref<128x128xf32, #tpu.memory_space<vmem>>, vector<1x16xf32>,
        %get3A_756 = arith.index_cast %add3A_657 : i32 to index
        %get3A_757 = arith.constant 112 : index
        %get3A_758 = tpu.vector_load %arg10[%get3A_756, %get3A_757] {strides = array<i32>} : memref<128x128xf32, #tpu.memory_space<vmem>>, vector<1x16xf32>,
        %get3A_759 = vector.shape_cast %get3A_758 : vector<1x16xf32> to vector<16xf32>
        %get3A_760 = arith.index_cast %add3A_657 : i32 to index
        %get3A_761 = arith.constant 112 : index
        %get3A_762 = tpu.vector_load %arg11[%get3A_760, %get3A_761] {strides = array<i32>} : memref<128x128xf32, #tpu.memory_space<vmem>>, vector<1x16xf32>,
        %get3A_763 = vector.shape_cast %get3A_762 : vector<1x16xf32> to vector<16xf32>
        %mul3A_764 = arith.mulf %get3A_759, %get3A_763 : vector<16xf32>
        %swap3A_765 = arith.index_cast %add3A_657 : i32 to index
        %swap3A_766 = arith.constant 112 : index
        %swap3A_767 = tpu.vector_load %arg10[%swap3A_765, %swap3A_766] {strides = array<i32>} : memref<128x128xf32, #tpu.memory_space<vmem>>, vector<1x16xf32>,
        %swap3A_768 = vector.shape_cast %swap3A_767 : vector<1x16xf32> to vector<16xf32>
        %swap3A_769 = vector.shape_cast %mul3A_764 : vector<16xf32> to vector<1x16xf32>
        tpu.vector_store %arg10[%swap3A_765, %swap3A_766], %swap3A_769 {strides = array<i32>} : memref<128x128xf32, #tpu.memory_space<vmem>>, vector<1x16xf32>,
      }
      %scan3A_385 = arith.constant 128 : i32
      %run_scoped3A = arith.constant 0 : i32
      "tpu.region"() ({
        %run_scoped3A_653 = tpu.sem_alloc : memref<!tpu.dma_semaphore, #tpu.memory_space<semaphore_mem>>
        %dma_start3A_654 = arith.constant 0 : i32
        %dma_start3A_655 = tpu.memref_slice %arg9[%run_scoped3A, %dma_start3A_654] : memref<1x128xi32, #tpu.memory_space<vmem>> -> memref<1x128xi32, #tpu.memory_space<vmem>>
        %dma_start3A_656 = tpu.memref_squeeze %dma_start3A_655 : memref<1x128xi32, #tpu.memory_space<vmem>> -> memref<128xi32, #tpu.memory_space<vmem>>
        %dma_start3A_657 = arith.constant 0 : i32
        %dma_start3A_658 = arith.constant 0 : i32
        %dma_start3A_659 = tpu.memref_slice %arg15[%dma_start3A_657, %dma_start3A_658] : memref<2560x128xf32, #tpu.memory_space<vmem_shared>> -> memref<2560x128xf32, #tpu.memory_space<vmem_shared>>
        tpu.enqueue_indirect_dma source(%arg10 : memref<128x128xf32, #tpu.memory_space<vmem>>) target(%dma_start3A_659 : memref<2560x128xf32, #tpu.memory_space<vmem_shared>>) offsets(%dma_start3A_656 : memref<128xi32, #tpu.memory_space<vmem>>) semaphore(%run_scoped3A_653 : memref<!tpu.dma_semaphore, #tpu.memory_space<semaphore_mem>>) {add = true}
        %dma_wait3A_660 = arith.constant 0 : i32
        %dma_wait3A_661 = tpu.memref_slice %arg9[%run_scoped3A, %dma_wait3A_660] : memref<1x128xi32, #tpu.memory_space<vmem>> -> memref<1x128xi32, #tpu.memory_space<vmem>>
        %dma_wait3A_662 = tpu.memref_squeeze %dma_wait3A_661 : memref<1x128xi32, #tpu.memory_space<vmem>> -> memref<128xi32, #tpu.memory_space<vmem>>
        %dma_wait3A_663 = arith.constant 0 : i32
        %dma_wait3A_664 = arith.constant 0 : i32
        %dma_wait3A_665 = tpu.memref_slice %arg15[%dma_wait3A_663, %dma_wait3A_664] : memref<2560x128xf32, #tpu.memory_space<vmem_shared>> -> memref<2560x128xf32, #tpu.memory_space<vmem_shared>>
        tpu.wait_indirect_dma semaphore(%run_scoped3A_653 : memref<!tpu.dma_semaphore, #tpu.memory_space<semaphore_mem>>) src(%arg10 : memref<128x128xf32, #tpu.memory_space<vmem>>) dst(%dma_wait3A_665 : memref<2560x128xf32, #tpu.memory_space<vmem_shared>>)
        tpu.yield
      }) : () -> ()
      %add3A_386 = arith.constant 2 : i32
      %add3A_387 = arith.addi %mul3A_127, %add3A_386 : i32
      %add3A_388 = arith.addi %add3A, %add3A_387 : i32
      %min3A_389 = arith.constant 2499 : i32
      %min3A_390 = arith.minsi %add3A_388, %min3A_389 : i32
      %min3A_391 = arith.constant 156 : i32
      %min3A_392 = arith.minsi %add3A_387, %min3A_391 : i32
      %dma_start3A_393 = arith.constant 0 : i32
      %dma_start3A_394 = arith.constant 0 : i32
      %dma_start3A_395 = tpu.memref_slice %arg7[%min3A_392, %dma_start3A_393, %dma_start3A_394] : memref<157x1x128xi32, #tpu.memory_space<vmem>> -> memref<1x1x128xi32, #tpu.memory_space<vmem>>
      %dma_start3A_396 = tpu.memref_squeeze %dma_start3A_395 : memref<1x1x128xi32, #tpu.memory_space<vmem>> -> memref<128xi32, #tpu.memory_space<vmem>>
      %dma_start3A_397 = arith.constant 0 : i32
      %dma_start3A_398 = arith.constant 0 : i32
      %dma_start3A_399 = tpu.memref_slice %arg2[%dma_start3A_397, %dma_start3A_398] : memref<10000x128xf32, #tpu.memory_space<hbm>> -> memref<10000x128xf32, #tpu.memory_space<hbm>>
      tpu.enqueue_indirect_dma source(%dma_start3A_399 : memref<10000x128xf32, #tpu.memory_space<hbm>>) target(%arg10 : memref<128x128xf32, #tpu.memory_space<vmem>>) offsets(%dma_start3A_396 : memref<128xi32, #tpu.memory_space<vmem>>) semaphore(%arg16 : memref<!tpu.dma_semaphore, #tpu.memory_space<semaphore_mem>>)
      %mul3A_400 = arith.constant 128 : i32
      %mul3A_401 = arith.muli %min3A_390, %mul3A_400 : i32
      %multiple_of3A_402 = tpu.assume_multiple %mul3A_401, 8 : i32
      %dma_start3A_403 = arith.constant 0 : i32
      %dma_start3A_404 = tpu.memref_slice %arg3[%multiple_of3A_402, %dma_start3A_403] : memref<320000x128xf32, #tpu.memory_space<hbm>> -> memref<128x128xf32, #tpu.memory_space<hbm>>
      %dma_start3A_405 = arith.constant 0 : i32
      %dma_start3A_406 = tpu.memref_slice %arg3[%multiple_of3A_402, %dma_start3A_405] : memref<320000x128xf32, #tpu.memory_space<hbm>> -> memref<128x128xf32, #tpu.memory_space<hbm>>
      tpu.enqueue_dma source(%dma_start3A_406 : memref<128x128xf32, #tpu.memory_space<hbm>>) target(%arg11 : memref<128x128xf32, #tpu.memory_space<vmem>>) target_semaphore(%arg17 : memref<!tpu.dma_semaphore, #tpu.memory_space<semaphore_mem>>)
      %add3A_407 = arith.constant 1 : i32
      %add3A_408 = arith.addi %mul3A_127, %add3A_407 : i32
      %get3A_409 = arith.constant 0 : i32
      %get3A_410 = arith.index_cast %add3A_408 : i32 to index
      %get3A_411 = arith.index_cast %get3A_409 : i32 to index
      %get3A_412 = arith.constant 0 : index
      %get3A_413 = tpu.vector_load %arg8[%get3A_410, %get3A_411, %get3A_412] {strides = array<i32>} : memref<157x1x128xi32, #tpu.memory_space<vmem>>, vector<1x1x16xi32>,
      %get3A_414 = vector.shape_cast %get3A_413 : vector<1x1x16xi32> to vector<16xi32>
      %sub3A_415 = vector.broadcast %mul3A_11 : i32 to vector<16xi32>
      %sub3A_416 = arith.subi %get3A_414, %sub3A_415 : vector<16xi32>
      %ge3A_417 = arith.constant 0 : i32
      %ge3A_418 = vector.broadcast %ge3A_417 : i32 to vector<16xi32>
      %ge3A_419 = arith.cmpi sge, %sub3A_416, %ge3A_418 : vector<16xi32>
      %lt3A_420 = arith.constant 2500 : i32
      %lt3A_421 = vector.broadcast %lt3A_420 : i32 to vector<16xi32>
      %lt3A_422 = arith.cmpi slt, %sub3A_416, %lt3A_421 : vector<16xi32>
      %and3A_423 = arith.andi %ge3A_419, %lt3A_422 : vector<16xi1>
      %and3A_424 = arith.constant 31 : i32
      %and3A_425 = vector.broadcast %and3A_424 : i32 to vector<16xi32>
      %and3A_426 = arith.andi %get3A_414, %and3A_425 : vector<16xi32>
      %add3A_427 = arith.constant 2500 : i32
      %add3A_428 = vector.broadcast %add3A_427 : i32 to vector<16xi32>
      %add3A_429 = arith.addi %add3A_428, %and3A_426 : vector<16xi32>
      %select_n3A_430 = arith.select %and3A_423, %sub3A_416, %add3A_429 : vector<16xi1>, vector<16xi32>
      %swap3A_431 = arith.constant 0 : i32
      %swap3A_432 = arith.index_cast %swap3A_431 : i32 to index
      %swap3A_433 = arith.constant 0 : index
      %swap3A_434 = tpu.vector_load %arg9[%swap3A_432, %swap3A_433] {strides = array<i32>} : memref<1x128xi32, #tpu.memory_space<vmem>>, vector<1x16xi32>,
      %swap3A_435 = vector.shape_cast %swap3A_434 : vector<1x16xi32> to vector<16xi32>
      %swap3A_436 = vector.shape_cast %select_n3A_430 : vector<16xi32> to vector<1x16xi32>
      tpu.vector_store %arg9[%swap3A_432, %swap3A_433], %swap3A_436 {strides = array<i32>} : memref<1x128xi32, #tpu.memory_space<vmem>>, vector<1x16xi32>,
      %get3A_437 = arith.constant 0 : i32
      %get3A_438 = arith.index_cast %add3A_408 : i32 to index
      %get3A_439 = arith.index_cast %get3A_437 : i32 to index
      %get3A_440 = arith.constant 16 : index
      %get3A_441 = tpu.vector_load %arg8[%get3A_438, %get3A_439, %get3A_440] {strides = array<i32>} : memref<157x1x128xi32, #tpu.memory_space<vmem>>, vector<1x1x16xi32>,
      %get3A_442 = vector.shape_cast %get3A_441 : vector<1x1x16xi32> to vector<16xi32>
      %sub3A_443 = vector.broadcast %mul3A_11 : i32 to vector<16xi32>
      %sub3A_444 = arith.subi %get3A_442, %sub3A_443 : vector<16xi32>
      %ge3A_445 = arith.constant 0 : i32
      %ge3A_446 = vector.broadcast %ge3A_445 : i32 to vector<16xi32>
      %ge3A_447 = arith.cmpi sge, %sub3A_444, %ge3A_446 : vector<16xi32>
      %lt3A_448 = arith.constant 2500 : i32
      %lt3A_449 = vector.broadcast %lt3A_448 : i32 to vector<16xi32>
      %lt3A_450 = arith.cmpi slt, %sub3A_444, %lt3A_449 : vector<16xi32>
      %and3A_451 = arith.andi %ge3A_447, %lt3A_450 : vector<16xi1>
      %and3A_452 = arith.constant 31 : i32
      %and3A_453 = vector.broadcast %and3A_452 : i32 to vector<16xi32>
      %and3A_454 = arith.andi %get3A_442, %and3A_453 : vector<16xi32>
      %add3A_455 = arith.constant 2500 : i32
      %add3A_456 = vector.broadcast %add3A_455 : i32 to vector<16xi32>
      %add3A_457 = arith.addi %add3A_456, %and3A_454 : vector<16xi32>
      %select_n3A_458 = arith.select %and3A_451, %sub3A_444, %add3A_457 : vector<16xi1>, vector<16xi32>
      %swap3A_459 = arith.constant 0 : i32
      %swap3A_460 = arith.index_cast %swap3A_459 : i32 to index
      %swap3A_461 = arith.constant 16 : index
      %swap3A_462 = tpu.vector_load %arg9[%swap3A_460, %swap3A_461] {strides = array<i32>} : memref<1x128xi32, #tpu.memory_space<vmem>>, vector<1x16xi32>,
      %swap3A_463 = vector.shape_cast %swap3A_462 : vector<1x16xi32> to vector<16xi32>
      %swap3A_464 = vector.shape_cast %select_n3A_458 : vector<16xi32> to vector<1x16xi32>
      tpu.vector_store %arg9[%swap3A_460, %swap3A_461], %swap3A_464 {strides = array<i32>} : memref<1x128xi32, #tpu.memory_space<vmem>>, vector<1x16xi32>,
      %get3A_465 = arith.constant 0 : i32
      %get3A_466 = arith.index_cast %add3A_408 : i32 to index
      %get3A_467 = arith.index_cast %get3A_465 : i32 to index
      %get3A_468 = arith.constant 32 : index
      %get3A_469 = tpu.vector_load %arg8[%get3A_466, %get3A_467, %get3A_468] {strides = array<i32>} : memref<157x1x128xi32, #tpu.memory_space<vmem>>, vector<1x1x16xi32>,
      %get3A_470 = vector.shape_cast %get3A_469 : vector<1x1x16xi32> to vector<16xi32>
      %sub3A_471 = vector.broadcast %mul3A_11 : i32 to vector<16xi32>
      %sub3A_472 = arith.subi %get3A_470, %sub3A_471 : vector<16xi32>
      %ge3A_473 = arith.constant 0 : i32
      %ge3A_474 = vector.broadcast %ge3A_473 : i32 to vector<16xi32>
      %ge3A_475 = arith.cmpi sge, %sub3A_472, %ge3A_474 : vector<16xi32>
      %lt3A_476 = arith.constant 2500 : i32
      %lt3A_477 = vector.broadcast %lt3A_476 : i32 to vector<16xi32>
      %lt3A_478 = arith.cmpi slt, %sub3A_472, %lt3A_477 : vector<16xi32>
      %and3A_479 = arith.andi %ge3A_475, %lt3A_478 : vector<16xi1>
      %and3A_480 = arith.constant 31 : i32
      %and3A_481 = vector.broadcast %and3A_480 : i32 to vector<16xi32>
      %and3A_482 = arith.andi %get3A_470, %and3A_481 : vector<16xi32>
      %add3A_483 = arith.constant 2500 : i32
      %add3A_484 = vector.broadcast %add3A_483 : i32 to vector<16xi32>
      %add3A_485 = arith.addi %add3A_484, %and3A_482 : vector<16xi32>
      %select_n3A_486 = arith.select %and3A_479, %sub3A_472, %add3A_485 : vector<16xi1>, vector<16xi32>
      %swap3A_487 = arith.constant 0 : i32
      %swap3A_488 = arith.index_cast %swap3A_487 : i32 to index
      %swap3A_489 = arith.constant 32 : index
      %swap3A_490 = tpu.vector_load %arg9[%swap3A_488, %swap3A_489] {strides = array<i32>} : memref<1x128xi32, #tpu.memory_space<vmem>>, vector<1x16xi32>,
      %swap3A_491 = vector.shape_cast %swap3A_490 : vector<1x16xi32> to vector<16xi32>
      %swap3A_492 = vector.shape_cast %select_n3A_486 : vector<16xi32> to vector<1x16xi32>
      tpu.vector_store %arg9[%swap3A_488, %swap3A_489], %swap3A_492 {strides = array<i32>} : memref<1x128xi32, #tpu.memory_space<vmem>>, vector<1x16xi32>,
      %get3A_493 = arith.constant 0 : i32
      %get3A_494 = arith.index_cast %add3A_408 : i32 to index
      %get3A_495 = arith.index_cast %get3A_493 : i32 to index
      %get3A_496 = arith.constant 48 : index
      %get3A_497 = tpu.vector_load %arg8[%get3A_494, %get3A_495, %get3A_496] {strides = array<i32>} : memref<157x1x128xi32, #tpu.memory_space<vmem>>, vector<1x1x16xi32>,
      %get3A_498 = vector.shape_cast %get3A_497 : vector<1x1x16xi32> to vector<16xi32>
      %sub3A_499 = vector.broadcast %mul3A_11 : i32 to vector<16xi32>
      %sub3A_500 = arith.subi %get3A_498, %sub3A_499 : vector<16xi32>
      %ge3A_501 = arith.constant 0 : i32
      %ge3A_502 = vector.broadcast %ge3A_501 : i32 to vector<16xi32>
      %ge3A_503 = arith.cmpi sge, %sub3A_500, %ge3A_502 : vector<16xi32>
      %lt3A_504 = arith.constant 2500 : i32
      %lt3A_505 = vector.broadcast %lt3A_504 : i32 to vector<16xi32>
      %lt3A_506 = arith.cmpi slt, %sub3A_500, %lt3A_505 : vector<16xi32>
      %and3A_507 = arith.andi %ge3A_503, %lt3A_506 : vector<16xi1>
      %and3A_508 = arith.constant 31 : i32
      %and3A_509 = vector.broadcast %and3A_508 : i32 to vector<16xi32>
      %and3A_510 = arith.andi %get3A_498, %and3A_509 : vector<16xi32>
      %add3A_511 = arith.constant 2500 : i32
      %add3A_512 = vector.broadcast %add3A_511 : i32 to vector<16xi32>
      %add3A_513 = arith.addi %add3A_512, %and3A_510 : vector<16xi32>
      %select_n3A_514 = arith.select %and3A_507, %sub3A_500, %add3A_513 : vector<16xi1>, vector<16xi32>
      %swap3A_515 = arith.constant 0 : i32
      %swap3A_516 = arith.index_cast %swap3A_515 : i32 to index
      %swap3A_517 = arith.constant 48 : index
      %swap3A_518 = tpu.vector_load %arg9[%swap3A_516, %swap3A_517] {strides = array<i32>} : memref<1x128xi32, #tpu.memory_space<vmem>>, vector<1x16xi32>,
      %swap3A_519 = vector.shape_cast %swap3A_518 : vector<1x16xi32> to vector<16xi32>
      %swap3A_520 = vector.shape_cast %select_n3A_514 : vector<16xi32> to vector<1x16xi32>
      tpu.vector_store %arg9[%swap3A_516, %swap3A_517], %swap3A_520 {strides = array<i32>} : memref<1x128xi32, #tpu.memory_space<vmem>>, vector<1x16xi32>,
      %get3A_521 = arith.constant 0 : i32
      %get3A_522 = arith.index_cast %add3A_408 : i32 to index
      %get3A_523 = arith.index_cast %get3A_521 : i32 to index
      %get3A_524 = arith.constant 64 : index
      %get3A_525 = tpu.vector_load %arg8[%get3A_522, %get3A_523, %get3A_524] {strides = array<i32>} : memref<157x1x128xi32, #tpu.memory_space<vmem>>, vector<1x1x16xi32>,
      %get3A_526 = vector.shape_cast %get3A_525 : vector<1x1x16xi32> to vector<16xi32>
      %sub3A_527 = vector.broadcast %mul3A_11 : i32 to vector<16xi32>
      %sub3A_528 = arith.subi %get3A_526, %sub3A_527 : vector<16xi32>
      %ge3A_529 = arith.constant 0 : i32
      %ge3A_530 = vector.broadcast %ge3A_529 : i32 to vector<16xi32>
      %ge3A_531 = arith.cmpi sge, %sub3A_528, %ge3A_530 : vector<16xi32>
      %lt3A_532 = arith.constant 2500 : i32
      %lt3A_533 = vector.broadcast %lt3A_532 : i32 to vector<16xi32>
      %lt3A_534 = arith.cmpi slt, %sub3A_528, %lt3A_533 : vector<16xi32>
      %and3A_535 = arith.andi %ge3A_531, %lt3A_534 : vector<16xi1>
      %and3A_536 = arith.constant 31 : i32
      %and3A_537 = vector.broadcast %and3A_536 : i32 to vector<16xi32>
      %and3A_538 = arith.andi %get3A_526, %and3A_537 : vector<16xi32>
      %add3A_539 = arith.constant 2500 : i32
      %add3A_540 = vector.broadcast %add3A_539 : i32 to vector<16xi32>
      %add3A_541 = arith.addi %add3A_540, %and3A_538 : vector<16xi32>
      %select_n3A_542 = arith.select %and3A_535, %sub3A_528, %add3A_541 : vector<16xi1>, vector<16xi32>
      %swap3A_543 = arith.constant 0 : i32
      %swap3A_544 = arith.index_cast %swap3A_543 : i32 to index
      %swap3A_545 = arith.constant 64 : index
      %swap3A_546 = tpu.vector_load %arg9[%swap3A_544, %swap3A_545] {strides = array<i32>} : memref<1x128xi32, #tpu.memory_space<vmem>>, vector<1x16xi32>,
      %swap3A_547 = vector.shape_cast %swap3A_546 : vector<1x16xi32> to vector<16xi32>
      %swap3A_548 = vector.shape_cast %select_n3A_542 : vector<16xi32> to vector<1x16xi32>
      tpu.vector_store %arg9[%swap3A_544, %swap3A_545], %swap3A_548 {strides = array<i32>} : memref<1x128xi32, #tpu.memory_space<vmem>>, vector<1x16xi32>,
      %get3A_549 = arith.constant 0 : i32
      %get3A_550 = arith.index_cast %add3A_408 : i32 to index
      %get3A_551 = arith.index_cast %get3A_549 : i32 to index
      %get3A_552 = arith.constant 80 : index
      %get3A_553 = tpu.vector_load %arg8[%get3A_550, %get3A_551, %get3A_552] {strides = array<i32>} : memref<157x1x128xi32, #tpu.memory_space<vmem>>, vector<1x1x16xi32>,
      %get3A_554 = vector.shape_cast %get3A_553 : vector<1x1x16xi32> to vector<16xi32>
      %sub3A_555 = vector.broadcast %mul3A_11 : i32 to vector<16xi32>
      %sub3A_556 = arith.subi %get3A_554, %sub3A_555 : vector<16xi32>
      %ge3A_557 = arith.constant 0 : i32
      %ge3A_558 = vector.broadcast %ge3A_557 : i32 to vector<16xi32>
      %ge3A_559 = arith.cmpi sge, %sub3A_556, %ge3A_558 : vector<16xi32>
      %lt3A_560 = arith.constant 2500 : i32
      %lt3A_561 = vector.broadcast %lt3A_560 : i32 to vector<16xi32>
      %lt3A_562 = arith.cmpi slt, %sub3A_556, %lt3A_561 : vector<16xi32>
      %and3A_563 = arith.andi %ge3A_559, %lt3A_562 : vector<16xi1>
      %and3A_564 = arith.constant 31 : i32
      %and3A_565 = vector.broadcast %and3A_564 : i32 to vector<16xi32>
      %and3A_566 = arith.andi %get3A_554, %and3A_565 : vector<16xi32>
      %add3A_567 = arith.constant 2500 : i32
      %add3A_568 = vector.broadcast %add3A_567 : i32 to vector<16xi32>
      %add3A_569 = arith.addi %add3A_568, %and3A_566 : vector<16xi32>
      %select_n3A_570 = arith.select %and3A_563, %sub3A_556, %add3A_569 : vector<16xi1>, vector<16xi32>
      %swap3A_571 = arith.constant 0 : i32
      %swap3A_572 = arith.index_cast %swap3A_571 : i32 to index
      %swap3A_573 = arith.constant 80 : index
      %swap3A_574 = tpu.vector_load %arg9[%swap3A_572, %swap3A_573] {strides = array<i32>} : memref<1x128xi32, #tpu.memory_space<vmem>>, vector<1x16xi32>,
      %swap3A_575 = vector.shape_cast %swap3A_574 : vector<1x16xi32> to vector<16xi32>
      %swap3A_576 = vector.shape_cast %select_n3A_570 : vector<16xi32> to vector<1x16xi32>
      tpu.vector_store %arg9[%swap3A_572, %swap3A_573], %swap3A_576 {strides = array<i32>} : memref<1x128xi32, #tpu.memory_space<vmem>>, vector<1x16xi32>,
      %get3A_577 = arith.constant 0 : i32
      %get3A_578 = arith.index_cast %add3A_408 : i32 to index
      %get3A_579 = arith.index_cast %get3A_577 : i32 to index
      %get3A_580 = arith.constant 96 : index
      %get3A_581 = tpu.vector_load %arg8[%get3A_578, %get3A_579, %get3A_580] {strides = array<i32>} : memref<157x1x128xi32, #tpu.memory_space<vmem>>, vector<1x1x16xi32>,
      %get3A_582 = vector.shape_cast %get3A_581 : vector<1x1x16xi32> to vector<16xi32>
      %sub3A_583 = vector.broadcast %mul3A_11 : i32 to vector<16xi32>
      %sub3A_584 = arith.subi %get3A_582, %sub3A_583 : vector<16xi32>
      %ge3A_585 = arith.constant 0 : i32
      %ge3A_586 = vector.broadcast %ge3A_585 : i32 to vector<16xi32>
      %ge3A_587 = arith.cmpi sge, %sub3A_584, %ge3A_586 : vector<16xi32>
      %lt3A_588 = arith.constant 2500 : i32
      %lt3A_589 = vector.broadcast %lt3A_588 : i32 to vector<16xi32>
      %lt3A_590 = arith.cmpi slt, %sub3A_584, %lt3A_589 : vector<16xi32>
      %and3A_591 = arith.andi %ge3A_587, %lt3A_590 : vector<16xi1>
      %and3A_592 = arith.constant 31 : i32
      %and3A_593 = vector.broadcast %and3A_592 : i32 to vector<16xi32>
      %and3A_594 = arith.andi %get3A_582, %and3A_593 : vector<16xi32>
      %add3A_595 = arith.constant 2500 : i32
      %add3A_596 = vector.broadcast %add3A_595 : i32 to vector<16xi32>
      %add3A_597 = arith.addi %add3A_596, %and3A_594 : vector<16xi32>
      %select_n3A_598 = arith.select %and3A_591, %sub3A_584, %add3A_597 : vector<16xi1>, vector<16xi32>
      %swap3A_599 = arith.constant 0 : i32
      %swap3A_600 = arith.index_cast %swap3A_599 : i32 to index
      %swap3A_601 = arith.constant 96 : index
      %swap3A_602 = tpu.vector_load %arg9[%swap3A_600, %swap3A_601] {strides = array<i32>} : memref<1x128xi32, #tpu.memory_space<vmem>>, vector<1x16xi32>,
      %swap3A_603 = vector.shape_cast %swap3A_602 : vector<1x16xi32> to vector<16xi32>
      %swap3A_604 = vector.shape_cast %select_n3A_598 : vector<16xi32> to vector<1x16xi32>
      tpu.vector_store %arg9[%swap3A_600, %swap3A_601], %swap3A_604 {strides = array<i32>} : memref<1x128xi32, #tpu.memory_space<vmem>>, vector<1x16xi32>,
      %get3A_605 = arith.constant 0 : i32
      %get3A_606 = arith.index_cast %add3A_408 : i32 to index
      %get3A_607 = arith.index_cast %get3A_605 : i32 to index
      %get3A_608 = arith.constant 112 : index
      %get3A_609 = tpu.vector_load %arg8[%get3A_606, %get3A_607, %get3A_608] {strides = array<i32>} : memref<157x1x128xi32, #tpu.memory_space<vmem>>, vector<1x1x16xi32>,
      %get3A_610 = vector.shape_cast %get3A_609 : vector<1x1x16xi32> to vector<16xi32>
      %sub3A_611 = vector.broadcast %mul3A_11 : i32 to vector<16xi32>
      %sub3A_612 = arith.subi %get3A_610, %sub3A_611 : vector<16xi32>
      %ge3A_613 = arith.constant 0 : i32
      %ge3A_614 = vector.broadcast %ge3A_613 : i32 to vector<16xi32>
      %ge3A_615 = arith.cmpi sge, %sub3A_612, %ge3A_614 : vector<16xi32>
      %lt3A_616 = arith.constant 2500 : i32
      %lt3A_617 = vector.broadcast %lt3A_616 : i32 to vector<16xi32>
      %lt3A_618 = arith.cmpi slt, %sub3A_612, %lt3A_617 : vector<16xi32>
      %and3A_619 = arith.andi %ge3A_615, %lt3A_618 : vector<16xi1>
      %and3A_620 = arith.constant 31 : i32
      %and3A_621 = vector.broadcast %and3A_620 : i32 to vector<16xi32>
      %and3A_622 = arith.andi %get3A_610, %and3A_621 : vector<16xi32>
      %add3A_623 = arith.constant 2500 : i32
      %add3A_624 = vector.broadcast %add3A_623 : i32 to vector<16xi32>
      %add3A_625 = arith.addi %add3A_624, %and3A_622 : vector<16xi32>
      %select_n3A_626 = arith.select %and3A_619, %sub3A_612, %add3A_625 : vector<16xi1>, vector<16xi32>
      %swap3A_627 = arith.constant 0 : i32
      %swap3A_628 = arith.index_cast %swap3A_627 : i32 to index
      %swap3A_629 = arith.constant 112 : index
      %swap3A_630 = tpu.vector_load %arg9[%swap3A_628, %swap3A_629] {strides = array<i32>} : memref<1x128xi32, #tpu.memory_space<vmem>>, vector<1x16xi32>,
      %swap3A_631 = vector.shape_cast %swap3A_630 : vector<1x16xi32> to vector<16xi32>
      %swap3A_632 = vector.shape_cast %select_n3A_626 : vector<16xi32> to vector<1x16xi32>
      tpu.vector_store %arg9[%swap3A_628, %swap3A_629], %swap3A_632 {strides = array<i32>} : memref<1x128xi32, #tpu.memory_space<vmem>>, vector<1x16xi32>,
      %dma_wait3A_633 = arith.constant 0 : i32
      %dma_wait3A_634 = arith.constant 0 : i32
      %dma_wait3A_635 = arith.constant 0 : i32
      %dma_wait3A_636 = tpu.memref_slice %arg7[%dma_wait3A_633, %dma_wait3A_634, %dma_wait3A_635] : memref<157x1x128xi32, #tpu.memory_space<vmem>> -> memref<1x1x128xi32, #tpu.memory_space<vmem>>
      %dma_wait3A_637 = tpu.memref_squeeze %dma_wait3A_636 : memref<1x1x128xi32, #tpu.memory_space<vmem>> -> memref<128xi32, #tpu.memory_space<vmem>>
      %dma_wait3A_638 = arith.constant 0 : i32
      %dma_wait3A_639 = arith.constant 0 : i32
      %dma_wait3A_640 = tpu.memref_slice %arg2[%dma_wait3A_638, %dma_wait3A_639] : memref<10000x128xf32, #tpu.memory_space<hbm>> -> memref<10000x128xf32, #tpu.memory_space<hbm>>
      tpu.wait_indirect_dma semaphore(%arg18 : memref<!tpu.dma_semaphore, #tpu.memory_space<semaphore_mem>>) src(%dma_wait3A_640 : memref<10000x128xf32, #tpu.memory_space<hbm>>) dst(%arg12 : memref<128x128xf32, #tpu.memory_space<vmem>>)
      %dma_wait3A_641 = arith.constant 0 : i32
      %dma_wait3A_642 = arith.constant 0 : i32
      %dma_wait3A_643 = tpu.memref_slice %arg3[%dma_wait3A_641, %dma_wait3A_642] : memref<320000x128xf32, #tpu.memory_space<hbm>> -> memref<128x128xf32, #tpu.memory_space<hbm>>
      %dma_wait3A_644 = arith.constant 0 : i32
      %dma_wait3A_645 = arith.constant 0 : i32
      %dma_wait3A_646 = tpu.memref_slice %arg3[%dma_wait3A_644, %dma_wait3A_645] : memref<320000x128xf32, #tpu.memory_space<hbm>> -> memref<128x128xf32, #tpu.memory_space<hbm>>
      tpu.wait_dma2 semaphore(%arg19 : memref<!tpu.dma_semaphore, #tpu.memory_space<semaphore_mem>>) src(%dma_wait3A_646 : memref<128x128xf32, #tpu.memory_space<hbm>>) dst(%arg13 : memref<128x128xf32, #tpu.memory_space<vmem>>)
      %scan3A_647 = arith.constant 0 : i32
      %scan3A_648 = arith.constant 128 : i32
      %scan3A_649 = arith.addi %scan3A_647, %scan3A_648 : i32
      %scan3A_650 = arith.constant 1 : i32
      scf.for %scan3A_653 = %scan3A_647 to %scan3A_649 step %scan3A_650  : i32 {
        %mul3A_654 = arith.constant 1 : i32
        %mul3A_655 = arith.muli %scan3A_653, %mul3A_654 : i32
        %add3A_656 = arith.constant 0 : i32
        %add3A_657 = arith.addi %add3A_656, %mul3A_655 : i32
        %get3A_658 = arith.index_cast %add3A_657 : i32 to index
        %get3A_659 = arith.constant 0 : index
        %get3A_660 = tpu.vector_load %arg12[%get3A_658, %get3A_659] {strides = array<i32>} : memref<128x128xf32, #tpu.memory_space<vmem>>, vector<1x16xf32>,
        %get3A_661 = vector.shape_cast %get3A_660 : vector<1x16xf32> to vector<16xf32>
        %get3A_662 = arith.index_cast %add3A_657 : i32 to index
        %get3A_663 = arith.constant 0 : index
        %get3A_664 = tpu.vector_load %arg13[%get3A_662, %get3A_663] {strides = array<i32>} : memref<128x128xf32, #tpu.memory_space<vmem>>, vector<1x16xf32>,
        %get3A_665 = vector.shape_cast %get3A_664 : vector<1x16xf32> to vector<16xf32>
        %mul3A_666 = arith.mulf %get3A_661, %get3A_665 : vector<16xf32>
        %swap3A_667 = arith.index_cast %add3A_657 : i32 to index
        %swap3A_668 = arith.constant 0 : index
        %swap3A_669 = tpu.vector_load %arg12[%swap3A_667, %swap3A_668] {strides = array<i32>} : memref<128x128xf32, #tpu.memory_space<vmem>>, vector<1x16xf32>,
        %swap3A_670 = vector.shape_cast %swap3A_669 : vector<1x16xf32> to vector<16xf32>
        %swap3A_671 = vector.shape_cast %mul3A_666 : vector<16xf32> to vector<1x16xf32>
        tpu.vector_store %arg12[%swap3A_667, %swap3A_668], %swap3A_671 {strides = array<i32>} : memref<128x128xf32, #tpu.memory_space<vmem>>, vector<1x16xf32>,
        %get3A_672 = arith.index_cast %add3A_657 : i32 to index
        %get3A_673 = arith.constant 16 : index
        %get3A_674 = tpu.vector_load %arg12[%get3A_672, %get3A_673] {strides = array<i32>} : memref<128x128xf32, #tpu.memory_space<vmem>>, vector<1x16xf32>,
        %get3A_675 = vector.shape_cast %get3A_674 : vector<1x16xf32> to vector<16xf32>
        %get3A_676 = arith.index_cast %add3A_657 : i32 to index
        %get3A_677 = arith.constant 16 : index
        %get3A_678 = tpu.vector_load %arg13[%get3A_676, %get3A_677] {strides = array<i32>} : memref<128x128xf32, #tpu.memory_space<vmem>>, vector<1x16xf32>,
        %get3A_679 = vector.shape_cast %get3A_678 : vector<1x16xf32> to vector<16xf32>
        %mul3A_680 = arith.mulf %get3A_675, %get3A_679 : vector<16xf32>
        %swap3A_681 = arith.index_cast %add3A_657 : i32 to index
        %swap3A_682 = arith.constant 16 : index
        %swap3A_683 = tpu.vector_load %arg12[%swap3A_681, %swap3A_682] {strides = array<i32>} : memref<128x128xf32, #tpu.memory_space<vmem>>, vector<1x16xf32>,
        %swap3A_684 = vector.shape_cast %swap3A_683 : vector<1x16xf32> to vector<16xf32>
        %swap3A_685 = vector.shape_cast %mul3A_680 : vector<16xf32> to vector<1x16xf32>
        tpu.vector_store %arg12[%swap3A_681, %swap3A_682], %swap3A_685 {strides = array<i32>} : memref<128x128xf32, #tpu.memory_space<vmem>>, vector<1x16xf32>,
        %get3A_686 = arith.index_cast %add3A_657 : i32 to index
        %get3A_687 = arith.constant 32 : index
        %get3A_688 = tpu.vector_load %arg12[%get3A_686, %get3A_687] {strides = array<i32>} : memref<128x128xf32, #tpu.memory_space<vmem>>, vector<1x16xf32>,
        %get3A_689 = vector.shape_cast %get3A_688 : vector<1x16xf32> to vector<16xf32>
        %get3A_690 = arith.index_cast %add3A_657 : i32 to index
        %get3A_691 = arith.constant 32 : index
        %get3A_692 = tpu.vector_load %arg13[%get3A_690, %get3A_691] {strides = array<i32>} : memref<128x128xf32, #tpu.memory_space<vmem>>, vector<1x16xf32>,
        %get3A_693 = vector.shape_cast %get3A_692 : vector<1x16xf32> to vector<16xf32>
        %mul3A_694 = arith.mulf %get3A_689, %get3A_693 : vector<16xf32>
        %swap3A_695 = arith.index_cast %add3A_657 : i32 to index
        %swap3A_696 = arith.constant 32 : index
        %swap3A_697 = tpu.vector_load %arg12[%swap3A_695, %swap3A_696] {strides = array<i32>} : memref<128x128xf32, #tpu.memory_space<vmem>>, vector<1x16xf32>,
        %swap3A_698 = vector.shape_cast %swap3A_697 : vector<1x16xf32> to vector<16xf32>
        %swap3A_699 = vector.shape_cast %mul3A_694 : vector<16xf32> to vector<1x16xf32>
        tpu.vector_store %arg12[%swap3A_695, %swap3A_696], %swap3A_699 {strides = array<i32>} : memref<128x128xf32, #tpu.memory_space<vmem>>, vector<1x16xf32>,
        %get3A_700 = arith.index_cast %add3A_657 : i32 to index
        %get3A_701 = arith.constant 48 : index
        %get3A_702 = tpu.vector_load %arg12[%get3A_700, %get3A_701] {strides = array<i32>} : memref<128x128xf32, #tpu.memory_space<vmem>>, vector<1x16xf32>,
        %get3A_703 = vector.shape_cast %get3A_702 : vector<1x16xf32> to vector<16xf32>
        %get3A_704 = arith.index_cast %add3A_657 : i32 to index
        %get3A_705 = arith.constant 48 : index
        %get3A_706 = tpu.vector_load %arg13[%get3A_704, %get3A_705] {strides = array<i32>} : memref<128x128xf32, #tpu.memory_space<vmem>>, vector<1x16xf32>,
        %get3A_707 = vector.shape_cast %get3A_706 : vector<1x16xf32> to vector<16xf32>
        %mul3A_708 = arith.mulf %get3A_703, %get3A_707 : vector<16xf32>
        %swap3A_709 = arith.index_cast %add3A_657 : i32 to index
        %swap3A_710 = arith.constant 48 : index
        %swap3A_711 = tpu.vector_load %arg12[%swap3A_709, %swap3A_710] {strides = array<i32>} : memref<128x128xf32, #tpu.memory_space<vmem>>, vector<1x16xf32>,
        %swap3A_712 = vector.shape_cast %swap3A_711 : vector<1x16xf32> to vector<16xf32>
        %swap3A_713 = vector.shape_cast %mul3A_708 : vector<16xf32> to vector<1x16xf32>
        tpu.vector_store %arg12[%swap3A_709, %swap3A_710], %swap3A_713 {strides = array<i32>} : memref<128x128xf32, #tpu.memory_space<vmem>>, vector<1x16xf32>,
        %get3A_714 = arith.index_cast %add3A_657 : i32 to index
        %get3A_715 = arith.constant 64 : index
        %get3A_716 = tpu.vector_load %arg12[%get3A_714, %get3A_715] {strides = array<i32>} : memref<128x128xf32, #tpu.memory_space<vmem>>, vector<1x16xf32>,
        %get3A_717 = vector.shape_cast %get3A_716 : vector<1x16xf32> to vector<16xf32>
        %get3A_718 = arith.index_cast %add3A_657 : i32 to index
        %get3A_719 = arith.constant 64 : index
        %get3A_720 = tpu.vector_load %arg13[%get3A_718, %get3A_719] {strides = array<i32>} : memref<128x128xf32, #tpu.memory_space<vmem>>, vector<1x16xf32>,
        %get3A_721 = vector.shape_cast %get3A_720 : vector<1x16xf32> to vector<16xf32>
        %mul3A_722 = arith.mulf %get3A_717, %get3A_721 : vector<16xf32>
        %swap3A_723 = arith.index_cast %add3A_657 : i32 to index
        %swap3A_724 = arith.constant 64 : index
        %swap3A_725 = tpu.vector_load %arg12[%swap3A_723, %swap3A_724] {strides = array<i32>} : memref<128x128xf32, #tpu.memory_space<vmem>>, vector<1x16xf32>,
        %swap3A_726 = vector.shape_cast %swap3A_725 : vector<1x16xf32> to vector<16xf32>
        %swap3A_727 = vector.shape_cast %mul3A_722 : vector<16xf32> to vector<1x16xf32>
        tpu.vector_store %arg12[%swap3A_723, %swap3A_724], %swap3A_727 {strides = array<i32>} : memref<128x128xf32, #tpu.memory_space<vmem>>, vector<1x16xf32>,
        %get3A_728 = arith.index_cast %add3A_657 : i32 to index
        %get3A_729 = arith.constant 80 : index
        %get3A_730 = tpu.vector_load %arg12[%get3A_728, %get3A_729] {strides = array<i32>} : memref<128x128xf32, #tpu.memory_space<vmem>>, vector<1x16xf32>,
        %get3A_731 = vector.shape_cast %get3A_730 : vector<1x16xf32> to vector<16xf32>
        %get3A_732 = arith.index_cast %add3A_657 : i32 to index
        %get3A_733 = arith.constant 80 : index
        %get3A_734 = tpu.vector_load %arg13[%get3A_732, %get3A_733] {strides = array<i32>} : memref<128x128xf32, #tpu.memory_space<vmem>>, vector<1x16xf32>,
        %get3A_735 = vector.shape_cast %get3A_734 : vector<1x16xf32> to vector<16xf32>
        %mul3A_736 = arith.mulf %get3A_731, %get3A_735 : vector<16xf32>
        %swap3A_737 = arith.index_cast %add3A_657 : i32 to index
        %swap3A_738 = arith.constant 80 : index
        %swap3A_739 = tpu.vector_load %arg12[%swap3A_737, %swap3A_738] {strides = array<i32>} : memref<128x128xf32, #tpu.memory_space<vmem>>, vector<1x16xf32>,
        %swap3A_740 = vector.shape_cast %swap3A_739 : vector<1x16xf32> to vector<16xf32>
        %swap3A_741 = vector.shape_cast %mul3A_736 : vector<16xf32> to vector<1x16xf32>
        tpu.vector_store %arg12[%swap3A_737, %swap3A_738], %swap3A_741 {strides = array<i32>} : memref<128x128xf32, #tpu.memory_space<vmem>>, vector<1x16xf32>,
        %get3A_742 = arith.index_cast %add3A_657 : i32 to index
        %get3A_743 = arith.constant 96 : index
        %get3A_744 = tpu.vector_load %arg12[%get3A_742, %get3A_743] {strides = array<i32>} : memref<128x128xf32, #tpu.memory_space<vmem>>, vector<1x16xf32>,
        %get3A_745 = vector.shape_cast %get3A_744 : vector<1x16xf32> to vector<16xf32>
        %get3A_746 = arith.index_cast %add3A_657 : i32 to index
        %get3A_747 = arith.constant 96 : index
        %get3A_748 = tpu.vector_load %arg13[%get3A_746, %get3A_747] {strides = array<i32>} : memref<128x128xf32, #tpu.memory_space<vmem>>, vector<1x16xf32>,
        %get3A_749 = vector.shape_cast %get3A_748 : vector<1x16xf32> to vector<16xf32>
        %mul3A_750 = arith.mulf %get3A_745, %get3A_749 : vector<16xf32>
        %swap3A_751 = arith.index_cast %add3A_657 : i32 to index
        %swap3A_752 = arith.constant 96 : index
        %swap3A_753 = tpu.vector_load %arg12[%swap3A_751, %swap3A_752] {strides = array<i32>} : memref<128x128xf32, #tpu.memory_space<vmem>>, vector<1x16xf32>,
        %swap3A_754 = vector.shape_cast %swap3A_753 : vector<1x16xf32> to vector<16xf32>
        %swap3A_755 = vector.shape_cast %mul3A_750 : vector<16xf32> to vector<1x16xf32>
        tpu.vector_store %arg12[%swap3A_751, %swap3A_752], %swap3A_755 {strides = array<i32>} : memref<128x128xf32, #tpu.memory_space<vmem>>, vector<1x16xf32>,
        %get3A_756 = arith.index_cast %add3A_657 : i32 to index
        %get3A_757 = arith.constant 112 : index
        %get3A_758 = tpu.vector_load %arg12[%get3A_756, %get3A_757] {strides = array<i32>} : memref<128x128xf32, #tpu.memory_space<vmem>>, vector<1x16xf32>,
        %get3A_759 = vector.shape_cast %get3A_758 : vector<1x16xf32> to vector<16xf32>
        %get3A_760 = arith.index_cast %add3A_657 : i32 to index
        %get3A_761 = arith.constant 112 : index
        %get3A_762 = tpu.vector_load %arg13[%get3A_760, %get3A_761] {strides = array<i32>} : memref<128x128xf32, #tpu.memory_space<vmem>>, vector<1x16xf32>,
        %get3A_763 = vector.shape_cast %get3A_762 : vector<1x16xf32> to vector<16xf32>
        %mul3A_764 = arith.mulf %get3A_759, %get3A_763 : vector<16xf32>
        %swap3A_765 = arith.index_cast %add3A_657 : i32 to index
        %swap3A_766 = arith.constant 112 : index
        %swap3A_767 = tpu.vector_load %arg12[%swap3A_765, %swap3A_766] {strides = array<i32>} : memref<128x128xf32, #tpu.memory_space<vmem>>, vector<1x16xf32>,
        %swap3A_768 = vector.shape_cast %swap3A_767 : vector<1x16xf32> to vector<16xf32>
        %swap3A_769 = vector.shape_cast %mul3A_764 : vector<16xf32> to vector<1x16xf32>
        tpu.vector_store %arg12[%swap3A_765, %swap3A_766], %swap3A_769 {strides = array<i32>} : memref<128x128xf32, #tpu.memory_space<vmem>>, vector<1x16xf32>,
      }
      %scan3A_651 = arith.constant 128 : i32
      %run_scoped3A_652 = arith.constant 0 : i32
      "tpu.region"() ({
        %run_scoped3A_653 = tpu.sem_alloc : memref<!tpu.dma_semaphore, #tpu.memory_space<semaphore_mem>>
        %dma_start3A_654 = arith.constant 0 : i32
        %dma_start3A_655 = tpu.memref_slice %arg9[%run_scoped3A_652, %dma_start3A_654] : memref<1x128xi32, #tpu.memory_space<vmem>> -> memref<1x128xi32, #tpu.memory_space<vmem>>
        %dma_start3A_656 = tpu.memref_squeeze %dma_start3A_655 : memref<1x128xi32, #tpu.memory_space<vmem>> -> memref<128xi32, #tpu.memory_space<vmem>>
        %dma_start3A_657 = arith.constant 0 : i32
        %dma_start3A_658 = arith.constant 0 : i32
        %dma_start3A_659 = tpu.memref_slice %arg15[%dma_start3A_657, %dma_start3A_658] : memref<2560x128xf32, #tpu.memory_space<vmem_shared>> -> memref<2560x128xf32, #tpu.memory_space<vmem_shared>>
        tpu.enqueue_indirect_dma source(%arg12 : memref<128x128xf32, #tpu.memory_space<vmem>>) target(%dma_start3A_659 : memref<2560x128xf32, #tpu.memory_space<vmem_shared>>) offsets(%dma_start3A_656 : memref<128xi32, #tpu.memory_space<vmem>>) semaphore(%run_scoped3A_653 : memref<!tpu.dma_semaphore, #tpu.memory_space<semaphore_mem>>) {add = true}
        %dma_wait3A_660 = arith.constant 0 : i32
        %dma_wait3A_661 = tpu.memref_slice %arg9[%run_scoped3A_652, %dma_wait3A_660] : memref<1x128xi32, #tpu.memory_space<vmem>> -> memref<1x128xi32, #tpu.memory_space<vmem>>
        %dma_wait3A_662 = tpu.memref_squeeze %dma_wait3A_661 : memref<1x128xi32, #tpu.memory_space<vmem>> -> memref<128xi32, #tpu.memory_space<vmem>>
        %dma_wait3A_663 = arith.constant 0 : i32
        %dma_wait3A_664 = arith.constant 0 : i32
        %dma_wait3A_665 = tpu.memref_slice %arg15[%dma_wait3A_663, %dma_wait3A_664] : memref<2560x128xf32, #tpu.memory_space<vmem_shared>> -> memref<2560x128xf32, #tpu.memory_space<vmem_shared>>
        tpu.wait_indirect_dma semaphore(%run_scoped3A_653 : memref<!tpu.dma_semaphore, #tpu.memory_space<semaphore_mem>>) src(%arg12 : memref<128x128xf32, #tpu.memory_space<vmem>>) dst(%dma_wait3A_665 : memref<2560x128xf32, #tpu.memory_space<vmem_shared>>)
        tpu.yield
      }) : () -> ()
    }
    %scan3A_48 = arith.constant 78 : i32
    %lt3A = arith.constant 4 : i32
    %lt3A_49 = arith.cmpi slt, %arg1, %lt3A : i32
    %convert_element_type3A = arith.extui %lt3A_49 : i1 to i32
    %cond3A = arith.constant 0 : i32
    %cond3A_50 = arith.cmpi ne, %convert_element_type3A, %cond3A : i32
    scf.if %cond3A_50 {
      %get3A = arith.constant 156 : i32
      %get3A_121 = arith.constant 0 : i32
      %get3A_122 = arith.index_cast %get3A : i32 to index
      %get3A_123 = arith.index_cast %get3A_121 : i32 to index
      %get3A_124 = arith.constant 0 : index
      %get3A_125 = tpu.vector_load %arg8[%get3A_122, %get3A_123, %get3A_124] {strides = array<i32>} : memref<157x1x128xi32, #tpu.memory_space<vmem>>, vector<1x1x16xi32>,
      %get3A_126 = vector.shape_cast %get3A_125 : vector<1x1x16xi32> to vector<16xi32>
      %sub3A = vector.broadcast %mul3A_11 : i32 to vector<16xi32>
      %sub3A_127 = arith.subi %get3A_126, %sub3A : vector<16xi32>
      %ge3A_128 = arith.constant 0 : i32
      %ge3A_129 = vector.broadcast %ge3A_128 : i32 to vector<16xi32>
      %ge3A_130 = arith.cmpi sge, %sub3A_127, %ge3A_129 : vector<16xi32>
      %lt3A_131 = arith.constant 2500 : i32
      %lt3A_132 = vector.broadcast %lt3A_131 : i32 to vector<16xi32>
      %lt3A_133 = arith.cmpi slt, %sub3A_127, %lt3A_132 : vector<16xi32>
      %and3A = arith.andi %ge3A_130, %lt3A_133 : vector<16xi1>
      %and3A_134 = arith.constant 31 : i32
      %and3A_135 = vector.broadcast %and3A_134 : i32 to vector<16xi32>
      %and3A_136 = arith.andi %get3A_126, %and3A_135 : vector<16xi32>
      %add3A_137 = arith.constant 2500 : i32
      %add3A_138 = vector.broadcast %add3A_137 : i32 to vector<16xi32>
      %add3A_139 = arith.addi %add3A_138, %and3A_136 : vector<16xi32>
      %select_n3A = arith.select %and3A, %sub3A_127, %add3A_139 : vector<16xi1>, vector<16xi32>
      %swap3A = arith.constant 0 : i32
      %swap3A_140 = arith.index_cast %swap3A : i32 to index
      %swap3A_141 = arith.constant 0 : index
      %swap3A_142 = tpu.vector_load %arg9[%swap3A_140, %swap3A_141] {strides = array<i32>} : memref<1x128xi32, #tpu.memory_space<vmem>>, vector<1x16xi32>,
      %swap3A_143 = vector.shape_cast %swap3A_142 : vector<1x16xi32> to vector<16xi32>
      %swap3A_144 = vector.shape_cast %select_n3A : vector<16xi32> to vector<1x16xi32>
      tpu.vector_store %arg9[%swap3A_140, %swap3A_141], %swap3A_144 {strides = array<i32>} : memref<1x128xi32, #tpu.memory_space<vmem>>, vector<1x16xi32>,
      %get3A_145 = arith.constant 156 : i32
      %get3A_146 = arith.constant 0 : i32
      %get3A_147 = arith.index_cast %get3A_145 : i32 to index
      %get3A_148 = arith.index_cast %get3A_146 : i32 to index
      %get3A_149 = arith.constant 16 : index
      %get3A_150 = tpu.vector_load %arg8[%get3A_147, %get3A_148, %get3A_149] {strides = array<i32>} : memref<157x1x128xi32, #tpu.memory_space<vmem>>, vector<1x1x16xi32>,
      %get3A_151 = vector.shape_cast %get3A_150 : vector<1x1x16xi32> to vector<16xi32>
      %sub3A_152 = vector.broadcast %mul3A_11 : i32 to vector<16xi32>
      %sub3A_153 = arith.subi %get3A_151, %sub3A_152 : vector<16xi32>
      %ge3A_154 = arith.constant 0 : i32
      %ge3A_155 = vector.broadcast %ge3A_154 : i32 to vector<16xi32>
      %ge3A_156 = arith.cmpi sge, %sub3A_153, %ge3A_155 : vector<16xi32>
      %lt3A_157 = arith.constant 2500 : i32
      %lt3A_158 = vector.broadcast %lt3A_157 : i32 to vector<16xi32>
      %lt3A_159 = arith.cmpi slt, %sub3A_153, %lt3A_158 : vector<16xi32>
      %and3A_160 = arith.andi %ge3A_156, %lt3A_159 : vector<16xi1>
      %and3A_161 = arith.constant 31 : i32
      %and3A_162 = vector.broadcast %and3A_161 : i32 to vector<16xi32>
      %and3A_163 = arith.andi %get3A_151, %and3A_162 : vector<16xi32>
      %add3A_164 = arith.constant 2500 : i32
      %add3A_165 = vector.broadcast %add3A_164 : i32 to vector<16xi32>
      %add3A_166 = arith.addi %add3A_165, %and3A_163 : vector<16xi32>
      %select_n3A_167 = arith.select %and3A_160, %sub3A_153, %add3A_166 : vector<16xi1>, vector<16xi32>
      %swap3A_168 = arith.constant 0 : i32
      %swap3A_169 = arith.index_cast %swap3A_168 : i32 to index
      %swap3A_170 = arith.constant 16 : index
      %swap3A_171 = tpu.vector_load %arg9[%swap3A_169, %swap3A_170] {strides = array<i32>} : memref<1x128xi32, #tpu.memory_space<vmem>>, vector<1x16xi32>,
      %swap3A_172 = vector.shape_cast %swap3A_171 : vector<1x16xi32> to vector<16xi32>
      %swap3A_173 = vector.shape_cast %select_n3A_167 : vector<16xi32> to vector<1x16xi32>
      tpu.vector_store %arg9[%swap3A_169, %swap3A_170], %swap3A_173 {strides = array<i32>} : memref<1x128xi32, #tpu.memory_space<vmem>>, vector<1x16xi32>,
      %get3A_174 = arith.constant 156 : i32
      %get3A_175 = arith.constant 0 : i32
      %get3A_176 = arith.index_cast %get3A_174 : i32 to index
      %get3A_177 = arith.index_cast %get3A_175 : i32 to index
      %get3A_178 = arith.constant 32 : index
      %get3A_179 = tpu.vector_load %arg8[%get3A_176, %get3A_177, %get3A_178] {strides = array<i32>} : memref<157x1x128xi32, #tpu.memory_space<vmem>>, vector<1x1x16xi32>,
      %get3A_180 = vector.shape_cast %get3A_179 : vector<1x1x16xi32> to vector<16xi32>
      %sub3A_181 = vector.broadcast %mul3A_11 : i32 to vector<16xi32>
      %sub3A_182 = arith.subi %get3A_180, %sub3A_181 : vector<16xi32>
      %ge3A_183 = arith.constant 0 : i32
      %ge3A_184 = vector.broadcast %ge3A_183 : i32 to vector<16xi32>
      %ge3A_185 = arith.cmpi sge, %sub3A_182, %ge3A_184 : vector<16xi32>
      %lt3A_186 = arith.constant 2500 : i32
      %lt3A_187 = vector.broadcast %lt3A_186 : i32 to vector<16xi32>
      %lt3A_188 = arith.cmpi slt, %sub3A_182, %lt3A_187 : vector<16xi32>
      %and3A_189 = arith.andi %ge3A_185, %lt3A_188 : vector<16xi1>
      %and3A_190 = arith.constant 31 : i32
      %and3A_191 = vector.broadcast %and3A_190 : i32 to vector<16xi32>
      %and3A_192 = arith.andi %get3A_180, %and3A_191 : vector<16xi32>
      %add3A_193 = arith.constant 2500 : i32
      %add3A_194 = vector.broadcast %add3A_193 : i32 to vector<16xi32>
      %add3A_195 = arith.addi %add3A_194, %and3A_192 : vector<16xi32>
      %select_n3A_196 = arith.select %and3A_189, %sub3A_182, %add3A_195 : vector<16xi1>, vector<16xi32>
      %swap3A_197 = arith.constant 0 : i32
      %swap3A_198 = arith.index_cast %swap3A_197 : i32 to index
      %swap3A_199 = arith.constant 32 : index
      %swap3A_200 = tpu.vector_load %arg9[%swap3A_198, %swap3A_199] {strides = array<i32>} : memref<1x128xi32, #tpu.memory_space<vmem>>, vector<1x16xi32>,
      %swap3A_201 = vector.shape_cast %swap3A_200 : vector<1x16xi32> to vector<16xi32>
      %swap3A_202 = vector.shape_cast %select_n3A_196 : vector<16xi32> to vector<1x16xi32>
      tpu.vector_store %arg9[%swap3A_198, %swap3A_199], %swap3A_202 {strides = array<i32>} : memref<1x128xi32, #tpu.memory_space<vmem>>, vector<1x16xi32>,
      %get3A_203 = arith.constant 156 : i32
      %get3A_204 = arith.constant 0 : i32
      %get3A_205 = arith.index_cast %get3A_203 : i32 to index
      %get3A_206 = arith.index_cast %get3A_204 : i32 to index
      %get3A_207 = arith.constant 48 : index
      %get3A_208 = tpu.vector_load %arg8[%get3A_205, %get3A_206, %get3A_207] {strides = array<i32>} : memref<157x1x128xi32, #tpu.memory_space<vmem>>, vector<1x1x16xi32>,
      %get3A_209 = vector.shape_cast %get3A_208 : vector<1x1x16xi32> to vector<16xi32>
      %sub3A_210 = vector.broadcast %mul3A_11 : i32 to vector<16xi32>
      %sub3A_211 = arith.subi %get3A_209, %sub3A_210 : vector<16xi32>
      %ge3A_212 = arith.constant 0 : i32
      %ge3A_213 = vector.broadcast %ge3A_212 : i32 to vector<16xi32>
      %ge3A_214 = arith.cmpi sge, %sub3A_211, %ge3A_213 : vector<16xi32>
      %lt3A_215 = arith.constant 2500 : i32
      %lt3A_216 = vector.broadcast %lt3A_215 : i32 to vector<16xi32>
      %lt3A_217 = arith.cmpi slt, %sub3A_211, %lt3A_216 : vector<16xi32>
      %and3A_218 = arith.andi %ge3A_214, %lt3A_217 : vector<16xi1>
      %and3A_219 = arith.constant 31 : i32
      %and3A_220 = vector.broadcast %and3A_219 : i32 to vector<16xi32>
      %and3A_221 = arith.andi %get3A_209, %and3A_220 : vector<16xi32>
      %add3A_222 = arith.constant 2500 : i32
      %add3A_223 = vector.broadcast %add3A_222 : i32 to vector<16xi32>
      %add3A_224 = arith.addi %add3A_223, %and3A_221 : vector<16xi32>
      %select_n3A_225 = arith.select %and3A_218, %sub3A_211, %add3A_224 : vector<16xi1>, vector<16xi32>
      %swap3A_226 = arith.constant 0 : i32
      %swap3A_227 = arith.index_cast %swap3A_226 : i32 to index
      %swap3A_228 = arith.constant 48 : index
      %swap3A_229 = tpu.vector_load %arg9[%swap3A_227, %swap3A_228] {strides = array<i32>} : memref<1x128xi32, #tpu.memory_space<vmem>>, vector<1x16xi32>,
      %swap3A_230 = vector.shape_cast %swap3A_229 : vector<1x16xi32> to vector<16xi32>
      %swap3A_231 = vector.shape_cast %select_n3A_225 : vector<16xi32> to vector<1x16xi32>
      tpu.vector_store %arg9[%swap3A_227, %swap3A_228], %swap3A_231 {strides = array<i32>} : memref<1x128xi32, #tpu.memory_space<vmem>>, vector<1x16xi32>,
      %get3A_232 = arith.constant 156 : i32
      %get3A_233 = arith.constant 0 : i32
      %get3A_234 = arith.index_cast %get3A_232 : i32 to index
      %get3A_235 = arith.index_cast %get3A_233 : i32 to index
      %get3A_236 = arith.constant 64 : index
      %get3A_237 = tpu.vector_load %arg8[%get3A_234, %get3A_235, %get3A_236] {strides = array<i32>} : memref<157x1x128xi32, #tpu.memory_space<vmem>>, vector<1x1x16xi32>,
      %get3A_238 = vector.shape_cast %get3A_237 : vector<1x1x16xi32> to vector<16xi32>
      %sub3A_239 = vector.broadcast %mul3A_11 : i32 to vector<16xi32>
      %sub3A_240 = arith.subi %get3A_238, %sub3A_239 : vector<16xi32>
      %ge3A_241 = arith.constant 0 : i32
      %ge3A_242 = vector.broadcast %ge3A_241 : i32 to vector<16xi32>
      %ge3A_243 = arith.cmpi sge, %sub3A_240, %ge3A_242 : vector<16xi32>
      %lt3A_244 = arith.constant 2500 : i32
      %lt3A_245 = vector.broadcast %lt3A_244 : i32 to vector<16xi32>
      %lt3A_246 = arith.cmpi slt, %sub3A_240, %lt3A_245 : vector<16xi32>
      %and3A_247 = arith.andi %ge3A_243, %lt3A_246 : vector<16xi1>
      %and3A_248 = arith.constant 31 : i32
      %and3A_249 = vector.broadcast %and3A_248 : i32 to vector<16xi32>
      %and3A_250 = arith.andi %get3A_238, %and3A_249 : vector<16xi32>
      %add3A_251 = arith.constant 2500 : i32
      %add3A_252 = vector.broadcast %add3A_251 : i32 to vector<16xi32>
      %add3A_253 = arith.addi %add3A_252, %and3A_250 : vector<16xi32>
      %select_n3A_254 = arith.select %and3A_247, %sub3A_240, %add3A_253 : vector<16xi1>, vector<16xi32>
      %swap3A_255 = arith.constant 0 : i32
      %swap3A_256 = arith.index_cast %swap3A_255 : i32 to index
      %swap3A_257 = arith.constant 64 : index
      %swap3A_258 = tpu.vector_load %arg9[%swap3A_256, %swap3A_257] {strides = array<i32>} : memref<1x128xi32, #tpu.memory_space<vmem>>, vector<1x16xi32>,
      %swap3A_259 = vector.shape_cast %swap3A_258 : vector<1x16xi32> to vector<16xi32>
      %swap3A_260 = vector.shape_cast %select_n3A_254 : vector<16xi32> to vector<1x16xi32>
      tpu.vector_store %arg9[%swap3A_256, %swap3A_257], %swap3A_260 {strides = array<i32>} : memref<1x128xi32, #tpu.memory_space<vmem>>, vector<1x16xi32>,
      %get3A_261 = arith.constant 156 : i32
      %get3A_262 = arith.constant 0 : i32
      %get3A_263 = arith.index_cast %get3A_261 : i32 to index
      %get3A_264 = arith.index_cast %get3A_262 : i32 to index
      %get3A_265 = arith.constant 80 : index
      %get3A_266 = tpu.vector_load %arg8[%get3A_263, %get3A_264, %get3A_265] {strides = array<i32>} : memref<157x1x128xi32, #tpu.memory_space<vmem>>, vector<1x1x16xi32>,
      %get3A_267 = vector.shape_cast %get3A_266 : vector<1x1x16xi32> to vector<16xi32>
      %sub3A_268 = vector.broadcast %mul3A_11 : i32 to vector<16xi32>
      %sub3A_269 = arith.subi %get3A_267, %sub3A_268 : vector<16xi32>
      %ge3A_270 = arith.constant 0 : i32
      %ge3A_271 = vector.broadcast %ge3A_270 : i32 to vector<16xi32>
      %ge3A_272 = arith.cmpi sge, %sub3A_269, %ge3A_271 : vector<16xi32>
      %lt3A_273 = arith.constant 2500 : i32
      %lt3A_274 = vector.broadcast %lt3A_273 : i32 to vector<16xi32>
      %lt3A_275 = arith.cmpi slt, %sub3A_269, %lt3A_274 : vector<16xi32>
      %and3A_276 = arith.andi %ge3A_272, %lt3A_275 : vector<16xi1>
      %and3A_277 = arith.constant 31 : i32
      %and3A_278 = vector.broadcast %and3A_277 : i32 to vector<16xi32>
      %and3A_279 = arith.andi %get3A_267, %and3A_278 : vector<16xi32>
      %add3A_280 = arith.constant 2500 : i32
      %add3A_281 = vector.broadcast %add3A_280 : i32 to vector<16xi32>
      %add3A_282 = arith.addi %add3A_281, %and3A_279 : vector<16xi32>
      %select_n3A_283 = arith.select %and3A_276, %sub3A_269, %add3A_282 : vector<16xi1>, vector<16xi32>
      %swap3A_284 = arith.constant 0 : i32
      %swap3A_285 = arith.index_cast %swap3A_284 : i32 to index
      %swap3A_286 = arith.constant 80 : index
      %swap3A_287 = tpu.vector_load %arg9[%swap3A_285, %swap3A_286] {strides = array<i32>} : memref<1x128xi32, #tpu.memory_space<vmem>>, vector<1x16xi32>,
      %swap3A_288 = vector.shape_cast %swap3A_287 : vector<1x16xi32> to vector<16xi32>
      %swap3A_289 = vector.shape_cast %select_n3A_283 : vector<16xi32> to vector<1x16xi32>
      tpu.vector_store %arg9[%swap3A_285, %swap3A_286], %swap3A_289 {strides = array<i32>} : memref<1x128xi32, #tpu.memory_space<vmem>>, vector<1x16xi32>,
      %get3A_290 = arith.constant 156 : i32
      %get3A_291 = arith.constant 0 : i32
      %get3A_292 = arith.index_cast %get3A_290 : i32 to index
      %get3A_293 = arith.index_cast %get3A_291 : i32 to index
      %get3A_294 = arith.constant 96 : index
      %get3A_295 = tpu.vector_load %arg8[%get3A_292, %get3A_293, %get3A_294] {strides = array<i32>} : memref<157x1x128xi32, #tpu.memory_space<vmem>>, vector<1x1x16xi32>,
      %get3A_296 = vector.shape_cast %get3A_295 : vector<1x1x16xi32> to vector<16xi32>
      %sub3A_297 = vector.broadcast %mul3A_11 : i32 to vector<16xi32>
      %sub3A_298 = arith.subi %get3A_296, %sub3A_297 : vector<16xi32>
      %ge3A_299 = arith.constant 0 : i32
      %ge3A_300 = vector.broadcast %ge3A_299 : i32 to vector<16xi32>
      %ge3A_301 = arith.cmpi sge, %sub3A_298, %ge3A_300 : vector<16xi32>
      %lt3A_302 = arith.constant 2500 : i32
      %lt3A_303 = vector.broadcast %lt3A_302 : i32 to vector<16xi32>
      %lt3A_304 = arith.cmpi slt, %sub3A_298, %lt3A_303 : vector<16xi32>
      %and3A_305 = arith.andi %ge3A_301, %lt3A_304 : vector<16xi1>
      %and3A_306 = arith.constant 31 : i32
      %and3A_307 = vector.broadcast %and3A_306 : i32 to vector<16xi32>
      %and3A_308 = arith.andi %get3A_296, %and3A_307 : vector<16xi32>
      %add3A_309 = arith.constant 2500 : i32
      %add3A_310 = vector.broadcast %add3A_309 : i32 to vector<16xi32>
      %add3A_311 = arith.addi %add3A_310, %and3A_308 : vector<16xi32>
      %select_n3A_312 = arith.select %and3A_305, %sub3A_298, %add3A_311 : vector<16xi1>, vector<16xi32>
      %swap3A_313 = arith.constant 0 : i32
      %swap3A_314 = arith.index_cast %swap3A_313 : i32 to index
      %swap3A_315 = arith.constant 96 : index
      %swap3A_316 = tpu.vector_load %arg9[%swap3A_314, %swap3A_315] {strides = array<i32>} : memref<1x128xi32, #tpu.memory_space<vmem>>, vector<1x16xi32>,
      %swap3A_317 = vector.shape_cast %swap3A_316 : vector<1x16xi32> to vector<16xi32>
      %swap3A_318 = vector.shape_cast %select_n3A_312 : vector<16xi32> to vector<1x16xi32>
      tpu.vector_store %arg9[%swap3A_314, %swap3A_315], %swap3A_318 {strides = array<i32>} : memref<1x128xi32, #tpu.memory_space<vmem>>, vector<1x16xi32>,
      %get3A_319 = arith.constant 156 : i32
      %get3A_320 = arith.constant 0 : i32
      %get3A_321 = arith.index_cast %get3A_319 : i32 to index
      %get3A_322 = arith.index_cast %get3A_320 : i32 to index
      %get3A_323 = arith.constant 112 : index
      %get3A_324 = tpu.vector_load %arg8[%get3A_321, %get3A_322, %get3A_323] {strides = array<i32>} : memref<157x1x128xi32, #tpu.memory_space<vmem>>, vector<1x1x16xi32>,
      %get3A_325 = vector.shape_cast %get3A_324 : vector<1x1x16xi32> to vector<16xi32>
      %sub3A_326 = vector.broadcast %mul3A_11 : i32 to vector<16xi32>
      %sub3A_327 = arith.subi %get3A_325, %sub3A_326 : vector<16xi32>
      %ge3A_328 = arith.constant 0 : i32
      %ge3A_329 = vector.broadcast %ge3A_328 : i32 to vector<16xi32>
      %ge3A_330 = arith.cmpi sge, %sub3A_327, %ge3A_329 : vector<16xi32>
      %lt3A_331 = arith.constant 2500 : i32
      %lt3A_332 = vector.broadcast %lt3A_331 : i32 to vector<16xi32>
      %lt3A_333 = arith.cmpi slt, %sub3A_327, %lt3A_332 : vector<16xi32>
      %and3A_334 = arith.andi %ge3A_330, %lt3A_333 : vector<16xi1>
      %and3A_335 = arith.constant 31 : i32
      %and3A_336 = vector.broadcast %and3A_335 : i32 to vector<16xi32>
      %and3A_337 = arith.andi %get3A_325, %and3A_336 : vector<16xi32>
      %add3A_338 = arith.constant 2500 : i32
      %add3A_339 = vector.broadcast %add3A_338 : i32 to vector<16xi32>
      %add3A_340 = arith.addi %add3A_339, %and3A_337 : vector<16xi32>
      %select_n3A_341 = arith.select %and3A_334, %sub3A_327, %add3A_340 : vector<16xi1>, vector<16xi32>
      %swap3A_342 = arith.constant 0 : i32
      %swap3A_343 = arith.index_cast %swap3A_342 : i32 to index
      %swap3A_344 = arith.constant 112 : index
      %swap3A_345 = tpu.vector_load %arg9[%swap3A_343, %swap3A_344] {strides = array<i32>} : memref<1x128xi32, #tpu.memory_space<vmem>>, vector<1x16xi32>,
      %swap3A_346 = vector.shape_cast %swap3A_345 : vector<1x16xi32> to vector<16xi32>
      %swap3A_347 = vector.shape_cast %select_n3A_341 : vector<16xi32> to vector<1x16xi32>
      tpu.vector_store %arg9[%swap3A_343, %swap3A_344], %swap3A_347 {strides = array<i32>} : memref<1x128xi32, #tpu.memory_space<vmem>>, vector<1x16xi32>,
      %dma_wait3A = arith.constant 0 : i32
      %dma_wait3A_348 = arith.constant 0 : i32
      %dma_wait3A_349 = arith.constant 0 : i32
      %dma_wait3A_350 = tpu.memref_slice %arg7[%dma_wait3A, %dma_wait3A_348, %dma_wait3A_349] : memref<157x1x128xi32, #tpu.memory_space<vmem>> -> memref<1x1x128xi32, #tpu.memory_space<vmem>>
      %dma_wait3A_351 = tpu.memref_squeeze %dma_wait3A_350 : memref<1x1x128xi32, #tpu.memory_space<vmem>> -> memref<128xi32, #tpu.memory_space<vmem>>
      %dma_wait3A_352 = arith.constant 0 : i32
      %dma_wait3A_353 = arith.constant 0 : i32
      %dma_wait3A_354 = tpu.memref_slice %arg2[%dma_wait3A_352, %dma_wait3A_353] : memref<10000x128xf32, #tpu.memory_space<hbm>> -> memref<10000x128xf32, #tpu.memory_space<hbm>>
      tpu.wait_indirect_dma semaphore(%arg16 : memref<!tpu.dma_semaphore, #tpu.memory_space<semaphore_mem>>) src(%dma_wait3A_354 : memref<10000x128xf32, #tpu.memory_space<hbm>>) dst(%arg10 : memref<128x128xf32, #tpu.memory_space<vmem>>)
      %dma_wait3A_355 = arith.constant 0 : i32
      %dma_wait3A_356 = arith.constant 0 : i32
      %dma_wait3A_357 = tpu.memref_slice %arg3[%dma_wait3A_355, %dma_wait3A_356] : memref<320000x128xf32, #tpu.memory_space<hbm>> -> memref<128x128xf32, #tpu.memory_space<hbm>>
      %dma_wait3A_358 = arith.constant 0 : i32
      %dma_wait3A_359 = arith.constant 0 : i32
      %dma_wait3A_360 = tpu.memref_slice %arg3[%dma_wait3A_358, %dma_wait3A_359] : memref<320000x128xf32, #tpu.memory_space<hbm>> -> memref<128x128xf32, #tpu.memory_space<hbm>>
      tpu.wait_dma2 semaphore(%arg17 : memref<!tpu.dma_semaphore, #tpu.memory_space<semaphore_mem>>) src(%dma_wait3A_360 : memref<128x128xf32, #tpu.memory_space<hbm>>) dst(%arg11 : memref<128x128xf32, #tpu.memory_space<vmem>>)
      %scan3A_361 = arith.constant 0 : i32
      %scan3A_362 = arith.constant 128 : i32
      %scan3A_363 = arith.addi %scan3A_361, %scan3A_362 : i32
      %scan3A_364 = arith.constant 1 : i32
      scf.for %scan3A_366 = %scan3A_361 to %scan3A_363 step %scan3A_364  : i32 {
        %mul3A_367 = arith.constant 1 : i32
        %mul3A_368 = arith.muli %scan3A_366, %mul3A_367 : i32
        %add3A_369 = arith.constant 0 : i32
        %add3A_370 = arith.addi %add3A_369, %mul3A_368 : i32
        %get3A_371 = arith.index_cast %add3A_370 : i32 to index
        %get3A_372 = arith.constant 0 : index
        %get3A_373 = tpu.vector_load %arg10[%get3A_371, %get3A_372] {strides = array<i32>} : memref<128x128xf32, #tpu.memory_space<vmem>>, vector<1x16xf32>,
        %get3A_374 = vector.shape_cast %get3A_373 : vector<1x16xf32> to vector<16xf32>
        %get3A_375 = arith.index_cast %add3A_370 : i32 to index
        %get3A_376 = arith.constant 0 : index
        %get3A_377 = tpu.vector_load %arg11[%get3A_375, %get3A_376] {strides = array<i32>} : memref<128x128xf32, #tpu.memory_space<vmem>>, vector<1x16xf32>,
        %get3A_378 = vector.shape_cast %get3A_377 : vector<1x16xf32> to vector<16xf32>
        %mul3A_379 = arith.mulf %get3A_374, %get3A_378 : vector<16xf32>
        %swap3A_380 = arith.index_cast %add3A_370 : i32 to index
        %swap3A_381 = arith.constant 0 : index
        %swap3A_382 = tpu.vector_load %arg10[%swap3A_380, %swap3A_381] {strides = array<i32>} : memref<128x128xf32, #tpu.memory_space<vmem>>, vector<1x16xf32>,
        %swap3A_383 = vector.shape_cast %swap3A_382 : vector<1x16xf32> to vector<16xf32>
        %swap3A_384 = vector.shape_cast %mul3A_379 : vector<16xf32> to vector<1x16xf32>
        tpu.vector_store %arg10[%swap3A_380, %swap3A_381], %swap3A_384 {strides = array<i32>} : memref<128x128xf32, #tpu.memory_space<vmem>>, vector<1x16xf32>,
        %get3A_385 = arith.index_cast %add3A_370 : i32 to index
        %get3A_386 = arith.constant 16 : index
        %get3A_387 = tpu.vector_load %arg10[%get3A_385, %get3A_386] {strides = array<i32>} : memref<128x128xf32, #tpu.memory_space<vmem>>, vector<1x16xf32>,
        %get3A_388 = vector.shape_cast %get3A_387 : vector<1x16xf32> to vector<16xf32>
        %get3A_389 = arith.index_cast %add3A_370 : i32 to index
        %get3A_390 = arith.constant 16 : index
        %get3A_391 = tpu.vector_load %arg11[%get3A_389, %get3A_390] {strides = array<i32>} : memref<128x128xf32, #tpu.memory_space<vmem>>, vector<1x16xf32>,
        %get3A_392 = vector.shape_cast %get3A_391 : vector<1x16xf32> to vector<16xf32>
        %mul3A_393 = arith.mulf %get3A_388, %get3A_392 : vector<16xf32>
        %swap3A_394 = arith.index_cast %add3A_370 : i32 to index
        %swap3A_395 = arith.constant 16 : index
        %swap3A_396 = tpu.vector_load %arg10[%swap3A_394, %swap3A_395] {strides = array<i32>} : memref<128x128xf32, #tpu.memory_space<vmem>>, vector<1x16xf32>,
        %swap3A_397 = vector.shape_cast %swap3A_396 : vector<1x16xf32> to vector<16xf32>
        %swap3A_398 = vector.shape_cast %mul3A_393 : vector<16xf32> to vector<1x16xf32>
        tpu.vector_store %arg10[%swap3A_394, %swap3A_395], %swap3A_398 {strides = array<i32>} : memref<128x128xf32, #tpu.memory_space<vmem>>, vector<1x16xf32>,
        %get3A_399 = arith.index_cast %add3A_370 : i32 to index
        %get3A_400 = arith.constant 32 : index
        %get3A_401 = tpu.vector_load %arg10[%get3A_399, %get3A_400] {strides = array<i32>} : memref<128x128xf32, #tpu.memory_space<vmem>>, vector<1x16xf32>,
        %get3A_402 = vector.shape_cast %get3A_401 : vector<1x16xf32> to vector<16xf32>
        %get3A_403 = arith.index_cast %add3A_370 : i32 to index
        %get3A_404 = arith.constant 32 : index
        %get3A_405 = tpu.vector_load %arg11[%get3A_403, %get3A_404] {strides = array<i32>} : memref<128x128xf32, #tpu.memory_space<vmem>>, vector<1x16xf32>,
        %get3A_406 = vector.shape_cast %get3A_405 : vector<1x16xf32> to vector<16xf32>
        %mul3A_407 = arith.mulf %get3A_402, %get3A_406 : vector<16xf32>
        %swap3A_408 = arith.index_cast %add3A_370 : i32 to index
        %swap3A_409 = arith.constant 32 : index
        %swap3A_410 = tpu.vector_load %arg10[%swap3A_408, %swap3A_409] {strides = array<i32>} : memref<128x128xf32, #tpu.memory_space<vmem>>, vector<1x16xf32>,
        %swap3A_411 = vector.shape_cast %swap3A_410 : vector<1x16xf32> to vector<16xf32>
        %swap3A_412 = vector.shape_cast %mul3A_407 : vector<16xf32> to vector<1x16xf32>
        tpu.vector_store %arg10[%swap3A_408, %swap3A_409], %swap3A_412 {strides = array<i32>} : memref<128x128xf32, #tpu.memory_space<vmem>>, vector<1x16xf32>,
        %get3A_413 = arith.index_cast %add3A_370 : i32 to index
        %get3A_414 = arith.constant 48 : index
        %get3A_415 = tpu.vector_load %arg10[%get3A_413, %get3A_414] {strides = array<i32>} : memref<128x128xf32, #tpu.memory_space<vmem>>, vector<1x16xf32>,
        %get3A_416 = vector.shape_cast %get3A_415 : vector<1x16xf32> to vector<16xf32>
        %get3A_417 = arith.index_cast %add3A_370 : i32 to index
        %get3A_418 = arith.constant 48 : index
        %get3A_419 = tpu.vector_load %arg11[%get3A_417, %get3A_418] {strides = array<i32>} : memref<128x128xf32, #tpu.memory_space<vmem>>, vector<1x16xf32>,
        %get3A_420 = vector.shape_cast %get3A_419 : vector<1x16xf32> to vector<16xf32>
        %mul3A_421 = arith.mulf %get3A_416, %get3A_420 : vector<16xf32>
        %swap3A_422 = arith.index_cast %add3A_370 : i32 to index
        %swap3A_423 = arith.constant 48 : index
        %swap3A_424 = tpu.vector_load %arg10[%swap3A_422, %swap3A_423] {strides = array<i32>} : memref<128x128xf32, #tpu.memory_space<vmem>>, vector<1x16xf32>,
        %swap3A_425 = vector.shape_cast %swap3A_424 : vector<1x16xf32> to vector<16xf32>
        %swap3A_426 = vector.shape_cast %mul3A_421 : vector<16xf32> to vector<1x16xf32>
        tpu.vector_store %arg10[%swap3A_422, %swap3A_423], %swap3A_426 {strides = array<i32>} : memref<128x128xf32, #tpu.memory_space<vmem>>, vector<1x16xf32>,
        %get3A_427 = arith.index_cast %add3A_370 : i32 to index
        %get3A_428 = arith.constant 64 : index
        %get3A_429 = tpu.vector_load %arg10[%get3A_427, %get3A_428] {strides = array<i32>} : memref<128x128xf32, #tpu.memory_space<vmem>>, vector<1x16xf32>,
        %get3A_430 = vector.shape_cast %get3A_429 : vector<1x16xf32> to vector<16xf32>
        %get3A_431 = arith.index_cast %add3A_370 : i32 to index
        %get3A_432 = arith.constant 64 : index
        %get3A_433 = tpu.vector_load %arg11[%get3A_431, %get3A_432] {strides = array<i32>} : memref<128x128xf32, #tpu.memory_space<vmem>>, vector<1x16xf32>,
        %get3A_434 = vector.shape_cast %get3A_433 : vector<1x16xf32> to vector<16xf32>
        %mul3A_435 = arith.mulf %get3A_430, %get3A_434 : vector<16xf32>
        %swap3A_436 = arith.index_cast %add3A_370 : i32 to index
        %swap3A_437 = arith.constant 64 : index
        %swap3A_438 = tpu.vector_load %arg10[%swap3A_436, %swap3A_437] {strides = array<i32>} : memref<128x128xf32, #tpu.memory_space<vmem>>, vector<1x16xf32>,
        %swap3A_439 = vector.shape_cast %swap3A_438 : vector<1x16xf32> to vector<16xf32>
        %swap3A_440 = vector.shape_cast %mul3A_435 : vector<16xf32> to vector<1x16xf32>
        tpu.vector_store %arg10[%swap3A_436, %swap3A_437], %swap3A_440 {strides = array<i32>} : memref<128x128xf32, #tpu.memory_space<vmem>>, vector<1x16xf32>,
        %get3A_441 = arith.index_cast %add3A_370 : i32 to index
        %get3A_442 = arith.constant 80 : index
        %get3A_443 = tpu.vector_load %arg10[%get3A_441, %get3A_442] {strides = array<i32>} : memref<128x128xf32, #tpu.memory_space<vmem>>, vector<1x16xf32>,
        %get3A_444 = vector.shape_cast %get3A_443 : vector<1x16xf32> to vector<16xf32>
        %get3A_445 = arith.index_cast %add3A_370 : i32 to index
        %get3A_446 = arith.constant 80 : index
        %get3A_447 = tpu.vector_load %arg11[%get3A_445, %get3A_446] {strides = array<i32>} : memref<128x128xf32, #tpu.memory_space<vmem>>, vector<1x16xf32>,
        %get3A_448 = vector.shape_cast %get3A_447 : vector<1x16xf32> to vector<16xf32>
        %mul3A_449 = arith.mulf %get3A_444, %get3A_448 : vector<16xf32>
        %swap3A_450 = arith.index_cast %add3A_370 : i32 to index
        %swap3A_451 = arith.constant 80 : index
        %swap3A_452 = tpu.vector_load %arg10[%swap3A_450, %swap3A_451] {strides = array<i32>} : memref<128x128xf32, #tpu.memory_space<vmem>>, vector<1x16xf32>,
        %swap3A_453 = vector.shape_cast %swap3A_452 : vector<1x16xf32> to vector<16xf32>
        %swap3A_454 = vector.shape_cast %mul3A_449 : vector<16xf32> to vector<1x16xf32>
        tpu.vector_store %arg10[%swap3A_450, %swap3A_451], %swap3A_454 {strides = array<i32>} : memref<128x128xf32, #tpu.memory_space<vmem>>, vector<1x16xf32>,
        %get3A_455 = arith.index_cast %add3A_370 : i32 to index
        %get3A_456 = arith.constant 96 : index
        %get3A_457 = tpu.vector_load %arg10[%get3A_455, %get3A_456] {strides = array<i32>} : memref<128x128xf32, #tpu.memory_space<vmem>>, vector<1x16xf32>,
        %get3A_458 = vector.shape_cast %get3A_457 : vector<1x16xf32> to vector<16xf32>
        %get3A_459 = arith.index_cast %add3A_370 : i32 to index
        %get3A_460 = arith.constant 96 : index
        %get3A_461 = tpu.vector_load %arg11[%get3A_459, %get3A_460] {strides = array<i32>} : memref<128x128xf32, #tpu.memory_space<vmem>>, vector<1x16xf32>,
        %get3A_462 = vector.shape_cast %get3A_461 : vector<1x16xf32> to vector<16xf32>
        %mul3A_463 = arith.mulf %get3A_458, %get3A_462 : vector<16xf32>
        %swap3A_464 = arith.index_cast %add3A_370 : i32 to index
        %swap3A_465 = arith.constant 96 : index
        %swap3A_466 = tpu.vector_load %arg10[%swap3A_464, %swap3A_465] {strides = array<i32>} : memref<128x128xf32, #tpu.memory_space<vmem>>, vector<1x16xf32>,
        %swap3A_467 = vector.shape_cast %swap3A_466 : vector<1x16xf32> to vector<16xf32>
        %swap3A_468 = vector.shape_cast %mul3A_463 : vector<16xf32> to vector<1x16xf32>
        tpu.vector_store %arg10[%swap3A_464, %swap3A_465], %swap3A_468 {strides = array<i32>} : memref<128x128xf32, #tpu.memory_space<vmem>>, vector<1x16xf32>,
        %get3A_469 = arith.index_cast %add3A_370 : i32 to index
        %get3A_470 = arith.constant 112 : index
        %get3A_471 = tpu.vector_load %arg10[%get3A_469, %get3A_470] {strides = array<i32>} : memref<128x128xf32, #tpu.memory_space<vmem>>, vector<1x16xf32>,
        %get3A_472 = vector.shape_cast %get3A_471 : vector<1x16xf32> to vector<16xf32>
        %get3A_473 = arith.index_cast %add3A_370 : i32 to index
        %get3A_474 = arith.constant 112 : index
        %get3A_475 = tpu.vector_load %arg11[%get3A_473, %get3A_474] {strides = array<i32>} : memref<128x128xf32, #tpu.memory_space<vmem>>, vector<1x16xf32>,
        %get3A_476 = vector.shape_cast %get3A_475 : vector<1x16xf32> to vector<16xf32>
        %mul3A_477 = arith.mulf %get3A_472, %get3A_476 : vector<16xf32>
        %swap3A_478 = arith.index_cast %add3A_370 : i32 to index
        %swap3A_479 = arith.constant 112 : index
        %swap3A_480 = tpu.vector_load %arg10[%swap3A_478, %swap3A_479] {strides = array<i32>} : memref<128x128xf32, #tpu.memory_space<vmem>>, vector<1x16xf32>,
        %swap3A_481 = vector.shape_cast %swap3A_480 : vector<1x16xf32> to vector<16xf32>
        %swap3A_482 = vector.shape_cast %mul3A_477 : vector<16xf32> to vector<1x16xf32>
        tpu.vector_store %arg10[%swap3A_478, %swap3A_479], %swap3A_482 {strides = array<i32>} : memref<128x128xf32, #tpu.memory_space<vmem>>, vector<1x16xf32>,
      }
      %scan3A_365 = arith.constant 128 : i32
      %run_scoped3A = arith.constant 0 : i32
      "tpu.region"() ({
        %run_scoped3A_366 = tpu.sem_alloc : memref<!tpu.dma_semaphore, #tpu.memory_space<semaphore_mem>>
        %dma_start3A_367 = arith.constant 0 : i32
        %dma_start3A_368 = tpu.memref_slice %arg9[%run_scoped3A, %dma_start3A_367] : memref<1x128xi32, #tpu.memory_space<vmem>> -> memref<1x128xi32, #tpu.memory_space<vmem>>
        %dma_start3A_369 = tpu.memref_squeeze %dma_start3A_368 : memref<1x128xi32, #tpu.memory_space<vmem>> -> memref<128xi32, #tpu.memory_space<vmem>>
        %dma_start3A_370 = arith.constant 0 : i32
        %dma_start3A_371 = arith.constant 0 : i32
        %dma_start3A_372 = tpu.memref_slice %arg15[%dma_start3A_370, %dma_start3A_371] : memref<2560x128xf32, #tpu.memory_space<vmem_shared>> -> memref<2560x128xf32, #tpu.memory_space<vmem_shared>>
        tpu.enqueue_indirect_dma source(%arg10 : memref<128x128xf32, #tpu.memory_space<vmem>>) target(%dma_start3A_372 : memref<2560x128xf32, #tpu.memory_space<vmem_shared>>) offsets(%dma_start3A_369 : memref<128xi32, #tpu.memory_space<vmem>>) semaphore(%run_scoped3A_366 : memref<!tpu.dma_semaphore, #tpu.memory_space<semaphore_mem>>) {add = true}
        %dma_wait3A_373 = arith.constant 0 : i32
        %dma_wait3A_374 = tpu.memref_slice %arg9[%run_scoped3A, %dma_wait3A_373] : memref<1x128xi32, #tpu.memory_space<vmem>> -> memref<1x128xi32, #tpu.memory_space<vmem>>
        %dma_wait3A_375 = tpu.memref_squeeze %dma_wait3A_374 : memref<1x128xi32, #tpu.memory_space<vmem>> -> memref<128xi32, #tpu.memory_space<vmem>>
        %dma_wait3A_376 = arith.constant 0 : i32
        %dma_wait3A_377 = arith.constant 0 : i32
        %dma_wait3A_378 = tpu.memref_slice %arg15[%dma_wait3A_376, %dma_wait3A_377] : memref<2560x128xf32, #tpu.memory_space<vmem_shared>> -> memref<2560x128xf32, #tpu.memory_space<vmem_shared>>
        tpu.wait_indirect_dma semaphore(%run_scoped3A_366 : memref<!tpu.dma_semaphore, #tpu.memory_space<semaphore_mem>>) src(%arg10 : memref<128x128xf32, #tpu.memory_space<vmem>>) dst(%dma_wait3A_378 : memref<2560x128xf32, #tpu.memory_space<vmem_shared>>)
        tpu.yield
      }) : () -> ()
    } else {
    }
    %ge3A = arith.constant 4 : i32
    %ge3A_51 = arith.cmpi sge, %arg1, %ge3A : i32
    %convert_element_type3A_52 = arith.extui %ge3A_51 : i1 to i32
    %cond3A_53 = arith.constant 0 : i32
    %cond3A_54 = arith.cmpi ne, %convert_element_type3A_52, %cond3A_53 : i32
    scf.if %cond3A_54 {
      %dma_wait3A = arith.constant 0 : i32
      %dma_wait3A_121 = arith.constant 0 : i32
      %dma_wait3A_122 = arith.constant 0 : i32
      %dma_wait3A_123 = tpu.memref_slice %arg7[%dma_wait3A, %dma_wait3A_121, %dma_wait3A_122] : memref<157x1x128xi32, #tpu.memory_space<vmem>> -> memref<1x1x128xi32, #tpu.memory_space<vmem>>
      %dma_wait3A_124 = tpu.memref_squeeze %dma_wait3A_123 : memref<1x1x128xi32, #tpu.memory_space<vmem>> -> memref<128xi32, #tpu.memory_space<vmem>>
      %dma_wait3A_125 = arith.constant 0 : i32
      %dma_wait3A_126 = arith.constant 0 : i32
      %dma_wait3A_127 = tpu.memref_slice %arg2[%dma_wait3A_125, %dma_wait3A_126] : memref<10000x128xf32, #tpu.memory_space<hbm>> -> memref<10000x128xf32, #tpu.memory_space<hbm>>
      tpu.wait_indirect_dma semaphore(%arg16 : memref<!tpu.dma_semaphore, #tpu.memory_space<semaphore_mem>>) src(%dma_wait3A_127 : memref<10000x128xf32, #tpu.memory_space<hbm>>) dst(%arg10 : memref<128x128xf32, #tpu.memory_space<vmem>>)
      %dma_wait3A_128 = arith.constant 0 : i32
      %dma_wait3A_129 = arith.constant 0 : i32
      %dma_wait3A_130 = tpu.memref_slice %arg3[%dma_wait3A_128, %dma_wait3A_129] : memref<320000x128xf32, #tpu.memory_space<hbm>> -> memref<128x128xf32, #tpu.memory_space<hbm>>
      %dma_wait3A_131 = arith.constant 0 : i32
      %dma_wait3A_132 = arith.constant 0 : i32
      %dma_wait3A_133 = tpu.memref_slice %arg3[%dma_wait3A_131, %dma_wait3A_132] : memref<320000x128xf32, #tpu.memory_space<hbm>> -> memref<128x128xf32, #tpu.memory_space<hbm>>
      tpu.wait_dma2 semaphore(%arg17 : memref<!tpu.dma_semaphore, #tpu.memory_space<semaphore_mem>>) src(%dma_wait3A_133 : memref<128x128xf32, #tpu.memory_space<hbm>>) dst(%arg11 : memref<128x128xf32, #tpu.memory_space<vmem>>)
    } else {
    }
    %barrier3A_55 = arith.constant 0 : index
    tpu.barrier barrier_id(%barrier3A_55)
    %mul3A_56 = arith.constant 160 : i32
    %mul3A_57 = arith.muli %arg1, %mul3A_56 : i32
    %multiple_of3A_58 = tpu.assume_multiple %mul3A_57, 8 : i32
    "tpu.region"() ({
      %run_scoped3A = tpu.sem_alloc : memref<!tpu.dma_semaphore, #tpu.memory_space<semaphore_mem>>
      %dma_start3A_121 = arith.constant 0 : i32
      %dma_start3A_122 = tpu.memref_slice %arg6[%add3A_9, %multiple_of3A_58, %dma_start3A_121] : memref<4x2560x128xf32, #tpu.memory_space<hbm>> -> memref<1x160x128xf32, #tpu.memory_space<hbm>>
      %dma_start3A_123 = tpu.memref_squeeze %dma_start3A_122 : memref<1x160x128xf32, #tpu.memory_space<hbm>> -> memref<160x128xf32, #tpu.memory_space<hbm>>
      %dma_start3A_124 = arith.constant 0 : i32
      %dma_start3A_125 = tpu.memref_slice %arg15[%multiple_of3A_58, %dma_start3A_124] : memref<2560x128xf32, #tpu.memory_space<vmem_shared>> -> memref<160x128xf32, #tpu.memory_space<vmem_shared>>
      tpu.enqueue_dma source(%dma_start3A_125 : memref<160x128xf32, #tpu.memory_space<vmem_shared>>) target(%dma_start3A_123 : memref<160x128xf32, #tpu.memory_space<hbm>>) target_semaphore(%run_scoped3A : memref<!tpu.dma_semaphore, #tpu.memory_space<semaphore_mem>>)
      %dma_wait3A = arith.constant 0 : i32
      %dma_wait3A_126 = tpu.memref_slice %arg6[%add3A_9, %multiple_of3A_58, %dma_wait3A] : memref<4x2560x128xf32, #tpu.memory_space<hbm>> -> memref<1x160x128xf32, #tpu.memory_space<hbm>>
      %dma_wait3A_127 = tpu.memref_squeeze %dma_wait3A_126 : memref<1x160x128xf32, #tpu.memory_space<hbm>> -> memref<160x128xf32, #tpu.memory_space<hbm>>
      %dma_wait3A_128 = arith.constant 0 : i32
      %dma_wait3A_129 = tpu.memref_slice %arg15[%multiple_of3A_58, %dma_wait3A_128] : memref<2560x128xf32, #tpu.memory_space<vmem_shared>> -> memref<160x128xf32, #tpu.memory_space<vmem_shared>>
      tpu.wait_dma2 semaphore(%run_scoped3A : memref<!tpu.dma_semaphore, #tpu.memory_space<semaphore_mem>>) src(%dma_wait3A_129 : memref<160x128xf32, #tpu.memory_space<vmem_shared>>) dst(%dma_wait3A_127 : memref<160x128xf32, #tpu.memory_space<hbm>>)
      tpu.yield
    }) : () -> ()
    %barrier3A_59 = arith.constant 0 : index
    tpu.barrier barrier_id(%barrier3A_59)
    %mul3A_60 = arith.constant 2 : i32
    %mul3A_61 = arith.muli %arg0, %mul3A_60 : i32
    %add3A_62 = arith.constant 1 : i32
    %add3A_63 = arith.addi %mul3A_61, %add3A_62 : i32
    %mul3A_64 = arith.constant 2500 : i32
    %mul3A_65 = arith.muli %add3A_63, %mul3A_64 : i32
    %mul3A_66 = arith.constant 160 : i32
    %mul3A_67 = arith.muli %arg1, %mul3A_66 : i32
    %multiple_of3A_68 = tpu.assume_multiple %mul3A_67, 8 : i32
    %add3A_69 = arith.constant 0 : i32
    %add3A_70 = arith.addi %multiple_of3A_68, %add3A_69 : i32
    "tpu.region"() ({
      %run_scoped3A = tpu.sem_alloc : memref<!tpu.dma_semaphore, #tpu.memory_space<semaphore_mem>>
      %dma_start3A_121 = arith.constant 0 : i32
      %dma_start3A_122 = tpu.memref_slice %arg15[%add3A_70, %dma_start3A_121] : memref<2560x128xf32, #tpu.memory_space<vmem_shared>> -> memref<32x128xf32, #tpu.memory_space<vmem_shared>>
      %dma_start3A_123 = arith.constant 0 : i32
      %dma_start3A_124 = tpu.memref_slice %arg15[%add3A_70, %dma_start3A_123] : memref<2560x128xf32, #tpu.memory_space<vmem_shared>> -> memref<32x128xf32, #tpu.memory_space<vmem_shared>>
      tpu.enqueue_dma source(%arg14 : memref<32x128xf32, #tpu.memory_space<vmem>>) target(%dma_start3A_124 : memref<32x128xf32, #tpu.memory_space<vmem_shared>>) target_semaphore(%run_scoped3A : memref<!tpu.dma_semaphore, #tpu.memory_space<semaphore_mem>>)
      %dma_wait3A = arith.constant 0 : i32
      %dma_wait3A_125 = tpu.memref_slice %arg15[%add3A_70, %dma_wait3A] : memref<2560x128xf32, #tpu.memory_space<vmem_shared>> -> memref<32x128xf32, #tpu.memory_space<vmem_shared>>
      %dma_wait3A_126 = arith.constant 0 : i32
      %dma_wait3A_127 = tpu.memref_slice %arg15[%add3A_70, %dma_wait3A_126] : memref<2560x128xf32, #tpu.memory_space<vmem_shared>> -> memref<32x128xf32, #tpu.memory_space<vmem_shared>>
      tpu.wait_dma2 semaphore(%run_scoped3A : memref<!tpu.dma_semaphore, #tpu.memory_space<semaphore_mem>>) src(%arg14 : memref<32x128xf32, #tpu.memory_space<vmem>>) dst(%dma_wait3A_127 : memref<32x128xf32, #tpu.memory_space<vmem_shared>>)
      tpu.yield
    }) : () -> ()
    %add3A_71 = arith.constant 32 : i32
    %add3A_72 = arith.addi %multiple_of3A_68, %add3A_71 : i32
    "tpu.region"() ({
      %run_scoped3A = tpu.sem_alloc : memref<!tpu.dma_semaphore, #tpu.memory_space<semaphore_mem>>
      %dma_start3A_121 = arith.constant 0 : i32
      %dma_start3A_122 = tpu.memref_slice %arg15[%add3A_72, %dma_start3A_121] : memref<2560x128xf32, #tpu.memory_space<vmem_shared>> -> memref<32x128xf32, #tpu.memory_space<vmem_shared>>
      %dma_start3A_123 = arith.constant 0 : i32
      %dma_start3A_124 = tpu.memref_slice %arg15[%add3A_72, %dma_start3A_123] : memref<2560x128xf32, #tpu.memory_space<vmem_shared>> -> memref<32x128xf32, #tpu.memory_space<vmem_shared>>
      tpu.enqueue_dma source(%arg14 : memref<32x128xf32, #tpu.memory_space<vmem>>) target(%dma_start3A_124 : memref<32x128xf32, #tpu.memory_space<vmem_shared>>) target_semaphore(%run_scoped3A : memref<!tpu.dma_semaphore, #tpu.memory_space<semaphore_mem>>)
      %dma_wait3A = arith.constant 0 : i32
      %dma_wait3A_125 = tpu.memref_slice %arg15[%add3A_72, %dma_wait3A] : memref<2560x128xf32, #tpu.memory_space<vmem_shared>> -> memref<32x128xf32, #tpu.memory_space<vmem_shared>>
      %dma_wait3A_126 = arith.constant 0 : i32
      %dma_wait3A_127 = tpu.memref_slice %arg15[%add3A_72, %dma_wait3A_126] : memref<2560x128xf32, #tpu.memory_space<vmem_shared>> -> memref<32x128xf32, #tpu.memory_space<vmem_shared>>
      tpu.wait_dma2 semaphore(%run_scoped3A : memref<!tpu.dma_semaphore, #tpu.memory_space<semaphore_mem>>) src(%arg14 : memref<32x128xf32, #tpu.memory_space<vmem>>) dst(%dma_wait3A_127 : memref<32x128xf32, #tpu.memory_space<vmem_shared>>)
      tpu.yield
    }) : () -> ()
    %add3A_73 = arith.constant 64 : i32
    %add3A_74 = arith.addi %multiple_of3A_68, %add3A_73 : i32
    "tpu.region"() ({
      %run_scoped3A = tpu.sem_alloc : memref<!tpu.dma_semaphore, #tpu.memory_space<semaphore_mem>>
      %dma_start3A_121 = arith.constant 0 : i32
      %dma_start3A_122 = tpu.memref_slice %arg15[%add3A_74, %dma_start3A_121] : memref<2560x128xf32, #tpu.memory_space<vmem_shared>> -> memref<32x128xf32, #tpu.memory_space<vmem_shared>>
      %dma_start3A_123 = arith.constant 0 : i32
      %dma_start3A_124 = tpu.memref_slice %arg15[%add3A_74, %dma_start3A_123] : memref<2560x128xf32, #tpu.memory_space<vmem_shared>> -> memref<32x128xf32, #tpu.memory_space<vmem_shared>>
      tpu.enqueue_dma source(%arg14 : memref<32x128xf32, #tpu.memory_space<vmem>>) target(%dma_start3A_124 : memref<32x128xf32, #tpu.memory_space<vmem_shared>>) target_semaphore(%run_scoped3A : memref<!tpu.dma_semaphore, #tpu.memory_space<semaphore_mem>>)
      %dma_wait3A = arith.constant 0 : i32
      %dma_wait3A_125 = tpu.memref_slice %arg15[%add3A_74, %dma_wait3A] : memref<2560x128xf32, #tpu.memory_space<vmem_shared>> -> memref<32x128xf32, #tpu.memory_space<vmem_shared>>
      %dma_wait3A_126 = arith.constant 0 : i32
      %dma_wait3A_127 = tpu.memref_slice %arg15[%add3A_74, %dma_wait3A_126] : memref<2560x128xf32, #tpu.memory_space<vmem_shared>> -> memref<32x128xf32, #tpu.memory_space<vmem_shared>>
      tpu.wait_dma2 semaphore(%run_scoped3A : memref<!tpu.dma_semaphore, #tpu.memory_space<semaphore_mem>>) src(%arg14 : memref<32x128xf32, #tpu.memory_space<vmem>>) dst(%dma_wait3A_127 : memref<32x128xf32, #tpu.memory_space<vmem_shared>>)
      tpu.yield
    }) : () -> ()
    %add3A_75 = arith.constant 96 : i32
    %add3A_76 = arith.addi %multiple_of3A_68, %add3A_75 : i32
    "tpu.region"() ({
      %run_scoped3A = tpu.sem_alloc : memref<!tpu.dma_semaphore, #tpu.memory_space<semaphore_mem>>
      %dma_start3A_121 = arith.constant 0 : i32
      %dma_start3A_122 = tpu.memref_slice %arg15[%add3A_76, %dma_start3A_121] : memref<2560x128xf32, #tpu.memory_space<vmem_shared>> -> memref<32x128xf32, #tpu.memory_space<vmem_shared>>
      %dma_start3A_123 = arith.constant 0 : i32
      %dma_start3A_124 = tpu.memref_slice %arg15[%add3A_76, %dma_start3A_123] : memref<2560x128xf32, #tpu.memory_space<vmem_shared>> -> memref<32x128xf32, #tpu.memory_space<vmem_shared>>
      tpu.enqueue_dma source(%arg14 : memref<32x128xf32, #tpu.memory_space<vmem>>) target(%dma_start3A_124 : memref<32x128xf32, #tpu.memory_space<vmem_shared>>) target_semaphore(%run_scoped3A : memref<!tpu.dma_semaphore, #tpu.memory_space<semaphore_mem>>)
      %dma_wait3A = arith.constant 0 : i32
      %dma_wait3A_125 = tpu.memref_slice %arg15[%add3A_76, %dma_wait3A] : memref<2560x128xf32, #tpu.memory_space<vmem_shared>> -> memref<32x128xf32, #tpu.memory_space<vmem_shared>>
      %dma_wait3A_126 = arith.constant 0 : i32
      %dma_wait3A_127 = tpu.memref_slice %arg15[%add3A_76, %dma_wait3A_126] : memref<2560x128xf32, #tpu.memory_space<vmem_shared>> -> memref<32x128xf32, #tpu.memory_space<vmem_shared>>
      tpu.wait_dma2 semaphore(%run_scoped3A : memref<!tpu.dma_semaphore, #tpu.memory_space<semaphore_mem>>) src(%arg14 : memref<32x128xf32, #tpu.memory_space<vmem>>) dst(%dma_wait3A_127 : memref<32x128xf32, #tpu.memory_space<vmem_shared>>)
      tpu.yield
    }) : () -> ()
    %add3A_77 = arith.constant 128 : i32
    %add3A_78 = arith.addi %multiple_of3A_68, %add3A_77 : i32
    "tpu.region"() ({
      %run_scoped3A = tpu.sem_alloc : memref<!tpu.dma_semaphore, #tpu.memory_space<semaphore_mem>>
      %dma_start3A_121 = arith.constant 0 : i32
      %dma_start3A_122 = tpu.memref_slice %arg15[%add3A_78, %dma_start3A_121] : memref<2560x128xf32, #tpu.memory_space<vmem_shared>> -> memref<32x128xf32, #tpu.memory_space<vmem_shared>>
      %dma_start3A_123 = arith.constant 0 : i32
      %dma_start3A_124 = tpu.memref_slice %arg15[%add3A_78, %dma_start3A_123] : memref<2560x128xf32, #tpu.memory_space<vmem_shared>> -> memref<32x128xf32, #tpu.memory_space<vmem_shared>>
      tpu.enqueue_dma source(%arg14 : memref<32x128xf32, #tpu.memory_space<vmem>>) target(%dma_start3A_124 : memref<32x128xf32, #tpu.memory_space<vmem_shared>>) target_semaphore(%run_scoped3A : memref<!tpu.dma_semaphore, #tpu.memory_space<semaphore_mem>>)
      %dma_wait3A = arith.constant 0 : i32
      %dma_wait3A_125 = tpu.memref_slice %arg15[%add3A_78, %dma_wait3A] : memref<2560x128xf32, #tpu.memory_space<vmem_shared>> -> memref<32x128xf32, #tpu.memory_space<vmem_shared>>
      %dma_wait3A_126 = arith.constant 0 : i32
      %dma_wait3A_127 = tpu.memref_slice %arg15[%add3A_78, %dma_wait3A_126] : memref<2560x128xf32, #tpu.memory_space<vmem_shared>> -> memref<32x128xf32, #tpu.memory_space<vmem_shared>>
      tpu.wait_dma2 semaphore(%run_scoped3A : memref<!tpu.dma_semaphore, #tpu.memory_space<semaphore_mem>>) src(%arg14 : memref<32x128xf32, #tpu.memory_space<vmem>>) dst(%dma_wait3A_127 : memref<32x128xf32, #tpu.memory_space<vmem_shared>>)
      tpu.yield
    }) : () -> ()
    %barrier3A_79 = arith.constant 0 : index
    tpu.barrier barrier_id(%barrier3A_79)
    %add3A_80 = arith.constant 0 : i32
    %add3A_81 = arith.addi %add3A, %add3A_80 : i32
    %min3A_82 = arith.constant 2499 : i32
    %min3A_83 = arith.minsi %add3A_81, %min3A_82 : i32
    %min3A_84 = arith.constant 0 : i32
    %min3A_85 = arith.constant 156 : i32
    %min3A_86 = arith.minsi %min3A_84, %min3A_85 : i32
    %dma_start3A_87 = arith.constant 0 : i32
    %dma_start3A_88 = arith.constant 0 : i32
    %dma_start3A_89 = tpu.memref_slice %arg7[%min3A_86, %dma_start3A_87, %dma_start3A_88] : memref<157x1x128xi32, #tpu.memory_space<vmem>> -> memref<1x1x128xi32, #tpu.memory_space<vmem>>
    %dma_start3A_90 = tpu.memref_squeeze %dma_start3A_89 : memref<1x1x128xi32, #tpu.memory_space<vmem>> -> memref<128xi32, #tpu.memory_space<vmem>>
    %dma_start3A_91 = arith.constant 0 : i32
    %dma_start3A_92 = arith.constant 0 : i32
    %dma_start3A_93 = tpu.memref_slice %arg2[%dma_start3A_91, %dma_start3A_92] : memref<10000x128xf32, #tpu.memory_space<hbm>> -> memref<10000x128xf32, #tpu.memory_space<hbm>>
    tpu.enqueue_indirect_dma source(%dma_start3A_93 : memref<10000x128xf32, #tpu.memory_space<hbm>>) target(%arg10 : memref<128x128xf32, #tpu.memory_space<vmem>>) offsets(%dma_start3A_90 : memref<128xi32, #tpu.memory_space<vmem>>) semaphore(%arg16 : memref<!tpu.dma_semaphore, #tpu.memory_space<semaphore_mem>>)
    %mul3A_94 = arith.constant 128 : i32
    %mul3A_95 = arith.muli %min3A_83, %mul3A_94 : i32
    %multiple_of3A_96 = tpu.assume_multiple %mul3A_95, 8 : i32
    %dma_start3A_97 = arith.constant 0 : i32
    %dma_start3A_98 = tpu.memref_slice %arg3[%multiple_of3A_96, %dma_start3A_97] : memref<320000x128xf32, #tpu.memory_space<hbm>> -> memref<128x128xf32, #tpu.memory_space<hbm>>
    %dma_start3A_99 = arith.constant 0 : i32
    %dma_start3A_100 = tpu.memref_slice %arg3[%multiple_of3A_96, %dma_start3A_99] : memref<320000x128xf32, #tpu.memory_space<hbm>> -> memref<128x128xf32, #tpu.memory_space<hbm>>
    tpu.enqueue_dma source(%dma_start3A_100 : memref<128x128xf32, #tpu.memory_space<hbm>>) target(%arg11 : memref<128x128xf32, #tpu.memory_space<vmem>>) target_semaphore(%arg17 : memref<!tpu.dma_semaphore, #tpu.memory_space<semaphore_mem>>)
    %scan3A_101 = arith.constant 0 : i32
    %scan3A_102 = arith.constant 78 : i32
    %scan3A_103 = arith.addi %scan3A_101, %scan3A_102 : i32
    %scan3A_104 = arith.constant 1 : i32
    scf.for %scan3A_121 = %scan3A_101 to %scan3A_103 step %scan3A_104  : i32 {
      %mul3A_122 = arith.constant 1 : i32
      %mul3A_123 = arith.muli %scan3A_121, %mul3A_122 : i32
      %add3A_124 = arith.constant 0 : i32
      %add3A_125 = arith.addi %add3A_124, %mul3A_123 : i32
      %mul3A_126 = arith.constant 2 : i32
      %mul3A_127 = arith.muli %add3A_125, %mul3A_126 : i32
      %add3A_128 = arith.constant 1 : i32
      %add3A_129 = arith.addi %mul3A_127, %add3A_128 : i32
      %add3A_130 = arith.addi %add3A, %add3A_129 : i32
      %min3A_131 = arith.constant 2499 : i32
      %min3A_132 = arith.minsi %add3A_130, %min3A_131 : i32
      %min3A_133 = arith.constant 156 : i32
      %min3A_134 = arith.minsi %add3A_129, %min3A_133 : i32
      %dma_start3A_135 = arith.constant 0 : i32
      %dma_start3A_136 = arith.constant 0 : i32
      %dma_start3A_137 = tpu.memref_slice %arg7[%min3A_134, %dma_start3A_135, %dma_start3A_136] : memref<157x1x128xi32, #tpu.memory_space<vmem>> -> memref<1x1x128xi32, #tpu.memory_space<vmem>>
      %dma_start3A_138 = tpu.memref_squeeze %dma_start3A_137 : memref<1x1x128xi32, #tpu.memory_space<vmem>> -> memref<128xi32, #tpu.memory_space<vmem>>
      %dma_start3A_139 = arith.constant 0 : i32
      %dma_start3A_140 = arith.constant 0 : i32
      %dma_start3A_141 = tpu.memref_slice %arg2[%dma_start3A_139, %dma_start3A_140] : memref<10000x128xf32, #tpu.memory_space<hbm>> -> memref<10000x128xf32, #tpu.memory_space<hbm>>
      tpu.enqueue_indirect_dma source(%dma_start3A_141 : memref<10000x128xf32, #tpu.memory_space<hbm>>) target(%arg12 : memref<128x128xf32, #tpu.memory_space<vmem>>) offsets(%dma_start3A_138 : memref<128xi32, #tpu.memory_space<vmem>>) semaphore(%arg18 : memref<!tpu.dma_semaphore, #tpu.memory_space<semaphore_mem>>)
      %mul3A_142 = arith.constant 128 : i32
      %mul3A_143 = arith.muli %min3A_132, %mul3A_142 : i32
      %multiple_of3A_144 = tpu.assume_multiple %mul3A_143, 8 : i32
      %dma_start3A_145 = arith.constant 0 : i32
      %dma_start3A_146 = tpu.memref_slice %arg3[%multiple_of3A_144, %dma_start3A_145] : memref<320000x128xf32, #tpu.memory_space<hbm>> -> memref<128x128xf32, #tpu.memory_space<hbm>>
      %dma_start3A_147 = arith.constant 0 : i32
      %dma_start3A_148 = tpu.memref_slice %arg3[%multiple_of3A_144, %dma_start3A_147] : memref<320000x128xf32, #tpu.memory_space<hbm>> -> memref<128x128xf32, #tpu.memory_space<hbm>>
      tpu.enqueue_dma source(%dma_start3A_148 : memref<128x128xf32, #tpu.memory_space<hbm>>) target(%arg13 : memref<128x128xf32, #tpu.memory_space<vmem>>) target_semaphore(%arg19 : memref<!tpu.dma_semaphore, #tpu.memory_space<semaphore_mem>>)
      %get3A = arith.constant 0 : i32
      %get3A_149 = arith.index_cast %mul3A_127 : i32 to index
      %get3A_150 = arith.index_cast %get3A : i32 to index
      %get3A_151 = arith.constant 0 : index
      %get3A_152 = tpu.vector_load %arg8[%get3A_149, %get3A_150, %get3A_151] {strides = array<i32>} : memref<157x1x128xi32, #tpu.memory_space<vmem>>, vector<1x1x16xi32>,
      %get3A_153 = vector.shape_cast %get3A_152 : vector<1x1x16xi32> to vector<16xi32>
      %sub3A = vector.broadcast %mul3A_65 : i32 to vector<16xi32>
      %sub3A_154 = arith.subi %get3A_153, %sub3A : vector<16xi32>
      %ge3A_155 = arith.constant 0 : i32
      %ge3A_156 = vector.broadcast %ge3A_155 : i32 to vector<16xi32>
      %ge3A_157 = arith.cmpi sge, %sub3A_154, %ge3A_156 : vector<16xi32>
      %lt3A_158 = arith.constant 2500 : i32
      %lt3A_159 = vector.broadcast %lt3A_158 : i32 to vector<16xi32>
      %lt3A_160 = arith.cmpi slt, %sub3A_154, %lt3A_159 : vector<16xi32>
      %and3A = arith.andi %ge3A_157, %lt3A_160 : vector<16xi1>
      %and3A_161 = arith.constant 31 : i32
      %and3A_162 = vector.broadcast %and3A_161 : i32 to vector<16xi32>
      %and3A_163 = arith.andi %get3A_153, %and3A_162 : vector<16xi32>
      %add3A_164 = arith.constant 2500 : i32
      %add3A_165 = vector.broadcast %add3A_164 : i32 to vector<16xi32>
      %add3A_166 = arith.addi %add3A_165, %and3A_163 : vector<16xi32>
      %select_n3A = arith.select %and3A, %sub3A_154, %add3A_166 : vector<16xi1>, vector<16xi32>
      %swap3A = arith.constant 0 : i32
      %swap3A_167 = arith.index_cast %swap3A : i32 to index
      %swap3A_168 = arith.constant 0 : index
      %swap3A_169 = tpu.vector_load %arg9[%swap3A_167, %swap3A_168] {strides = array<i32>} : memref<1x128xi32, #tpu.memory_space<vmem>>, vector<1x16xi32>,
      %swap3A_170 = vector.shape_cast %swap3A_169 : vector<1x16xi32> to vector<16xi32>
      %swap3A_171 = vector.shape_cast %select_n3A : vector<16xi32> to vector<1x16xi32>
      tpu.vector_store %arg9[%swap3A_167, %swap3A_168], %swap3A_171 {strides = array<i32>} : memref<1x128xi32, #tpu.memory_space<vmem>>, vector<1x16xi32>,
      %get3A_172 = arith.constant 0 : i32
      %get3A_173 = arith.index_cast %mul3A_127 : i32 to index
      %get3A_174 = arith.index_cast %get3A_172 : i32 to index
      %get3A_175 = arith.constant 16 : index
      %get3A_176 = tpu.vector_load %arg8[%get3A_173, %get3A_174, %get3A_175] {strides = array<i32>} : memref<157x1x128xi32, #tpu.memory_space<vmem>>, vector<1x1x16xi32>,
      %get3A_177 = vector.shape_cast %get3A_176 : vector<1x1x16xi32> to vector<16xi32>
      %sub3A_178 = vector.broadcast %mul3A_65 : i32 to vector<16xi32>
      %sub3A_179 = arith.subi %get3A_177, %sub3A_178 : vector<16xi32>
      %ge3A_180 = arith.constant 0 : i32
      %ge3A_181 = vector.broadcast %ge3A_180 : i32 to vector<16xi32>
      %ge3A_182 = arith.cmpi sge, %sub3A_179, %ge3A_181 : vector<16xi32>
      %lt3A_183 = arith.constant 2500 : i32
      %lt3A_184 = vector.broadcast %lt3A_183 : i32 to vector<16xi32>
      %lt3A_185 = arith.cmpi slt, %sub3A_179, %lt3A_184 : vector<16xi32>
      %and3A_186 = arith.andi %ge3A_182, %lt3A_185 : vector<16xi1>
      %and3A_187 = arith.constant 31 : i32
      %and3A_188 = vector.broadcast %and3A_187 : i32 to vector<16xi32>
      %and3A_189 = arith.andi %get3A_177, %and3A_188 : vector<16xi32>
      %add3A_190 = arith.constant 2500 : i32
      %add3A_191 = vector.broadcast %add3A_190 : i32 to vector<16xi32>
      %add3A_192 = arith.addi %add3A_191, %and3A_189 : vector<16xi32>
      %select_n3A_193 = arith.select %and3A_186, %sub3A_179, %add3A_192 : vector<16xi1>, vector<16xi32>
      %swap3A_194 = arith.constant 0 : i32
      %swap3A_195 = arith.index_cast %swap3A_194 : i32 to index
      %swap3A_196 = arith.constant 16 : index
      %swap3A_197 = tpu.vector_load %arg9[%swap3A_195, %swap3A_196] {strides = array<i32>} : memref<1x128xi32, #tpu.memory_space<vmem>>, vector<1x16xi32>,
      %swap3A_198 = vector.shape_cast %swap3A_197 : vector<1x16xi32> to vector<16xi32>
      %swap3A_199 = vector.shape_cast %select_n3A_193 : vector<16xi32> to vector<1x16xi32>
      tpu.vector_store %arg9[%swap3A_195, %swap3A_196], %swap3A_199 {strides = array<i32>} : memref<1x128xi32, #tpu.memory_space<vmem>>, vector<1x16xi32>,
      %get3A_200 = arith.constant 0 : i32
      %get3A_201 = arith.index_cast %mul3A_127 : i32 to index
      %get3A_202 = arith.index_cast %get3A_200 : i32 to index
      %get3A_203 = arith.constant 32 : index
      %get3A_204 = tpu.vector_load %arg8[%get3A_201, %get3A_202, %get3A_203] {strides = array<i32>} : memref<157x1x128xi32, #tpu.memory_space<vmem>>, vector<1x1x16xi32>,
      %get3A_205 = vector.shape_cast %get3A_204 : vector<1x1x16xi32> to vector<16xi32>
      %sub3A_206 = vector.broadcast %mul3A_65 : i32 to vector<16xi32>
      %sub3A_207 = arith.subi %get3A_205, %sub3A_206 : vector<16xi32>
      %ge3A_208 = arith.constant 0 : i32
      %ge3A_209 = vector.broadcast %ge3A_208 : i32 to vector<16xi32>
      %ge3A_210 = arith.cmpi sge, %sub3A_207, %ge3A_209 : vector<16xi32>
      %lt3A_211 = arith.constant 2500 : i32
      %lt3A_212 = vector.broadcast %lt3A_211 : i32 to vector<16xi32>
      %lt3A_213 = arith.cmpi slt, %sub3A_207, %lt3A_212 : vector<16xi32>
      %and3A_214 = arith.andi %ge3A_210, %lt3A_213 : vector<16xi1>
      %and3A_215 = arith.constant 31 : i32
      %and3A_216 = vector.broadcast %and3A_215 : i32 to vector<16xi32>
      %and3A_217 = arith.andi %get3A_205, %and3A_216 : vector<16xi32>
      %add3A_218 = arith.constant 2500 : i32
      %add3A_219 = vector.broadcast %add3A_218 : i32 to vector<16xi32>
      %add3A_220 = arith.addi %add3A_219, %and3A_217 : vector<16xi32>
      %select_n3A_221 = arith.select %and3A_214, %sub3A_207, %add3A_220 : vector<16xi1>, vector<16xi32>
      %swap3A_222 = arith.constant 0 : i32
      %swap3A_223 = arith.index_cast %swap3A_222 : i32 to index
      %swap3A_224 = arith.constant 32 : index
      %swap3A_225 = tpu.vector_load %arg9[%swap3A_223, %swap3A_224] {strides = array<i32>} : memref<1x128xi32, #tpu.memory_space<vmem>>, vector<1x16xi32>,
      %swap3A_226 = vector.shape_cast %swap3A_225 : vector<1x16xi32> to vector<16xi32>
      %swap3A_227 = vector.shape_cast %select_n3A_221 : vector<16xi32> to vector<1x16xi32>
      tpu.vector_store %arg9[%swap3A_223, %swap3A_224], %swap3A_227 {strides = array<i32>} : memref<1x128xi32, #tpu.memory_space<vmem>>, vector<1x16xi32>,
      %get3A_228 = arith.constant 0 : i32
      %get3A_229 = arith.index_cast %mul3A_127 : i32 to index
      %get3A_230 = arith.index_cast %get3A_228 : i32 to index
      %get3A_231 = arith.constant 48 : index
      %get3A_232 = tpu.vector_load %arg8[%get3A_229, %get3A_230, %get3A_231] {strides = array<i32>} : memref<157x1x128xi32, #tpu.memory_space<vmem>>, vector<1x1x16xi32>,
      %get3A_233 = vector.shape_cast %get3A_232 : vector<1x1x16xi32> to vector<16xi32>
      %sub3A_234 = vector.broadcast %mul3A_65 : i32 to vector<16xi32>
      %sub3A_235 = arith.subi %get3A_233, %sub3A_234 : vector<16xi32>
      %ge3A_236 = arith.constant 0 : i32
      %ge3A_237 = vector.broadcast %ge3A_236 : i32 to vector<16xi32>
      %ge3A_238 = arith.cmpi sge, %sub3A_235, %ge3A_237 : vector<16xi32>
      %lt3A_239 = arith.constant 2500 : i32
      %lt3A_240 = vector.broadcast %lt3A_239 : i32 to vector<16xi32>
      %lt3A_241 = arith.cmpi slt, %sub3A_235, %lt3A_240 : vector<16xi32>
      %and3A_242 = arith.andi %ge3A_238, %lt3A_241 : vector<16xi1>
      %and3A_243 = arith.constant 31 : i32
      %and3A_244 = vector.broadcast %and3A_243 : i32 to vector<16xi32>
      %and3A_245 = arith.andi %get3A_233, %and3A_244 : vector<16xi32>
      %add3A_246 = arith.constant 2500 : i32
      %add3A_247 = vector.broadcast %add3A_246 : i32 to vector<16xi32>
      %add3A_248 = arith.addi %add3A_247, %and3A_245 : vector<16xi32>
      %select_n3A_249 = arith.select %and3A_242, %sub3A_235, %add3A_248 : vector<16xi1>, vector<16xi32>
      %swap3A_250 = arith.constant 0 : i32
      %swap3A_251 = arith.index_cast %swap3A_250 : i32 to index
      %swap3A_252 = arith.constant 48 : index
      %swap3A_253 = tpu.vector_load %arg9[%swap3A_251, %swap3A_252] {strides = array<i32>} : memref<1x128xi32, #tpu.memory_space<vmem>>, vector<1x16xi32>,
      %swap3A_254 = vector.shape_cast %swap3A_253 : vector<1x16xi32> to vector<16xi32>
      %swap3A_255 = vector.shape_cast %select_n3A_249 : vector<16xi32> to vector<1x16xi32>
      tpu.vector_store %arg9[%swap3A_251, %swap3A_252], %swap3A_255 {strides = array<i32>} : memref<1x128xi32, #tpu.memory_space<vmem>>, vector<1x16xi32>,
      %get3A_256 = arith.constant 0 : i32
      %get3A_257 = arith.index_cast %mul3A_127 : i32 to index
      %get3A_258 = arith.index_cast %get3A_256 : i32 to index
      %get3A_259 = arith.constant 64 : index
      %get3A_260 = tpu.vector_load %arg8[%get3A_257, %get3A_258, %get3A_259] {strides = array<i32>} : memref<157x1x128xi32, #tpu.memory_space<vmem>>, vector<1x1x16xi32>,
      %get3A_261 = vector.shape_cast %get3A_260 : vector<1x1x16xi32> to vector<16xi32>
      %sub3A_262 = vector.broadcast %mul3A_65 : i32 to vector<16xi32>
      %sub3A_263 = arith.subi %get3A_261, %sub3A_262 : vector<16xi32>
      %ge3A_264 = arith.constant 0 : i32
      %ge3A_265 = vector.broadcast %ge3A_264 : i32 to vector<16xi32>
      %ge3A_266 = arith.cmpi sge, %sub3A_263, %ge3A_265 : vector<16xi32>
      %lt3A_267 = arith.constant 2500 : i32
      %lt3A_268 = vector.broadcast %lt3A_267 : i32 to vector<16xi32>
      %lt3A_269 = arith.cmpi slt, %sub3A_263, %lt3A_268 : vector<16xi32>
      %and3A_270 = arith.andi %ge3A_266, %lt3A_269 : vector<16xi1>
      %and3A_271 = arith.constant 31 : i32
      %and3A_272 = vector.broadcast %and3A_271 : i32 to vector<16xi32>
      %and3A_273 = arith.andi %get3A_261, %and3A_272 : vector<16xi32>
      %add3A_274 = arith.constant 2500 : i32
      %add3A_275 = vector.broadcast %add3A_274 : i32 to vector<16xi32>
      %add3A_276 = arith.addi %add3A_275, %and3A_273 : vector<16xi32>
      %select_n3A_277 = arith.select %and3A_270, %sub3A_263, %add3A_276 : vector<16xi1>, vector<16xi32>
      %swap3A_278 = arith.constant 0 : i32
      %swap3A_279 = arith.index_cast %swap3A_278 : i32 to index
      %swap3A_280 = arith.constant 64 : index
      %swap3A_281 = tpu.vector_load %arg9[%swap3A_279, %swap3A_280] {strides = array<i32>} : memref<1x128xi32, #tpu.memory_space<vmem>>, vector<1x16xi32>,
      %swap3A_282 = vector.shape_cast %swap3A_281 : vector<1x16xi32> to vector<16xi32>
      %swap3A_283 = vector.shape_cast %select_n3A_277 : vector<16xi32> to vector<1x16xi32>
      tpu.vector_store %arg9[%swap3A_279, %swap3A_280], %swap3A_283 {strides = array<i32>} : memref<1x128xi32, #tpu.memory_space<vmem>>, vector<1x16xi32>,
      %get3A_284 = arith.constant 0 : i32
      %get3A_285 = arith.index_cast %mul3A_127 : i32 to index
      %get3A_286 = arith.index_cast %get3A_284 : i32 to index
      %get3A_287 = arith.constant 80 : index
      %get3A_288 = tpu.vector_load %arg8[%get3A_285, %get3A_286, %get3A_287] {strides = array<i32>} : memref<157x1x128xi32, #tpu.memory_space<vmem>>, vector<1x1x16xi32>,
      %get3A_289 = vector.shape_cast %get3A_288 : vector<1x1x16xi32> to vector<16xi32>
      %sub3A_290 = vector.broadcast %mul3A_65 : i32 to vector<16xi32>
      %sub3A_291 = arith.subi %get3A_289, %sub3A_290 : vector<16xi32>
      %ge3A_292 = arith.constant 0 : i32
      %ge3A_293 = vector.broadcast %ge3A_292 : i32 to vector<16xi32>
      %ge3A_294 = arith.cmpi sge, %sub3A_291, %ge3A_293 : vector<16xi32>
      %lt3A_295 = arith.constant 2500 : i32
      %lt3A_296 = vector.broadcast %lt3A_295 : i32 to vector<16xi32>
      %lt3A_297 = arith.cmpi slt, %sub3A_291, %lt3A_296 : vector<16xi32>
      %and3A_298 = arith.andi %ge3A_294, %lt3A_297 : vector<16xi1>
      %and3A_299 = arith.constant 31 : i32
      %and3A_300 = vector.broadcast %and3A_299 : i32 to vector<16xi32>
      %and3A_301 = arith.andi %get3A_289, %and3A_300 : vector<16xi32>
      %add3A_302 = arith.constant 2500 : i32
      %add3A_303 = vector.broadcast %add3A_302 : i32 to vector<16xi32>
      %add3A_304 = arith.addi %add3A_303, %and3A_301 : vector<16xi32>
      %select_n3A_305 = arith.select %and3A_298, %sub3A_291, %add3A_304 : vector<16xi1>, vector<16xi32>
      %swap3A_306 = arith.constant 0 : i32
      %swap3A_307 = arith.index_cast %swap3A_306 : i32 to index
      %swap3A_308 = arith.constant 80 : index
      %swap3A_309 = tpu.vector_load %arg9[%swap3A_307, %swap3A_308] {strides = array<i32>} : memref<1x128xi32, #tpu.memory_space<vmem>>, vector<1x16xi32>,
      %swap3A_310 = vector.shape_cast %swap3A_309 : vector<1x16xi32> to vector<16xi32>
      %swap3A_311 = vector.shape_cast %select_n3A_305 : vector<16xi32> to vector<1x16xi32>
      tpu.vector_store %arg9[%swap3A_307, %swap3A_308], %swap3A_311 {strides = array<i32>} : memref<1x128xi32, #tpu.memory_space<vmem>>, vector<1x16xi32>,
      %get3A_312 = arith.constant 0 : i32
      %get3A_313 = arith.index_cast %mul3A_127 : i32 to index
      %get3A_314 = arith.index_cast %get3A_312 : i32 to index
      %get3A_315 = arith.constant 96 : index
      %get3A_316 = tpu.vector_load %arg8[%get3A_313, %get3A_314, %get3A_315] {strides = array<i32>} : memref<157x1x128xi32, #tpu.memory_space<vmem>>, vector<1x1x16xi32>,
      %get3A_317 = vector.shape_cast %get3A_316 : vector<1x1x16xi32> to vector<16xi32>
      %sub3A_318 = vector.broadcast %mul3A_65 : i32 to vector<16xi32>
      %sub3A_319 = arith.subi %get3A_317, %sub3A_318 : vector<16xi32>
      %ge3A_320 = arith.constant 0 : i32
      %ge3A_321 = vector.broadcast %ge3A_320 : i32 to vector<16xi32>
      %ge3A_322 = arith.cmpi sge, %sub3A_319, %ge3A_321 : vector<16xi32>
      %lt3A_323 = arith.constant 2500 : i32
      %lt3A_324 = vector.broadcast %lt3A_323 : i32 to vector<16xi32>
      %lt3A_325 = arith.cmpi slt, %sub3A_319, %lt3A_324 : vector<16xi32>
      %and3A_326 = arith.andi %ge3A_322, %lt3A_325 : vector<16xi1>
      %and3A_327 = arith.constant 31 : i32
      %and3A_328 = vector.broadcast %and3A_327 : i32 to vector<16xi32>
      %and3A_329 = arith.andi %get3A_317, %and3A_328 : vector<16xi32>
      %add3A_330 = arith.constant 2500 : i32
      %add3A_331 = vector.broadcast %add3A_330 : i32 to vector<16xi32>
      %add3A_332 = arith.addi %add3A_331, %and3A_329 : vector<16xi32>
      %select_n3A_333 = arith.select %and3A_326, %sub3A_319, %add3A_332 : vector<16xi1>, vector<16xi32>
      %swap3A_334 = arith.constant 0 : i32
      %swap3A_335 = arith.index_cast %swap3A_334 : i32 to index
      %swap3A_336 = arith.constant 96 : index
      %swap3A_337 = tpu.vector_load %arg9[%swap3A_335, %swap3A_336] {strides = array<i32>} : memref<1x128xi32, #tpu.memory_space<vmem>>, vector<1x16xi32>,
      %swap3A_338 = vector.shape_cast %swap3A_337 : vector<1x16xi32> to vector<16xi32>
      %swap3A_339 = vector.shape_cast %select_n3A_333 : vector<16xi32> to vector<1x16xi32>
      tpu.vector_store %arg9[%swap3A_335, %swap3A_336], %swap3A_339 {strides = array<i32>} : memref<1x128xi32, #tpu.memory_space<vmem>>, vector<1x16xi32>,
      %get3A_340 = arith.constant 0 : i32
      %get3A_341 = arith.index_cast %mul3A_127 : i32 to index
      %get3A_342 = arith.index_cast %get3A_340 : i32 to index
      %get3A_343 = arith.constant 112 : index
      %get3A_344 = tpu.vector_load %arg8[%get3A_341, %get3A_342, %get3A_343] {strides = array<i32>} : memref<157x1x128xi32, #tpu.memory_space<vmem>>, vector<1x1x16xi32>,
      %get3A_345 = vector.shape_cast %get3A_344 : vector<1x1x16xi32> to vector<16xi32>
      %sub3A_346 = vector.broadcast %mul3A_65 : i32 to vector<16xi32>
      %sub3A_347 = arith.subi %get3A_345, %sub3A_346 : vector<16xi32>
      %ge3A_348 = arith.constant 0 : i32
      %ge3A_349 = vector.broadcast %ge3A_348 : i32 to vector<16xi32>
      %ge3A_350 = arith.cmpi sge, %sub3A_347, %ge3A_349 : vector<16xi32>
      %lt3A_351 = arith.constant 2500 : i32
      %lt3A_352 = vector.broadcast %lt3A_351 : i32 to vector<16xi32>
      %lt3A_353 = arith.cmpi slt, %sub3A_347, %lt3A_352 : vector<16xi32>
      %and3A_354 = arith.andi %ge3A_350, %lt3A_353 : vector<16xi1>
      %and3A_355 = arith.constant 31 : i32
      %and3A_356 = vector.broadcast %and3A_355 : i32 to vector<16xi32>
      %and3A_357 = arith.andi %get3A_345, %and3A_356 : vector<16xi32>
      %add3A_358 = arith.constant 2500 : i32
      %add3A_359 = vector.broadcast %add3A_358 : i32 to vector<16xi32>
      %add3A_360 = arith.addi %add3A_359, %and3A_357 : vector<16xi32>
      %select_n3A_361 = arith.select %and3A_354, %sub3A_347, %add3A_360 : vector<16xi1>, vector<16xi32>
      %swap3A_362 = arith.constant 0 : i32
      %swap3A_363 = arith.index_cast %swap3A_362 : i32 to index
      %swap3A_364 = arith.constant 112 : index
      %swap3A_365 = tpu.vector_load %arg9[%swap3A_363, %swap3A_364] {strides = array<i32>} : memref<1x128xi32, #tpu.memory_space<vmem>>, vector<1x16xi32>,
      %swap3A_366 = vector.shape_cast %swap3A_365 : vector<1x16xi32> to vector<16xi32>
      %swap3A_367 = vector.shape_cast %select_n3A_361 : vector<16xi32> to vector<1x16xi32>
      tpu.vector_store %arg9[%swap3A_363, %swap3A_364], %swap3A_367 {strides = array<i32>} : memref<1x128xi32, #tpu.memory_space<vmem>>, vector<1x16xi32>,
      %dma_wait3A = arith.constant 0 : i32
      %dma_wait3A_368 = arith.constant 0 : i32
      %dma_wait3A_369 = arith.constant 0 : i32
      %dma_wait3A_370 = tpu.memref_slice %arg7[%dma_wait3A, %dma_wait3A_368, %dma_wait3A_369] : memref<157x1x128xi32, #tpu.memory_space<vmem>> -> memref<1x1x128xi32, #tpu.memory_space<vmem>>
      %dma_wait3A_371 = tpu.memref_squeeze %dma_wait3A_370 : memref<1x1x128xi32, #tpu.memory_space<vmem>> -> memref<128xi32, #tpu.memory_space<vmem>>
      %dma_wait3A_372 = arith.constant 0 : i32
      %dma_wait3A_373 = arith.constant 0 : i32
      %dma_wait3A_374 = tpu.memref_slice %arg2[%dma_wait3A_372, %dma_wait3A_373] : memref<10000x128xf32, #tpu.memory_space<hbm>> -> memref<10000x128xf32, #tpu.memory_space<hbm>>
      tpu.wait_indirect_dma semaphore(%arg16 : memref<!tpu.dma_semaphore, #tpu.memory_space<semaphore_mem>>) src(%dma_wait3A_374 : memref<10000x128xf32, #tpu.memory_space<hbm>>) dst(%arg10 : memref<128x128xf32, #tpu.memory_space<vmem>>)
      %dma_wait3A_375 = arith.constant 0 : i32
      %dma_wait3A_376 = arith.constant 0 : i32
      %dma_wait3A_377 = tpu.memref_slice %arg3[%dma_wait3A_375, %dma_wait3A_376] : memref<320000x128xf32, #tpu.memory_space<hbm>> -> memref<128x128xf32, #tpu.memory_space<hbm>>
      %dma_wait3A_378 = arith.constant 0 : i32
      %dma_wait3A_379 = arith.constant 0 : i32
      %dma_wait3A_380 = tpu.memref_slice %arg3[%dma_wait3A_378, %dma_wait3A_379] : memref<320000x128xf32, #tpu.memory_space<hbm>> -> memref<128x128xf32, #tpu.memory_space<hbm>>
      tpu.wait_dma2 semaphore(%arg17 : memref<!tpu.dma_semaphore, #tpu.memory_space<semaphore_mem>>) src(%dma_wait3A_380 : memref<128x128xf32, #tpu.memory_space<hbm>>) dst(%arg11 : memref<128x128xf32, #tpu.memory_space<vmem>>)
      %scan3A_381 = arith.constant 0 : i32
      %scan3A_382 = arith.constant 128 : i32
      %scan3A_383 = arith.addi %scan3A_381, %scan3A_382 : i32
      %scan3A_384 = arith.constant 1 : i32
      scf.for %scan3A_653 = %scan3A_381 to %scan3A_383 step %scan3A_384  : i32 {
        %mul3A_654 = arith.constant 1 : i32
        %mul3A_655 = arith.muli %scan3A_653, %mul3A_654 : i32
        %add3A_656 = arith.constant 0 : i32
        %add3A_657 = arith.addi %add3A_656, %mul3A_655 : i32
        %get3A_658 = arith.index_cast %add3A_657 : i32 to index
        %get3A_659 = arith.constant 0 : index
        %get3A_660 = tpu.vector_load %arg10[%get3A_658, %get3A_659] {strides = array<i32>} : memref<128x128xf32, #tpu.memory_space<vmem>>, vector<1x16xf32>,
        %get3A_661 = vector.shape_cast %get3A_660 : vector<1x16xf32> to vector<16xf32>
        %get3A_662 = arith.index_cast %add3A_657 : i32 to index
        %get3A_663 = arith.constant 0 : index
        %get3A_664 = tpu.vector_load %arg11[%get3A_662, %get3A_663] {strides = array<i32>} : memref<128x128xf32, #tpu.memory_space<vmem>>, vector<1x16xf32>,
        %get3A_665 = vector.shape_cast %get3A_664 : vector<1x16xf32> to vector<16xf32>
        %mul3A_666 = arith.mulf %get3A_661, %get3A_665 : vector<16xf32>
        %swap3A_667 = arith.index_cast %add3A_657 : i32 to index
        %swap3A_668 = arith.constant 0 : index
        %swap3A_669 = tpu.vector_load %arg10[%swap3A_667, %swap3A_668] {strides = array<i32>} : memref<128x128xf32, #tpu.memory_space<vmem>>, vector<1x16xf32>,
        %swap3A_670 = vector.shape_cast %swap3A_669 : vector<1x16xf32> to vector<16xf32>
        %swap3A_671 = vector.shape_cast %mul3A_666 : vector<16xf32> to vector<1x16xf32>
        tpu.vector_store %arg10[%swap3A_667, %swap3A_668], %swap3A_671 {strides = array<i32>} : memref<128x128xf32, #tpu.memory_space<vmem>>, vector<1x16xf32>,
        %get3A_672 = arith.index_cast %add3A_657 : i32 to index
        %get3A_673 = arith.constant 16 : index
        %get3A_674 = tpu.vector_load %arg10[%get3A_672, %get3A_673] {strides = array<i32>} : memref<128x128xf32, #tpu.memory_space<vmem>>, vector<1x16xf32>,
        %get3A_675 = vector.shape_cast %get3A_674 : vector<1x16xf32> to vector<16xf32>
        %get3A_676 = arith.index_cast %add3A_657 : i32 to index
        %get3A_677 = arith.constant 16 : index
        %get3A_678 = tpu.vector_load %arg11[%get3A_676, %get3A_677] {strides = array<i32>} : memref<128x128xf32, #tpu.memory_space<vmem>>, vector<1x16xf32>,
        %get3A_679 = vector.shape_cast %get3A_678 : vector<1x16xf32> to vector<16xf32>
        %mul3A_680 = arith.mulf %get3A_675, %get3A_679 : vector<16xf32>
        %swap3A_681 = arith.index_cast %add3A_657 : i32 to index
        %swap3A_682 = arith.constant 16 : index
        %swap3A_683 = tpu.vector_load %arg10[%swap3A_681, %swap3A_682] {strides = array<i32>} : memref<128x128xf32, #tpu.memory_space<vmem>>, vector<1x16xf32>,
        %swap3A_684 = vector.shape_cast %swap3A_683 : vector<1x16xf32> to vector<16xf32>
        %swap3A_685 = vector.shape_cast %mul3A_680 : vector<16xf32> to vector<1x16xf32>
        tpu.vector_store %arg10[%swap3A_681, %swap3A_682], %swap3A_685 {strides = array<i32>} : memref<128x128xf32, #tpu.memory_space<vmem>>, vector<1x16xf32>,
        %get3A_686 = arith.index_cast %add3A_657 : i32 to index
        %get3A_687 = arith.constant 32 : index
        %get3A_688 = tpu.vector_load %arg10[%get3A_686, %get3A_687] {strides = array<i32>} : memref<128x128xf32, #tpu.memory_space<vmem>>, vector<1x16xf32>,
        %get3A_689 = vector.shape_cast %get3A_688 : vector<1x16xf32> to vector<16xf32>
        %get3A_690 = arith.index_cast %add3A_657 : i32 to index
        %get3A_691 = arith.constant 32 : index
        %get3A_692 = tpu.vector_load %arg11[%get3A_690, %get3A_691] {strides = array<i32>} : memref<128x128xf32, #tpu.memory_space<vmem>>, vector<1x16xf32>,
        %get3A_693 = vector.shape_cast %get3A_692 : vector<1x16xf32> to vector<16xf32>
        %mul3A_694 = arith.mulf %get3A_689, %get3A_693 : vector<16xf32>
        %swap3A_695 = arith.index_cast %add3A_657 : i32 to index
        %swap3A_696 = arith.constant 32 : index
        %swap3A_697 = tpu.vector_load %arg10[%swap3A_695, %swap3A_696] {strides = array<i32>} : memref<128x128xf32, #tpu.memory_space<vmem>>, vector<1x16xf32>,
        %swap3A_698 = vector.shape_cast %swap3A_697 : vector<1x16xf32> to vector<16xf32>
        %swap3A_699 = vector.shape_cast %mul3A_694 : vector<16xf32> to vector<1x16xf32>
        tpu.vector_store %arg10[%swap3A_695, %swap3A_696], %swap3A_699 {strides = array<i32>} : memref<128x128xf32, #tpu.memory_space<vmem>>, vector<1x16xf32>,
        %get3A_700 = arith.index_cast %add3A_657 : i32 to index
        %get3A_701 = arith.constant 48 : index
        %get3A_702 = tpu.vector_load %arg10[%get3A_700, %get3A_701] {strides = array<i32>} : memref<128x128xf32, #tpu.memory_space<vmem>>, vector<1x16xf32>,
        %get3A_703 = vector.shape_cast %get3A_702 : vector<1x16xf32> to vector<16xf32>
        %get3A_704 = arith.index_cast %add3A_657 : i32 to index
        %get3A_705 = arith.constant 48 : index
        %get3A_706 = tpu.vector_load %arg11[%get3A_704, %get3A_705] {strides = array<i32>} : memref<128x128xf32, #tpu.memory_space<vmem>>, vector<1x16xf32>,
        %get3A_707 = vector.shape_cast %get3A_706 : vector<1x16xf32> to vector<16xf32>
        %mul3A_708 = arith.mulf %get3A_703, %get3A_707 : vector<16xf32>
        %swap3A_709 = arith.index_cast %add3A_657 : i32 to index
        %swap3A_710 = arith.constant 48 : index
        %swap3A_711 = tpu.vector_load %arg10[%swap3A_709, %swap3A_710] {strides = array<i32>} : memref<128x128xf32, #tpu.memory_space<vmem>>, vector<1x16xf32>,
        %swap3A_712 = vector.shape_cast %swap3A_711 : vector<1x16xf32> to vector<16xf32>
        %swap3A_713 = vector.shape_cast %mul3A_708 : vector<16xf32> to vector<1x16xf32>
        tpu.vector_store %arg10[%swap3A_709, %swap3A_710], %swap3A_713 {strides = array<i32>} : memref<128x128xf32, #tpu.memory_space<vmem>>, vector<1x16xf32>,
        %get3A_714 = arith.index_cast %add3A_657 : i32 to index
        %get3A_715 = arith.constant 64 : index
        %get3A_716 = tpu.vector_load %arg10[%get3A_714, %get3A_715] {strides = array<i32>} : memref<128x128xf32, #tpu.memory_space<vmem>>, vector<1x16xf32>,
        %get3A_717 = vector.shape_cast %get3A_716 : vector<1x16xf32> to vector<16xf32>
        %get3A_718 = arith.index_cast %add3A_657 : i32 to index
        %get3A_719 = arith.constant 64 : index
        %get3A_720 = tpu.vector_load %arg11[%get3A_718, %get3A_719] {strides = array<i32>} : memref<128x128xf32, #tpu.memory_space<vmem>>, vector<1x16xf32>,
        %get3A_721 = vector.shape_cast %get3A_720 : vector<1x16xf32> to vector<16xf32>
        %mul3A_722 = arith.mulf %get3A_717, %get3A_721 : vector<16xf32>
        %swap3A_723 = arith.index_cast %add3A_657 : i32 to index
        %swap3A_724 = arith.constant 64 : index
        %swap3A_725 = tpu.vector_load %arg10[%swap3A_723, %swap3A_724] {strides = array<i32>} : memref<128x128xf32, #tpu.memory_space<vmem>>, vector<1x16xf32>,
        %swap3A_726 = vector.shape_cast %swap3A_725 : vector<1x16xf32> to vector<16xf32>
        %swap3A_727 = vector.shape_cast %mul3A_722 : vector<16xf32> to vector<1x16xf32>
        tpu.vector_store %arg10[%swap3A_723, %swap3A_724], %swap3A_727 {strides = array<i32>} : memref<128x128xf32, #tpu.memory_space<vmem>>, vector<1x16xf32>,
        %get3A_728 = arith.index_cast %add3A_657 : i32 to index
        %get3A_729 = arith.constant 80 : index
        %get3A_730 = tpu.vector_load %arg10[%get3A_728, %get3A_729] {strides = array<i32>} : memref<128x128xf32, #tpu.memory_space<vmem>>, vector<1x16xf32>,
        %get3A_731 = vector.shape_cast %get3A_730 : vector<1x16xf32> to vector<16xf32>
        %get3A_732 = arith.index_cast %add3A_657 : i32 to index
        %get3A_733 = arith.constant 80 : index
        %get3A_734 = tpu.vector_load %arg11[%get3A_732, %get3A_733] {strides = array<i32>} : memref<128x128xf32, #tpu.memory_space<vmem>>, vector<1x16xf32>,
        %get3A_735 = vector.shape_cast %get3A_734 : vector<1x16xf32> to vector<16xf32>
        %mul3A_736 = arith.mulf %get3A_731, %get3A_735 : vector<16xf32>
        %swap3A_737 = arith.index_cast %add3A_657 : i32 to index
        %swap3A_738 = arith.constant 80 : index
        %swap3A_739 = tpu.vector_load %arg10[%swap3A_737, %swap3A_738] {strides = array<i32>} : memref<128x128xf32, #tpu.memory_space<vmem>>, vector<1x16xf32>,
        %swap3A_740 = vector.shape_cast %swap3A_739 : vector<1x16xf32> to vector<16xf32>
        %swap3A_741 = vector.shape_cast %mul3A_736 : vector<16xf32> to vector<1x16xf32>
        tpu.vector_store %arg10[%swap3A_737, %swap3A_738], %swap3A_741 {strides = array<i32>} : memref<128x128xf32, #tpu.memory_space<vmem>>, vector<1x16xf32>,
        %get3A_742 = arith.index_cast %add3A_657 : i32 to index
        %get3A_743 = arith.constant 96 : index
        %get3A_744 = tpu.vector_load %arg10[%get3A_742, %get3A_743] {strides = array<i32>} : memref<128x128xf32, #tpu.memory_space<vmem>>, vector<1x16xf32>,
        %get3A_745 = vector.shape_cast %get3A_744 : vector<1x16xf32> to vector<16xf32>
        %get3A_746 = arith.index_cast %add3A_657 : i32 to index
        %get3A_747 = arith.constant 96 : index
        %get3A_748 = tpu.vector_load %arg11[%get3A_746, %get3A_747] {strides = array<i32>} : memref<128x128xf32, #tpu.memory_space<vmem>>, vector<1x16xf32>,
        %get3A_749 = vector.shape_cast %get3A_748 : vector<1x16xf32> to vector<16xf32>
        %mul3A_750 = arith.mulf %get3A_745, %get3A_749 : vector<16xf32>
        %swap3A_751 = arith.index_cast %add3A_657 : i32 to index
        %swap3A_752 = arith.constant 96 : index
        %swap3A_753 = tpu.vector_load %arg10[%swap3A_751, %swap3A_752] {strides = array<i32>} : memref<128x128xf32, #tpu.memory_space<vmem>>, vector<1x16xf32>,
        %swap3A_754 = vector.shape_cast %swap3A_753 : vector<1x16xf32> to vector<16xf32>
        %swap3A_755 = vector.shape_cast %mul3A_750 : vector<16xf32> to vector<1x16xf32>
        tpu.vector_store %arg10[%swap3A_751, %swap3A_752], %swap3A_755 {strides = array<i32>} : memref<128x128xf32, #tpu.memory_space<vmem>>, vector<1x16xf32>,
        %get3A_756 = arith.index_cast %add3A_657 : i32 to index
        %get3A_757 = arith.constant 112 : index
        %get3A_758 = tpu.vector_load %arg10[%get3A_756, %get3A_757] {strides = array<i32>} : memref<128x128xf32, #tpu.memory_space<vmem>>, vector<1x16xf32>,
        %get3A_759 = vector.shape_cast %get3A_758 : vector<1x16xf32> to vector<16xf32>
        %get3A_760 = arith.index_cast %add3A_657 : i32 to index
        %get3A_761 = arith.constant 112 : index
        %get3A_762 = tpu.vector_load %arg11[%get3A_760, %get3A_761] {strides = array<i32>} : memref<128x128xf32, #tpu.memory_space<vmem>>, vector<1x16xf32>,
        %get3A_763 = vector.shape_cast %get3A_762 : vector<1x16xf32> to vector<16xf32>
        %mul3A_764 = arith.mulf %get3A_759, %get3A_763 : vector<16xf32>
        %swap3A_765 = arith.index_cast %add3A_657 : i32 to index
        %swap3A_766 = arith.constant 112 : index
        %swap3A_767 = tpu.vector_load %arg10[%swap3A_765, %swap3A_766] {strides = array<i32>} : memref<128x128xf32, #tpu.memory_space<vmem>>, vector<1x16xf32>,
        %swap3A_768 = vector.shape_cast %swap3A_767 : vector<1x16xf32> to vector<16xf32>
        %swap3A_769 = vector.shape_cast %mul3A_764 : vector<16xf32> to vector<1x16xf32>
        tpu.vector_store %arg10[%swap3A_765, %swap3A_766], %swap3A_769 {strides = array<i32>} : memref<128x128xf32, #tpu.memory_space<vmem>>, vector<1x16xf32>,
      }
      %scan3A_385 = arith.constant 128 : i32
      %run_scoped3A = arith.constant 0 : i32
      "tpu.region"() ({
        %run_scoped3A_653 = tpu.sem_alloc : memref<!tpu.dma_semaphore, #tpu.memory_space<semaphore_mem>>
        %dma_start3A_654 = arith.constant 0 : i32
        %dma_start3A_655 = tpu.memref_slice %arg9[%run_scoped3A, %dma_start3A_654] : memref<1x128xi32, #tpu.memory_space<vmem>> -> memref<1x128xi32, #tpu.memory_space<vmem>>
        %dma_start3A_656 = tpu.memref_squeeze %dma_start3A_655 : memref<1x128xi32, #tpu.memory_space<vmem>> -> memref<128xi32, #tpu.memory_space<vmem>>
        %dma_start3A_657 = arith.constant 0 : i32
        %dma_start3A_658 = arith.constant 0 : i32
        %dma_start3A_659 = tpu.memref_slice %arg15[%dma_start3A_657, %dma_start3A_658] : memref<2560x128xf32, #tpu.memory_space<vmem_shared>> -> memref<2560x128xf32, #tpu.memory_space<vmem_shared>>
        tpu.enqueue_indirect_dma source(%arg10 : memref<128x128xf32, #tpu.memory_space<vmem>>) target(%dma_start3A_659 : memref<2560x128xf32, #tpu.memory_space<vmem_shared>>) offsets(%dma_start3A_656 : memref<128xi32, #tpu.memory_space<vmem>>) semaphore(%run_scoped3A_653 : memref<!tpu.dma_semaphore, #tpu.memory_space<semaphore_mem>>) {add = true}
        %dma_wait3A_660 = arith.constant 0 : i32
        %dma_wait3A_661 = tpu.memref_slice %arg9[%run_scoped3A, %dma_wait3A_660] : memref<1x128xi32, #tpu.memory_space<vmem>> -> memref<1x128xi32, #tpu.memory_space<vmem>>
        %dma_wait3A_662 = tpu.memref_squeeze %dma_wait3A_661 : memref<1x128xi32, #tpu.memory_space<vmem>> -> memref<128xi32, #tpu.memory_space<vmem>>
        %dma_wait3A_663 = arith.constant 0 : i32
        %dma_wait3A_664 = arith.constant 0 : i32
        %dma_wait3A_665 = tpu.memref_slice %arg15[%dma_wait3A_663, %dma_wait3A_664] : memref<2560x128xf32, #tpu.memory_space<vmem_shared>> -> memref<2560x128xf32, #tpu.memory_space<vmem_shared>>
        tpu.wait_indirect_dma semaphore(%run_scoped3A_653 : memref<!tpu.dma_semaphore, #tpu.memory_space<semaphore_mem>>) src(%arg10 : memref<128x128xf32, #tpu.memory_space<vmem>>) dst(%dma_wait3A_665 : memref<2560x128xf32, #tpu.memory_space<vmem_shared>>)
        tpu.yield
      }) : () -> ()
      %add3A_386 = arith.constant 2 : i32
      %add3A_387 = arith.addi %mul3A_127, %add3A_386 : i32
      %add3A_388 = arith.addi %add3A, %add3A_387 : i32
      %min3A_389 = arith.constant 2499 : i32
      %min3A_390 = arith.minsi %add3A_388, %min3A_389 : i32
      %min3A_391 = arith.constant 156 : i32
      %min3A_392 = arith.minsi %add3A_387, %min3A_391 : i32
      %dma_start3A_393 = arith.constant 0 : i32
      %dma_start3A_394 = arith.constant 0 : i32
      %dma_start3A_395 = tpu.memref_slice %arg7[%min3A_392, %dma_start3A_393, %dma_start3A_394] : memref<157x1x128xi32, #tpu.memory_space<vmem>> -> memref<1x1x128xi32, #tpu.memory_space<vmem>>
      %dma_start3A_396 = tpu.memref_squeeze %dma_start3A_395 : memref<1x1x128xi32, #tpu.memory_space<vmem>> -> memref<128xi32, #tpu.memory_space<vmem>>
      %dma_start3A_397 = arith.constant 0 : i32
      %dma_start3A_398 = arith.constant 0 : i32
      %dma_start3A_399 = tpu.memref_slice %arg2[%dma_start3A_397, %dma_start3A_398] : memref<10000x128xf32, #tpu.memory_space<hbm>> -> memref<10000x128xf32, #tpu.memory_space<hbm>>
      tpu.enqueue_indirect_dma source(%dma_start3A_399 : memref<10000x128xf32, #tpu.memory_space<hbm>>) target(%arg10 : memref<128x128xf32, #tpu.memory_space<vmem>>) offsets(%dma_start3A_396 : memref<128xi32, #tpu.memory_space<vmem>>) semaphore(%arg16 : memref<!tpu.dma_semaphore, #tpu.memory_space<semaphore_mem>>)
      %mul3A_400 = arith.constant 128 : i32
      %mul3A_401 = arith.muli %min3A_390, %mul3A_400 : i32
      %multiple_of3A_402 = tpu.assume_multiple %mul3A_401, 8 : i32
      %dma_start3A_403 = arith.constant 0 : i32
      %dma_start3A_404 = tpu.memref_slice %arg3[%multiple_of3A_402, %dma_start3A_403] : memref<320000x128xf32, #tpu.memory_space<hbm>> -> memref<128x128xf32, #tpu.memory_space<hbm>>
      %dma_start3A_405 = arith.constant 0 : i32
      %dma_start3A_406 = tpu.memref_slice %arg3[%multiple_of3A_402, %dma_start3A_405] : memref<320000x128xf32, #tpu.memory_space<hbm>> -> memref<128x128xf32, #tpu.memory_space<hbm>>
      tpu.enqueue_dma source(%dma_start3A_406 : memref<128x128xf32, #tpu.memory_space<hbm>>) target(%arg11 : memref<128x128xf32, #tpu.memory_space<vmem>>) target_semaphore(%arg17 : memref<!tpu.dma_semaphore, #tpu.memory_space<semaphore_mem>>)
      %add3A_407 = arith.constant 1 : i32
      %add3A_408 = arith.addi %mul3A_127, %add3A_407 : i32
      %get3A_409 = arith.constant 0 : i32
      %get3A_410 = arith.index_cast %add3A_408 : i32 to index
      %get3A_411 = arith.index_cast %get3A_409 : i32 to index
      %get3A_412 = arith.constant 0 : index
      %get3A_413 = tpu.vector_load %arg8[%get3A_410, %get3A_411, %get3A_412] {strides = array<i32>} : memref<157x1x128xi32, #tpu.memory_space<vmem>>, vector<1x1x16xi32>,
      %get3A_414 = vector.shape_cast %get3A_413 : vector<1x1x16xi32> to vector<16xi32>
      %sub3A_415 = vector.broadcast %mul3A_65 : i32 to vector<16xi32>
      %sub3A_416 = arith.subi %get3A_414, %sub3A_415 : vector<16xi32>
      %ge3A_417 = arith.constant 0 : i32
      %ge3A_418 = vector.broadcast %ge3A_417 : i32 to vector<16xi32>
      %ge3A_419 = arith.cmpi sge, %sub3A_416, %ge3A_418 : vector<16xi32>
      %lt3A_420 = arith.constant 2500 : i32
      %lt3A_421 = vector.broadcast %lt3A_420 : i32 to vector<16xi32>
      %lt3A_422 = arith.cmpi slt, %sub3A_416, %lt3A_421 : vector<16xi32>
      %and3A_423 = arith.andi %ge3A_419, %lt3A_422 : vector<16xi1>
      %and3A_424 = arith.constant 31 : i32
      %and3A_425 = vector.broadcast %and3A_424 : i32 to vector<16xi32>
      %and3A_426 = arith.andi %get3A_414, %and3A_425 : vector<16xi32>
      %add3A_427 = arith.constant 2500 : i32
      %add3A_428 = vector.broadcast %add3A_427 : i32 to vector<16xi32>
      %add3A_429 = arith.addi %add3A_428, %and3A_426 : vector<16xi32>
      %select_n3A_430 = arith.select %and3A_423, %sub3A_416, %add3A_429 : vector<16xi1>, vector<16xi32>
      %swap3A_431 = arith.constant 0 : i32
      %swap3A_432 = arith.index_cast %swap3A_431 : i32 to index
      %swap3A_433 = arith.constant 0 : index
      %swap3A_434 = tpu.vector_load %arg9[%swap3A_432, %swap3A_433] {strides = array<i32>} : memref<1x128xi32, #tpu.memory_space<vmem>>, vector<1x16xi32>,
      %swap3A_435 = vector.shape_cast %swap3A_434 : vector<1x16xi32> to vector<16xi32>
      %swap3A_436 = vector.shape_cast %select_n3A_430 : vector<16xi32> to vector<1x16xi32>
      tpu.vector_store %arg9[%swap3A_432, %swap3A_433], %swap3A_436 {strides = array<i32>} : memref<1x128xi32, #tpu.memory_space<vmem>>, vector<1x16xi32>,
      %get3A_437 = arith.constant 0 : i32
      %get3A_438 = arith.index_cast %add3A_408 : i32 to index
      %get3A_439 = arith.index_cast %get3A_437 : i32 to index
      %get3A_440 = arith.constant 16 : index
      %get3A_441 = tpu.vector_load %arg8[%get3A_438, %get3A_439, %get3A_440] {strides = array<i32>} : memref<157x1x128xi32, #tpu.memory_space<vmem>>, vector<1x1x16xi32>,
      %get3A_442 = vector.shape_cast %get3A_441 : vector<1x1x16xi32> to vector<16xi32>
      %sub3A_443 = vector.broadcast %mul3A_65 : i32 to vector<16xi32>
      %sub3A_444 = arith.subi %get3A_442, %sub3A_443 : vector<16xi32>
      %ge3A_445 = arith.constant 0 : i32
      %ge3A_446 = vector.broadcast %ge3A_445 : i32 to vector<16xi32>
      %ge3A_447 = arith.cmpi sge, %sub3A_444, %ge3A_446 : vector<16xi32>
      %lt3A_448 = arith.constant 2500 : i32
      %lt3A_449 = vector.broadcast %lt3A_448 : i32 to vector<16xi32>
      %lt3A_450 = arith.cmpi slt, %sub3A_444, %lt3A_449 : vector<16xi32>
      %and3A_451 = arith.andi %ge3A_447, %lt3A_450 : vector<16xi1>
      %and3A_452 = arith.constant 31 : i32
      %and3A_453 = vector.broadcast %and3A_452 : i32 to vector<16xi32>
      %and3A_454 = arith.andi %get3A_442, %and3A_453 : vector<16xi32>
      %add3A_455 = arith.constant 2500 : i32
      %add3A_456 = vector.broadcast %add3A_455 : i32 to vector<16xi32>
      %add3A_457 = arith.addi %add3A_456, %and3A_454 : vector<16xi32>
      %select_n3A_458 = arith.select %and3A_451, %sub3A_444, %add3A_457 : vector<16xi1>, vector<16xi32>
      %swap3A_459 = arith.constant 0 : i32
      %swap3A_460 = arith.index_cast %swap3A_459 : i32 to index
      %swap3A_461 = arith.constant 16 : index
      %swap3A_462 = tpu.vector_load %arg9[%swap3A_460, %swap3A_461] {strides = array<i32>} : memref<1x128xi32, #tpu.memory_space<vmem>>, vector<1x16xi32>,
      %swap3A_463 = vector.shape_cast %swap3A_462 : vector<1x16xi32> to vector<16xi32>
      %swap3A_464 = vector.shape_cast %select_n3A_458 : vector<16xi32> to vector<1x16xi32>
      tpu.vector_store %arg9[%swap3A_460, %swap3A_461], %swap3A_464 {strides = array<i32>} : memref<1x128xi32, #tpu.memory_space<vmem>>, vector<1x16xi32>,
      %get3A_465 = arith.constant 0 : i32
      %get3A_466 = arith.index_cast %add3A_408 : i32 to index
      %get3A_467 = arith.index_cast %get3A_465 : i32 to index
      %get3A_468 = arith.constant 32 : index
      %get3A_469 = tpu.vector_load %arg8[%get3A_466, %get3A_467, %get3A_468] {strides = array<i32>} : memref<157x1x128xi32, #tpu.memory_space<vmem>>, vector<1x1x16xi32>,
      %get3A_470 = vector.shape_cast %get3A_469 : vector<1x1x16xi32> to vector<16xi32>
      %sub3A_471 = vector.broadcast %mul3A_65 : i32 to vector<16xi32>
      %sub3A_472 = arith.subi %get3A_470, %sub3A_471 : vector<16xi32>
      %ge3A_473 = arith.constant 0 : i32
      %ge3A_474 = vector.broadcast %ge3A_473 : i32 to vector<16xi32>
      %ge3A_475 = arith.cmpi sge, %sub3A_472, %ge3A_474 : vector<16xi32>
      %lt3A_476 = arith.constant 2500 : i32
      %lt3A_477 = vector.broadcast %lt3A_476 : i32 to vector<16xi32>
      %lt3A_478 = arith.cmpi slt, %sub3A_472, %lt3A_477 : vector<16xi32>
      %and3A_479 = arith.andi %ge3A_475, %lt3A_478 : vector<16xi1>
      %and3A_480 = arith.constant 31 : i32
      %and3A_481 = vector.broadcast %and3A_480 : i32 to vector<16xi32>
      %and3A_482 = arith.andi %get3A_470, %and3A_481 : vector<16xi32>
      %add3A_483 = arith.constant 2500 : i32
      %add3A_484 = vector.broadcast %add3A_483 : i32 to vector<16xi32>
      %add3A_485 = arith.addi %add3A_484, %and3A_482 : vector<16xi32>
      %select_n3A_486 = arith.select %and3A_479, %sub3A_472, %add3A_485 : vector<16xi1>, vector<16xi32>
      %swap3A_487 = arith.constant 0 : i32
      %swap3A_488 = arith.index_cast %swap3A_487 : i32 to index
      %swap3A_489 = arith.constant 32 : index
      %swap3A_490 = tpu.vector_load %arg9[%swap3A_488, %swap3A_489] {strides = array<i32>} : memref<1x128xi32, #tpu.memory_space<vmem>>, vector<1x16xi32>,
      %swap3A_491 = vector.shape_cast %swap3A_490 : vector<1x16xi32> to vector<16xi32>
      %swap3A_492 = vector.shape_cast %select_n3A_486 : vector<16xi32> to vector<1x16xi32>
      tpu.vector_store %arg9[%swap3A_488, %swap3A_489], %swap3A_492 {strides = array<i32>} : memref<1x128xi32, #tpu.memory_space<vmem>>, vector<1x16xi32>,
      %get3A_493 = arith.constant 0 : i32
      %get3A_494 = arith.index_cast %add3A_408 : i32 to index
      %get3A_495 = arith.index_cast %get3A_493 : i32 to index
      %get3A_496 = arith.constant 48 : index
      %get3A_497 = tpu.vector_load %arg8[%get3A_494, %get3A_495, %get3A_496] {strides = array<i32>} : memref<157x1x128xi32, #tpu.memory_space<vmem>>, vector<1x1x16xi32>,
      %get3A_498 = vector.shape_cast %get3A_497 : vector<1x1x16xi32> to vector<16xi32>
      %sub3A_499 = vector.broadcast %mul3A_65 : i32 to vector<16xi32>
      %sub3A_500 = arith.subi %get3A_498, %sub3A_499 : vector<16xi32>
      %ge3A_501 = arith.constant 0 : i32
      %ge3A_502 = vector.broadcast %ge3A_501 : i32 to vector<16xi32>
      %ge3A_503 = arith.cmpi sge, %sub3A_500, %ge3A_502 : vector<16xi32>
      %lt3A_504 = arith.constant 2500 : i32
      %lt3A_505 = vector.broadcast %lt3A_504 : i32 to vector<16xi32>
      %lt3A_506 = arith.cmpi slt, %sub3A_500, %lt3A_505 : vector<16xi32>
      %and3A_507 = arith.andi %ge3A_503, %lt3A_506 : vector<16xi1>
      %and3A_508 = arith.constant 31 : i32
      %and3A_509 = vector.broadcast %and3A_508 : i32 to vector<16xi32>
      %and3A_510 = arith.andi %get3A_498, %and3A_509 : vector<16xi32>
      %add3A_511 = arith.constant 2500 : i32
      %add3A_512 = vector.broadcast %add3A_511 : i32 to vector<16xi32>
      %add3A_513 = arith.addi %add3A_512, %and3A_510 : vector<16xi32>
      %select_n3A_514 = arith.select %and3A_507, %sub3A_500, %add3A_513 : vector<16xi1>, vector<16xi32>
      %swap3A_515 = arith.constant 0 : i32
      %swap3A_516 = arith.index_cast %swap3A_515 : i32 to index
      %swap3A_517 = arith.constant 48 : index
      %swap3A_518 = tpu.vector_load %arg9[%swap3A_516, %swap3A_517] {strides = array<i32>} : memref<1x128xi32, #tpu.memory_space<vmem>>, vector<1x16xi32>,
      %swap3A_519 = vector.shape_cast %swap3A_518 : vector<1x16xi32> to vector<16xi32>
      %swap3A_520 = vector.shape_cast %select_n3A_514 : vector<16xi32> to vector<1x16xi32>
      tpu.vector_store %arg9[%swap3A_516, %swap3A_517], %swap3A_520 {strides = array<i32>} : memref<1x128xi32, #tpu.memory_space<vmem>>, vector<1x16xi32>,
      %get3A_521 = arith.constant 0 : i32
      %get3A_522 = arith.index_cast %add3A_408 : i32 to index
      %get3A_523 = arith.index_cast %get3A_521 : i32 to index
      %get3A_524 = arith.constant 64 : index
      %get3A_525 = tpu.vector_load %arg8[%get3A_522, %get3A_523, %get3A_524] {strides = array<i32>} : memref<157x1x128xi32, #tpu.memory_space<vmem>>, vector<1x1x16xi32>,
      %get3A_526 = vector.shape_cast %get3A_525 : vector<1x1x16xi32> to vector<16xi32>
      %sub3A_527 = vector.broadcast %mul3A_65 : i32 to vector<16xi32>
      %sub3A_528 = arith.subi %get3A_526, %sub3A_527 : vector<16xi32>
      %ge3A_529 = arith.constant 0 : i32
      %ge3A_530 = vector.broadcast %ge3A_529 : i32 to vector<16xi32>
      %ge3A_531 = arith.cmpi sge, %sub3A_528, %ge3A_530 : vector<16xi32>
      %lt3A_532 = arith.constant 2500 : i32
      %lt3A_533 = vector.broadcast %lt3A_532 : i32 to vector<16xi32>
      %lt3A_534 = arith.cmpi slt, %sub3A_528, %lt3A_533 : vector<16xi32>
      %and3A_535 = arith.andi %ge3A_531, %lt3A_534 : vector<16xi1>
      %and3A_536 = arith.constant 31 : i32
      %and3A_537 = vector.broadcast %and3A_536 : i32 to vector<16xi32>
      %and3A_538 = arith.andi %get3A_526, %and3A_537 : vector<16xi32>
      %add3A_539 = arith.constant 2500 : i32
      %add3A_540 = vector.broadcast %add3A_539 : i32 to vector<16xi32>
      %add3A_541 = arith.addi %add3A_540, %and3A_538 : vector<16xi32>
      %select_n3A_542 = arith.select %and3A_535, %sub3A_528, %add3A_541 : vector<16xi1>, vector<16xi32>
      %swap3A_543 = arith.constant 0 : i32
      %swap3A_544 = arith.index_cast %swap3A_543 : i32 to index
      %swap3A_545 = arith.constant 64 : index
      %swap3A_546 = tpu.vector_load %arg9[%swap3A_544, %swap3A_545] {strides = array<i32>} : memref<1x128xi32, #tpu.memory_space<vmem>>, vector<1x16xi32>,
      %swap3A_547 = vector.shape_cast %swap3A_546 : vector<1x16xi32> to vector<16xi32>
      %swap3A_548 = vector.shape_cast %select_n3A_542 : vector<16xi32> to vector<1x16xi32>
      tpu.vector_store %arg9[%swap3A_544, %swap3A_545], %swap3A_548 {strides = array<i32>} : memref<1x128xi32, #tpu.memory_space<vmem>>, vector<1x16xi32>,
      %get3A_549 = arith.constant 0 : i32
      %get3A_550 = arith.index_cast %add3A_408 : i32 to index
      %get3A_551 = arith.index_cast %get3A_549 : i32 to index
      %get3A_552 = arith.constant 80 : index
      %get3A_553 = tpu.vector_load %arg8[%get3A_550, %get3A_551, %get3A_552] {strides = array<i32>} : memref<157x1x128xi32, #tpu.memory_space<vmem>>, vector<1x1x16xi32>,
      %get3A_554 = vector.shape_cast %get3A_553 : vector<1x1x16xi32> to vector<16xi32>
      %sub3A_555 = vector.broadcast %mul3A_65 : i32 to vector<16xi32>
      %sub3A_556 = arith.subi %get3A_554, %sub3A_555 : vector<16xi32>
      %ge3A_557 = arith.constant 0 : i32
      %ge3A_558 = vector.broadcast %ge3A_557 : i32 to vector<16xi32>
      %ge3A_559 = arith.cmpi sge, %sub3A_556, %ge3A_558 : vector<16xi32>
      %lt3A_560 = arith.constant 2500 : i32
      %lt3A_561 = vector.broadcast %lt3A_560 : i32 to vector<16xi32>
      %lt3A_562 = arith.cmpi slt, %sub3A_556, %lt3A_561 : vector<16xi32>
      %and3A_563 = arith.andi %ge3A_559, %lt3A_562 : vector<16xi1>
      %and3A_564 = arith.constant 31 : i32
      %and3A_565 = vector.broadcast %and3A_564 : i32 to vector<16xi32>
      %and3A_566 = arith.andi %get3A_554, %and3A_565 : vector<16xi32>
      %add3A_567 = arith.constant 2500 : i32
      %add3A_568 = vector.broadcast %add3A_567 : i32 to vector<16xi32>
      %add3A_569 = arith.addi %add3A_568, %and3A_566 : vector<16xi32>
      %select_n3A_570 = arith.select %and3A_563, %sub3A_556, %add3A_569 : vector<16xi1>, vector<16xi32>
      %swap3A_571 = arith.constant 0 : i32
      %swap3A_572 = arith.index_cast %swap3A_571 : i32 to index
      %swap3A_573 = arith.constant 80 : index
      %swap3A_574 = tpu.vector_load %arg9[%swap3A_572, %swap3A_573] {strides = array<i32>} : memref<1x128xi32, #tpu.memory_space<vmem>>, vector<1x16xi32>,
      %swap3A_575 = vector.shape_cast %swap3A_574 : vector<1x16xi32> to vector<16xi32>
      %swap3A_576 = vector.shape_cast %select_n3A_570 : vector<16xi32> to vector<1x16xi32>
      tpu.vector_store %arg9[%swap3A_572, %swap3A_573], %swap3A_576 {strides = array<i32>} : memref<1x128xi32, #tpu.memory_space<vmem>>, vector<1x16xi32>,
      %get3A_577 = arith.constant 0 : i32
      %get3A_578 = arith.index_cast %add3A_408 : i32 to index
      %get3A_579 = arith.index_cast %get3A_577 : i32 to index
      %get3A_580 = arith.constant 96 : index
      %get3A_581 = tpu.vector_load %arg8[%get3A_578, %get3A_579, %get3A_580] {strides = array<i32>} : memref<157x1x128xi32, #tpu.memory_space<vmem>>, vector<1x1x16xi32>,
      %get3A_582 = vector.shape_cast %get3A_581 : vector<1x1x16xi32> to vector<16xi32>
      %sub3A_583 = vector.broadcast %mul3A_65 : i32 to vector<16xi32>
      %sub3A_584 = arith.subi %get3A_582, %sub3A_583 : vector<16xi32>
      %ge3A_585 = arith.constant 0 : i32
      %ge3A_586 = vector.broadcast %ge3A_585 : i32 to vector<16xi32>
      %ge3A_587 = arith.cmpi sge, %sub3A_584, %ge3A_586 : vector<16xi32>
      %lt3A_588 = arith.constant 2500 : i32
      %lt3A_589 = vector.broadcast %lt3A_588 : i32 to vector<16xi32>
      %lt3A_590 = arith.cmpi slt, %sub3A_584, %lt3A_589 : vector<16xi32>
      %and3A_591 = arith.andi %ge3A_587, %lt3A_590 : vector<16xi1>
      %and3A_592 = arith.constant 31 : i32
      %and3A_593 = vector.broadcast %and3A_592 : i32 to vector<16xi32>
      %and3A_594 = arith.andi %get3A_582, %and3A_593 : vector<16xi32>
      %add3A_595 = arith.constant 2500 : i32
      %add3A_596 = vector.broadcast %add3A_595 : i32 to vector<16xi32>
      %add3A_597 = arith.addi %add3A_596, %and3A_594 : vector<16xi32>
      %select_n3A_598 = arith.select %and3A_591, %sub3A_584, %add3A_597 : vector<16xi1>, vector<16xi32>
      %swap3A_599 = arith.constant 0 : i32
      %swap3A_600 = arith.index_cast %swap3A_599 : i32 to index
      %swap3A_601 = arith.constant 96 : index
      %swap3A_602 = tpu.vector_load %arg9[%swap3A_600, %swap3A_601] {strides = array<i32>} : memref<1x128xi32, #tpu.memory_space<vmem>>, vector<1x16xi32>,
      %swap3A_603 = vector.shape_cast %swap3A_602 : vector<1x16xi32> to vector<16xi32>
      %swap3A_604 = vector.shape_cast %select_n3A_598 : vector<16xi32> to vector<1x16xi32>
      tpu.vector_store %arg9[%swap3A_600, %swap3A_601], %swap3A_604 {strides = array<i32>} : memref<1x128xi32, #tpu.memory_space<vmem>>, vector<1x16xi32>,
      %get3A_605 = arith.constant 0 : i32
      %get3A_606 = arith.index_cast %add3A_408 : i32 to index
      %get3A_607 = arith.index_cast %get3A_605 : i32 to index
      %get3A_608 = arith.constant 112 : index
      %get3A_609 = tpu.vector_load %arg8[%get3A_606, %get3A_607, %get3A_608] {strides = array<i32>} : memref<157x1x128xi32, #tpu.memory_space<vmem>>, vector<1x1x16xi32>,
      %get3A_610 = vector.shape_cast %get3A_609 : vector<1x1x16xi32> to vector<16xi32>
      %sub3A_611 = vector.broadcast %mul3A_65 : i32 to vector<16xi32>
      %sub3A_612 = arith.subi %get3A_610, %sub3A_611 : vector<16xi32>
      %ge3A_613 = arith.constant 0 : i32
      %ge3A_614 = vector.broadcast %ge3A_613 : i32 to vector<16xi32>
      %ge3A_615 = arith.cmpi sge, %sub3A_612, %ge3A_614 : vector<16xi32>
      %lt3A_616 = arith.constant 2500 : i32
      %lt3A_617 = vector.broadcast %lt3A_616 : i32 to vector<16xi32>
      %lt3A_618 = arith.cmpi slt, %sub3A_612, %lt3A_617 : vector<16xi32>
      %and3A_619 = arith.andi %ge3A_615, %lt3A_618 : vector<16xi1>
      %and3A_620 = arith.constant 31 : i32
      %and3A_621 = vector.broadcast %and3A_620 : i32 to vector<16xi32>
      %and3A_622 = arith.andi %get3A_610, %and3A_621 : vector<16xi32>
      %add3A_623 = arith.constant 2500 : i32
      %add3A_624 = vector.broadcast %add3A_623 : i32 to vector<16xi32>
      %add3A_625 = arith.addi %add3A_624, %and3A_622 : vector<16xi32>
      %select_n3A_626 = arith.select %and3A_619, %sub3A_612, %add3A_625 : vector<16xi1>, vector<16xi32>
      %swap3A_627 = arith.constant 0 : i32
      %swap3A_628 = arith.index_cast %swap3A_627 : i32 to index
      %swap3A_629 = arith.constant 112 : index
      %swap3A_630 = tpu.vector_load %arg9[%swap3A_628, %swap3A_629] {strides = array<i32>} : memref<1x128xi32, #tpu.memory_space<vmem>>, vector<1x16xi32>,
      %swap3A_631 = vector.shape_cast %swap3A_630 : vector<1x16xi32> to vector<16xi32>
      %swap3A_632 = vector.shape_cast %select_n3A_626 : vector<16xi32> to vector<1x16xi32>
      tpu.vector_store %arg9[%swap3A_628, %swap3A_629], %swap3A_632 {strides = array<i32>} : memref<1x128xi32, #tpu.memory_space<vmem>>, vector<1x16xi32>,
      %dma_wait3A_633 = arith.constant 0 : i32
      %dma_wait3A_634 = arith.constant 0 : i32
      %dma_wait3A_635 = arith.constant 0 : i32
      %dma_wait3A_636 = tpu.memref_slice %arg7[%dma_wait3A_633, %dma_wait3A_634, %dma_wait3A_635] : memref<157x1x128xi32, #tpu.memory_space<vmem>> -> memref<1x1x128xi32, #tpu.memory_space<vmem>>
      %dma_wait3A_637 = tpu.memref_squeeze %dma_wait3A_636 : memref<1x1x128xi32, #tpu.memory_space<vmem>> -> memref<128xi32, #tpu.memory_space<vmem>>
      %dma_wait3A_638 = arith.constant 0 : i32
      %dma_wait3A_639 = arith.constant 0 : i32
      %dma_wait3A_640 = tpu.memref_slice %arg2[%dma_wait3A_638, %dma_wait3A_639] : memref<10000x128xf32, #tpu.memory_space<hbm>> -> memref<10000x128xf32, #tpu.memory_space<hbm>>
      tpu.wait_indirect_dma semaphore(%arg18 : memref<!tpu.dma_semaphore, #tpu.memory_space<semaphore_mem>>) src(%dma_wait3A_640 : memref<10000x128xf32, #tpu.memory_space<hbm>>) dst(%arg12 : memref<128x128xf32, #tpu.memory_space<vmem>>)
      %dma_wait3A_641 = arith.constant 0 : i32
      %dma_wait3A_642 = arith.constant 0 : i32
      %dma_wait3A_643 = tpu.memref_slice %arg3[%dma_wait3A_641, %dma_wait3A_642] : memref<320000x128xf32, #tpu.memory_space<hbm>> -> memref<128x128xf32, #tpu.memory_space<hbm>>
      %dma_wait3A_644 = arith.constant 0 : i32
      %dma_wait3A_645 = arith.constant 0 : i32
      %dma_wait3A_646 = tpu.memref_slice %arg3[%dma_wait3A_644, %dma_wait3A_645] : memref<320000x128xf32, #tpu.memory_space<hbm>> -> memref<128x128xf32, #tpu.memory_space<hbm>>
      tpu.wait_dma2 semaphore(%arg19 : memref<!tpu.dma_semaphore, #tpu.memory_space<semaphore_mem>>) src(%dma_wait3A_646 : memref<128x128xf32, #tpu.memory_space<hbm>>) dst(%arg13 : memref<128x128xf32, #tpu.memory_space<vmem>>)
      %scan3A_647 = arith.constant 0 : i32
      %scan3A_648 = arith.constant 128 : i32
      %scan3A_649 = arith.addi %scan3A_647, %scan3A_648 : i32
      %scan3A_650 = arith.constant 1 : i32
      scf.for %scan3A_653 = %scan3A_647 to %scan3A_649 step %scan3A_650  : i32 {
        %mul3A_654 = arith.constant 1 : i32
        %mul3A_655 = arith.muli %scan3A_653, %mul3A_654 : i32
        %add3A_656 = arith.constant 0 : i32
        %add3A_657 = arith.addi %add3A_656, %mul3A_655 : i32
        %get3A_658 = arith.index_cast %add3A_657 : i32 to index
        %get3A_659 = arith.constant 0 : index
        %get3A_660 = tpu.vector_load %arg12[%get3A_658, %get3A_659] {strides = array<i32>} : memref<128x128xf32, #tpu.memory_space<vmem>>, vector<1x16xf32>,
        %get3A_661 = vector.shape_cast %get3A_660 : vector<1x16xf32> to vector<16xf32>
        %get3A_662 = arith.index_cast %add3A_657 : i32 to index
        %get3A_663 = arith.constant 0 : index
        %get3A_664 = tpu.vector_load %arg13[%get3A_662, %get3A_663] {strides = array<i32>} : memref<128x128xf32, #tpu.memory_space<vmem>>, vector<1x16xf32>,
        %get3A_665 = vector.shape_cast %get3A_664 : vector<1x16xf32> to vector<16xf32>
        %mul3A_666 = arith.mulf %get3A_661, %get3A_665 : vector<16xf32>
        %swap3A_667 = arith.index_cast %add3A_657 : i32 to index
        %swap3A_668 = arith.constant 0 : index
        %swap3A_669 = tpu.vector_load %arg12[%swap3A_667, %swap3A_668] {strides = array<i32>} : memref<128x128xf32, #tpu.memory_space<vmem>>, vector<1x16xf32>,
        %swap3A_670 = vector.shape_cast %swap3A_669 : vector<1x16xf32> to vector<16xf32>
        %swap3A_671 = vector.shape_cast %mul3A_666 : vector<16xf32> to vector<1x16xf32>
        tpu.vector_store %arg12[%swap3A_667, %swap3A_668], %swap3A_671 {strides = array<i32>} : memref<128x128xf32, #tpu.memory_space<vmem>>, vector<1x16xf32>,
        %get3A_672 = arith.index_cast %add3A_657 : i32 to index
        %get3A_673 = arith.constant 16 : index
        %get3A_674 = tpu.vector_load %arg12[%get3A_672, %get3A_673] {strides = array<i32>} : memref<128x128xf32, #tpu.memory_space<vmem>>, vector<1x16xf32>,
        %get3A_675 = vector.shape_cast %get3A_674 : vector<1x16xf32> to vector<16xf32>
        %get3A_676 = arith.index_cast %add3A_657 : i32 to index
        %get3A_677 = arith.constant 16 : index
        %get3A_678 = tpu.vector_load %arg13[%get3A_676, %get3A_677] {strides = array<i32>} : memref<128x128xf32, #tpu.memory_space<vmem>>, vector<1x16xf32>,
        %get3A_679 = vector.shape_cast %get3A_678 : vector<1x16xf32> to vector<16xf32>
        %mul3A_680 = arith.mulf %get3A_675, %get3A_679 : vector<16xf32>
        %swap3A_681 = arith.index_cast %add3A_657 : i32 to index
        %swap3A_682 = arith.constant 16 : index
        %swap3A_683 = tpu.vector_load %arg12[%swap3A_681, %swap3A_682] {strides = array<i32>} : memref<128x128xf32, #tpu.memory_space<vmem>>, vector<1x16xf32>,
        %swap3A_684 = vector.shape_cast %swap3A_683 : vector<1x16xf32> to vector<16xf32>
        %swap3A_685 = vector.shape_cast %mul3A_680 : vector<16xf32> to vector<1x16xf32>
        tpu.vector_store %arg12[%swap3A_681, %swap3A_682], %swap3A_685 {strides = array<i32>} : memref<128x128xf32, #tpu.memory_space<vmem>>, vector<1x16xf32>,
        %get3A_686 = arith.index_cast %add3A_657 : i32 to index
        %get3A_687 = arith.constant 32 : index
        %get3A_688 = tpu.vector_load %arg12[%get3A_686, %get3A_687] {strides = array<i32>} : memref<128x128xf32, #tpu.memory_space<vmem>>, vector<1x16xf32>,
        %get3A_689 = vector.shape_cast %get3A_688 : vector<1x16xf32> to vector<16xf32>
        %get3A_690 = arith.index_cast %add3A_657 : i32 to index
        %get3A_691 = arith.constant 32 : index
        %get3A_692 = tpu.vector_load %arg13[%get3A_690, %get3A_691] {strides = array<i32>} : memref<128x128xf32, #tpu.memory_space<vmem>>, vector<1x16xf32>,
        %get3A_693 = vector.shape_cast %get3A_692 : vector<1x16xf32> to vector<16xf32>
        %mul3A_694 = arith.mulf %get3A_689, %get3A_693 : vector<16xf32>
        %swap3A_695 = arith.index_cast %add3A_657 : i32 to index
        %swap3A_696 = arith.constant 32 : index
        %swap3A_697 = tpu.vector_load %arg12[%swap3A_695, %swap3A_696] {strides = array<i32>} : memref<128x128xf32, #tpu.memory_space<vmem>>, vector<1x16xf32>,
        %swap3A_698 = vector.shape_cast %swap3A_697 : vector<1x16xf32> to vector<16xf32>
        %swap3A_699 = vector.shape_cast %mul3A_694 : vector<16xf32> to vector<1x16xf32>
        tpu.vector_store %arg12[%swap3A_695, %swap3A_696], %swap3A_699 {strides = array<i32>} : memref<128x128xf32, #tpu.memory_space<vmem>>, vector<1x16xf32>,
        %get3A_700 = arith.index_cast %add3A_657 : i32 to index
        %get3A_701 = arith.constant 48 : index
        %get3A_702 = tpu.vector_load %arg12[%get3A_700, %get3A_701] {strides = array<i32>} : memref<128x128xf32, #tpu.memory_space<vmem>>, vector<1x16xf32>,
        %get3A_703 = vector.shape_cast %get3A_702 : vector<1x16xf32> to vector<16xf32>
        %get3A_704 = arith.index_cast %add3A_657 : i32 to index
        %get3A_705 = arith.constant 48 : index
        %get3A_706 = tpu.vector_load %arg13[%get3A_704, %get3A_705] {strides = array<i32>} : memref<128x128xf32, #tpu.memory_space<vmem>>, vector<1x16xf32>,
        %get3A_707 = vector.shape_cast %get3A_706 : vector<1x16xf32> to vector<16xf32>
        %mul3A_708 = arith.mulf %get3A_703, %get3A_707 : vector<16xf32>
        %swap3A_709 = arith.index_cast %add3A_657 : i32 to index
        %swap3A_710 = arith.constant 48 : index
        %swap3A_711 = tpu.vector_load %arg12[%swap3A_709, %swap3A_710] {strides = array<i32>} : memref<128x128xf32, #tpu.memory_space<vmem>>, vector<1x16xf32>,
        %swap3A_712 = vector.shape_cast %swap3A_711 : vector<1x16xf32> to vector<16xf32>
        %swap3A_713 = vector.shape_cast %mul3A_708 : vector<16xf32> to vector<1x16xf32>
        tpu.vector_store %arg12[%swap3A_709, %swap3A_710], %swap3A_713 {strides = array<i32>} : memref<128x128xf32, #tpu.memory_space<vmem>>, vector<1x16xf32>,
        %get3A_714 = arith.index_cast %add3A_657 : i32 to index
        %get3A_715 = arith.constant 64 : index
        %get3A_716 = tpu.vector_load %arg12[%get3A_714, %get3A_715] {strides = array<i32>} : memref<128x128xf32, #tpu.memory_space<vmem>>, vector<1x16xf32>,
        %get3A_717 = vector.shape_cast %get3A_716 : vector<1x16xf32> to vector<16xf32>
        %get3A_718 = arith.index_cast %add3A_657 : i32 to index
        %get3A_719 = arith.constant 64 : index
        %get3A_720 = tpu.vector_load %arg13[%get3A_718, %get3A_719] {strides = array<i32>} : memref<128x128xf32, #tpu.memory_space<vmem>>, vector<1x16xf32>,
        %get3A_721 = vector.shape_cast %get3A_720 : vector<1x16xf32> to vector<16xf32>
        %mul3A_722 = arith.mulf %get3A_717, %get3A_721 : vector<16xf32>
        %swap3A_723 = arith.index_cast %add3A_657 : i32 to index
        %swap3A_724 = arith.constant 64 : index
        %swap3A_725 = tpu.vector_load %arg12[%swap3A_723, %swap3A_724] {strides = array<i32>} : memref<128x128xf32, #tpu.memory_space<vmem>>, vector<1x16xf32>,
        %swap3A_726 = vector.shape_cast %swap3A_725 : vector<1x16xf32> to vector<16xf32>
        %swap3A_727 = vector.shape_cast %mul3A_722 : vector<16xf32> to vector<1x16xf32>
        tpu.vector_store %arg12[%swap3A_723, %swap3A_724], %swap3A_727 {strides = array<i32>} : memref<128x128xf32, #tpu.memory_space<vmem>>, vector<1x16xf32>,
        %get3A_728 = arith.index_cast %add3A_657 : i32 to index
        %get3A_729 = arith.constant 80 : index
        %get3A_730 = tpu.vector_load %arg12[%get3A_728, %get3A_729] {strides = array<i32>} : memref<128x128xf32, #tpu.memory_space<vmem>>, vector<1x16xf32>,
        %get3A_731 = vector.shape_cast %get3A_730 : vector<1x16xf32> to vector<16xf32>
        %get3A_732 = arith.index_cast %add3A_657 : i32 to index
        %get3A_733 = arith.constant 80 : index
        %get3A_734 = tpu.vector_load %arg13[%get3A_732, %get3A_733] {strides = array<i32>} : memref<128x128xf32, #tpu.memory_space<vmem>>, vector<1x16xf32>,
        %get3A_735 = vector.shape_cast %get3A_734 : vector<1x16xf32> to vector<16xf32>
        %mul3A_736 = arith.mulf %get3A_731, %get3A_735 : vector<16xf32>
        %swap3A_737 = arith.index_cast %add3A_657 : i32 to index
        %swap3A_738 = arith.constant 80 : index
        %swap3A_739 = tpu.vector_load %arg12[%swap3A_737, %swap3A_738] {strides = array<i32>} : memref<128x128xf32, #tpu.memory_space<vmem>>, vector<1x16xf32>,
        %swap3A_740 = vector.shape_cast %swap3A_739 : vector<1x16xf32> to vector<16xf32>
        %swap3A_741 = vector.shape_cast %mul3A_736 : vector<16xf32> to vector<1x16xf32>
        tpu.vector_store %arg12[%swap3A_737, %swap3A_738], %swap3A_741 {strides = array<i32>} : memref<128x128xf32, #tpu.memory_space<vmem>>, vector<1x16xf32>,
        %get3A_742 = arith.index_cast %add3A_657 : i32 to index
        %get3A_743 = arith.constant 96 : index
        %get3A_744 = tpu.vector_load %arg12[%get3A_742, %get3A_743] {strides = array<i32>} : memref<128x128xf32, #tpu.memory_space<vmem>>, vector<1x16xf32>,
        %get3A_745 = vector.shape_cast %get3A_744 : vector<1x16xf32> to vector<16xf32>
        %get3A_746 = arith.index_cast %add3A_657 : i32 to index
        %get3A_747 = arith.constant 96 : index
        %get3A_748 = tpu.vector_load %arg13[%get3A_746, %get3A_747] {strides = array<i32>} : memref<128x128xf32, #tpu.memory_space<vmem>>, vector<1x16xf32>,
        %get3A_749 = vector.shape_cast %get3A_748 : vector<1x16xf32> to vector<16xf32>
        %mul3A_750 = arith.mulf %get3A_745, %get3A_749 : vector<16xf32>
        %swap3A_751 = arith.index_cast %add3A_657 : i32 to index
        %swap3A_752 = arith.constant 96 : index
        %swap3A_753 = tpu.vector_load %arg12[%swap3A_751, %swap3A_752] {strides = array<i32>} : memref<128x128xf32, #tpu.memory_space<vmem>>, vector<1x16xf32>,
        %swap3A_754 = vector.shape_cast %swap3A_753 : vector<1x16xf32> to vector<16xf32>
        %swap3A_755 = vector.shape_cast %mul3A_750 : vector<16xf32> to vector<1x16xf32>
        tpu.vector_store %arg12[%swap3A_751, %swap3A_752], %swap3A_755 {strides = array<i32>} : memref<128x128xf32, #tpu.memory_space<vmem>>, vector<1x16xf32>,
        %get3A_756 = arith.index_cast %add3A_657 : i32 to index
        %get3A_757 = arith.constant 112 : index
        %get3A_758 = tpu.vector_load %arg12[%get3A_756, %get3A_757] {strides = array<i32>} : memref<128x128xf32, #tpu.memory_space<vmem>>, vector<1x16xf32>,
        %get3A_759 = vector.shape_cast %get3A_758 : vector<1x16xf32> to vector<16xf32>
        %get3A_760 = arith.index_cast %add3A_657 : i32 to index
        %get3A_761 = arith.constant 112 : index
        %get3A_762 = tpu.vector_load %arg13[%get3A_760, %get3A_761] {strides = array<i32>} : memref<128x128xf32, #tpu.memory_space<vmem>>, vector<1x16xf32>,
        %get3A_763 = vector.shape_cast %get3A_762 : vector<1x16xf32> to vector<16xf32>
        %mul3A_764 = arith.mulf %get3A_759, %get3A_763 : vector<16xf32>
        %swap3A_765 = arith.index_cast %add3A_657 : i32 to index
        %swap3A_766 = arith.constant 112 : index
        %swap3A_767 = tpu.vector_load %arg12[%swap3A_765, %swap3A_766] {strides = array<i32>} : memref<128x128xf32, #tpu.memory_space<vmem>>, vector<1x16xf32>,
        %swap3A_768 = vector.shape_cast %swap3A_767 : vector<1x16xf32> to vector<16xf32>
        %swap3A_769 = vector.shape_cast %mul3A_764 : vector<16xf32> to vector<1x16xf32>
        tpu.vector_store %arg12[%swap3A_765, %swap3A_766], %swap3A_769 {strides = array<i32>} : memref<128x128xf32, #tpu.memory_space<vmem>>, vector<1x16xf32>,
      }
      %scan3A_651 = arith.constant 128 : i32
      %run_scoped3A_652 = arith.constant 0 : i32
      "tpu.region"() ({
        %run_scoped3A_653 = tpu.sem_alloc : memref<!tpu.dma_semaphore, #tpu.memory_space<semaphore_mem>>
        %dma_start3A_654 = arith.constant 0 : i32
        %dma_start3A_655 = tpu.memref_slice %arg9[%run_scoped3A_652, %dma_start3A_654] : memref<1x128xi32, #tpu.memory_space<vmem>> -> memref<1x128xi32, #tpu.memory_space<vmem>>
        %dma_start3A_656 = tpu.memref_squeeze %dma_start3A_655 : memref<1x128xi32, #tpu.memory_space<vmem>> -> memref<128xi32, #tpu.memory_space<vmem>>
        %dma_start3A_657 = arith.constant 0 : i32
        %dma_start3A_658 = arith.constant 0 : i32
        %dma_start3A_659 = tpu.memref_slice %arg15[%dma_start3A_657, %dma_start3A_658] : memref<2560x128xf32, #tpu.memory_space<vmem_shared>> -> memref<2560x128xf32, #tpu.memory_space<vmem_shared>>
        tpu.enqueue_indirect_dma source(%arg12 : memref<128x128xf32, #tpu.memory_space<vmem>>) target(%dma_start3A_659 : memref<2560x128xf32, #tpu.memory_space<vmem_shared>>) offsets(%dma_start3A_656 : memref<128xi32, #tpu.memory_space<vmem>>) semaphore(%run_scoped3A_653 : memref<!tpu.dma_semaphore, #tpu.memory_space<semaphore_mem>>) {add = true}
        %dma_wait3A_660 = arith.constant 0 : i32
        %dma_wait3A_661 = tpu.memref_slice %arg9[%run_scoped3A_652, %dma_wait3A_660] : memref<1x128xi32, #tpu.memory_space<vmem>> -> memref<1x128xi32, #tpu.memory_space<vmem>>
        %dma_wait3A_662 = tpu.memref_squeeze %dma_wait3A_661 : memref<1x128xi32, #tpu.memory_space<vmem>> -> memref<128xi32, #tpu.memory_space<vmem>>
        %dma_wait3A_663 = arith.constant 0 : i32
        %dma_wait3A_664 = arith.constant 0 : i32
        %dma_wait3A_665 = tpu.memref_slice %arg15[%dma_wait3A_663, %dma_wait3A_664] : memref<2560x128xf32, #tpu.memory_space<vmem_shared>> -> memref<2560x128xf32, #tpu.memory_space<vmem_shared>>
        tpu.wait_indirect_dma semaphore(%run_scoped3A_653 : memref<!tpu.dma_semaphore, #tpu.memory_space<semaphore_mem>>) src(%arg12 : memref<128x128xf32, #tpu.memory_space<vmem>>) dst(%dma_wait3A_665 : memref<2560x128xf32, #tpu.memory_space<vmem_shared>>)
        tpu.yield
      }) : () -> ()
    }
    %scan3A_105 = arith.constant 78 : i32
    %lt3A_106 = arith.constant 4 : i32
    %lt3A_107 = arith.cmpi slt, %arg1, %lt3A_106 : i32
    %convert_element_type3A_108 = arith.extui %lt3A_107 : i1 to i32
    %cond3A_109 = arith.constant 0 : i32
    %cond3A_110 = arith.cmpi ne, %convert_element_type3A_108, %cond3A_109 : i32
    scf.if %cond3A_110 {
      %get3A = arith.constant 156 : i32
      %get3A_121 = arith.constant 0 : i32
      %get3A_122 = arith.index_cast %get3A : i32 to index
      %get3A_123 = arith.index_cast %get3A_121 : i32 to index
      %get3A_124 = arith.constant 0 : index
      %get3A_125 = tpu.vector_load %arg8[%get3A_122, %get3A_123, %get3A_124] {strides = array<i32>} : memref<157x1x128xi32, #tpu.memory_space<vmem>>, vector<1x1x16xi32>,
      %get3A_126 = vector.shape_cast %get3A_125 : vector<1x1x16xi32> to vector<16xi32>
      %sub3A = vector.broadcast %mul3A_65 : i32 to vector<16xi32>
      %sub3A_127 = arith.subi %get3A_126, %sub3A : vector<16xi32>
      %ge3A_128 = arith.constant 0 : i32
      %ge3A_129 = vector.broadcast %ge3A_128 : i32 to vector<16xi32>
      %ge3A_130 = arith.cmpi sge, %sub3A_127, %ge3A_129 : vector<16xi32>
      %lt3A_131 = arith.constant 2500 : i32
      %lt3A_132 = vector.broadcast %lt3A_131 : i32 to vector<16xi32>
      %lt3A_133 = arith.cmpi slt, %sub3A_127, %lt3A_132 : vector<16xi32>
      %and3A = arith.andi %ge3A_130, %lt3A_133 : vector<16xi1>
      %and3A_134 = arith.constant 31 : i32
      %and3A_135 = vector.broadcast %and3A_134 : i32 to vector<16xi32>
      %and3A_136 = arith.andi %get3A_126, %and3A_135 : vector<16xi32>
      %add3A_137 = arith.constant 2500 : i32
      %add3A_138 = vector.broadcast %add3A_137 : i32 to vector<16xi32>
      %add3A_139 = arith.addi %add3A_138, %and3A_136 : vector<16xi32>
      %select_n3A = arith.select %and3A, %sub3A_127, %add3A_139 : vector<16xi1>, vector<16xi32>
      %swap3A = arith.constant 0 : i32
      %swap3A_140 = arith.index_cast %swap3A : i32 to index
      %swap3A_141 = arith.constant 0 : index
      %swap3A_142 = tpu.vector_load %arg9[%swap3A_140, %swap3A_141] {strides = array<i32>} : memref<1x128xi32, #tpu.memory_space<vmem>>, vector<1x16xi32>,
      %swap3A_143 = vector.shape_cast %swap3A_142 : vector<1x16xi32> to vector<16xi32>
      %swap3A_144 = vector.shape_cast %select_n3A : vector<16xi32> to vector<1x16xi32>
      tpu.vector_store %arg9[%swap3A_140, %swap3A_141], %swap3A_144 {strides = array<i32>} : memref<1x128xi32, #tpu.memory_space<vmem>>, vector<1x16xi32>,
      %get3A_145 = arith.constant 156 : i32
      %get3A_146 = arith.constant 0 : i32
      %get3A_147 = arith.index_cast %get3A_145 : i32 to index
      %get3A_148 = arith.index_cast %get3A_146 : i32 to index
      %get3A_149 = arith.constant 16 : index
      %get3A_150 = tpu.vector_load %arg8[%get3A_147, %get3A_148, %get3A_149] {strides = array<i32>} : memref<157x1x128xi32, #tpu.memory_space<vmem>>, vector<1x1x16xi32>,
      %get3A_151 = vector.shape_cast %get3A_150 : vector<1x1x16xi32> to vector<16xi32>
      %sub3A_152 = vector.broadcast %mul3A_65 : i32 to vector<16xi32>
      %sub3A_153 = arith.subi %get3A_151, %sub3A_152 : vector<16xi32>
      %ge3A_154 = arith.constant 0 : i32
      %ge3A_155 = vector.broadcast %ge3A_154 : i32 to vector<16xi32>
      %ge3A_156 = arith.cmpi sge, %sub3A_153, %ge3A_155 : vector<16xi32>
      %lt3A_157 = arith.constant 2500 : i32
      %lt3A_158 = vector.broadcast %lt3A_157 : i32 to vector<16xi32>
      %lt3A_159 = arith.cmpi slt, %sub3A_153, %lt3A_158 : vector<16xi32>
      %and3A_160 = arith.andi %ge3A_156, %lt3A_159 : vector<16xi1>
      %and3A_161 = arith.constant 31 : i32
      %and3A_162 = vector.broadcast %and3A_161 : i32 to vector<16xi32>
      %and3A_163 = arith.andi %get3A_151, %and3A_162 : vector<16xi32>
      %add3A_164 = arith.constant 2500 : i32
      %add3A_165 = vector.broadcast %add3A_164 : i32 to vector<16xi32>
      %add3A_166 = arith.addi %add3A_165, %and3A_163 : vector<16xi32>
      %select_n3A_167 = arith.select %and3A_160, %sub3A_153, %add3A_166 : vector<16xi1>, vector<16xi32>
      %swap3A_168 = arith.constant 0 : i32
      %swap3A_169 = arith.index_cast %swap3A_168 : i32 to index
      %swap3A_170 = arith.constant 16 : index
      %swap3A_171 = tpu.vector_load %arg9[%swap3A_169, %swap3A_170] {strides = array<i32>} : memref<1x128xi32, #tpu.memory_space<vmem>>, vector<1x16xi32>,
      %swap3A_172 = vector.shape_cast %swap3A_171 : vector<1x16xi32> to vector<16xi32>
      %swap3A_173 = vector.shape_cast %select_n3A_167 : vector<16xi32> to vector<1x16xi32>
      tpu.vector_store %arg9[%swap3A_169, %swap3A_170], %swap3A_173 {strides = array<i32>} : memref<1x128xi32, #tpu.memory_space<vmem>>, vector<1x16xi32>,
      %get3A_174 = arith.constant 156 : i32
      %get3A_175 = arith.constant 0 : i32
      %get3A_176 = arith.index_cast %get3A_174 : i32 to index
      %get3A_177 = arith.index_cast %get3A_175 : i32 to index
      %get3A_178 = arith.constant 32 : index
      %get3A_179 = tpu.vector_load %arg8[%get3A_176, %get3A_177, %get3A_178] {strides = array<i32>} : memref<157x1x128xi32, #tpu.memory_space<vmem>>, vector<1x1x16xi32>,
      %get3A_180 = vector.shape_cast %get3A_179 : vector<1x1x16xi32> to vector<16xi32>
      %sub3A_181 = vector.broadcast %mul3A_65 : i32 to vector<16xi32>
      %sub3A_182 = arith.subi %get3A_180, %sub3A_181 : vector<16xi32>
      %ge3A_183 = arith.constant 0 : i32
      %ge3A_184 = vector.broadcast %ge3A_183 : i32 to vector<16xi32>
      %ge3A_185 = arith.cmpi sge, %sub3A_182, %ge3A_184 : vector<16xi32>
      %lt3A_186 = arith.constant 2500 : i32
      %lt3A_187 = vector.broadcast %lt3A_186 : i32 to vector<16xi32>
      %lt3A_188 = arith.cmpi slt, %sub3A_182, %lt3A_187 : vector<16xi32>
      %and3A_189 = arith.andi %ge3A_185, %lt3A_188 : vector<16xi1>
      %and3A_190 = arith.constant 31 : i32
      %and3A_191 = vector.broadcast %and3A_190 : i32 to vector<16xi32>
      %and3A_192 = arith.andi %get3A_180, %and3A_191 : vector<16xi32>
      %add3A_193 = arith.constant 2500 : i32
      %add3A_194 = vector.broadcast %add3A_193 : i32 to vector<16xi32>
      %add3A_195 = arith.addi %add3A_194, %and3A_192 : vector<16xi32>
      %select_n3A_196 = arith.select %and3A_189, %sub3A_182, %add3A_195 : vector<16xi1>, vector<16xi32>
      %swap3A_197 = arith.constant 0 : i32
      %swap3A_198 = arith.index_cast %swap3A_197 : i32 to index
      %swap3A_199 = arith.constant 32 : index
      %swap3A_200 = tpu.vector_load %arg9[%swap3A_198, %swap3A_199] {strides = array<i32>} : memref<1x128xi32, #tpu.memory_space<vmem>>, vector<1x16xi32>,
      %swap3A_201 = vector.shape_cast %swap3A_200 : vector<1x16xi32> to vector<16xi32>
      %swap3A_202 = vector.shape_cast %select_n3A_196 : vector<16xi32> to vector<1x16xi32>
      tpu.vector_store %arg9[%swap3A_198, %swap3A_199], %swap3A_202 {strides = array<i32>} : memref<1x128xi32, #tpu.memory_space<vmem>>, vector<1x16xi32>,
      %get3A_203 = arith.constant 156 : i32
      %get3A_204 = arith.constant 0 : i32
      %get3A_205 = arith.index_cast %get3A_203 : i32 to index
      %get3A_206 = arith.index_cast %get3A_204 : i32 to index
      %get3A_207 = arith.constant 48 : index
      %get3A_208 = tpu.vector_load %arg8[%get3A_205, %get3A_206, %get3A_207] {strides = array<i32>} : memref<157x1x128xi32, #tpu.memory_space<vmem>>, vector<1x1x16xi32>,
      %get3A_209 = vector.shape_cast %get3A_208 : vector<1x1x16xi32> to vector<16xi32>
      %sub3A_210 = vector.broadcast %mul3A_65 : i32 to vector<16xi32>
      %sub3A_211 = arith.subi %get3A_209, %sub3A_210 : vector<16xi32>
      %ge3A_212 = arith.constant 0 : i32
      %ge3A_213 = vector.broadcast %ge3A_212 : i32 to vector<16xi32>
      %ge3A_214 = arith.cmpi sge, %sub3A_211, %ge3A_213 : vector<16xi32>
      %lt3A_215 = arith.constant 2500 : i32
      %lt3A_216 = vector.broadcast %lt3A_215 : i32 to vector<16xi32>
      %lt3A_217 = arith.cmpi slt, %sub3A_211, %lt3A_216 : vector<16xi32>
      %and3A_218 = arith.andi %ge3A_214, %lt3A_217 : vector<16xi1>
      %and3A_219 = arith.constant 31 : i32
      %and3A_220 = vector.broadcast %and3A_219 : i32 to vector<16xi32>
      %and3A_221 = arith.andi %get3A_209, %and3A_220 : vector<16xi32>
      %add3A_222 = arith.constant 2500 : i32
      %add3A_223 = vector.broadcast %add3A_222 : i32 to vector<16xi32>
      %add3A_224 = arith.addi %add3A_223, %and3A_221 : vector<16xi32>
      %select_n3A_225 = arith.select %and3A_218, %sub3A_211, %add3A_224 : vector<16xi1>, vector<16xi32>
      %swap3A_226 = arith.constant 0 : i32
      %swap3A_227 = arith.index_cast %swap3A_226 : i32 to index
      %swap3A_228 = arith.constant 48 : index
      %swap3A_229 = tpu.vector_load %arg9[%swap3A_227, %swap3A_228] {strides = array<i32>} : memref<1x128xi32, #tpu.memory_space<vmem>>, vector<1x16xi32>,
      %swap3A_230 = vector.shape_cast %swap3A_229 : vector<1x16xi32> to vector<16xi32>
      %swap3A_231 = vector.shape_cast %select_n3A_225 : vector<16xi32> to vector<1x16xi32>
      tpu.vector_store %arg9[%swap3A_227, %swap3A_228], %swap3A_231 {strides = array<i32>} : memref<1x128xi32, #tpu.memory_space<vmem>>, vector<1x16xi32>,
      %get3A_232 = arith.constant 156 : i32
      %get3A_233 = arith.constant 0 : i32
      %get3A_234 = arith.index_cast %get3A_232 : i32 to index
      %get3A_235 = arith.index_cast %get3A_233 : i32 to index
      %get3A_236 = arith.constant 64 : index
      %get3A_237 = tpu.vector_load %arg8[%get3A_234, %get3A_235, %get3A_236] {strides = array<i32>} : memref<157x1x128xi32, #tpu.memory_space<vmem>>, vector<1x1x16xi32>,
      %get3A_238 = vector.shape_cast %get3A_237 : vector<1x1x16xi32> to vector<16xi32>
      %sub3A_239 = vector.broadcast %mul3A_65 : i32 to vector<16xi32>
      %sub3A_240 = arith.subi %get3A_238, %sub3A_239 : vector<16xi32>
      %ge3A_241 = arith.constant 0 : i32
      %ge3A_242 = vector.broadcast %ge3A_241 : i32 to vector<16xi32>
      %ge3A_243 = arith.cmpi sge, %sub3A_240, %ge3A_242 : vector<16xi32>
      %lt3A_244 = arith.constant 2500 : i32
      %lt3A_245 = vector.broadcast %lt3A_244 : i32 to vector<16xi32>
      %lt3A_246 = arith.cmpi slt, %sub3A_240, %lt3A_245 : vector<16xi32>
      %and3A_247 = arith.andi %ge3A_243, %lt3A_246 : vector<16xi1>
      %and3A_248 = arith.constant 31 : i32
      %and3A_249 = vector.broadcast %and3A_248 : i32 to vector<16xi32>
      %and3A_250 = arith.andi %get3A_238, %and3A_249 : vector<16xi32>
      %add3A_251 = arith.constant 2500 : i32
      %add3A_252 = vector.broadcast %add3A_251 : i32 to vector<16xi32>
      %add3A_253 = arith.addi %add3A_252, %and3A_250 : vector<16xi32>
      %select_n3A_254 = arith.select %and3A_247, %sub3A_240, %add3A_253 : vector<16xi1>, vector<16xi32>
      %swap3A_255 = arith.constant 0 : i32
      %swap3A_256 = arith.index_cast %swap3A_255 : i32 to index
      %swap3A_257 = arith.constant 64 : index
      %swap3A_258 = tpu.vector_load %arg9[%swap3A_256, %swap3A_257] {strides = array<i32>} : memref<1x128xi32, #tpu.memory_space<vmem>>, vector<1x16xi32>,
      %swap3A_259 = vector.shape_cast %swap3A_258 : vector<1x16xi32> to vector<16xi32>
      %swap3A_260 = vector.shape_cast %select_n3A_254 : vector<16xi32> to vector<1x16xi32>
      tpu.vector_store %arg9[%swap3A_256, %swap3A_257], %swap3A_260 {strides = array<i32>} : memref<1x128xi32, #tpu.memory_space<vmem>>, vector<1x16xi32>,
      %get3A_261 = arith.constant 156 : i32
      %get3A_262 = arith.constant 0 : i32
      %get3A_263 = arith.index_cast %get3A_261 : i32 to index
      %get3A_264 = arith.index_cast %get3A_262 : i32 to index
      %get3A_265 = arith.constant 80 : index
      %get3A_266 = tpu.vector_load %arg8[%get3A_263, %get3A_264, %get3A_265] {strides = array<i32>} : memref<157x1x128xi32, #tpu.memory_space<vmem>>, vector<1x1x16xi32>,
      %get3A_267 = vector.shape_cast %get3A_266 : vector<1x1x16xi32> to vector<16xi32>
      %sub3A_268 = vector.broadcast %mul3A_65 : i32 to vector<16xi32>
      %sub3A_269 = arith.subi %get3A_267, %sub3A_268 : vector<16xi32>
      %ge3A_270 = arith.constant 0 : i32
      %ge3A_271 = vector.broadcast %ge3A_270 : i32 to vector<16xi32>
      %ge3A_272 = arith.cmpi sge, %sub3A_269, %ge3A_271 : vector<16xi32>
      %lt3A_273 = arith.constant 2500 : i32
      %lt3A_274 = vector.broadcast %lt3A_273 : i32 to vector<16xi32>
      %lt3A_275 = arith.cmpi slt, %sub3A_269, %lt3A_274 : vector<16xi32>
      %and3A_276 = arith.andi %ge3A_272, %lt3A_275 : vector<16xi1>
      %and3A_277 = arith.constant 31 : i32
      %and3A_278 = vector.broadcast %and3A_277 : i32 to vector<16xi32>
      %and3A_279 = arith.andi %get3A_267, %and3A_278 : vector<16xi32>
      %add3A_280 = arith.constant 2500 : i32
      %add3A_281 = vector.broadcast %add3A_280 : i32 to vector<16xi32>
      %add3A_282 = arith.addi %add3A_281, %and3A_279 : vector<16xi32>
      %select_n3A_283 = arith.select %and3A_276, %sub3A_269, %add3A_282 : vector<16xi1>, vector<16xi32>
      %swap3A_284 = arith.constant 0 : i32
      %swap3A_285 = arith.index_cast %swap3A_284 : i32 to index
      %swap3A_286 = arith.constant 80 : index
      %swap3A_287 = tpu.vector_load %arg9[%swap3A_285, %swap3A_286] {strides = array<i32>} : memref<1x128xi32, #tpu.memory_space<vmem>>, vector<1x16xi32>,
      %swap3A_288 = vector.shape_cast %swap3A_287 : vector<1x16xi32> to vector<16xi32>
      %swap3A_289 = vector.shape_cast %select_n3A_283 : vector<16xi32> to vector<1x16xi32>
      tpu.vector_store %arg9[%swap3A_285, %swap3A_286], %swap3A_289 {strides = array<i32>} : memref<1x128xi32, #tpu.memory_space<vmem>>, vector<1x16xi32>,
      %get3A_290 = arith.constant 156 : i32
      %get3A_291 = arith.constant 0 : i32
      %get3A_292 = arith.index_cast %get3A_290 : i32 to index
      %get3A_293 = arith.index_cast %get3A_291 : i32 to index
      %get3A_294 = arith.constant 96 : index
      %get3A_295 = tpu.vector_load %arg8[%get3A_292, %get3A_293, %get3A_294] {strides = array<i32>} : memref<157x1x128xi32, #tpu.memory_space<vmem>>, vector<1x1x16xi32>,
      %get3A_296 = vector.shape_cast %get3A_295 : vector<1x1x16xi32> to vector<16xi32>
      %sub3A_297 = vector.broadcast %mul3A_65 : i32 to vector<16xi32>
      %sub3A_298 = arith.subi %get3A_296, %sub3A_297 : vector<16xi32>
      %ge3A_299 = arith.constant 0 : i32
      %ge3A_300 = vector.broadcast %ge3A_299 : i32 to vector<16xi32>
      %ge3A_301 = arith.cmpi sge, %sub3A_298, %ge3A_300 : vector<16xi32>
      %lt3A_302 = arith.constant 2500 : i32
      %lt3A_303 = vector.broadcast %lt3A_302 : i32 to vector<16xi32>
      %lt3A_304 = arith.cmpi slt, %sub3A_298, %lt3A_303 : vector<16xi32>
      %and3A_305 = arith.andi %ge3A_301, %lt3A_304 : vector<16xi1>
      %and3A_306 = arith.constant 31 : i32
      %and3A_307 = vector.broadcast %and3A_306 : i32 to vector<16xi32>
      %and3A_308 = arith.andi %get3A_296, %and3A_307 : vector<16xi32>
      %add3A_309 = arith.constant 2500 : i32
      %add3A_310 = vector.broadcast %add3A_309 : i32 to vector<16xi32>
      %add3A_311 = arith.addi %add3A_310, %and3A_308 : vector<16xi32>
      %select_n3A_312 = arith.select %and3A_305, %sub3A_298, %add3A_311 : vector<16xi1>, vector<16xi32>
      %swap3A_313 = arith.constant 0 : i32
      %swap3A_314 = arith.index_cast %swap3A_313 : i32 to index
      %swap3A_315 = arith.constant 96 : index
      %swap3A_316 = tpu.vector_load %arg9[%swap3A_314, %swap3A_315] {strides = array<i32>} : memref<1x128xi32, #tpu.memory_space<vmem>>, vector<1x16xi32>,
      %swap3A_317 = vector.shape_cast %swap3A_316 : vector<1x16xi32> to vector<16xi32>
      %swap3A_318 = vector.shape_cast %select_n3A_312 : vector<16xi32> to vector<1x16xi32>
      tpu.vector_store %arg9[%swap3A_314, %swap3A_315], %swap3A_318 {strides = array<i32>} : memref<1x128xi32, #tpu.memory_space<vmem>>, vector<1x16xi32>,
      %get3A_319 = arith.constant 156 : i32
      %get3A_320 = arith.constant 0 : i32
      %get3A_321 = arith.index_cast %get3A_319 : i32 to index
      %get3A_322 = arith.index_cast %get3A_320 : i32 to index
      %get3A_323 = arith.constant 112 : index
      %get3A_324 = tpu.vector_load %arg8[%get3A_321, %get3A_322, %get3A_323] {strides = array<i32>} : memref<157x1x128xi32, #tpu.memory_space<vmem>>, vector<1x1x16xi32>,
      %get3A_325 = vector.shape_cast %get3A_324 : vector<1x1x16xi32> to vector<16xi32>
      %sub3A_326 = vector.broadcast %mul3A_65 : i32 to vector<16xi32>
      %sub3A_327 = arith.subi %get3A_325, %sub3A_326 : vector<16xi32>
      %ge3A_328 = arith.constant 0 : i32
      %ge3A_329 = vector.broadcast %ge3A_328 : i32 to vector<16xi32>
      %ge3A_330 = arith.cmpi sge, %sub3A_327, %ge3A_329 : vector<16xi32>
      %lt3A_331 = arith.constant 2500 : i32
      %lt3A_332 = vector.broadcast %lt3A_331 : i32 to vector<16xi32>
      %lt3A_333 = arith.cmpi slt, %sub3A_327, %lt3A_332 : vector<16xi32>
      %and3A_334 = arith.andi %ge3A_330, %lt3A_333 : vector<16xi1>
      %and3A_335 = arith.constant 31 : i32
      %and3A_336 = vector.broadcast %and3A_335 : i32 to vector<16xi32>
      %and3A_337 = arith.andi %get3A_325, %and3A_336 : vector<16xi32>
      %add3A_338 = arith.constant 2500 : i32
      %add3A_339 = vector.broadcast %add3A_338 : i32 to vector<16xi32>
      %add3A_340 = arith.addi %add3A_339, %and3A_337 : vector<16xi32>
      %select_n3A_341 = arith.select %and3A_334, %sub3A_327, %add3A_340 : vector<16xi1>, vector<16xi32>
      %swap3A_342 = arith.constant 0 : i32
      %swap3A_343 = arith.index_cast %swap3A_342 : i32 to index
      %swap3A_344 = arith.constant 112 : index
      %swap3A_345 = tpu.vector_load %arg9[%swap3A_343, %swap3A_344] {strides = array<i32>} : memref<1x128xi32, #tpu.memory_space<vmem>>, vector<1x16xi32>,
      %swap3A_346 = vector.shape_cast %swap3A_345 : vector<1x16xi32> to vector<16xi32>
      %swap3A_347 = vector.shape_cast %select_n3A_341 : vector<16xi32> to vector<1x16xi32>
      tpu.vector_store %arg9[%swap3A_343, %swap3A_344], %swap3A_347 {strides = array<i32>} : memref<1x128xi32, #tpu.memory_space<vmem>>, vector<1x16xi32>,
      %dma_wait3A = arith.constant 0 : i32
      %dma_wait3A_348 = arith.constant 0 : i32
      %dma_wait3A_349 = arith.constant 0 : i32
      %dma_wait3A_350 = tpu.memref_slice %arg7[%dma_wait3A, %dma_wait3A_348, %dma_wait3A_349] : memref<157x1x128xi32, #tpu.memory_space<vmem>> -> memref<1x1x128xi32, #tpu.memory_space<vmem>>
      %dma_wait3A_351 = tpu.memref_squeeze %dma_wait3A_350 : memref<1x1x128xi32, #tpu.memory_space<vmem>> -> memref<128xi32, #tpu.memory_space<vmem>>
      %dma_wait3A_352 = arith.constant 0 : i32
      %dma_wait3A_353 = arith.constant 0 : i32
      %dma_wait3A_354 = tpu.memref_slice %arg2[%dma_wait3A_352, %dma_wait3A_353] : memref<10000x128xf32, #tpu.memory_space<hbm>> -> memref<10000x128xf32, #tpu.memory_space<hbm>>
      tpu.wait_indirect_dma semaphore(%arg16 : memref<!tpu.dma_semaphore, #tpu.memory_space<semaphore_mem>>) src(%dma_wait3A_354 : memref<10000x128xf32, #tpu.memory_space<hbm>>) dst(%arg10 : memref<128x128xf32, #tpu.memory_space<vmem>>)
      %dma_wait3A_355 = arith.constant 0 : i32
      %dma_wait3A_356 = arith.constant 0 : i32
      %dma_wait3A_357 = tpu.memref_slice %arg3[%dma_wait3A_355, %dma_wait3A_356] : memref<320000x128xf32, #tpu.memory_space<hbm>> -> memref<128x128xf32, #tpu.memory_space<hbm>>
      %dma_wait3A_358 = arith.constant 0 : i32
      %dma_wait3A_359 = arith.constant 0 : i32
      %dma_wait3A_360 = tpu.memref_slice %arg3[%dma_wait3A_358, %dma_wait3A_359] : memref<320000x128xf32, #tpu.memory_space<hbm>> -> memref<128x128xf32, #tpu.memory_space<hbm>>
      tpu.wait_dma2 semaphore(%arg17 : memref<!tpu.dma_semaphore, #tpu.memory_space<semaphore_mem>>) src(%dma_wait3A_360 : memref<128x128xf32, #tpu.memory_space<hbm>>) dst(%arg11 : memref<128x128xf32, #tpu.memory_space<vmem>>)
      %scan3A_361 = arith.constant 0 : i32
      %scan3A_362 = arith.constant 128 : i32
      %scan3A_363 = arith.addi %scan3A_361, %scan3A_362 : i32
      %scan3A_364 = arith.constant 1 : i32
      scf.for %scan3A_366 = %scan3A_361 to %scan3A_363 step %scan3A_364  : i32 {
        %mul3A_367 = arith.constant 1 : i32
        %mul3A_368 = arith.muli %scan3A_366, %mul3A_367 : i32
        %add3A_369 = arith.constant 0 : i32
        %add3A_370 = arith.addi %add3A_369, %mul3A_368 : i32
        %get3A_371 = arith.index_cast %add3A_370 : i32 to index
        %get3A_372 = arith.constant 0 : index
        %get3A_373 = tpu.vector_load %arg10[%get3A_371, %get3A_372] {strides = array<i32>} : memref<128x128xf32, #tpu.memory_space<vmem>>, vector<1x16xf32>,
        %get3A_374 = vector.shape_cast %get3A_373 : vector<1x16xf32> to vector<16xf32>
        %get3A_375 = arith.index_cast %add3A_370 : i32 to index
        %get3A_376 = arith.constant 0 : index
        %get3A_377 = tpu.vector_load %arg11[%get3A_375, %get3A_376] {strides = array<i32>} : memref<128x128xf32, #tpu.memory_space<vmem>>, vector<1x16xf32>,
        %get3A_378 = vector.shape_cast %get3A_377 : vector<1x16xf32> to vector<16xf32>
        %mul3A_379 = arith.mulf %get3A_374, %get3A_378 : vector<16xf32>
        %swap3A_380 = arith.index_cast %add3A_370 : i32 to index
        %swap3A_381 = arith.constant 0 : index
        %swap3A_382 = tpu.vector_load %arg10[%swap3A_380, %swap3A_381] {strides = array<i32>} : memref<128x128xf32, #tpu.memory_space<vmem>>, vector<1x16xf32>,
        %swap3A_383 = vector.shape_cast %swap3A_382 : vector<1x16xf32> to vector<16xf32>
        %swap3A_384 = vector.shape_cast %mul3A_379 : vector<16xf32> to vector<1x16xf32>
        tpu.vector_store %arg10[%swap3A_380, %swap3A_381], %swap3A_384 {strides = array<i32>} : memref<128x128xf32, #tpu.memory_space<vmem>>, vector<1x16xf32>,
        %get3A_385 = arith.index_cast %add3A_370 : i32 to index
        %get3A_386 = arith.constant 16 : index
        %get3A_387 = tpu.vector_load %arg10[%get3A_385, %get3A_386] {strides = array<i32>} : memref<128x128xf32, #tpu.memory_space<vmem>>, vector<1x16xf32>,
        %get3A_388 = vector.shape_cast %get3A_387 : vector<1x16xf32> to vector<16xf32>
        %get3A_389 = arith.index_cast %add3A_370 : i32 to index
        %get3A_390 = arith.constant 16 : index
        %get3A_391 = tpu.vector_load %arg11[%get3A_389, %get3A_390] {strides = array<i32>} : memref<128x128xf32, #tpu.memory_space<vmem>>, vector<1x16xf32>,
        %get3A_392 = vector.shape_cast %get3A_391 : vector<1x16xf32> to vector<16xf32>
        %mul3A_393 = arith.mulf %get3A_388, %get3A_392 : vector<16xf32>
        %swap3A_394 = arith.index_cast %add3A_370 : i32 to index
        %swap3A_395 = arith.constant 16 : index
        %swap3A_396 = tpu.vector_load %arg10[%swap3A_394, %swap3A_395] {strides = array<i32>} : memref<128x128xf32, #tpu.memory_space<vmem>>, vector<1x16xf32>,
        %swap3A_397 = vector.shape_cast %swap3A_396 : vector<1x16xf32> to vector<16xf32>
        %swap3A_398 = vector.shape_cast %mul3A_393 : vector<16xf32> to vector<1x16xf32>
        tpu.vector_store %arg10[%swap3A_394, %swap3A_395], %swap3A_398 {strides = array<i32>} : memref<128x128xf32, #tpu.memory_space<vmem>>, vector<1x16xf32>,
        %get3A_399 = arith.index_cast %add3A_370 : i32 to index
        %get3A_400 = arith.constant 32 : index
        %get3A_401 = tpu.vector_load %arg10[%get3A_399, %get3A_400] {strides = array<i32>} : memref<128x128xf32, #tpu.memory_space<vmem>>, vector<1x16xf32>,
        %get3A_402 = vector.shape_cast %get3A_401 : vector<1x16xf32> to vector<16xf32>
        %get3A_403 = arith.index_cast %add3A_370 : i32 to index
        %get3A_404 = arith.constant 32 : index
        %get3A_405 = tpu.vector_load %arg11[%get3A_403, %get3A_404] {strides = array<i32>} : memref<128x128xf32, #tpu.memory_space<vmem>>, vector<1x16xf32>,
        %get3A_406 = vector.shape_cast %get3A_405 : vector<1x16xf32> to vector<16xf32>
        %mul3A_407 = arith.mulf %get3A_402, %get3A_406 : vector<16xf32>
        %swap3A_408 = arith.index_cast %add3A_370 : i32 to index
        %swap3A_409 = arith.constant 32 : index
        %swap3A_410 = tpu.vector_load %arg10[%swap3A_408, %swap3A_409] {strides = array<i32>} : memref<128x128xf32, #tpu.memory_space<vmem>>, vector<1x16xf32>,
        %swap3A_411 = vector.shape_cast %swap3A_410 : vector<1x16xf32> to vector<16xf32>
        %swap3A_412 = vector.shape_cast %mul3A_407 : vector<16xf32> to vector<1x16xf32>
        tpu.vector_store %arg10[%swap3A_408, %swap3A_409], %swap3A_412 {strides = array<i32>} : memref<128x128xf32, #tpu.memory_space<vmem>>, vector<1x16xf32>,
        %get3A_413 = arith.index_cast %add3A_370 : i32 to index
        %get3A_414 = arith.constant 48 : index
        %get3A_415 = tpu.vector_load %arg10[%get3A_413, %get3A_414] {strides = array<i32>} : memref<128x128xf32, #tpu.memory_space<vmem>>, vector<1x16xf32>,
        %get3A_416 = vector.shape_cast %get3A_415 : vector<1x16xf32> to vector<16xf32>
        %get3A_417 = arith.index_cast %add3A_370 : i32 to index
        %get3A_418 = arith.constant 48 : index
        %get3A_419 = tpu.vector_load %arg11[%get3A_417, %get3A_418] {strides = array<i32>} : memref<128x128xf32, #tpu.memory_space<vmem>>, vector<1x16xf32>,
        %get3A_420 = vector.shape_cast %get3A_419 : vector<1x16xf32> to vector<16xf32>
        %mul3A_421 = arith.mulf %get3A_416, %get3A_420 : vector<16xf32>
        %swap3A_422 = arith.index_cast %add3A_370 : i32 to index
        %swap3A_423 = arith.constant 48 : index
        %swap3A_424 = tpu.vector_load %arg10[%swap3A_422, %swap3A_423] {strides = array<i32>} : memref<128x128xf32, #tpu.memory_space<vmem>>, vector<1x16xf32>,
        %swap3A_425 = vector.shape_cast %swap3A_424 : vector<1x16xf32> to vector<16xf32>
        %swap3A_426 = vector.shape_cast %mul3A_421 : vector<16xf32> to vector<1x16xf32>
        tpu.vector_store %arg10[%swap3A_422, %swap3A_423], %swap3A_426 {strides = array<i32>} : memref<128x128xf32, #tpu.memory_space<vmem>>, vector<1x16xf32>,
        %get3A_427 = arith.index_cast %add3A_370 : i32 to index
        %get3A_428 = arith.constant 64 : index
        %get3A_429 = tpu.vector_load %arg10[%get3A_427, %get3A_428] {strides = array<i32>} : memref<128x128xf32, #tpu.memory_space<vmem>>, vector<1x16xf32>,
        %get3A_430 = vector.shape_cast %get3A_429 : vector<1x16xf32> to vector<16xf32>
        %get3A_431 = arith.index_cast %add3A_370 : i32 to index
        %get3A_432 = arith.constant 64 : index
        %get3A_433 = tpu.vector_load %arg11[%get3A_431, %get3A_432] {strides = array<i32>} : memref<128x128xf32, #tpu.memory_space<vmem>>, vector<1x16xf32>,
        %get3A_434 = vector.shape_cast %get3A_433 : vector<1x16xf32> to vector<16xf32>
        %mul3A_435 = arith.mulf %get3A_430, %get3A_434 : vector<16xf32>
        %swap3A_436 = arith.index_cast %add3A_370 : i32 to index
        %swap3A_437 = arith.constant 64 : index
        %swap3A_438 = tpu.vector_load %arg10[%swap3A_436, %swap3A_437] {strides = array<i32>} : memref<128x128xf32, #tpu.memory_space<vmem>>, vector<1x16xf32>,
        %swap3A_439 = vector.shape_cast %swap3A_438 : vector<1x16xf32> to vector<16xf32>
        %swap3A_440 = vector.shape_cast %mul3A_435 : vector<16xf32> to vector<1x16xf32>
        tpu.vector_store %arg10[%swap3A_436, %swap3A_437], %swap3A_440 {strides = array<i32>} : memref<128x128xf32, #tpu.memory_space<vmem>>, vector<1x16xf32>,
        %get3A_441 = arith.index_cast %add3A_370 : i32 to index
        %get3A_442 = arith.constant 80 : index
        %get3A_443 = tpu.vector_load %arg10[%get3A_441, %get3A_442] {strides = array<i32>} : memref<128x128xf32, #tpu.memory_space<vmem>>, vector<1x16xf32>,
        %get3A_444 = vector.shape_cast %get3A_443 : vector<1x16xf32> to vector<16xf32>
        %get3A_445 = arith.index_cast %add3A_370 : i32 to index
        %get3A_446 = arith.constant 80 : index
        %get3A_447 = tpu.vector_load %arg11[%get3A_445, %get3A_446] {strides = array<i32>} : memref<128x128xf32, #tpu.memory_space<vmem>>, vector<1x16xf32>,
        %get3A_448 = vector.shape_cast %get3A_447 : vector<1x16xf32> to vector<16xf32>
        %mul3A_449 = arith.mulf %get3A_444, %get3A_448 : vector<16xf32>
        %swap3A_450 = arith.index_cast %add3A_370 : i32 to index
        %swap3A_451 = arith.constant 80 : index
        %swap3A_452 = tpu.vector_load %arg10[%swap3A_450, %swap3A_451] {strides = array<i32>} : memref<128x128xf32, #tpu.memory_space<vmem>>, vector<1x16xf32>,
        %swap3A_453 = vector.shape_cast %swap3A_452 : vector<1x16xf32> to vector<16xf32>
        %swap3A_454 = vector.shape_cast %mul3A_449 : vector<16xf32> to vector<1x16xf32>
        tpu.vector_store %arg10[%swap3A_450, %swap3A_451], %swap3A_454 {strides = array<i32>} : memref<128x128xf32, #tpu.memory_space<vmem>>, vector<1x16xf32>,
        %get3A_455 = arith.index_cast %add3A_370 : i32 to index
        %get3A_456 = arith.constant 96 : index
        %get3A_457 = tpu.vector_load %arg10[%get3A_455, %get3A_456] {strides = array<i32>} : memref<128x128xf32, #tpu.memory_space<vmem>>, vector<1x16xf32>,
        %get3A_458 = vector.shape_cast %get3A_457 : vector<1x16xf32> to vector<16xf32>
        %get3A_459 = arith.index_cast %add3A_370 : i32 to index
        %get3A_460 = arith.constant 96 : index
        %get3A_461 = tpu.vector_load %arg11[%get3A_459, %get3A_460] {strides = array<i32>} : memref<128x128xf32, #tpu.memory_space<vmem>>, vector<1x16xf32>,
        %get3A_462 = vector.shape_cast %get3A_461 : vector<1x16xf32> to vector<16xf32>
        %mul3A_463 = arith.mulf %get3A_458, %get3A_462 : vector<16xf32>
        %swap3A_464 = arith.index_cast %add3A_370 : i32 to index
        %swap3A_465 = arith.constant 96 : index
        %swap3A_466 = tpu.vector_load %arg10[%swap3A_464, %swap3A_465] {strides = array<i32>} : memref<128x128xf32, #tpu.memory_space<vmem>>, vector<1x16xf32>,
        %swap3A_467 = vector.shape_cast %swap3A_466 : vector<1x16xf32> to vector<16xf32>
        %swap3A_468 = vector.shape_cast %mul3A_463 : vector<16xf32> to vector<1x16xf32>
        tpu.vector_store %arg10[%swap3A_464, %swap3A_465], %swap3A_468 {strides = array<i32>} : memref<128x128xf32, #tpu.memory_space<vmem>>, vector<1x16xf32>,
        %get3A_469 = arith.index_cast %add3A_370 : i32 to index
        %get3A_470 = arith.constant 112 : index
        %get3A_471 = tpu.vector_load %arg10[%get3A_469, %get3A_470] {strides = array<i32>} : memref<128x128xf32, #tpu.memory_space<vmem>>, vector<1x16xf32>,
        %get3A_472 = vector.shape_cast %get3A_471 : vector<1x16xf32> to vector<16xf32>
        %get3A_473 = arith.index_cast %add3A_370 : i32 to index
        %get3A_474 = arith.constant 112 : index
        %get3A_475 = tpu.vector_load %arg11[%get3A_473, %get3A_474] {strides = array<i32>} : memref<128x128xf32, #tpu.memory_space<vmem>>, vector<1x16xf32>,
        %get3A_476 = vector.shape_cast %get3A_475 : vector<1x16xf32> to vector<16xf32>
        %mul3A_477 = arith.mulf %get3A_472, %get3A_476 : vector<16xf32>
        %swap3A_478 = arith.index_cast %add3A_370 : i32 to index
        %swap3A_479 = arith.constant 112 : index
        %swap3A_480 = tpu.vector_load %arg10[%swap3A_478, %swap3A_479] {strides = array<i32>} : memref<128x128xf32, #tpu.memory_space<vmem>>, vector<1x16xf32>,
        %swap3A_481 = vector.shape_cast %swap3A_480 : vector<1x16xf32> to vector<16xf32>
        %swap3A_482 = vector.shape_cast %mul3A_477 : vector<16xf32> to vector<1x16xf32>
        tpu.vector_store %arg10[%swap3A_478, %swap3A_479], %swap3A_482 {strides = array<i32>} : memref<128x128xf32, #tpu.memory_space<vmem>>, vector<1x16xf32>,
      }
      %scan3A_365 = arith.constant 128 : i32
      %run_scoped3A = arith.constant 0 : i32
      "tpu.region"() ({
        %run_scoped3A_366 = tpu.sem_alloc : memref<!tpu.dma_semaphore, #tpu.memory_space<semaphore_mem>>
        %dma_start3A_367 = arith.constant 0 : i32
        %dma_start3A_368 = tpu.memref_slice %arg9[%run_scoped3A, %dma_start3A_367] : memref<1x128xi32, #tpu.memory_space<vmem>> -> memref<1x128xi32, #tpu.memory_space<vmem>>
        %dma_start3A_369 = tpu.memref_squeeze %dma_start3A_368 : memref<1x128xi32, #tpu.memory_space<vmem>> -> memref<128xi32, #tpu.memory_space<vmem>>
        %dma_start3A_370 = arith.constant 0 : i32
        %dma_start3A_371 = arith.constant 0 : i32
        %dma_start3A_372 = tpu.memref_slice %arg15[%dma_start3A_370, %dma_start3A_371] : memref<2560x128xf32, #tpu.memory_space<vmem_shared>> -> memref<2560x128xf32, #tpu.memory_space<vmem_shared>>
        tpu.enqueue_indirect_dma source(%arg10 : memref<128x128xf32, #tpu.memory_space<vmem>>) target(%dma_start3A_372 : memref<2560x128xf32, #tpu.memory_space<vmem_shared>>) offsets(%dma_start3A_369 : memref<128xi32, #tpu.memory_space<vmem>>) semaphore(%run_scoped3A_366 : memref<!tpu.dma_semaphore, #tpu.memory_space<semaphore_mem>>) {add = true}
        %dma_wait3A_373 = arith.constant 0 : i32
        %dma_wait3A_374 = tpu.memref_slice %arg9[%run_scoped3A, %dma_wait3A_373] : memref<1x128xi32, #tpu.memory_space<vmem>> -> memref<1x128xi32, #tpu.memory_space<vmem>>
        %dma_wait3A_375 = tpu.memref_squeeze %dma_wait3A_374 : memref<1x128xi32, #tpu.memory_space<vmem>> -> memref<128xi32, #tpu.memory_space<vmem>>
        %dma_wait3A_376 = arith.constant 0 : i32
        %dma_wait3A_377 = arith.constant 0 : i32
        %dma_wait3A_378 = tpu.memref_slice %arg15[%dma_wait3A_376, %dma_wait3A_377] : memref<2560x128xf32, #tpu.memory_space<vmem_shared>> -> memref<2560x128xf32, #tpu.memory_space<vmem_shared>>
        tpu.wait_indirect_dma semaphore(%run_scoped3A_366 : memref<!tpu.dma_semaphore, #tpu.memory_space<semaphore_mem>>) src(%arg10 : memref<128x128xf32, #tpu.memory_space<vmem>>) dst(%dma_wait3A_378 : memref<2560x128xf32, #tpu.memory_space<vmem_shared>>)
        tpu.yield
      }) : () -> ()
    } else {
    }
    %ge3A_111 = arith.constant 4 : i32
    %ge3A_112 = arith.cmpi sge, %arg1, %ge3A_111 : i32
    %convert_element_type3A_113 = arith.extui %ge3A_112 : i1 to i32
    %cond3A_114 = arith.constant 0 : i32
    %cond3A_115 = arith.cmpi ne, %convert_element_type3A_113, %cond3A_114 : i32
    scf.if %cond3A_115 {
      %dma_wait3A = arith.constant 0 : i32
      %dma_wait3A_121 = arith.constant 0 : i32
      %dma_wait3A_122 = arith.constant 0 : i32
      %dma_wait3A_123 = tpu.memref_slice %arg7[%dma_wait3A, %dma_wait3A_121, %dma_wait3A_122] : memref<157x1x128xi32, #tpu.memory_space<vmem>> -> memref<1x1x128xi32, #tpu.memory_space<vmem>>
      %dma_wait3A_124 = tpu.memref_squeeze %dma_wait3A_123 : memref<1x1x128xi32, #tpu.memory_space<vmem>> -> memref<128xi32, #tpu.memory_space<vmem>>
      %dma_wait3A_125 = arith.constant 0 : i32
      %dma_wait3A_126 = arith.constant 0 : i32
      %dma_wait3A_127 = tpu.memref_slice %arg2[%dma_wait3A_125, %dma_wait3A_126] : memref<10000x128xf32, #tpu.memory_space<hbm>> -> memref<10000x128xf32, #tpu.memory_space<hbm>>
      tpu.wait_indirect_dma semaphore(%arg16 : memref<!tpu.dma_semaphore, #tpu.memory_space<semaphore_mem>>) src(%dma_wait3A_127 : memref<10000x128xf32, #tpu.memory_space<hbm>>) dst(%arg10 : memref<128x128xf32, #tpu.memory_space<vmem>>)
      %dma_wait3A_128 = arith.constant 0 : i32
      %dma_wait3A_129 = arith.constant 0 : i32
      %dma_wait3A_130 = tpu.memref_slice %arg3[%dma_wait3A_128, %dma_wait3A_129] : memref<320000x128xf32, #tpu.memory_space<hbm>> -> memref<128x128xf32, #tpu.memory_space<hbm>>
      %dma_wait3A_131 = arith.constant 0 : i32
      %dma_wait3A_132 = arith.constant 0 : i32
      %dma_wait3A_133 = tpu.memref_slice %arg3[%dma_wait3A_131, %dma_wait3A_132] : memref<320000x128xf32, #tpu.memory_space<hbm>> -> memref<128x128xf32, #tpu.memory_space<hbm>>
      tpu.wait_dma2 semaphore(%arg17 : memref<!tpu.dma_semaphore, #tpu.memory_space<semaphore_mem>>) src(%dma_wait3A_133 : memref<128x128xf32, #tpu.memory_space<hbm>>) dst(%arg11 : memref<128x128xf32, #tpu.memory_space<vmem>>)
    } else {
    }
    %barrier3A_116 = arith.constant 0 : index
    tpu.barrier barrier_id(%barrier3A_116)
    %mul3A_117 = arith.constant 160 : i32
    %mul3A_118 = arith.muli %arg1, %mul3A_117 : i32
    %multiple_of3A_119 = tpu.assume_multiple %mul3A_118, 8 : i32
    "tpu.region"() ({
      %run_scoped3A = tpu.sem_alloc : memref<!tpu.dma_semaphore, #tpu.memory_space<semaphore_mem>>
      %dma_start3A_121 = arith.constant 0 : i32
      %dma_start3A_122 = tpu.memref_slice %arg6[%add3A_63, %multiple_of3A_119, %dma_start3A_121] : memref<4x2560x128xf32, #tpu.memory_space<hbm>> -> memref<1x160x128xf32, #tpu.memory_space<hbm>>
      %dma_start3A_123 = tpu.memref_squeeze %dma_start3A_122 : memref<1x160x128xf32, #tpu.memory_space<hbm>> -> memref<160x128xf32, #tpu.memory_space<hbm>>
      %dma_start3A_124 = arith.constant 0 : i32
      %dma_start3A_125 = tpu.memref_slice %arg15[%multiple_of3A_119, %dma_start3A_124] : memref<2560x128xf32, #tpu.memory_space<vmem_shared>> -> memref<160x128xf32, #tpu.memory_space<vmem_shared>>
      tpu.enqueue_dma source(%dma_start3A_125 : memref<160x128xf32, #tpu.memory_space<vmem_shared>>) target(%dma_start3A_123 : memref<160x128xf32, #tpu.memory_space<hbm>>) target_semaphore(%run_scoped3A : memref<!tpu.dma_semaphore, #tpu.memory_space<semaphore_mem>>)
      %dma_wait3A = arith.constant 0 : i32
      %dma_wait3A_126 = tpu.memref_slice %arg6[%add3A_63, %multiple_of3A_119, %dma_wait3A] : memref<4x2560x128xf32, #tpu.memory_space<hbm>> -> memref<1x160x128xf32, #tpu.memory_space<hbm>>
      %dma_wait3A_127 = tpu.memref_squeeze %dma_wait3A_126 : memref<1x160x128xf32, #tpu.memory_space<hbm>> -> memref<160x128xf32, #tpu.memory_space<hbm>>
      %dma_wait3A_128 = arith.constant 0 : i32
      %dma_wait3A_129 = tpu.memref_slice %arg15[%multiple_of3A_119, %dma_wait3A_128] : memref<2560x128xf32, #tpu.memory_space<vmem_shared>> -> memref<160x128xf32, #tpu.memory_space<vmem_shared>>
      tpu.wait_dma2 semaphore(%run_scoped3A : memref<!tpu.dma_semaphore, #tpu.memory_space<semaphore_mem>>) src(%dma_wait3A_129 : memref<160x128xf32, #tpu.memory_space<vmem_shared>>) dst(%dma_wait3A_127 : memref<160x128xf32, #tpu.memory_space<hbm>>)
      tpu.yield
    }) : () -> ()
    %barrier3A_120 = arith.constant 0 : index
    tpu.barrier barrier_id(%barrier3A_120)
    return
  }
}

module attributes {stable_mosaic.version = 14 : i64} {
  func.func @_lin1_body(%arg0: i32, %arg1: memref<2000x128xf32, #tpu.memory_space<vmem>>, %arg2: memref<128x128xf32, #tpu.memory_space<vmem>>, %arg3: memref<2000x128xf32, #tpu.memory_space<vmem>>) attributes {dimension_semantics = [#tpu.dimension_semantics<arbitrary>], iteration_bounds = array<i64: 5>, scalar_prefetch = 0 : i64, scratch_operands = 0 : i64, tpu.core_type = #tpu.core_type<tc>, window_params = [{transform_indices = @transform_0, window_bounds = array<i64: 2000, 128>}, {pipeline_mode = #tpu.pipeline_mode<synchronous>, transform_indices = @transform_1, window_bounds = array<i64: 128, 128>}, {transform_indices = @transform_2, window_bounds = array<i64: 2000, 128>}]} {
    %get3A = arith.constant 0 : index
    %get3A_0 = arith.constant 0 : index
    %get3A_1 = vector.load %arg1[%get3A, %get3A_0] : memref<2000x128xf32, #tpu.memory_space<vmem>>, vector<2000x128xf32>
    %get3A_2 = arith.constant 0 : index
    %get3A_3 = arith.constant 0 : index
    %get3A_4 = vector.load %arg2[%get3A_2, %get3A_3] : memref<128x128xf32, #tpu.memory_space<vmem>>, vector<128x128xf32>
    %dot_general3A = arith.constant dense<0.000000e+00> : vector<2000x128xf32>
    %dot_general3A_5 = tpu.matmul %get3A_1, %get3A_4, %dot_general3A {dimension_numbers = #tpu.dot_dimension_numbers<[1], [0], [0], [1], [0, 0, 1, 1], [], []>, transpose_lhs_hint = false} : vector<2000x128xf32>, vector<128x128xf32>, vector<2000x128xf32> -> vector<2000x128xf32>
    %swap3A = arith.constant 0 : index
    %swap3A_6 = arith.constant 0 : index
    %swap3A_7 = vector.load %arg3[%swap3A, %swap3A_6] : memref<2000x128xf32, #tpu.memory_space<vmem>>, vector<2000x128xf32>
    tpu.vector_store %arg3[%swap3A, %swap3A_6], %dot_general3A_5 {strides = array<i32>} : memref<2000x128xf32, #tpu.memory_space<vmem>>, vector<2000x128xf32>,
    return
  }
  func.func @transform_0(%arg0: i32) -> (i32, i32) {
    %c0_i32 = arith.constant 0 : i32
    %c0_i32_0 = arith.constant 0 : i32
    return %arg0, %c0_i32 : i32, i32
  }
  func.func @transform_1(%arg0: i32) -> (i32, i32) {
    %c0_i32 = arith.constant 0 : i32
    %c0_i32_0 = arith.constant 0 : i32
    %c0_i32_1 = arith.constant 0 : i32
    return %c0_i32, %c0_i32_0 : i32, i32
  }
  func.func @transform_2(%arg0: i32) -> (i32, i32) {
    %c0_i32 = arith.constant 0 : i32
    %c0_i32_0 = arith.constant 0 : i32
    return %arg0, %c0_i32 : i32, i32
  }
}

module attributes {stable_mosaic.version = 14 : i64} {
  func.func @_wmlp_body(%arg0: i32, %arg1: memref<4000x64xf32, #tpu.memory_space<vmem>>, %arg2: memref<4000x1xf32, #tpu.memory_space<vmem>>, %arg3: memref<64x128xf32, #tpu.memory_space<vmem>>, %arg4: memref<1x128xf32, #tpu.memory_space<vmem>>, %arg5: memref<128x128xf32, #tpu.memory_space<vmem>>, %arg6: memref<1x128xf32, #tpu.memory_space<vmem>>, %arg7: memref<4000x128xf32, #tpu.memory_space<vmem>>) attributes {dimension_semantics = [#tpu.dimension_semantics<arbitrary>], iteration_bounds = array<i64: 80>, scalar_prefetch = 0 : i64, scratch_operands = 0 : i64, tpu.core_type = #tpu.core_type<tc>, window_params = [{transform_indices = @transform_0, window_bounds = array<i64: 4000, 64>}, {transform_indices = @transform_1, window_bounds = array<i64: 4000, 1>}, {pipeline_mode = #tpu.pipeline_mode<synchronous>, transform_indices = @transform_2, window_bounds = array<i64: 64, 128>}, {pipeline_mode = #tpu.pipeline_mode<synchronous>, transform_indices = @transform_3, window_bounds = array<i64: 1, 128>}, {pipeline_mode = #tpu.pipeline_mode<synchronous>, transform_indices = @transform_4, window_bounds = array<i64: 128, 128>}, {pipeline_mode = #tpu.pipeline_mode<synchronous>, transform_indices = @transform_5, window_bounds = array<i64: 1, 128>}, {transform_indices = @transform_6, window_bounds = array<i64: 4000, 128>}]} {
    %get3A = arith.constant 0 : index
    %get3A_0 = arith.constant 0 : index
    %get3A_1 = vector.load %arg1[%get3A, %get3A_0] : memref<4000x64xf32, #tpu.memory_space<vmem>>, vector<4000x64xf32>
    %get3A_2 = arith.constant 0 : index
    %get3A_3 = arith.constant 0 : index
    %get3A_4 = vector.load %arg3[%get3A_2, %get3A_3] : memref<64x128xf32, #tpu.memory_space<vmem>>, vector<64x128xf32>
    %dot_general3A = arith.constant dense<0.000000e+00> : vector<4000x128xf32>
    %dot_general3A_5 = tpu.matmul %get3A_1, %get3A_4, %dot_general3A {dimension_numbers = #tpu.dot_dimension_numbers<[1], [0], [0], [1], [0, 0, 1, 1], [], []>, transpose_lhs_hint = false} : vector<4000x64xf32>, vector<64x128xf32>, vector<4000x128xf32> -> vector<4000x128xf32>
    %get3A_6 = arith.constant 0 : index
    %get3A_7 = arith.constant 0 : index
    %get3A_8 = vector.load %arg4[%get3A_6, %get3A_7] : memref<1x128xf32, #tpu.memory_space<vmem>>, vector<1x128xf32>
    %add3A = vector.broadcast %get3A_8 : vector<1x128xf32> to vector<4000x128xf32>
    %add3A_9 = arith.addf %dot_general3A_5, %add3A : vector<4000x128xf32>
    %custom_jvp_call3A = arith.constant 0.000000e+00 : f32
    %max3A = vector.broadcast %custom_jvp_call3A : f32 to vector<4000x128xf32>
    %max3A_10 = arith.maximumf %add3A_9, %max3A : vector<4000x128xf32>
    %sub3A = vector.broadcast %custom_jvp_call3A : f32 to vector<4000x128xf32>
    %sub3A_11 = arith.subf %add3A_9, %sub3A : vector<4000x128xf32>
    %ne3A = arith.cmpf one, %sub3A_11, %sub3A_11 : vector<4000x128xf32>
    %add3A_12 = vector.broadcast %custom_jvp_call3A : f32 to vector<4000x128xf32>
    %add3A_13 = arith.addf %add3A_9, %add3A_12 : vector<4000x128xf32>
    %abs3A = math.absf %sub3A_11 : vector<4000x128xf32>
    %neg3A = arith.constant 0.000000e+00 : f32
    %neg3A_14 = vector.broadcast %neg3A : f32 to vector<4000x128xf32>
    %neg3A_15 = arith.subf %neg3A_14, %abs3A : vector<4000x128xf32>
    %exp3A = math.exp %neg3A_15 : vector<4000x128xf32>
    %log1p3A = math.log1p %exp3A : vector<4000x128xf32>
    %add3A_16 = arith.addf %max3A_10, %log1p3A : vector<4000x128xf32>
    %select_n3A = arith.select %ne3A, %add3A_13, %add3A_16 : vector<4000x128xi1>, vector<4000x128xf32>
    %sub3A_17 = arith.constant 0.693147182 : f32
    %sub3A_18 = vector.broadcast %sub3A_17 : f32 to vector<4000x128xf32>
    %sub3A_19 = arith.subf %select_n3A, %sub3A_18 : vector<4000x128xf32>
    %get3A_20 = arith.constant 0 : index
    %get3A_21 = arith.constant 0 : index
    %get3A_22 = vector.load %arg5[%get3A_20, %get3A_21] : memref<128x128xf32, #tpu.memory_space<vmem>>, vector<128x128xf32>
    %dot_general3A_23 = arith.constant dense<0.000000e+00> : vector<4000x128xf32>
    %dot_general3A_24 = tpu.matmul %sub3A_19, %get3A_22, %dot_general3A_23 {dimension_numbers = #tpu.dot_dimension_numbers<[1], [0], [0], [1], [0, 0, 1, 1], [], []>, transpose_lhs_hint = false} : vector<4000x128xf32>, vector<128x128xf32>, vector<4000x128xf32> -> vector<4000x128xf32>
    %get3A_25 = arith.constant 0 : index
    %get3A_26 = arith.constant 0 : index
    %get3A_27 = vector.load %arg6[%get3A_25, %get3A_26] : memref<1x128xf32, #tpu.memory_space<vmem>>, vector<1x128xf32>
    %add3A_28 = vector.broadcast %get3A_27 : vector<1x128xf32> to vector<4000x128xf32>
    %add3A_29 = arith.addf %dot_general3A_24, %add3A_28 : vector<4000x128xf32>
    %get3A_30 = arith.constant 0 : index
    %get3A_31 = arith.constant 0 : index
    %get3A_32 = vector.load %arg2[%get3A_30, %get3A_31] : memref<4000x1xf32, #tpu.memory_space<vmem>>, vector<4000x1xf32>
    %le3A = arith.constant 1.000000e+01 : f32
    %le3A_33 = vector.broadcast %le3A : f32 to vector<4000x1xf32>
    %le3A_34 = arith.cmpf ole, %get3A_32, %le3A_33 : vector<4000x1xf32>
    %jit3A = arith.constant 1.000000e+00 : f32
    %jit3A_35 = arith.constant 0.000000e+00 : f32
    %broadcast_in_dim3A = vector.broadcast %jit3A : f32 to vector<4000x1xf32>
    %broadcast_in_dim3A_36 = vector.broadcast %jit3A_35 : f32 to vector<4000x1xf32>
    %select_n3A_37 = arith.select %le3A_34, %broadcast_in_dim3A, %broadcast_in_dim3A_36 : vector<4000x1xi1>, vector<4000x1xf32>
    %mul3A = vector.broadcast %select_n3A_37 : vector<4000x1xf32> to vector<4000x128xf32>
    %mul3A_38 = arith.mulf %add3A_29, %mul3A : vector<4000x128xf32>
    %swap3A = arith.constant 0 : index
    %swap3A_39 = arith.constant 0 : index
    %swap3A_40 = vector.load %arg7[%swap3A, %swap3A_39] : memref<4000x128xf32, #tpu.memory_space<vmem>>, vector<4000x128xf32>
    tpu.vector_store %arg7[%swap3A, %swap3A_39], %mul3A_38 {strides = array<i32>} : memref<4000x128xf32, #tpu.memory_space<vmem>>, vector<4000x128xf32>,
    return
  }
  func.func @transform_0(%arg0: i32) -> (i32, i32) {
    %c0_i32 = arith.constant 0 : i32
    %c0_i32_0 = arith.constant 0 : i32
    return %arg0, %c0_i32 : i32, i32
  }
  func.func @transform_1(%arg0: i32) -> (i32, i32) {
    %c0_i32 = arith.constant 0 : i32
    %c0_i32_0 = arith.constant 0 : i32
    return %arg0, %c0_i32 : i32, i32
  }
  func.func @transform_2(%arg0: i32) -> (i32, i32) {
    %c0_i32 = arith.constant 0 : i32
    %c0_i32_0 = arith.constant 0 : i32
    %c0_i32_1 = arith.constant 0 : i32
    return %c0_i32, %c0_i32_0 : i32, i32
  }
  func.func @transform_3(%arg0: i32) -> (i32, i32) {
    %c0_i32 = arith.constant 0 : i32
    %c0_i32_0 = arith.constant 0 : i32
    %c0_i32_1 = arith.constant 0 : i32
    return %c0_i32, %c0_i32_0 : i32, i32
  }
  func.func @transform_4(%arg0: i32) -> (i32, i32) {
    %c0_i32 = arith.constant 0 : i32
    %c0_i32_0 = arith.constant 0 : i32
    %c0_i32_1 = arith.constant 0 : i32
    return %c0_i32, %c0_i32_0 : i32, i32
  }
  func.func @transform_5(%arg0: i32) -> (i32, i32) {
    %c0_i32 = arith.constant 0 : i32
    %c0_i32_0 = arith.constant 0 : i32
    %c0_i32_1 = arith.constant 0 : i32
    return %c0_i32, %c0_i32_0 : i32, i32
  }
  func.func @transform_6(%arg0: i32) -> (i32, i32) {
    %c0_i32 = arith.constant 0 : i32
    %c0_i32_0 = arith.constant 0 : i32
    return %arg0, %c0_i32 : i32, i32
  }
}

module attributes {stable_mosaic.version = 14 : i64} {
  func.func @_tail_body(%arg0: i32, %arg1: memref<2000x128xf32, #tpu.memory_space<vmem>>, %arg2: memref<128x128xf32, #tpu.memory_space<vmem>>, %arg3: memref<1x128xf32, #tpu.memory_space<vmem>>, %arg4: memref<128x128xf32, #tpu.memory_space<vmem>>, %arg5: memref<1x128xf32, #tpu.memory_space<vmem>>, %arg6: memref<2000x128xf32, #tpu.memory_space<vmem>>) attributes {dimension_semantics = [#tpu.dimension_semantics<arbitrary>], iteration_bounds = array<i64: 5>, scalar_prefetch = 0 : i64, scratch_operands = 0 : i64, tpu.core_type = #tpu.core_type<tc>, window_params = [{transform_indices = @transform_0, window_bounds = array<i64: 2000, 128>}, {pipeline_mode = #tpu.pipeline_mode<synchronous>, transform_indices = @transform_1, window_bounds = array<i64: 128, 128>}, {pipeline_mode = #tpu.pipeline_mode<synchronous>, transform_indices = @transform_2, window_bounds = array<i64: 1, 128>}, {pipeline_mode = #tpu.pipeline_mode<synchronous>, transform_indices = @transform_3, window_bounds = array<i64: 128, 128>}, {pipeline_mode = #tpu.pipeline_mode<synchronous>, transform_indices = @transform_4, window_bounds = array<i64: 1, 128>}, {transform_indices = @transform_5, window_bounds = array<i64: 2000, 128>}]} {
    %get3A = arith.constant 0 : index
    %get3A_0 = arith.constant 0 : index
    %get3A_1 = vector.load %arg1[%get3A, %get3A_0] : memref<2000x128xf32, #tpu.memory_space<vmem>>, vector<2000x128xf32>
    %get3A_2 = arith.constant 0 : index
    %get3A_3 = arith.constant 0 : index
    %get3A_4 = vector.load %arg2[%get3A_2, %get3A_3] : memref<128x128xf32, #tpu.memory_space<vmem>>, vector<128x128xf32>
    %dot_general3A = arith.constant dense<0.000000e+00> : vector<2000x128xf32>
    %dot_general3A_5 = tpu.matmul %get3A_1, %get3A_4, %dot_general3A {dimension_numbers = #tpu.dot_dimension_numbers<[1], [0], [0], [1], [0, 0, 1, 1], [], []>, transpose_lhs_hint = false} : vector<2000x128xf32>, vector<128x128xf32>, vector<2000x128xf32> -> vector<2000x128xf32>
    %get3A_6 = arith.constant 0 : index
    %get3A_7 = arith.constant 0 : index
    %get3A_8 = vector.load %arg3[%get3A_6, %get3A_7] : memref<1x128xf32, #tpu.memory_space<vmem>>, vector<1x128xf32>
    %add3A = vector.broadcast %get3A_8 : vector<1x128xf32> to vector<2000x128xf32>
    %add3A_9 = arith.addf %dot_general3A_5, %add3A : vector<2000x128xf32>
    %custom_jvp_call3A = arith.constant 0.000000e+00 : f32
    %max3A = vector.broadcast %custom_jvp_call3A : f32 to vector<2000x128xf32>
    %max3A_10 = arith.maximumf %add3A_9, %max3A : vector<2000x128xf32>
    %sub3A = vector.broadcast %custom_jvp_call3A : f32 to vector<2000x128xf32>
    %sub3A_11 = arith.subf %add3A_9, %sub3A : vector<2000x128xf32>
    %ne3A = arith.cmpf one, %sub3A_11, %sub3A_11 : vector<2000x128xf32>
    %add3A_12 = vector.broadcast %custom_jvp_call3A : f32 to vector<2000x128xf32>
    %add3A_13 = arith.addf %add3A_9, %add3A_12 : vector<2000x128xf32>
    %abs3A = math.absf %sub3A_11 : vector<2000x128xf32>
    %neg3A = arith.constant 0.000000e+00 : f32
    %neg3A_14 = vector.broadcast %neg3A : f32 to vector<2000x128xf32>
    %neg3A_15 = arith.subf %neg3A_14, %abs3A : vector<2000x128xf32>
    %exp3A = math.exp %neg3A_15 : vector<2000x128xf32>
    %log1p3A = math.log1p %exp3A : vector<2000x128xf32>
    %add3A_16 = arith.addf %max3A_10, %log1p3A : vector<2000x128xf32>
    %select_n3A = arith.select %ne3A, %add3A_13, %add3A_16 : vector<2000x128xi1>, vector<2000x128xf32>
    %sub3A_17 = arith.constant 0.693147182 : f32
    %sub3A_18 = vector.broadcast %sub3A_17 : f32 to vector<2000x128xf32>
    %sub3A_19 = arith.subf %select_n3A, %sub3A_18 : vector<2000x128xf32>
    %get3A_20 = arith.constant 0 : index
    %get3A_21 = arith.constant 0 : index
    %get3A_22 = vector.load %arg4[%get3A_20, %get3A_21] : memref<128x128xf32, #tpu.memory_space<vmem>>, vector<128x128xf32>
    %dot_general3A_23 = arith.constant dense<0.000000e+00> : vector<2000x128xf32>
    %dot_general3A_24 = tpu.matmul %sub3A_19, %get3A_22, %dot_general3A_23 {dimension_numbers = #tpu.dot_dimension_numbers<[1], [0], [0], [1], [0, 0, 1, 1], [], []>, transpose_lhs_hint = false} : vector<2000x128xf32>, vector<128x128xf32>, vector<2000x128xf32> -> vector<2000x128xf32>
    %get3A_25 = arith.constant 0 : index
    %get3A_26 = arith.constant 0 : index
    %get3A_27 = vector.load %arg5[%get3A_25, %get3A_26] : memref<1x128xf32, #tpu.memory_space<vmem>>, vector<1x128xf32>
    %add3A_28 = vector.broadcast %get3A_27 : vector<1x128xf32> to vector<2000x128xf32>
    %add3A_29 = arith.addf %dot_general3A_24, %add3A_28 : vector<2000x128xf32>
    %swap3A = arith.constant 0 : index
    %swap3A_30 = arith.constant 0 : index
    %swap3A_31 = vector.load %arg6[%swap3A, %swap3A_30] : memref<2000x128xf32, #tpu.memory_space<vmem>>, vector<2000x128xf32>
    tpu.vector_store %arg6[%swap3A, %swap3A_30], %add3A_29 {strides = array<i32>} : memref<2000x128xf32, #tpu.memory_space<vmem>>, vector<2000x128xf32>,
    return
  }
  func.func @transform_0(%arg0: i32) -> (i32, i32) {
    %c0_i32 = arith.constant 0 : i32
    %c0_i32_0 = arith.constant 0 : i32
    return %arg0, %c0_i32 : i32, i32
  }
  func.func @transform_1(%arg0: i32) -> (i32, i32) {
    %c0_i32 = arith.constant 0 : i32
    %c0_i32_0 = arith.constant 0 : i32
    %c0_i32_1 = arith.constant 0 : i32
    return %c0_i32, %c0_i32_0 : i32, i32
  }
  func.func @transform_2(%arg0: i32) -> (i32, i32) {
    %c0_i32 = arith.constant 0 : i32
    %c0_i32_0 = arith.constant 0 : i32
    %c0_i32_1 = arith.constant 0 : i32
    return %c0_i32, %c0_i32_0 : i32, i32
  }
  func.func @transform_3(%arg0: i32) -> (i32, i32) {
    %c0_i32 = arith.constant 0 : i32
    %c0_i32_0 = arith.constant 0 : i32
    %c0_i32_1 = arith.constant 0 : i32
    return %c0_i32, %c0_i32_0 : i32, i32
  }
  func.func @transform_4(%arg0: i32) -> (i32, i32) {
    %c0_i32 = arith.constant 0 : i32
    %c0_i32_0 = arith.constant 0 : i32
    %c0_i32_1 = arith.constant 0 : i32
    return %c0_i32, %c0_i32_0 : i32, i32
  }
  func.func @transform_5(%arg0: i32) -> (i32, i32) {
    %c0_i32 = arith.constant 0 : i32
    %c0_i32_0 = arith.constant 0 : i32
    return %arg0, %c0_i32 : i32, i32
  }
}

</mosaic_0001>

<sc_bundles>
// kernel: kernel.6.cloned.1.call-start
scs
__scs_entry_jumppad:
0x0: {  	(pc) =	sbr.rel $0x88, $3  }
0x1: {  	(tag) =	ssettag $0x0;
	lr =	simm.s32 $0x1  }
0x2: {  	[smem:$0x3F94] =	sst lr;
	_ =	strace $0xD0000000  }
0x3: {  	_ = 	snop  }
0x4: {  	_ = 	snop  }
0x5: {  	_ = 	snop  }
0x6: {  	_ = 	snop  }
0x7: {  	_ = 	snop  }
__scs_overlays_trampoline_lowered:
0x8: {  	[smem:$0x3FA3] =	sst s0  }
0x9: {  	[smem:$0x3FA4] =	sst s1  }
0xa: {  	[smem:$0x3FA5] =	sst s2  }
0xb: {  	[smem:$0x3FA6] =	sst s3  }
0xc: {  	[smem:$0x3FA7] =	sst s4  }
0xd: {  	[smem:$0x3FA8] =	sst s5  }
0xe: {  	[smem:$0x3FA9] =	sst s6  }
0xf: {  	[smem:$0x3FAA] =	sst s7  }
0x10: {  	[smem:$0x3FAB] =	sst s8  }
0x11: {  	[smem:$0x3FAC] =	sst s9;
	s0 =	simm.s32 @!p0 $0x0  }
0x12: {  	s1 =	sld [smem:$0x3F92];
	s0 =	simm.s32 @p0 $0x1  }
0x13: {  	[smem:$0x3FAD] =	sst s0;
	s0 =	simm.s32 @!p1 $0x0  }
0x14: {  	s2 =	sld [smem:$0x3F91];
	s0 =	simm.s32 @p1 $0x1  }
0x15: {  	[smem:$0x3FAE] =	sst s0;
	s0 =	simm.s32 @!p2 $0x0  }
0x16: {  	s3 =	sld [smem:$0x3FDB];
	s0 =	simm.s32 @p2 $0x1  }
0x17: {  	s4 =	simm.s32 $0x1BF5;
	[smem:$0x3FB0] =	sst s0  }
0x18: {  	s0 =	sld [smem:$0x3F93];
	_ =	swait.ge [sflag:s4], $0x0  }
0x19: {  	s7 =	sld [smem:$0x3F94]  }
0x1a: {  	s8 =	sadd.s32 $0xFFFFE003, lr  }
0x1b: {  	s9 =	sadd.s32 $0xFFFFFEF7, lr;
	s5 =	simm.s32 $0xFFFFFFFF;
	p2 =	slt.u32 s8, $0xFFFFF086  }
0x1c: {  	p1 =	slt.u32 s9, $0xF7A;
	s5 =	simm.s32 @!p2 $0x0  }
0x1d: {  	s5 =	simm.s32 @p1 $0x1;
	p0 =	seq.s32 s7, s2  }
0x1e: {  	s7 =	smul.u32 @!p0 $0xF7A, s2;
	p2 =	seq.s32 @!p0 s5, $0x0  }
0x1f: {  	s9 =	smul.u32 $0xF7A, s1;
	s8 =	simm.s32 @!p0 $0x1BF5;
	p2 =	por !p2, p0  }
0x20: {  	[sflag:s8] =	ssyncset.s32 @!p0 $0xFFFFF086;
	s6 =	sadd.s32 @!p0 s3, s7;
	s7 =	simm.s32 @!p0 $0x108  }
0x21: {  	s3 =	sadd.s32 s3, s9;
	s6 =	sadd.s32 @!p0 $0x88, s6;
	s7 =	simm.s32 @p2 $0x1082  }
0x22: {  	[simem:s7], [sflag:s8] =	dma.local @!p0 [hbm:s6], $0xF7A  }
0x23: {  	s9 =	sor.u32 $0xD0000000, s2;
	s6 =	simm.s32 $0x108;
	_ =	swait.ge @!p0 [sflag:s8], $0x0  }
0x24: {  	s3 =	sadd.s32 $0x88, s3;
	s6 =	simm.s32 @!p1 $0x1082;
	[sflag:s4] =	ssyncset.s32 $0xFFFFF086  }
0x25: {  	[simem:s6], [sflag:s4] =	dma.local [hbm:s3], $0xF7A  }
0x26: {  	[smem:$0x3F94] =	sst s1;
	(tag) =	ssettag s2;
	_ =	strace s9  }
0x27: {  	s1 =	sld [smem:$0x3FA4]  }
0x28: {  	s2 =	sld [smem:$0x3FA5]  }
0x29: {  	s4 =	sld [smem:$0x3FA7]  }
0x2a: {  	p0 =	seq.s32 s5, $0x0;
	s5 =	sld [smem:$0x3FA8]  }
0x2b: {  	s6 =	sld [smem:$0x3FA9]  }
0x2c: {  	s7 =	sld [smem:$0x3FAA]  }
0x2d: {  	s3 =	simm.s32 $0x108;
	s8 =	sld [smem:$0x3FAB]  }
0x2e: {  	s3 =	simm.s32 @!p0 $0x1082;
	s9 =	sld [smem:$0x3FAC]  }
0x2f: {  	lr =	sadd.s32 s0, s3;
	s0 =	sld [smem:$0x3FA3]  }
0x30: {  	s3 =	sld [smem:$0x3FA6]  }
0x31: {  	[smem:$0x3FAF] =	sst s10  }
0x32: {  	s10 =	sld [smem:$0x3FAD];
	_ =	sdelay $0x3  }
0x33: {  	p0 =	seq.s32 s10, $0x1;
	s10 =	sld [smem:$0x3FAF];
	_ =	sdelay $0x3  }
0x34: {  	[smem:$0x3FAF] =	sst s10  }
0x35: {  	s10 =	sld [smem:$0x3FAE];
	_ =	sdelay $0x3  }
0x36: {  	p1 =	seq.s32 s10, $0x1;
	s10 =	sld [smem:$0x3FAF];
	_ =	sdelay $0x3  }
0x37: {  	[smem:$0x3FAF] =	sst s10  }
0x38: {  	s10 =	sld [smem:$0x3FB0]  }
0x39: {  	_ = 	snop;
	(pc) =	sbr.ind lr, $3  }
0x3a: {  	_ = 	snop  }
0x3b: {  	_ = 	snop  }
0x3c: {  	p2 =	seq.s32 s10, $0x1;
	s10 =	sld [smem:$0x3FAF]  }
0x3d: {  	_ =	shalt  }
0x3e: {  	_ =	shalt  }
0x3f: {  	_ =	shalt  }
0x40: {  	_ =	shalt  }
0x41: {  	_ =	shalt  }
0x42: {  	_ =	shalt  }
0x43: {  	_ =	shalt  }
0x44: {  	_ =	shalt  }
0x45: {  	_ =	shalt  }
0x46: {  	_ =	shalt  }
0x47: {  	_ =	shalt  }
0x48: {  	_ =	shalt  }
0x49: {  	_ =	shalt  }
0x4a: {  	_ =	shalt  }
0x4b: {  	_ =	shalt  }
0x4c: {  	_ =	shalt  }
0x4d: {  	_ =	shalt  }
0x4e: {  	_ =	shalt  }
0x4f: {  	_ =	shalt  }
0x50: {  	_ =	shalt  }
0x51: {  	_ =	shalt  }
0x52: {  	_ =	shalt  }
0x53: {  	_ =	shalt  }
0x54: {  	_ =	shalt  }
0x55: {  	_ =	shalt  }
0x56: {  	_ =	shalt  }
0x57: {  	_ =	shalt  }
0x58: {  	_ =	shalt  }
0x59: {  	_ =	shalt  }
0x5a: {  	_ =	shalt  }
0x5b: {  	_ =	shalt  }
0x5c: {  	_ =	shalt  }
0x5d: {  	_ =	shalt  }
0x5e: {  	_ =	shalt  }
0x5f: {  	_ =	shalt  }
0x60: {  	_ =	shalt  }
0x61: {  	_ =	shalt  }
0x62: {  	_ =	shalt  }
0x63: {  	_ =	shalt  }
0x64: {  	_ =	shalt  }
0x65: {  	_ =	shalt  }
0x66: {  	_ =	shalt  }
0x67: {  	_ =	shalt  }
0x68: {  	_ =	shalt  }
0x69: {  	_ =	shalt  }
0x6a: {  	_ =	shalt  }
0x6b: {  	_ =	shalt  }
0x6c: {  	_ =	shalt  }
0x6d: {  	_ =	shalt  }
0x6e: {  	_ =	shalt  }
0x6f: {  	_ =	shalt  }
0x70: {  	_ =	shalt  }
0x71: {  	_ =	shalt  }
0x72: {  	_ =	shalt  }
0x73: {  	_ =	shalt  }
0x74: {  	_ =	shalt  }
0x75: {  	_ =	shalt  }
0x76: {  	_ =	shalt  }
0x77: {  	_ =	shalt  }
0x78: {  	_ =	shalt  }
0x79: {  	_ =	shalt  }
0x7a: {  	_ =	shalt  }
0x7b: {  	_ =	shalt  }
0x7c: {  	_ =	shalt  }
0x7d: {  	_ =	shalt  }
0x7e: {  	_ =	shalt  }
0x7f: {  	_ =	shalt  }
0x80: {  	_ =	shalt  }
0x81: {  	_ =	shalt  }
0x82: {  	_ =	shalt  }
0x83: {  	_ =	shalt  }
0x84: {  	_ =	shalt  }
0x85: {  	_ =	shalt  }
0x86: {  	_ =	shalt  }
0x87: {  	_ =	shalt  }
.Lfunc_end0:
.L_simem_size_0:
called_computation_lowered:
.L_overlay_start_0:
0x88: {  	s2 =	sld [smem:$0x3FD9]  }
0x89: {  	s3 =	sld [smem:$0x3FFE];
	_ =	sdelay $0x1  }
0x8a: {  	s1 =	srdreg.scid  }
0x8b: {  	s0 =	sand.u32 $0x1, s1  }
0x8c: {  	s17 =	sshll.u32 s0, $0xA;
	s2 =	sadd.s32 s3, s2  }
0x8d: {  	s2 =	sadd.s32 s2, s17  }
0x8e: {  	[smem:$0x3FBB] =	sst s2  }
0x8f: {  	_ = 	snop  }
0x90: {  	s2 =	sld [smem:$0x3FD0];
	(tm) =	ssettm $0x1  }
0x91: {  	s18 =	sld [smem:$0x3FFB];
	_ =	sdelay $0x3  }
0x92: {  	_ =	strace s18  }
0x93: {  	s3 =	sld [smem:$0x3FFC];
	_ =	sdelay $0x3  }
0x94: {  	_ =	strace s3  }
0x95: {  	s3 =	sld [smem:$0x3FFD];
	_ =	sdelay $0x3  }
0x96: {  	_ =	strace s3  }
0x97: {  	_ =	strace $0x8FFFFFFF  }
0x98: {  	s19 =	sld [smem:$0x3FDB];
	_ =	sdelay $0x1  }
0x99: {  	s4 =	simm.s32 $_scs_section_size  }
0x9a: {  	s5 =	simm.s32 $_size__tile_overlayer_lowered;
	s6 =	simm.s32 $_tile_overlayer_lowered  }
0x9b: {  	s22 =	simm.s32 $0x1BFF;
	s21 =	sshll.u32 s6, $0x1;
	s3 =	sadd.s32 s4, s19  }
0x9c: {  	s7 =	simm.s32 $0x0;
	s20 =	sshll.u32 s5, $0x1;
	s5 =	sadd.s32 s21, s3  }
0x9d: {  	[timem:s7], [sflag:s22] =	dma.local [hbm:s5], s20  }
0x9e: {  	_ =	swait.ge [sflag:s22], s20  }
0x9f: {  	s4 =	ssub.s32 $0x0, s20;
	[sflag:s22] =	ssyncset.done $0x0  }
0xa0: {  	[sflag:s22] =	ssyncadd.s32 s4;
	_ =	sdelay $0x1  }
0xa1: {  	s23 =	simm.s32 $0x1B8B  }
0xa2: {  	_ =	swait.ge [sflag:s23], $0x1  }
0xa3: {  	[sflag:s23] =	ssyncset.done $0x0  }
0xa4: {  	s25 =	simm.s32 $0x1B8E;
	s24 =	sld [smem:$0x3FFE];
	[sflag:s23] =	ssyncadd.s32 $0xFFFFFFFF  }
0xa5: {  	s26 =	simm.s32 $execute0_lowered;
	[smem:$0x3FD2] =	sst s25  }
0xa6: {  	s5 =	sshll.u32 s26, $0x1;
	_ =	strace $0x80000046;
	[dreg:$0x1] =	wrdreg $0xFFFFFFFF  }
0xa7: {  	s28 =	simm.s32 $_size_execute0_lowered;
	s3 =	sadd.s32 s3, s5;
	[dreg:$0x0] =	wrdreg $0x0  }
0xa8: {  	s5 =	sshll.u32 s28, $0x1;
	[dreg:$0x2] =	wrdreg s3  }
0xa9: {  	[dreg:$0x3] =	wrdreg s5  }
0xaa: {  	[dreg:$0x4] =	wrdreg $0xC0  }
0xab: {  	_ =	task [dreg:s7], $0x5FFFF  }
0xac: {  	[dreg:$0x1] =	wrdreg $0xFFFFFFFF  }
0xad: {  	[dreg:$0x0] =	wrdreg $0x60  }
0xae: {  	[dreg:$0x2] =	wrdreg s2  }
0xaf: {  	[dreg:$0x3] =	wrdreg s24  }
0xb0: {  	[dreg:$0x4] =	wrdreg $0x1AD800  }
0xb1: {  	[dreg:$0x5] =	wrdreg $0x9  }
0xb2: {  	_ =	task.clear_ibuf [dreg:s7], $0x6FFFF;
	_ =	strace $0x90000046  }
0xb3: {  	s29 =	simm.s32 $0x9;
	_ =	strace $0x80000048  }
0xb4: {  	_ =	swait.ge [sflag:s29], $0x1  }
0xb5: {  	[sflag:s29] =	ssyncadd.s32 $0xFFFFFFFF  }
0xb6: {  	_ =	strace $0x90000048  }
0xb7: {  	_ =	sfence  }
0xb8: {  	s30 =	sld [smem:$0x0];
	_ =	sdelay $0x2  }
0xb9: {  	s31 =	sshll.u32 s1, $0xD;
	s1 =	sshrl.u32 s1, $0x2  }
0xba: {  	s3 =	sand.u32 $0x4000, s31;
	s1 =	sadd.s32 s1, s30  }
0xbb: {  	s0 =	sor.u32 s3, s0;
	s1 =	sshll.u32 s1, $0x11  }
0xbc: {  	s0 =	sor.u32 s1, s0  }
0xbd: {  	s0 =	sadd.s32 $0x8F2B, s0  }
0xbe: {  	[sflag:s0] =	ssyncadd.remote.s32 $0x1  }
0xbf: {  	_ =	sfence.sel $0xFFFF  }
0xc0: {  	[dreg:$0x0] =	wrdreg $0xFFFFFFFF;
	(pc) =	sbr.abs _section_cstart, $3  }
0xc1: {  	[dreg:$0x1] =	wrdreg $0xFFFFFFFF  }
0xc2: {  	_ =	task.clear_ibuf [dreg:s7], $0x2FFFF;
	_ =	strace $0x9FFFFFFF  }
0xc3: {  	(tm) =	ssettm $0x7FFFFFFF  }
tec
execute0_lowered:
.L_overlay_start_1:
0x0: {  	(tag) =	ssettag $0x1  }
0x1: {  	s2 =	rddreg [dreg:$0x0]  }
0x2: {  	s0 =	rddreg [dreg:$0x1]  }
0x3: {  	s10 =	stileid.u32;
	s3 =	rddreg [dreg:$0x2]  }
0x4: {  	s5 =	simm.s32 $0x0;
	s17 =	srdreg.scid;
	s20 =	simm.s32 $0x19D80  }
0x5: {  	s21 =	simm.s32 $0x80;
	s22 =	simm.s32 $0x9D80;
	s28 =	simm.s32 $0x2  }
0x6: {  	s29 =	simm.s32 $0x9D00;
	s30 =	simm.s32 $0x3;
	s1 =	smul.u32 $0x9C, s10  }
0x7: {  	s31 =	simm.s32 $0x4;
	s4 =	smin.u32 s10, $0x4;
	s9 =	smul.u32 $0x14000, s10  }
0x8: {  	[smem:$0x7FF] =	sst s5;
	s6 =	sadd.s32 $0x9DA400, s0;
	s14 =	smul.u32 $0x5000, s10  }
0x9: {  	p0 =	sgt.u32 s10, $0x3;
	_ =	strace $0x80000047;
	s5 =	sadd.s32 s4, s1  }
0xa: {  	s1 =	sand.u32 $0x1, s17;
	s23 =	sshrl.u32 s9, $0x2;
	s4 =	sshll.u32 s5, $0x4  }
0xb: {  	s7 =	ssub.s32 $0x2, s1;
	s19 =	smul.u32 $0x1388, s1;
	s9 =	sadd.s32 s23, s3  }
0xc: {  	s24 =	smul.u32 $0xA0000, s1;
	s1 =	sshllo.u32 s1, $0x1;
	s16 =	sshll.u32 s5, $0xB  }
0xd: {  	s23 =	simm.s32 $0xDD80;
	s4 =	sadd.s32 s4, s0;
	s0 =	sadd.s32 $0x16400, s0  }
0xe: {  	s8 =	sshrl.u32 s7, $0x1;
	s11 =	sadd.s32 $0x1000, s9;
	s15 =	smul.u32 $0x50000, s1  }
0xf: {  	s12 =	sadd.s32 $0x3000, s9;
	s13 =	sadd.s32 $0x4000, s9;
	s1 =	smul.u32 $0x9C4, s1  }
0x10: {  	s7 =	ssub.s32 s7, s8;
	s18 =	sadd.s32 $0x2800, s4;
	[dreg:$0x6] =	wrdreg s11  }
0x11: {  	s4 =	sadd.s32 $0xC600, s4;
	s11 =	sadd.s32 $0x2000, s9;
	[dreg:$0x4] =	wrdreg s18  }
0x12: {  	[dreg:$0x5] =	wrdreg s4;
	s4 =	sadd.s32 s14, s24;
	s15 =	sadd.s32 s14, s15  }
.Ltmp0:
0x13: {  	s14 =	sadd.s32 s6, s16;
	s26 =	smax.u32 s7, $0x1;
	(pc) =	sbr.rel .LBB2_1-.Ltmp0, $4  }
0x14: {  	s18 =	simm.s32 $0x5;
	s24 =	simm.s32 $0x11D80;
	s4 =	sshrl.u32 s4, $0x3  }
0x15: {  	s25 =	sshrl.u32 s15, $0x3;
	[dreg:$0x9] =	wrdreg s26;
	s4 =	sadd.s32 s0, s4  }
0x16: {  	v1 =	vmov s1;
	s1 =	simm.s32 $0x0;
	s0 =	sadd.s32 s0, s25;
	[dreg:$0x7] =	wrdreg s4  }
0x17: {  	v2 =	vimm.f32 $0.0e+00;
	v0 =	vmov s19;
	s26 =	simm.s32 $0x1;
	s25 =	simm.s32 $0x15D80;
	[dreg:$0x8] =	wrdreg s0  }
.LBB2_24:
0x18: {  	_ =	swait.ge [sflag:s26], $0x4000  }
0x19: {  	[sflag:s26] =	ssyncset.done $0x0  }
0x1a: {  	s4 =	simm.s32 $0x2;
	[sflag:s26] =	ssyncadd.s32 $0xFFFFC000  }
.LBB2_25:
0x1b: {  	_ =	swait.ge [sflag:s4], $0x4000  }
0x1c: {  	[sflag:s4] =	ssyncset.done $0x0  }
0x1d: {  	[sflag:s4] =	ssyncadd.s32 $0xFFFFC000  }
0x1e: {  	[bflag:$0x0] =	sbarrier.arrive $0xFFFF  }
0x1f: {  	s17 =	rddreg [dreg:$0x8]  }
0x20: {  	[hbm:s17], [sflag:s19] =	dma.local [spmem:s0], $0xA00  }
0x21: {  	_ =	swait.ge [sflag:s18], $0xA00  }
0x22: {  	s1 =	sadd.s32 $0x1, s1;
	s19 =	rddreg [dreg:$0x9]  }
0x23: {  	p1 =	sne.s32 s1, s19  }
.Ltmp1:
0x24: {  	_ = 	snop;
	(pc) =	sbr.rel @!p1 .LBB2_26-.Ltmp1, $3  }
0x25: {  	[sflag:s18] =	ssyncset.done $0x0  }
0x26: {  	[sflag:s18] =	ssyncadd.s32 $0xFFFFF600  }
0x27: {  	[bflag:$0x0] =	sbarrier.arrive $0xFFFF;
	_ =	sdelay $0x1  }
.LBB2_1:
0x28: {  	s0 =	simm.s32 $0x0;
	s4 =	rddreg [dreg:$0x4]  }
0x29: {  	[tilespmem:s0], [sflag:$0x5] =	stream.linear.gather [hbm4b:s4+s0], $0x4E80, $0x38;
	[tilespmem:$0x1FD80] =	vst v63  }
0x2a: {  	_ =	swait.ge [sflag:s18], $0x4E80  }
0x2b: {  	[sflag:s18] =	ssyncset.done $0x0  }
0x2c: {  	s7 =	simm.s32 $0x4E80;
	s19 =	rddreg [dreg:$0x5];
	[sflag:s18] =	ssyncadd.s32 $0xFFFFB180  }
0x2d: {  	[tilespmem:s7], [sflag:$0x5] =	stream.linear.gather [hbm4b:s19+s0], $0x4E80, $0x38;
	[tilespmem:$0x1FD80] =	vst v63  }
0x2e: {  	_ =	swait.ge [sflag:s18], $0x4E80  }
0x2f: {  	[sflag:s18] =	ssyncset.done $0x0  }
0x30: {  	s4 =	simm.s32 $0x200;
	s0 =	simm.s32 $0x0;
	[sflag:s18] =	ssyncadd.s32 $0xFFFFB180  }
.LBB2_2:
0x31: {  	p1 =	sne.s32 s4, $0x3E00;
	[tilespmem:s0+$0x19DF0] =	vst v2  }
0x32: {  	[tilespmem:s0+$0x19D80] =	vst v2  }
0x33: {  	[tilespmem:s0+$0x19D90] =	vst v2  }
.Ltmp2:
0x34: {  	[tilespmem:s0+$0x19DA0] =	vst v2;
	(pc) =	sbr.rel @p1 .LBB2_2-.Ltmp2, $4  }
0x35: {  	[tilespmem:s0+$0x19DB0] =	vst v2  }
0x36: {  	[tilespmem:s0+$0x19DC0] =	vst v2  }
0x37: {  	[tilespmem:s0+$0x19DD0] =	vst v2  }
0x38: {  	[tilespmem:s0+$0x19DE0] =	vst v2;
	s0 =	sshra.s32 s4, $0x2;
	s4 =	sadd.s32 $0x200, s4  }
0x39: {  	[tilespmem:s0+$0x19DF0] =	vst v2  }
0x3a: {  	[tilespmem:s0+$0x19D80] =	vst v2  }
0x3b: {  	[tilespmem:s0+$0x19D90] =	vst v2  }
0x3c: {  	[tilespmem:s0+$0x19DA0] =	vst v2  }
0x3d: {  	[tilespmem:s0+$0x19DB0] =	vst v2  }
0x3e: {  	[tilespmem:s0+$0x19DC0] =	vst v2  }
0x3f: {  	[tilespmem:s0+$0x19DD0] =	vst v2  }
0x40: {  	[tilespmem:s0+$0x19DE0] =	vst v2  }
0x41: {  	[spmem:s9] =	stream.linear.scatter [tilespmem:s20], [sflag:$0x5], $0x1000, $0x38;
	[tilespmem:$0x1FD80] =	vst v63  }
0x42: {  	_ =	swait.ge [sflag:s18], $0x1000  }
0x43: {  	[sflag:s18] =	ssyncset.done $0x0  }
0x44: {  	s19 =	rddreg [dreg:$0x6];
	[sflag:s18] =	ssyncadd.s32 $0xFFFFF000  }
0x45: {  	[spmem:s19] =	stream.linear.scatter [tilespmem:s20], [sflag:$0x5], $0x1000, $0x38;
	[tilespmem:$0x1FD80] =	vst v63  }
0x46: {  	_ =	swait.ge [sflag:s18], $0x1000  }
0x47: {  	[sflag:s18] =	ssyncset.done $0x0  }
0x48: {  	[sflag:s18] =	ssyncadd.s32 $0xFFFFF000  }
0x49: {  	[spmem:s11] =	stream.linear.scatter [tilespmem:s20], [sflag:$0x5], $0x1000, $0x38;
	[tilespmem:$0x1FD80] =	vst v63  }
0x4a: {  	_ =	swait.ge [sflag:s18], $0x1000  }
0x4b: {  	[sflag:s18] =	ssyncset.done $0x0  }
0x4c: {  	[sflag:s18] =	ssyncadd.s32 $0xFFFFF000  }
0x4d: {  	[spmem:s12] =	stream.linear.scatter [tilespmem:s20], [sflag:$0x5], $0x1000, $0x38;
	[tilespmem:$0x1FD80] =	vst v63  }
0x4e: {  	_ =	swait.ge [sflag:s18], $0x1000  }
0x4f: {  	[sflag:s18] =	ssyncset.done $0x0  }
0x50: {  	[sflag:s18] =	ssyncadd.s32 $0xFFFFF000  }
0x51: {  	[spmem:s13] =	stream.linear.scatter [tilespmem:s20], [sflag:$0x5], $0x1000, $0x38;
	[tilespmem:$0x1FD80] =	vst v63  }
0x52: {  	_ =	swait.ge [sflag:s18], $0x1000  }
0x53: {  	[sflag:s18] =	ssyncset.done $0x0  }
0x54: {  	[sflag:s18] =	ssyncadd.s32 $0xFFFFF000  }
0x55: {  	s0 =	simm.s32 $0x0;
	[bflag:$0x0] =	sbarrier.arrive $0xFFFF  }
0x56: {  	[tilespmem:s22], [sflag:$0x1] =	stream.indirect.gather [hbm4b:s2+s21], $0x80, s0, s21, $0xb8;
	[tilespmem:$0x1FD80] =	vst v63  }
0x57: {  	s4 =	simm.s32 $0x0  }
0x58: {  	[tilespmem:s23], [sflag:$0x2] =	stream.linear.gather [hbm4b:s14+s0], $0x4000, $0x38;
	[tilespmem:$0x1FD80] =	vst v63  }
.LBB2_4:
0x59: {  	s8 =	sshllo.u32 s4, $0x1  }
0x5a: {  	s7 =	sshll.u32 s8, $0x9;
	s8 =	sadd.s32 s5, s8  }
0x5b: {  	s7 =	sshrl.u32 s7, $0x2;
	s8 =	sshll.u32 s8, $0xB  }
0x5c: {  	[tilespmem:s24], [sflag:$0x3] =	stream.indirect.gather [hbm4b:s2+s21], $0x80, s7, s21, $0xb8;
	[tilespmem:$0x1FD80] =	vst v63  }
0x5d: {  	s8 =	sand.u32 $0x1FFFF800, s8  }
0x5e: {  	s19 =	sshll.u32 s4, $0x8;
	s8 =	sadd.s32 s6, s8  }
0x5f: {  	[tilespmem:s25], [sflag:$0x4] =	stream.linear.gather [hbm4b:s8+s0], $0x4000, $0x38;
	[tilespmem:$0x1FD80] =	vst v63  }
0x60: {  	s8 =	sand.u32 $0x3FFFFF00, s19  }
0x61: {  	v3 =	vld [tilespmem:s8+$0x4E80];
	_ =	sdelay $0x4  }
0x62: {  	v4 =	vsub.s32 v3, v0;
	v3 =	vand.u32 $0x1F, v3  }
0x63: {  	vm0 =	vlt.u32 v4, $0x9C4;
	v3 =	vadd.s32 $0x9C4, v3  }
0x64: {  	v3 =	vsel vm0, v4, v3  }
0x65: {  	[tilespmem:$0x9D00] =	vst v3  }
0x66: {  	v3 =	vld [tilespmem:s8+$0x4E90];
	_ =	sdelay $0x4  }
0x67: {  	v4 =	vsub.s32 v3, v0;
	v3 =	vand.u32 $0x1F, v3  }
0x68: {  	vm9 =	vlt.u32 v4, $0x9C4;
	v3 =	vadd.s32 $0x9C4, v3  }
0x69: {  	v3 =	vsel vm9, v4, v3  }
0x6a: {  	[tilespmem:$0x9D10] =	vst v3  }
0x6b: {  	v3 =	vld [tilespmem:s8+$0x4EA0];
	_ =	sdelay $0x4  }
0x6c: {  	v4 =	vsub.s32 v3, v0;
	v3 =	vand.u32 $0x1F, v3  }
0x6d: {  	vm10 =	vlt.u32 v4, $0x9C4;
	v3 =	vadd.s32 $0x9C4, v3  }
0x6e: {  	v3 =	vsel vm10, v4, v3  }
0x6f: {  	[tilespmem:$0x9D20] =	vst v3  }
0x70: {  	v3 =	vld [tilespmem:s8+$0x4EB0];
	_ =	sdelay $0x4  }
0x71: {  	v4 =	vsub.s32 v3, v0;
	v3 =	vand.u32 $0x1F, v3  }
0x72: {  	vm11 =	vlt.u32 v4, $0x9C4;
	v3 =	vadd.s32 $0x9C4, v3  }
0x73: {  	v3 =	vsel vm11, v4, v3  }
0x74: {  	[tilespmem:$0x9D30] =	vst v3  }
0x75: {  	v3 =	vld [tilespmem:s8+$0x4EC0];
	_ =	sdelay $0x4  }
0x76: {  	v4 =	vsub.s32 v3, v0;
	v3 =	vand.u32 $0x1F, v3  }
0x77: {  	vm12 =	vlt.u32 v4, $0x9C4;
	v3 =	vadd.s32 $0x9C4, v3  }
0x78: {  	v3 =	vsel vm12, v4, v3  }
0x79: {  	[tilespmem:$0x9D40] =	vst v3  }
0x7a: {  	v3 =	vld [tilespmem:s8+$0x4ED0];
	_ =	sdelay $0x4  }
0x7b: {  	v4 =	vsub.s32 v3, v0;
	v3 =	vand.u32 $0x1F, v3  }
0x7c: {  	vm13 =	vlt.u32 v4, $0x9C4;
	v3 =	vadd.s32 $0x9C4, v3  }
0x7d: {  	v3 =	vsel vm13, v4, v3  }
0x7e: {  	[tilespmem:$0x9D50] =	vst v3  }
0x7f: {  	v3 =	vld [tilespmem:s8+$0x4EE0];
	_ =	sdelay $0x4  }
0x80: {  	v4 =	vsub.s32 v3, v0;
	v3 =	vand.u32 $0x1F, v3  }
0x81: {  	vm14 =	vlt.u32 v4, $0x9C4;
	v3 =	vadd.s32 $0x9C4, v3  }
0x82: {  	v3 =	vsel vm14, v4, v3  }
0x83: {  	[tilespmem:$0x9D60] =	vst v3  }
0x84: {  	v3 =	vld [tilespmem:s8+$0x4EF0];
	_ =	sdelay $0x4  }
0x85: {  	v4 =	vsub.s32 v3, v0;
	v3 =	vand.u32 $0x1F, v3  }
0x86: {  	vm15 =	vlt.u32 v4, $0x9C4;
	v3 =	vadd.s32 $0x9C4, v3  }
0x87: {  	v3 =	vsel vm15, v4, v3  }
0x88: {  	[tilespmem:$0x9D70] =	vst v3  }
0x89: {  	_ =	swait.ge [sflag:s26], $0x4000  }
0x8a: {  	[sflag:s26] =	ssyncset.done $0x0  }
0x8b: {  	[sflag:s26] =	ssyncadd.s32 $0xFFFFC000  }
0x8c: {  	_ =	swait.ge [sflag:s28], $0x4000  }
0x8d: {  	[sflag:s28] =	ssyncset.done $0x0  }
0x8e: {  	s8 =	simm.s32 $0x0;
	[sflag:s28] =	ssyncadd.s32 $0xFFFFC000  }
0x8f: {  	v10 =	vld [tilespmem:s8+$0xDD80]  }
0x90: {  	v14 =	vld [tilespmem:s8+$0xDD90]  }
0x91: {  	v8 =	vld [tilespmem:s8+$0xDDA0]  }
0x92: {  	v7 =	vld [tilespmem:s8+$0xDDB0]  }
0x93: {  	v6 =	vld [tilespmem:s8+$0xDDC0]  }
0x94: {  	v5 =	vld [tilespmem:s8+$0xDDD0]  }
0x95: {  	v4 =	vld [tilespmem:s8+$0xDDE0]  }
0x96: {  	v3 =	vld [tilespmem:s8+$0xDDF0]  }
0x97: {  	v15 =	vld [tilespmem:s8+$0x9D80]  }
0x98: {  	v16 =	vld [tilespmem:s8+$0x9D90]  }
0x99: {  	v13 =	vld [tilespmem:s8+$0x9DA0]  }
0x9a: {  	v12 =	vld [tilespmem:s8+$0x9DB0]  }
0x9b: {  	v11 =	vld [tilespmem:s8+$0x9DC0]  }
0x9c: {  	v9 =	vld [tilespmem:s8+$0x9DD0];
	v15 =	vmul.f32 v10, v15  }
0x9d: {  	s15 =	sshll.u32 s4, $0x1;
	s16 =	simm.s32 $0x200;
	v14 =	vmul.f32 v14, v16;
	v10 =	vld [tilespmem:s8+$0x9DE0]  }
.LBB2_5:
0x9e: {  	s17 =	sshra.s32 s16, $0x2;
	p1 =	sne.s32 s16, $0xFE00;
	[tilespmem:s8+$0x9D80] =	vst v15;
	v8 =	vmul.f32 v8, v13;
	v13 =	vld [tilespmem:s8+$0x9DF0]  }
0x9f: {  	v15 =	vld [tilespmem:s17+$0xDD80];
	[tilespmem:s8+$0x9D90] =	vst v14;
	v7 =	vmul.f32 v7, v12  }
0xa0: {  	v14 =	vld [tilespmem:s17+$0xDD90];
	[tilespmem:s8+$0x9DA0] =	vst v8;
	v6 =	vmul.f32 v6, v11  }
0xa1: {  	v8 =	vld [tilespmem:s17+$0xDDA0];
	[tilespmem:s8+$0x9DB0] =	vst v7;
	v5 =	vmul.f32 v5, v9  }
0xa2: {  	v7 =	vld [tilespmem:s17+$0xDDB0];
	[tilespmem:s8+$0x9DC0] =	vst v6;
	v4 =	vmul.f32 v4, v10  }
0xa3: {  	v6 =	vld [tilespmem:s17+$0xDDC0];
	[tilespmem:s8+$0x9DD0] =	vst v5;
	v3 =	vmul.f32 v3, v13  }
0xa4: {  	v5 =	vld [tilespmem:s17+$0xDDD0];
	[tilespmem:s8+$0x9DE0] =	vst v4  }
0xa5: {  	v4 =	vld [tilespmem:s17+$0xDDE0];
	[tilespmem:s8+$0x9DF0] =	vst v3;
	s8 =	smov.u32 s17  }
0xa6: {  	v3 =	vld [tilespmem:s8+$0xDDF0]  }
0xa7: {  	v9 =	vld [tilespmem:s8+$0x9D80]  }
0xa8: {  	v10 =	vld [tilespmem:s8+$0x9D90]  }
.Ltmp3:
0xa9: {  	v13 =	vld [tilespmem:s8+$0x9DA0];
	(pc) =	sbr.rel @p1 .LBB2_5-.Ltmp3, $4  }
0xaa: {  	v12 =	vld [tilespmem:s8+$0x9DB0]  }
0xab: {  	v11 =	vld [tilespmem:s8+$0x9DC0]  }
0xac: {  	v15 =	vmul.f32 v15, v9;
	v9 =	vld [tilespmem:s8+$0x9DD0]  }
0xad: {  	s16 =	sadd.s32 $0x200, s16;
	v14 =	vmul.f32 v14, v10;
	v10 =	vld [tilespmem:s8+$0x9DE0]  }
0xae: {  	[tilespmem:s8+$0x9D80] =	vst v15;
	v8 =	vmul.f32 v8, v13;
	v13 =	vld [tilespmem:s8+$0x9DF0]  }
0xaf: {  	[tilespmem:s8+$0x9D90] =	vst v14;
	v7 =	vmul.f32 v7, v12  }
0xb0: {  	[tilespmem:s8+$0x9DA0] =	vst v8;
	v6 =	vmul.f32 v6, v11  }
0xb1: {  	[tilespmem:s8+$0x9DB0] =	vst v7;
	v5 =	vmul.f32 v5, v9  }
0xb2: {  	[tilespmem:s8+$0x9DC0] =	vst v6;
	v4 =	vmul.f32 v4, v10  }
0xb3: {  	[tilespmem:s8+$0x9DD0] =	vst v5;
	v3 =	vmul.f32 v3, v13  }
0xb4: {  	[tilespmem:s8+$0x9DE0] =	vst v4  }
0xb5: {  	s17 =	sadd.s32 $0x2, s15;
	[tilespmem:s8+$0x9DF0] =	vst v3  }
0xb6: {  	[spmem:s3] =	stream.indirect.scatter.add.f32 [tilespmem:s22], [sflag:$0x5], $0x80, s29, s21, $0xb8;
	[tilespmem:$0x1FD80] =	vst v63  }
0xb7: {  	s8 =	sadd.s32 s5, s17;
	_ =	swait.ge [sflag:s18], $0x4000  }
0xb8: {  	s15 =	sshll.u32 s17, $0x7;
	s8 =	smin.u32 s8, $0x9C3;
	[sflag:s18] =	ssyncset.done $0x0  }
0xb9: {  	s15 =	sand.u32 $0x3FFFFF80, s15;
	s8 =	sshll.u32 s8, $0xB;
	[sflag:s18] =	ssyncadd.s32 $0xFFFFC000  }
0xba: {  	[tilespmem:s22], [sflag:$0x1] =	stream.indirect.gather [hbm4b:s2+s21], $0x80, s15, s21, $0xb8;
	[tilespmem:$0x1FD80] =	vst v63  }
0xbb: {  	s19 =	simm.s32 $0x0;
	s8 =	sadd.s32 s6, s8  }
0xbc: {  	[tilespmem:s23], [sflag:$0x2] =	stream.linear.gather [hbm4b:s8+s19], $0x4000, $0x38;
	[tilespmem:$0x1FD80] =	vst v63  }
0xbd: {  	v3 =	vld [tilespmem:s7+$0x4E80];
	_ =	sdelay $0x4  }
0xbe: {  	v4 =	vsub.s32 v3, v0;
	v3 =	vand.u32 $0x1F, v3  }
0xbf: {  	vm0 =	vlt.u32 v4, $0x9C4;
	v3 =	vadd.s32 $0x9C4, v3  }
0xc0: {  	v3 =	vsel vm0, v4, v3  }
0xc1: {  	[tilespmem:$0x9D00] =	vst v3  }
0xc2: {  	v3 =	vld [tilespmem:s7+$0x4E90];
	_ =	sdelay $0x4  }
0xc3: {  	v4 =	vsub.s32 v3, v0;
	v3 =	vand.u32 $0x1F, v3  }
0xc4: {  	vm9 =	vlt.u32 v4, $0x9C4;
	v3 =	vadd.s32 $0x9C4, v3  }
0xc5: {  	v3 =	vsel vm9, v4, v3  }
0xc6: {  	[tilespmem:$0x9D10] =	vst v3  }
0xc7: {  	v3 =	vld [tilespmem:s7+$0x4EA0];
	_ =	sdelay $0x4  }
0xc8: {  	v4 =	vsub.s32 v3, v0;
	v3 =	vand.u32 $0x1F, v3  }
0xc9: {  	vm10 =	vlt.u32 v4, $0x9C4;
	v3 =	vadd.s32 $0x9C4, v3  }
0xca: {  	v3 =	vsel vm10, v4, v3  }
0xcb: {  	[tilespmem:$0x9D20] =	vst v3  }
0xcc: {  	v3 =	vld [tilespmem:s7+$0x4EB0];
	_ =	sdelay $0x4  }
0xcd: {  	v4 =	vsub.s32 v3, v0;
	v3 =	vand.u32 $0x1F, v3  }
0xce: {  	vm11 =	vlt.u32 v4, $0x9C4;
	v3 =	vadd.s32 $0x9C4, v3  }
0xcf: {  	v3 =	vsel vm11, v4, v3  }
0xd0: {  	[tilespmem:$0x9D30] =	vst v3  }
0xd1: {  	v3 =	vld [tilespmem:s7+$0x4EC0];
	_ =	sdelay $0x4  }
0xd2: {  	v4 =	vsub.s32 v3, v0;
	v3 =	vand.u32 $0x1F, v3  }
0xd3: {  	vm12 =	vlt.u32 v4, $0x9C4;
	v3 =	vadd.s32 $0x9C4, v3  }
0xd4: {  	v3 =	vsel vm12, v4, v3  }
0xd5: {  	[tilespmem:$0x9D40] =	vst v3  }
0xd6: {  	v3 =	vld [tilespmem:s7+$0x4ED0];
	_ =	sdelay $0x4  }
0xd7: {  	v4 =	vsub.s32 v3, v0;
	v3 =	vand.u32 $0x1F, v3  }
0xd8: {  	vm13 =	vlt.u32 v4, $0x9C4;
	v3 =	vadd.s32 $0x9C4, v3  }
0xd9: {  	v3 =	vsel vm13, v4, v3  }
0xda: {  	[tilespmem:$0x9D50] =	vst v3  }
0xdb: {  	v3 =	vld [tilespmem:s7+$0x4EE0];
	_ =	sdelay $0x4  }
0xdc: {  	v4 =	vsub.s32 v3, v0;
	v3 =	vand.u32 $0x1F, v3  }
0xdd: {  	vm14 =	vlt.u32 v4, $0x9C4;
	v3 =	vadd.s32 $0x9C4, v3  }
0xde: {  	v3 =	vsel vm14, v4, v3  }
0xdf: {  	[tilespmem:$0x9D60] =	vst v3  }
0xe0: {  	v3 =	vld [tilespmem:s7+$0x4EF0];
	_ =	sdelay $0x4  }
0xe1: {  	v4 =	vsub.s32 v3, v0;
	v3 =	vand.u32 $0x1F, v3  }
0xe2: {  	vm15 =	vlt.u32 v4, $0x9C4;
	v3 =	vadd.s32 $0x9C4, v3  }
0xe3: {  	v3 =	vsel vm15, v4, v3  }
0xe4: {  	[tilespmem:$0x9D70] =	vst v3  }
0xe5: {  	_ =	swait.ge [sflag:s30], $0x4000  }
0xe6: {  	[sflag:s30] =	ssyncset.done $0x0  }
0xe7: {  	[sflag:s30] =	ssyncadd.s32 $0xFFFFC000  }
0xe8: {  	_ =	swait.ge [sflag:s31], $0x4000  }
0xe9: {  	[sflag:s31] =	ssyncset.done $0x0  }
0xea: {  	s7 =	simm.s32 $0x0;
	[sflag:s31] =	ssyncadd.s32 $0xFFFFC000  }
0xeb: {  	v10 =	vld [tilespmem:s7+$0x15D80]  }
0xec: {  	v14 =	vld [tilespmem:s7+$0x15D90]  }
0xed: {  	v8 =	vld [tilespmem:s7+$0x15DA0]  }
0xee: {  	v7 =	vld [tilespmem:s7+$0x15DB0]  }
0xef: {  	v6 =	vld [tilespmem:s7+$0x15DC0]  }
0xf0: {  	v5 =	vld [tilespmem:s7+$0x15DD0]  }
0xf1: {  	v4 =	vld [tilespmem:s7+$0x15DE0]  }
0xf2: {  	v3 =	vld [tilespmem:s7+$0x15DF0]  }
0xf3: {  	v15 =	vld [tilespmem:s7+$0x11D80]  }
0xf4: {  	v16 =	vld [tilespmem:s7+$0x11D90]  }
0xf5: {  	v13 =	vld [tilespmem:s7+$0x11DA0]  }
0xf6: {  	v12 =	vld [tilespmem:s7+$0x11DB0]  }
0xf7: {  	v11 =	vld [tilespmem:s7+$0x11DC0]  }
0xf8: {  	v9 =	vld [tilespmem:s7+$0x11DD0];
	v15 =	vmul.f32 v10, v15  }
0xf9: {  	s8 =	simm.s32 $0x200;
	v14 =	vmul.f32 v14, v16;
	v10 =	vld [tilespmem:s7+$0x11DE0]  }
.LBB2_7:
0xfa: {  	s15 =	sshra.s32 s8, $0x2;
	p1 =	sne.s32 s8, $0xFE00;
	[tilespmem:s7+$0x11D80] =	vst v15;
	v8 =	vmul.f32 v8, v13;
	v13 =	vld [tilespmem:s7+$0x11DF0]  }
0xfb: {  	v15 =	vld [tilespmem:s15+$0x15D80];
	[tilespmem:s7+$0x11D90] =	vst v14;
	v7 =	vmul.f32 v7, v12  }
0xfc: {  	v14 =	vld [tilespmem:s15+$0x15D90];
	[tilespmem:s7+$0x11DA0] =	vst v8;
	v6 =	vmul.f32 v6, v11  }
0xfd: {  	v8 =	vld [tilespmem:s15+$0x15DA0];
	[tilespmem:s7+$0x11DB0] =	vst v7;
	v5 =	vmul.f32 v5, v9  }
0xfe: {  	v7 =	vld [tilespmem:s15+$0x15DB0];
	[tilespmem:s7+$0x11DC0] =	vst v6;
	v4 =	vmul.f32 v4, v10  }
0xff: {  	v6 =	vld [tilespmem:s15+$0x15DC0];
	[tilespmem:s7+$0x11DD0] =	vst v5;
	v3 =	vmul.f32 v3, v13  }
0x100: {  	v5 =	vld [tilespmem:s15+$0x15DD0];
	[tilespmem:s7+$0x11DE0] =	vst v4  }
0x101: {  	v4 =	vld [tilespmem:s15+$0x15DE0];
	[tilespmem:s7+$0x11DF0] =	vst v3;
	s7 =	smov.u32 s15  }
0x102: {  	v3 =	vld [tilespmem:s7+$0x15DF0]  }
0x103: {  	v9 =	vld [tilespmem:s7+$0x11D80]  }
0x104: {  	v10 =	vld [tilespmem:s7+$0x11D90]  }
.Ltmp4:
0x105: {  	v13 =	vld [tilespmem:s7+$0x11DA0];
	(pc) =	sbr.rel @p1 .LBB2_7-.Ltmp4, $4  }
0x106: {  	v12 =	vld [tilespmem:s7+$0x11DB0]  }
0x107: {  	v11 =	vld [tilespmem:s7+$0x11DC0]  }
0x108: {  	v15 =	vmul.f32 v15, v9;
	v9 =	vld [tilespmem:s7+$0x11DD0]  }
0x109: {  	s8 =	sadd.s32 $0x200, s8;
	v14 =	vmul.f32 v14, v10;
	v10 =	vld [tilespmem:s7+$0x11DE0]  }
0x10a: {  	[tilespmem:s7+$0x11D80] =	vst v15;
	v8 =	vmul.f32 v8, v13;
	v63 =	vld [tilespmem:s7+$0x11DF0]  }
0x10b: {  	[tilespmem:s7+$0x11D90] =	vst v14;
	v7 =	vmul.f32 v7, v12  }
0x10c: {  	[tilespmem:s7+$0x11DA0] =	vst v8;
	v6 =	vmul.f32 v6, v11  }
0x10d: {  	[tilespmem:s7+$0x11DB0] =	vst v7;
	v5 =	vmul.f32 v5, v9  }
0x10e: {  	[tilespmem:s7+$0x11DC0] =	vst v6;
	v4 =	vmul.f32 v4, v10  }
0x10f: {  	s4 =	sadd.s32 $0x1, s4;
	[tilespmem:s7+$0x11DD0] =	vst v5;
	v3 =	vmul.f32 v3, v63  }
0x110: {  	p1 =	sne.s32 s4, $0x4E;
	[tilespmem:s7+$0x11DE0] =	vst v4  }
.Ltmp5:
0x111: {  	[tilespmem:s7+$0x11DF0] =	vst v3;
	(pc) =	sbr.rel @p1 .LBB2_4-.Ltmp5, $4  }
0x112: {  	[spmem:s3] =	stream.indirect.scatter.add.f32 [tilespmem:s24], [sflag:$0x5], $0x80, s29, s21, $0xb8;
	[tilespmem:$0x1FD80] =	vst v63  }
0x113: {  	_ =	swait.ge [sflag:s18], $0x4000  }
0x114: {  	[sflag:s18] =	ssyncset.done $0x0  }
0x115: {  	[sflag:s18] =	ssyncadd.s32 $0xFFFFC000  }
.Ltmp6:
0x116: {  	(pc) =	sbr.rel @!p0 .LBB2_10-.Ltmp6, $1  }
0x117: {  	_ =	sdelay $0x3  }
.Ltmp7:
0x118: {  	(pc) =	sbr.rel .LBB2_14-.Ltmp7, $4  }
0x119: {  	_ = 	snop  }
0x11a: {  	_ =	swait.ge [sflag:s26], $0x4000  }
0x11b: {  	[sflag:s26] =	ssyncset.done $0x0  }
0x11c: {  	s0 =	simm.s32 $0x2;
	[sflag:s26] =	ssyncadd.s32 $0xFFFFC000  }
.LBB2_10:
0x11d: {  	v3 =	vld [tilespmem:$0x9C80]  }
0x11e: {  	v4 =	vld [tilespmem:$0x9C90];
	_ =	sdelay $0x2  }
0x11f: {  	v5 =	vld [tilespmem:$0x9CA0]  }
0x120: {  	v7 =	vld [tilespmem:$0x9CB0]  }
0x121: {  	v6 =	vsub.s32 v3, v0;
	v3 =	vand.u32 $0x1F, v3;
	v8 =	vsub.s32 v4, v0  }
0x122: {  	v9 =	vld [tilespmem:$0x9CC0];
	v4 =	vand.u32 $0x1F, v4;
	vm0 =	vlt.u32 v6, $0x9C4;
	v3 =	vadd.s32 $0x9C4, v3  }
0x123: {  	vm9 =	vlt.u32 v8, $0x9C4;
	v4 =	vadd.s32 $0x9C4, v4;
	v3 =	vsel vm0, v6, v3  }
0x124: {  	v4 =	vsel vm9, v8, v4;
	v6 =	vsub.s32 v5, v0;
	v5 =	vand.u32 $0x1F, v5;
	v8 =	vld [tilespmem:$0x9CD0]  }
0x125: {  	v11 =	vld [tilespmem:$0x9CE0];
	v10 =	vsub.s32 v7, v0;
	vm10 =	vlt.u32 v6, $0x9C4;
	v5 =	vadd.s32 $0x9C4, v5  }
0x126: {  	vm11 =	vlt.u32 v10, $0x9C4;
	v5 =	vsel vm10, v6, v5;
	v6 =	vand.u32 $0x1F, v7  }
0x127: {  	v12 =	vld [tilespmem:$0x9CF0];
	v7 =	vsub.s32 v9, v0;
	v9 =	vand.u32 $0x1F, v9;
	v6 =	vadd.s32 $0x9C4, v6  }
0x128: {  	[tilespmem:$0x9D00] =	vst v3;
	vm12 =	vlt.u32 v7, $0x9C4;
	v3 =	vsel vm11, v10, v6;
	v6 =	vadd.s32 $0x9C4, v9  }
0x129: {  	[tilespmem:$0x9D10] =	vst v4;
	v4 =	vsel vm12, v7, v6;
	v6 =	vsub.s32 v8, v0;
	v7 =	vand.u32 $0x1F, v8  }
0x12a: {  	[tilespmem:$0x9D20] =	vst v5;
	vm13 =	vlt.u32 v6, $0x9C4;
	v5 =	vadd.s32 $0x9C4, v7;
	v7 =	vsub.s32 v11, v0  }
0x12b: {  	[tilespmem:$0x9D30] =	vst v3;
	v3 =	vsel vm13, v6, v5;
	vm14 =	vlt.u32 v7, $0x9C4;
	v5 =	vand.u32 $0x1F, v11  }
0x12c: {  	[tilespmem:$0x9D40] =	vst v4;
	v6 =	vand.u32 $0x1F, v12;
	v4 =	vadd.s32 $0x9C4, v5;
	v5 =	vsub.s32 v12, v0  }
0x12d: {  	[tilespmem:$0x9D50] =	vst v3;
	v3 =	vsel vm14, v7, v4;
	vm15 =	vlt.u32 v5, $0x9C4;
	v4 =	vadd.s32 $0x9C4, v6  }
0x12e: {  	[tilespmem:$0x9D60] =	vst v3;
	v3 =	vsel vm15, v5, v4  }
0x12f: {  	[tilespmem:$0x9D70] =	vst v3  }
0x130: {  	_ =	swait.ge [sflag:s26], $0x4000  }
0x131: {  	[sflag:s26] =	ssyncset.done $0x0  }
0x132: {  	[sflag:s26] =	ssyncadd.s32 $0xFFFFC000  }
0x133: {  	_ =	swait.ge [sflag:s28], $0x4000  }
0x134: {  	[sflag:s28] =	ssyncset.done $0x0  }
0x135: {  	s0 =	simm.s32 $0x0;
	[sflag:s28] =	ssyncadd.s32 $0xFFFFC000  }
0x136: {  	v10 =	vld [tilespmem:s0+$0xDD80]  }
0x137: {  	v14 =	vld [tilespmem:s0+$0xDD90]  }
0x138: {  	v8 =	vld [tilespmem:s0+$0xDDA0]  }
0x139: {  	v7 =	vld [tilespmem:s0+$0xDDB0]  }
0x13a: {  	v6 =	vld [tilespmem:s0+$0xDDC0]  }
0x13b: {  	v5 =	vld [tilespmem:s0+$0xDDD0]  }
0x13c: {  	v4 =	vld [tilespmem:s0+$0xDDE0]  }
0x13d: {  	v3 =	vld [tilespmem:s0+$0xDDF0]  }
0x13e: {  	v15 =	vld [tilespmem:s0+$0x9D80]  }
0x13f: {  	v16 =	vld [tilespmem:s0+$0x9D90]  }
0x140: {  	v13 =	vld [tilespmem:s0+$0x9DA0]  }
0x141: {  	v12 =	vld [tilespmem:s0+$0x9DB0]  }
0x142: {  	v11 =	vld [tilespmem:s0+$0x9DC0]  }
0x143: {  	v9 =	vld [tilespmem:s0+$0x9DD0];
	v15 =	vmul.f32 v10, v15  }
0x144: {  	s4 =	simm.s32 $0x200;
	v14 =	vmul.f32 v14, v16;
	v10 =	vld [tilespmem:s0+$0x9DE0]  }
.LBB2_11:
0x145: {  	s7 =	sshra.s32 s4, $0x2;
	p1 =	sne.s32 s4, $0xFE00;
	[tilespmem:s0+$0x9D80] =	vst v15;
	v8 =	vmul.f32 v8, v13;
	v13 =	vld [tilespmem:s0+$0x9DF0]  }
0x146: {  	v15 =	vld [tilespmem:s7+$0xDD80];
	[tilespmem:s0+$0x9D90] =	vst v14;
	v7 =	vmul.f32 v7, v12  }
0x147: {  	v14 =	vld [tilespmem:s7+$0xDD90];
	[tilespmem:s0+$0x9DA0] =	vst v8;
	v6 =	vmul.f32 v6, v11  }
0x148: {  	v8 =	vld [tilespmem:s7+$0xDDA0];
	[tilespmem:s0+$0x9DB0] =	vst v7;
	v5 =	vmul.f32 v5, v9  }
0x149: {  	v7 =	vld [tilespmem:s7+$0xDDB0];
	[tilespmem:s0+$0x9DC0] =	vst v6;
	v4 =	vmul.f32 v4, v10  }
0x14a: {  	v6 =	vld [tilespmem:s7+$0xDDC0];
	[tilespmem:s0+$0x9DD0] =	vst v5;
	v3 =	vmul.f32 v3, v13  }
0x14b: {  	v5 =	vld [tilespmem:s7+$0xDDD0];
	[tilespmem:s0+$0x9DE0] =	vst v4  }
0x14c: {  	v4 =	vld [tilespmem:s7+$0xDDE0];
	[tilespmem:s0+$0x9DF0] =	vst v3;
	s0 =	smov.u32 s7  }
0x14d: {  	v3 =	vld [tilespmem:s0+$0xDDF0]  }
0x14e: {  	v9 =	vld [tilespmem:s0+$0x9D80]  }
0x14f: {  	v10 =	vld [tilespmem:s0+$0x9D90]  }
.Ltmp8:
0x150: {  	v13 =	vld [tilespmem:s0+$0x9DA0];
	(pc) =	sbr.rel @p1 .LBB2_11-.Ltmp8, $4  }
0x151: {  	v12 =	vld [tilespmem:s0+$0x9DB0]  }
0x152: {  	v11 =	vld [tilespmem:s0+$0x9DC0]  }
0x153: {  	v15 =	vmul.f32 v15, v9;
	v9 =	vld [tilespmem:s0+$0x9DD0]  }
0x154: {  	s4 =	sadd.s32 $0x200, s4;
	v14 =	vmul.f32 v14, v10;
	v10 =	vld [tilespmem:s0+$0x9DE0]  }
0x155: {  	[tilespmem:s0+$0x9D80] =	vst v15;
	v8 =	vmul.f32 v8, v13;
	v63 =	vld [tilespmem:s0+$0x9DF0]  }
0x156: {  	[tilespmem:s0+$0x9D90] =	vst v14;
	v7 =	vmul.f32 v7, v12  }
0x157: {  	[tilespmem:s0+$0x9DA0] =	vst v8;
	v6 =	vmul.f32 v6, v11  }
0x158: {  	[tilespmem:s0+$0x9DB0] =	vst v7;
	v5 =	vmul.f32 v5, v9  }
0x159: {  	[tilespmem:s0+$0x9DC0] =	vst v6;
	v4 =	vmul.f32 v4, v10  }
0x15a: {  	[tilespmem:s0+$0x9DD0] =	vst v5;
	v3 =	vmul.f32 v3, v63  }
0x15b: {  	[tilespmem:s0+$0x9DE0] =	vst v4  }
0x15c: {  	[tilespmem:s0+$0x9DF0] =	vst v3;
	s0 =	simm.s32 $0x5  }
0x15d: {  	[spmem:s3] =	stream.indirect.scatter.add.f32 [tilespmem:s22], [sflag:$0x5], $0x80, s29, s21, $0xb8;
	[tilespmem:$0x1FD80] =	vst v63  }
.LBB2_14:
0x15e: {  	_ =	swait.ge [sflag:s0], $0x4000  }
0x15f: {  	[sflag:s0] =	ssyncset.done $0x0  }
0x160: {  	s16 =	stileid.u32;
	[sflag:s0] =	ssyncadd.s32 $0xFFFFC000  }
0x161: {  	s0 =	sshll.u32 s16, $0x6;
	[bflag:$0x0] =	sbarrier.arrive $0xFFFF  }
0x162: {  	s19 =	sor.u32 $0x1C05, s0;
	s0 =	sshrl.u32 s9, $0x3;
	s4 =	rddreg [dreg:$0x7]  }
0x163: {  	[hbm:s4], [sflag:s19] =	dma.local [spmem:s0], $0xA00  }
0x164: {  	_ =	swait.ge [sflag:s18], $0xA00  }
0x165: {  	[sflag:s18] =	ssyncset.done $0x0  }
0x166: {  	[sflag:s18] =	ssyncadd.s32 $0xFFFFF600  }
0x167: {  	[bflag:$0x0] =	sbarrier.arrive $0xFFFF  }
0x168: {  	[spmem:s9] =	stream.linear.scatter [tilespmem:s20], [sflag:$0x5], $0x1000, $0x38;
	[tilespmem:$0x1FD80] =	vst v63  }
0x169: {  	_ =	swait.ge [sflag:s18], $0x1000  }
0x16a: {  	[sflag:s18] =	ssyncset.done $0x0  }
0x16b: {  	s17 =	rddreg [dreg:$0x6];
	[sflag:s18] =	ssyncadd.s32 $0xFFFFF000  }
0x16c: {  	[spmem:s17] =	stream.linear.scatter [tilespmem:s20], [sflag:$0x5], $0x1000, $0x38;
	[tilespmem:$0x1FD80] =	vst v63  }
0x16d: {  	_ =	swait.ge [sflag:s18], $0x1000  }
0x16e: {  	[sflag:s18] =	ssyncset.done $0x0  }
0x16f: {  	[sflag:s18] =	ssyncadd.s32 $0xFFFFF000  }
0x170: {  	[spmem:s11] =	stream.linear.scatter [tilespmem:s20], [sflag:$0x5], $0x1000, $0x38;
	[tilespmem:$0x1FD80] =	vst v63  }
0x171: {  	_ =	swait.ge [sflag:s18], $0x1000  }
0x172: {  	[sflag:s18] =	ssyncset.done $0x0  }
0x173: {  	[sflag:s18] =	ssyncadd.s32 $0xFFFFF000  }
0x174: {  	[spmem:s12] =	stream.linear.scatter [tilespmem:s20], [sflag:$0x5], $0x1000, $0x38;
	[tilespmem:$0x1FD80] =	vst v63  }
0x175: {  	_ =	swait.ge [sflag:s18], $0x1000  }
0x176: {  	[sflag:s18] =	ssyncset.done $0x0  }
0x177: {  	[sflag:s18] =	ssyncadd.s32 $0xFFFFF000  }
0x178: {  	[spmem:s13] =	stream.linear.scatter [tilespmem:s20], [sflag:$0x5], $0x1000, $0x38;
	[tilespmem:$0x1FD80] =	vst v63  }
0x179: {  	_ =	swait.ge [sflag:s18], $0x1000  }
0x17a: {  	[sflag:s18] =	ssyncset.done $0x0  }
0x17b: {  	[sflag:s18] =	ssyncadd.s32 $0xFFFFF000  }
0x17c: {  	s4 =	simm.s32 $0x0;
	[bflag:$0x0] =	sbarrier.arrive $0xFFFF  }
0x17d: {  	[tilespmem:s22], [sflag:$0x1] =	stream.indirect.gather [hbm4b:s2+s21], $0x80, s4, s21, $0xb8;
	[tilespmem:$0x1FD80] =	vst v63  }
0x17e: {  	s7 =	simm.s32 $0x0  }
0x17f: {  	[tilespmem:s23], [sflag:$0x2] =	stream.linear.gather [hbm4b:s14+s4], $0x4000, $0x38;
	[tilespmem:$0x1FD80] =	vst v63  }
.LBB2_15:
0x180: {  	s15 =	sshllo.u32 s7, $0x1  }
0x181: {  	s8 =	sshll.u32 s15, $0x9;
	s15 =	sadd.s32 s5, s15  }
0x182: {  	s8 =	sshrl.u32 s8, $0x2;
	s15 =	sshll.u32 s15, $0xB  }
0x183: {  	[tilespmem:s24], [sflag:$0x3] =	stream.indirect.gather [hbm4b:s2+s21], $0x80, s8, s21, $0xb8;
	[tilespmem:$0x1FD80] =	vst v63  }
0x184: {  	s15 =	sand.u32 $0x1FFFF800, s15  }
0x185: {  	s17 =	sshll.u32 s7, $0x8;
	s15 =	sadd.s32 s6, s15  }
0x186: {  	[tilespmem:s25], [sflag:$0x4] =	stream.linear.gather [hbm4b:s15+s4], $0x4000, $0x38;
	[tilespmem:$0x1FD80] =	vst v63  }
0x187: {  	s15 =	sand.u32 $0x3FFFFF00, s17  }
0x188: {  	v3 =	vld [tilespmem:s15+$0x4E80];
	_ =	sdelay $0x4  }
0x189: {  	v4 =	vsub.s32 v3, v1;
	v3 =	vand.u32 $0x1F, v3  }
0x18a: {  	vm0 =	vlt.u32 v4, $0x9C4;
	v3 =	vadd.s32 $0x9C4, v3  }
0x18b: {  	v3 =	vsel vm0, v4, v3  }
0x18c: {  	[tilespmem:$0x9D00] =	vst v3  }
0x18d: {  	v3 =	vld [tilespmem:s15+$0x4E90];
	_ =	sdelay $0x4  }
0x18e: {  	v4 =	vsub.s32 v3, v1;
	v3 =	vand.u32 $0x1F, v3  }
0x18f: {  	vm9 =	vlt.u32 v4, $0x9C4;
	v3 =	vadd.s32 $0x9C4, v3  }
0x190: {  	v3 =	vsel vm9, v4, v3  }
0x191: {  	[tilespmem:$0x9D10] =	vst v3  }
0x192: {  	v3 =	vld [tilespmem:s15+$0x4EA0];
	_ =	sdelay $0x4  }
0x193: {  	v4 =	vsub.s32 v3, v1;
	v3 =	vand.u32 $0x1F, v3  }
0x194: {  	vm10 =	vlt.u32 v4, $0x9C4;
	v3 =	vadd.s32 $0x9C4, v3  }
0x195: {  	v3 =	vsel vm10, v4, v3  }
0x196: {  	[tilespmem:$0x9D20] =	vst v3  }
0x197: {  	v3 =	vld [tilespmem:s15+$0x4EB0];
	_ =	sdelay $0x4  }
0x198: {  	v4 =	vsub.s32 v3, v1;
	v3 =	vand.u32 $0x1F, v3  }
0x199: {  	vm11 =	vlt.u32 v4, $0x9C4;
	v3 =	vadd.s32 $0x9C4, v3  }
0x19a: {  	v3 =	vsel vm11, v4, v3  }
0x19b: {  	[tilespmem:$0x9D30] =	vst v3  }
0x19c: {  	v3 =	vld [tilespmem:s15+$0x4EC0];
	_ =	sdelay $0x4  }
0x19d: {  	v4 =	vsub.s32 v3, v1;
	v3 =	vand.u32 $0x1F, v3  }
0x19e: {  	vm12 =	vlt.u32 v4, $0x9C4;
	v3 =	vadd.s32 $0x9C4, v3  }
0x19f: {  	v3 =	vsel vm12, v4, v3  }
0x1a0: {  	[tilespmem:$0x9D40] =	vst v3  }
0x1a1: {  	v3 =	vld [tilespmem:s15+$0x4ED0];
	_ =	sdelay $0x4  }
0x1a2: {  	v4 =	vsub.s32 v3, v1;
	v3 =	vand.u32 $0x1F, v3  }
0x1a3: {  	vm13 =	vlt.u32 v4, $0x9C4;
	v3 =	vadd.s32 $0x9C4, v3  }
0x1a4: {  	v3 =	vsel vm13, v4, v3  }
0x1a5: {  	[tilespmem:$0x9D50] =	vst v3  }
0x1a6: {  	v3 =	vld [tilespmem:s15+$0x4EE0];
	_ =	sdelay $0x4  }
0x1a7: {  	v4 =	vsub.s32 v3, v1;
	v3 =	vand.u32 $0x1F, v3  }
0x1a8: {  	vm14 =	vlt.u32 v4, $0x9C4;
	v3 =	vadd.s32 $0x9C4, v3  }
0x1a9: {  	v3 =	vsel vm14, v4, v3  }
0x1aa: {  	[tilespmem:$0x9D60] =	vst v3  }
0x1ab: {  	v3 =	vld [tilespmem:s15+$0x4EF0];
	_ =	sdelay $0x4  }
0x1ac: {  	v4 =	vsub.s32 v3, v1;
	v3 =	vand.u32 $0x1F, v3  }
0x1ad: {  	vm15 =	vlt.u32 v4, $0x9C4;
	v3 =	vadd.s32 $0x9C4, v3  }
0x1ae: {  	v3 =	vsel vm15, v4, v3  }
0x1af: {  	[tilespmem:$0x9D70] =	vst v3  }
0x1b0: {  	_ =	swait.ge [sflag:s26], $0x4000  }
0x1b1: {  	[sflag:s26] =	ssyncset.done $0x0  }
0x1b2: {  	[sflag:s26] =	ssyncadd.s32 $0xFFFFC000  }
0x1b3: {  	_ =	swait.ge [sflag:s28], $0x4000  }
0x1b4: {  	[sflag:s28] =	ssyncset.done $0x0  }
0x1b5: {  	s15 =	simm.s32 $0x0;
	[sflag:s28] =	ssyncadd.s32 $0xFFFFC000  }
0x1b6: {  	v10 =	vld [tilespmem:s15+$0xDD80]  }
0x1b7: {  	v14 =	vld [tilespmem:s15+$0xDD90]  }
0x1b8: {  	v8 =	vld [tilespmem:s15+$0xDDA0]  }
0x1b9: {  	v7 =	vld [tilespmem:s15+$0xDDB0]  }
0x1ba: {  	v6 =	vld [tilespmem:s15+$0xDDC0]  }
0x1bb: {  	v5 =	vld [tilespmem:s15+$0xDDD0]  }
0x1bc: {  	v4 =	vld [tilespmem:s15+$0xDDE0]  }
0x1bd: {  	v3 =	vld [tilespmem:s15+$0xDDF0]  }
0x1be: {  	v15 =	vld [tilespmem:s15+$0x9D80]  }
0x1bf: {  	v16 =	vld [tilespmem:s15+$0x9D90]  }
0x1c0: {  	v13 =	vld [tilespmem:s15+$0x9DA0]  }
0x1c1: {  	v12 =	vld [tilespmem:s15+$0x9DB0]  }
0x1c2: {  	v11 =	vld [tilespmem:s15+$0x9DC0]  }
0x1c3: {  	v9 =	vld [tilespmem:s15+$0x9DD0];
	v15 =	vmul.f32 v10, v15  }
0x1c4: {  	s16 =	sshll.u32 s7, $0x1;
	s17 =	simm.s32 $0x200;
	v14 =	vmul.f32 v14, v16;
	v10 =	vld [tilespmem:s15+$0x9DE0]  }
.LBB2_16:
0x1c5: {  	s10 =	sshra.s32 s17, $0x2;
	p1 =	sne.s32 s17, $0xFE00;
	[tilespmem:s15+$0x9D80] =	vst v15;
	v8 =	vmul.f32 v8, v13;
	v13 =	vld [tilespmem:s15+$0x9DF0]  }
0x1c6: {  	v15 =	vld [tilespmem:s10+$0xDD80];
	[tilespmem:s15+$0x9D90] =	vst v14;
	v7 =	vmul.f32 v7, v12  }
0x1c7: {  	v14 =	vld [tilespmem:s10+$0xDD90];
	[tilespmem:s15+$0x9DA0] =	vst v8;
	v6 =	vmul.f32 v6, v11  }
0x1c8: {  	v8 =	vld [tilespmem:s10+$0xDDA0];
	[tilespmem:s15+$0x9DB0] =	vst v7;
	v5 =	vmul.f32 v5, v9  }
0x1c9: {  	v7 =	vld [tilespmem:s10+$0xDDB0];
	[tilespmem:s15+$0x9DC0] =	vst v6;
	v4 =	vmul.f32 v4, v10  }
0x1ca: {  	v6 =	vld [tilespmem:s10+$0xDDC0];
	[tilespmem:s15+$0x9DD0] =	vst v5;
	v3 =	vmul.f32 v3, v13  }
0x1cb: {  	v5 =	vld [tilespmem:s10+$0xDDD0];
	[tilespmem:s15+$0x9DE0] =	vst v4  }
0x1cc: {  	v4 =	vld [tilespmem:s10+$0xDDE0];
	[tilespmem:s15+$0x9DF0] =	vst v3;
	s15 =	smov.u32 s10  }
0x1cd: {  	v3 =	vld [tilespmem:s15+$0xDDF0]  }
0x1ce: {  	v9 =	vld [tilespmem:s15+$0x9D80]  }
0x1cf: {  	v10 =	vld [tilespmem:s15+$0x9D90]  }
.Ltmp9:
0x1d0: {  	v13 =	vld [tilespmem:s15+$0x9DA0];
	(pc) =	sbr.rel @p1 .LBB2_16-.Ltmp9, $4  }
0x1d1: {  	v12 =	vld [tilespmem:s15+$0x9DB0]  }
0x1d2: {  	v11 =	vld [tilespmem:s15+$0x9DC0]  }
0x1d3: {  	v15 =	vmul.f32 v15, v9;
	v9 =	vld [tilespmem:s15+$0x9DD0]  }
0x1d4: {  	s17 =	sadd.s32 $0x200, s17;
	v14 =	vmul.f32 v14, v10;
	v10 =	vld [tilespmem:s15+$0x9DE0]  }
0x1d5: {  	[tilespmem:s15+$0x9D80] =	vst v15;
	v8 =	vmul.f32 v8, v13;
	v13 =	vld [tilespmem:s15+$0x9DF0]  }
0x1d6: {  	[tilespmem:s15+$0x9D90] =	vst v14;
	v7 =	vmul.f32 v7, v12  }
0x1d7: {  	[tilespmem:s15+$0x9DA0] =	vst v8;
	v6 =	vmul.f32 v6, v11  }
0x1d8: {  	[tilespmem:s15+$0x9DB0] =	vst v7;
	v5 =	vmul.f32 v5, v9  }
0x1d9: {  	[tilespmem:s15+$0x9DC0] =	vst v6;
	v4 =	vmul.f32 v4, v10  }
0x1da: {  	[tilespmem:s15+$0x9DD0] =	vst v5;
	v3 =	vmul.f32 v3, v13  }
0x1db: {  	[tilespmem:s15+$0x9DE0] =	vst v4  }
0x1dc: {  	s10 =	sadd.s32 $0x2, s16;
	[tilespmem:s15+$0x9DF0] =	vst v3  }
0x1dd: {  	[spmem:s3] =	stream.indirect.scatter.add.f32 [tilespmem:s22], [sflag:$0x5], $0x80, s29, s21, $0xb8;
	[tilespmem:$0x1FD80] =	vst v63  }
0x1de: {  	s16 =	sshll.u32 s10, $0x7;
	s10 =	sadd.s32 s5, s10;
	_ =	swait.ge [sflag:s18], $0x4000  }
0x1df: {  	s10 =	smin.u32 s10, $0x9C3;
	[sflag:s18] =	ssyncset.done $0x0  }
0x1e0: {  	s10 =	sshll.u32 s10, $0xB;
	s15 =	sand.u32 $0x3FFFFF80, s16;
	[sflag:s18] =	ssyncadd.s32 $0xFFFFC000  }
0x1e1: {  	[tilespmem:s22], [sflag:$0x1] =	stream.indirect.gather [hbm4b:s2+s21], $0x80, s15, s21, $0xb8;
	[tilespmem:$0x1FD80] =	vst v63  }
0x1e2: {  	s17 =	simm.s32 $0x0;
	s10 =	sadd.s32 s6, s10  }
0x1e3: {  	[tilespmem:s23], [sflag:$0x2] =	stream.linear.gather [hbm4b:s10+s17], $0x4000, $0x38;
	[tilespmem:$0x1FD80] =	vst v63  }
0x1e4: {  	v3 =	vld [tilespmem:s8+$0x4E80];
	_ =	sdelay $0x4  }
0x1e5: {  	v4 =	vsub.s32 v3, v1;
	v3 =	vand.u32 $0x1F, v3  }
0x1e6: {  	vm0 =	vlt.u32 v4, $0x9C4;
	v3 =	vadd.s32 $0x9C4, v3  }
0x1e7: {  	v3 =	vsel vm0, v4, v3  }
0x1e8: {  	[tilespmem:$0x9D00] =	vst v3  }
0x1e9: {  	v3 =	vld [tilespmem:s8+$0x4E90];
	_ =	sdelay $0x4  }
0x1ea: {  	v4 =	vsub.s32 v3, v1;
	v3 =	vand.u32 $0x1F, v3  }
0x1eb: {  	vm9 =	vlt.u32 v4, $0x9C4;
	v3 =	vadd.s32 $0x9C4, v3  }
0x1ec: {  	v3 =	vsel vm9, v4, v3  }
0x1ed: {  	[tilespmem:$0x9D10] =	vst v3  }
0x1ee: {  	v3 =	vld [tilespmem:s8+$0x4EA0];
	_ =	sdelay $0x4  }
0x1ef: {  	v4 =	vsub.s32 v3, v1;
	v3 =	vand.u32 $0x1F, v3  }
0x1f0: {  	vm10 =	vlt.u32 v4, $0x9C4;
	v3 =	vadd.s32 $0x9C4, v3  }
0x1f1: {  	v3 =	vsel vm10, v4, v3  }
0x1f2: {  	[tilespmem:$0x9D20] =	vst v3  }
0x1f3: {  	v3 =	vld [tilespmem:s8+$0x4EB0];
	_ =	sdelay $0x4  }
0x1f4: {  	v4 =	vsub.s32 v3, v1;
	v3 =	vand.u32 $0x1F, v3  }
0x1f5: {  	vm11 =	vlt.u32 v4, $0x9C4;
	v3 =	vadd.s32 $0x9C4, v3  }
0x1f6: {  	v3 =	vsel vm11, v4, v3  }
0x1f7: {  	[tilespmem:$0x9D30] =	vst v3  }
0x1f8: {  	v3 =	vld [tilespmem:s8+$0x4EC0];
	_ =	sdelay $0x4  }
0x1f9: {  	v4 =	vsub.s32 v3, v1;
	v3 =	vand.u32 $0x1F, v3  }
0x1fa: {  	vm12 =	vlt.u32 v4, $0x9C4;
	v3 =	vadd.s32 $0x9C4, v3  }
0x1fb: {  	v3 =	vsel vm12, v4, v3  }
0x1fc: {  	[tilespmem:$0x9D40] =	vst v3  }
0x1fd: {  	v3 =	vld [tilespmem:s8+$0x4ED0];
	_ =	sdelay $0x4  }
0x1fe: {  	v4 =	vsub.s32 v3, v1;
	v3 =	vand.u32 $0x1F, v3  }
0x1ff: {  	vm13 =	vlt.u32 v4, $0x9C4;
	v3 =	vadd.s32 $0x9C4, v3  }
0x200: {  	v3 =	vsel vm13, v4, v3  }
0x201: {  	[tilespmem:$0x9D50] =	vst v3  }
0x202: {  	v3 =	vld [tilespmem:s8+$0x4EE0];
	_ =	sdelay $0x4  }
0x203: {  	v4 =	vsub.s32 v3, v1;
	v3 =	vand.u32 $0x1F, v3  }
0x204: {  	vm14 =	vlt.u32 v4, $0x9C4;
	v3 =	vadd.s32 $0x9C4, v3  }
0x205: {  	v3 =	vsel vm14, v4, v3  }
0x206: {  	[tilespmem:$0x9D60] =	vst v3  }
0x207: {  	v3 =	vld [tilespmem:s8+$0x4EF0];
	_ =	sdelay $0x4  }
0x208: {  	v4 =	vsub.s32 v3, v1;
	v3 =	vand.u32 $0x1F, v3  }
0x209: {  	vm15 =	vlt.u32 v4, $0x9C4;
	v3 =	vadd.s32 $0x9C4, v3  }
0x20a: {  	v3 =	vsel vm15, v4, v3  }
0x20b: {  	[tilespmem:$0x9D70] =	vst v3  }
0x20c: {  	_ =	swait.ge [sflag:s30], $0x4000  }
0x20d: {  	[sflag:s30] =	ssyncset.done $0x0  }
0x20e: {  	[sflag:s30] =	ssyncadd.s32 $0xFFFFC000  }
0x20f: {  	_ =	swait.ge [sflag:s31], $0x4000  }
0x210: {  	[sflag:s31] =	ssyncset.done $0x0  }
0x211: {  	s8 =	simm.s32 $0x0;
	[sflag:s31] =	ssyncadd.s32 $0xFFFFC000  }
0x212: {  	v10 =	vld [tilespmem:s8+$0x15D80]  }
0x213: {  	v14 =	vld [tilespmem:s8+$0x15D90]  }
0x214: {  	v8 =	vld [tilespmem:s8+$0x15DA0]  }
0x215: {  	v7 =	vld [tilespmem:s8+$0x15DB0]  }
0x216: {  	v6 =	vld [tilespmem:s8+$0x15DC0]  }
0x217: {  	v5 =	vld [tilespmem:s8+$0x15DD0]  }
0x218: {  	v4 =	vld [tilespmem:s8+$0x15DE0]  }
0x219: {  	v3 =	vld [tilespmem:s8+$0x15DF0]  }
0x21a: {  	v15 =	vld [tilespmem:s8+$0x11D80]  }
0x21b: {  	v16 =	vld [tilespmem:s8+$0x11D90]  }
0x21c: {  	v13 =	vld [tilespmem:s8+$0x11DA0]  }
0x21d: {  	v12 =	vld [tilespmem:s8+$0x11DB0]  }
0x21e: {  	v11 =	vld [tilespmem:s8+$0x11DC0]  }
0x21f: {  	v9 =	vld [tilespmem:s8+$0x11DD0];
	v15 =	vmul.f32 v10, v15  }
0x220: {  	s15 =	simm.s32 $0x200;
	v14 =	vmul.f32 v14, v16;
	v10 =	vld [tilespmem:s8+$0x11DE0]  }
.LBB2_18:
0x221: {  	s10 =	sshra.s32 s15, $0x2;
	p1 =	sne.s32 s15, $0xFE00;
	[tilespmem:s8+$0x11D80] =	vst v15;
	v8 =	vmul.f32 v8, v13;
	v13 =	vld [tilespmem:s8+$0x11DF0]  }
0x222: {  	v15 =	vld [tilespmem:s10+$0x15D80];
	[tilespmem:s8+$0x11D90] =	vst v14;
	v7 =	vmul.f32 v7, v12  }
0x223: {  	v14 =	vld [tilespmem:s10+$0x15D90];
	[tilespmem:s8+$0x11DA0] =	vst v8;
	v6 =	vmul.f32 v6, v11  }
0x224: {  	v8 =	vld [tilespmem:s10+$0x15DA0];
	[tilespmem:s8+$0x11DB0] =	vst v7;
	v5 =	vmul.f32 v5, v9  }
0x225: {  	v7 =	vld [tilespmem:s10+$0x15DB0];
	[tilespmem:s8+$0x11DC0] =	vst v6;
	v4 =	vmul.f32 v4, v10  }
0x226: {  	v6 =	vld [tilespmem:s10+$0x15DC0];
	[tilespmem:s8+$0x11DD0] =	vst v5;
	v3 =	vmul.f32 v3, v13  }
0x227: {  	v5 =	vld [tilespmem:s10+$0x15DD0];
	[tilespmem:s8+$0x11DE0] =	vst v4  }
0x228: {  	v4 =	vld [tilespmem:s10+$0x15DE0];
	[tilespmem:s8+$0x11DF0] =	vst v3;
	s8 =	smov.u32 s10  }
0x229: {  	v3 =	vld [tilespmem:s8+$0x15DF0]  }
0x22a: {  	v9 =	vld [tilespmem:s8+$0x11D80]  }
0x22b: {  	v10 =	vld [tilespmem:s8+$0x11D90]  }
.Ltmp10:
0x22c: {  	v13 =	vld [tilespmem:s8+$0x11DA0];
	(pc) =	sbr.rel @p1 .LBB2_18-.Ltmp10, $4  }
0x22d: {  	v12 =	vld [tilespmem:s8+$0x11DB0]  }
0x22e: {  	v11 =	vld [tilespmem:s8+$0x11DC0]  }
0x22f: {  	v15 =	vmul.f32 v15, v9;
	v9 =	vld [tilespmem:s8+$0x11DD0]  }
0x230: {  	s15 =	sadd.s32 $0x200, s15;
	v14 =	vmul.f32 v14, v10;
	v10 =	vld [tilespmem:s8+$0x11DE0]  }
0x231: {  	[tilespmem:s8+$0x11D80] =	vst v15;
	v8 =	vmul.f32 v8, v13;
	v63 =	vld [tilespmem:s8+$0x11DF0]  }
0x232: {  	[tilespmem:s8+$0x11D90] =	vst v14;
	v7 =	vmul.f32 v7, v12  }
0x233: {  	[tilespmem:s8+$0x11DA0] =	vst v8;
	v6 =	vmul.f32 v6, v11  }
0x234: {  	[tilespmem:s8+$0x11DB0] =	vst v7;
	v5 =	vmul.f32 v5, v9  }
0x235: {  	[tilespmem:s8+$0x11DC0] =	vst v6;
	v4 =	vmul.f32 v4, v10  }
0x236: {  	s7 =	sadd.s32 $0x1, s7;
	[tilespmem:s8+$0x11DD0] =	vst v5;
	v3 =	vmul.f32 v3, v63  }
0x237: {  	p1 =	sne.s32 s7, $0x4E;
	[tilespmem:s8+$0x11DE0] =	vst v4  }
.Ltmp11:
0x238: {  	[tilespmem:s8+$0x11DF0] =	vst v3;
	(pc) =	sbr.rel @p1 .LBB2_15-.Ltmp11, $4  }
0x239: {  	[spmem:s3] =	stream.indirect.scatter.add.f32 [tilespmem:s24], [sflag:$0x5], $0x80, s29, s21, $0xb8;
	[tilespmem:$0x1FD80] =	vst v63  }
0x23a: {  	_ =	swait.ge [sflag:s18], $0x4000  }
0x23b: {  	[sflag:s18] =	ssyncset.done $0x0  }
0x23c: {  	[sflag:s18] =	ssyncadd.s32 $0xFFFFC000  }
.Ltmp12:
0x23d: {  	(pc) =	sbr.rel @p0 .LBB2_24-.Ltmp12, $1  }
0x23e: {  	_ =	sdelay $0x3  }
0x23f: {  	v3 =	vld [tilespmem:$0x9C80]  }
0x240: {  	v4 =	vld [tilespmem:$0x9C90];
	_ =	sdelay $0x2  }
0x241: {  	v5 =	vld [tilespmem:$0x9CA0]  }
0x242: {  	v7 =	vld [tilespmem:$0x9CB0]  }
0x243: {  	v6 =	vsub.s32 v3, v1;
	v3 =	vand.u32 $0x1F, v3;
	v8 =	vsub.s32 v4, v1  }
0x244: {  	v9 =	vld [tilespmem:$0x9CC0];
	v4 =	vand.u32 $0x1F, v4;
	vm0 =	vlt.u32 v6, $0x9C4;
	v3 =	vadd.s32 $0x9C4, v3  }
0x245: {  	vm9 =	vlt.u32 v8, $0x9C4;
	v4 =	vadd.s32 $0x9C4, v4;
	v3 =	vsel vm0, v6, v3  }
0x246: {  	v4 =	vsel vm9, v8, v4;
	v6 =	vsub.s32 v5, v1;
	v5 =	vand.u32 $0x1F, v5;
	v8 =	vld [tilespmem:$0x9CD0]  }
0x247: {  	v11 =	vld [tilespmem:$0x9CE0];
	v10 =	vsub.s32 v7, v1;
	vm10 =	vlt.u32 v6, $0x9C4;
	v5 =	vadd.s32 $0x9C4, v5  }
0x248: {  	vm11 =	vlt.u32 v10, $0x9C4;
	v5 =	vsel vm10, v6, v5;
	v6 =	vand.u32 $0x1F, v7  }
0x249: {  	v12 =	vld [tilespmem:$0x9CF0];
	v7 =	vsub.s32 v9, v1;
	v9 =	vand.u32 $0x1F, v9;
	v6 =	vadd.s32 $0x9C4, v6  }
0x24a: {  	[tilespmem:$0x9D00] =	vst v3;
	vm12 =	vlt.u32 v7, $0x9C4;
	v3 =	vsel vm11, v10, v6;
	v6 =	vadd.s32 $0x9C4, v9  }
0x24b: {  	[tilespmem:$0x9D10] =	vst v4;
	v4 =	vsel vm12, v7, v6;
	v6 =	vsub.s32 v8, v1;
	v7 =	vand.u32 $0x1F, v8  }
0x24c: {  	[tilespmem:$0x9D20] =	vst v5;
	vm13 =	vlt.u32 v6, $0x9C4;
	v5 =	vadd.s32 $0x9C4, v7;
	v7 =	vsub.s32 v11, v1  }
0x24d: {  	[tilespmem:$0x9D30] =	vst v3;
	v3 =	vsel vm13, v6, v5;
	vm14 =	vlt.u32 v7, $0x9C4;
	v5 =	vand.u32 $0x1F, v11  }
0x24e: {  	[tilespmem:$0x9D40] =	vst v4;
	v6 =	vand.u32 $0x1F, v12;
	v4 =	vadd.s32 $0x9C4, v5;
	v5 =	vsub.s32 v12, v1  }
0x24f: {  	[tilespmem:$0x9D50] =	vst v3;
	v3 =	vsel vm14, v7, v4;
	vm15 =	vlt.u32 v5, $0x9C4;
	v4 =	vadd.s32 $0x9C4, v6  }
0x250: {  	[tilespmem:$0x9D60] =	vst v3;
	v3 =	vsel vm15, v5, v4  }
0x251: {  	[tilespmem:$0x9D70] =	vst v3  }
0x252: {  	_ =	swait.ge [sflag:s26], $0x4000  }
0x253: {  	[sflag:s26] =	ssyncset.done $0x0  }
0x254: {  	[sflag:s26] =	ssyncadd.s32 $0xFFFFC000  }
0x255: {  	_ =	swait.ge [sflag:s28], $0x4000  }
0x256: {  	[sflag:s28] =	ssyncset.done $0x0  }
0x257: {  	s4 =	simm.s32 $0x0;
	[sflag:s28] =	ssyncadd.s32 $0xFFFFC000  }
0x258: {  	v10 =	vld [tilespmem:s4+$0xDD80]  }
0x259: {  	v14 =	vld [tilespmem:s4+$0xDD90]  }
0x25a: {  	v8 =	vld [tilespmem:s4+$0xDDA0]  }
0x25b: {  	v7 =	vld [tilespmem:s4+$0xDDB0]  }
0x25c: {  	v6 =	vld [tilespmem:s4+$0xDDC0]  }
0x25d: {  	v5 =	vld [tilespmem:s4+$0xDDD0]  }
0x25e: {  	v4 =	vld [tilespmem:s4+$0xDDE0]  }
0x25f: {  	v3 =	vld [tilespmem:s4+$0xDDF0]  }
0x260: {  	v15 =	vld [tilespmem:s4+$0x9D80]  }
0x261: {  	v16 =	vld [tilespmem:s4+$0x9D90]  }
0x262: {  	v13 =	vld [tilespmem:s4+$0x9DA0]  }
0x263: {  	v12 =	vld [tilespmem:s4+$0x9DB0]  }
0x264: {  	v11 =	vld [tilespmem:s4+$0x9DC0]  }
0x265: {  	v9 =	vld [tilespmem:s4+$0x9DD0];
	v15 =	vmul.f32 v10, v15  }
0x266: {  	s7 =	simm.s32 $0x200;
	v14 =	vmul.f32 v14, v16;
	v10 =	vld [tilespmem:s4+$0x9DE0]  }
.LBB2_22:
0x267: {  	s8 =	sshra.s32 s7, $0x2;
	p1 =	sne.s32 s7, $0xFE00;
	[tilespmem:s4+$0x9D80] =	vst v15;
	v8 =	vmul.f32 v8, v13;
	v13 =	vld [tilespmem:s4+$0x9DF0]  }
0x268: {  	v15 =	vld [tilespmem:s8+$0xDD80];
	[tilespmem:s4+$0x9D90] =	vst v14;
	v7 =	vmul.f32 v7, v12  }
0x269: {  	v14 =	vld [tilespmem:s8+$0xDD90];
	[tilespmem:s4+$0x9DA0] =	vst v8;
	v6 =	vmul.f32 v6, v11  }
0x26a: {  	v8 =	vld [tilespmem:s8+$0xDDA0];
	[tilespmem:s4+$0x9DB0] =	vst v7;
	v5 =	vmul.f32 v5, v9  }
0x26b: {  	v7 =	vld [tilespmem:s8+$0xDDB0];
	[tilespmem:s4+$0x9DC0] =	vst v6;
	v4 =	vmul.f32 v4, v10  }
0x26c: {  	v6 =	vld [tilespmem:s8+$0xDDC0];
	[tilespmem:s4+$0x9DD0] =	vst v5;
	v3 =	vmul.f32 v3, v13  }
0x26d: {  	v5 =	vld [tilespmem:s8+$0xDDD0];
	[tilespmem:s4+$0x9DE0] =	vst v4  }
0x26e: {  	v4 =	vld [tilespmem:s8+$0xDDE0];
	[tilespmem:s4+$0x9DF0] =	vst v3;
	s4 =	smov.u32 s8  }
0x26f: {  	v3 =	vld [tilespmem:s4+$0xDDF0]  }
0x270: {  	v9 =	vld [tilespmem:s4+$0x9D80]  }
0x271: {  	v10 =	vld [tilespmem:s4+$0x9D90]  }
.Ltmp13:
0x272: {  	v13 =	vld [tilespmem:s4+$0x9DA0];
	(pc) =	sbr.rel @p1 .LBB2_22-.Ltmp13, $4  }
0x273: {  	v12 =	vld [tilespmem:s4+$0x9DB0]  }
0x274: {  	v11 =	vld [tilespmem:s4+$0x9DC0]  }
0x275: {  	v15 =	vmul.f32 v15, v9;
	v9 =	vld [tilespmem:s4+$0x9DD0]  }
0x276: {  	s7 =	sadd.s32 $0x200, s7;
	v14 =	vmul.f32 v14, v10;
	v10 =	vld [tilespmem:s4+$0x9DE0]  }
0x277: {  	[tilespmem:s4+$0x9D80] =	vst v15;
	v8 =	vmul.f32 v8, v13;
	v63 =	vld [tilespmem:s4+$0x9DF0]  }
0x278: {  	[tilespmem:s4+$0x9D90] =	vst v14;
	v7 =	vmul.f32 v7, v12  }
0x279: {  	[tilespmem:s4+$0x9DA0] =	vst v8;
	v6 =	vmul.f32 v6, v11  }
0x27a: {  	[tilespmem:s4+$0x9DB0] =	vst v7;
	v5 =	vmul.f32 v5, v9  }
.Ltmp14:
0x27b: {  	[tilespmem:s4+$0x9DC0] =	vst v6;
	v4 =	vmul.f32 v4, v10;
	(pc) =	sbr.rel .LBB2_25-.Ltmp14, $4  }
0x27c: {  	[tilespmem:s4+$0x9DD0] =	vst v5;
	v3 =	vmul.f32 v3, v63  }
0x27d: {  	[tilespmem:s4+$0x9DE0] =	vst v4  }
0x27e: {  	[tilespmem:s4+$0x9DF0] =	vst v3;
	s4 =	simm.s32 $0x5  }
0x27f: {  	[spmem:s3] =	stream.indirect.scatter.add.f32 [tilespmem:s22], [sflag:$0x5], $0x80, s29, s21, $0xb8;
	[tilespmem:$0x1FD80] =	vst v63  }
.LBB2_26:
0x280: {  	_ =	sfence.sel $0x180000  }
0x281: {  	[bflag:$0x0] =	sbarrier.arrive $0xFFFF  }
0x282: {  	_ =	strace $0x90000047  }
0x283: {  	s0 =	stileid.u32;
	[bflag:$0x2] =	sbarrier.arrive $0xFFFF  }
0x284: {  	p0 =	sne.s32 s0, $0x0;
	s0 =	rddreg [dreg:$0x3]  }
0x285: {  	s0 =	sadd.s32 @!p0 $0x100000, s0  }
0x286: {  	[sflag:s0] =	ssyncadd.tile.s32 @!p0 $0x1;
	_ =	shalt  }
.Lfunc_end2:
_tile_overlayer_lowered:
.L_overlay_start_2:
0x287: {  	(tag) =	ssettag $0x2  }
0x288: {  	s0 =	rddreg [dreg:$0x0];
	s2 =	stileid.u32  }
0x289: {  	s1 =	rddreg [dreg:$0x1];
	p0 =	sne.s32 s2, $0x0  }
0x28a: {  	s3 =	rddreg [dreg:$0x2];
	[bflag:$0x3] =	sbarrier.arrive $0xFFFF;
	s2 =	simm.s32 @!p0 $0x1C05  }
0x28b: {  	[timem:s3], [sflag:s2] =	dma.local @!p0 [hbm:s0], s1  }
0x28c: {  	s0 =	simm.s32 @!p0 $0x5  }
0x28d: {  	_ =	swait.ge @!p0 [sflag:s0], s1  }
0x28e: {  	s1 =	ssub.s32 @!p0 $0x0, s1;
	[sflag:s0] =	ssyncset.done @!p0 $0x0  }
0x28f: {  	[sflag:s0] =	ssyncadd.s32 @!p0 s1  }
0x290: {  	[bflag:$0x3] =	sbarrier.arrive $0xFFFF  }
0x291: {  	_ =	shalt  }

</sc_bundles>
